<compile_context>
chip_gen: v7x
topology: tpu7x:2x2x1
jax: 0.10.2.dev20260603
libtpu: 0.0.44.dev20260713+nightly
codegen_flags: <defaults>
</compile_context>

<pallas_src>
import functools

import jax
import jax.numpy as jnp
from jax import lax
from jax.experimental import pallas as pl
from jax.experimental.pallas import tpu as pltpu
from jax.experimental.pallas import tpu_sc as plsc

_B = 1024
_S = 50
_H = 128
_T = _B * _S
_BLK = 1600
_BB = 32
_GRID = _T // _BLK

_NC = 2
_NS = 16
_NW = _NC * _NS
_PER_W = _T // _NW
_CH = 80
_NCH = _PER_W // _CH


_BPW = _B // _NW


def _sc_gather(item_table, url_table, item_idx, url_idx):
  mesh = plsc.VectorSubcoreMesh(core_axis_name="c", subcore_axis_name="s")

  @functools.partial(
      pl.kernel,
      out_type=[
          jax.ShapeDtypeStruct((_T, 64), jnp.float32),
          jax.ShapeDtypeStruct((_T, 64), jnp.float32),
      ],
      mesh=mesh,
      compiler_params=pltpu.CompilerParams(use_tc_tiling_on_sc=False),
      scratch_types=[
          pltpu.VMEM((_BPW, _S), jnp.int32),
          pltpu.VMEM((_PER_W, 64), jnp.float32),
          pltpu.SemaphoreType.DMA,
      ],
  )
  def k(item_t, url_t, iidx, uidx, item_out, url_out, idx_v, rows_v, sem):
    wid = lax.axis_index("s") * _NC + lax.axis_index("c")
    base = wid * _PER_W
    for tab, idx_hbm, out in ((item_t, iidx, item_out), (url_t, uidx, url_out)):
      pltpu.sync_copy(idx_hbm.at[pl.ds(wid * _BPW, _BPW)], idx_v)
      copies = []
      for r in range(_BPW):
        copies.append(
            pltpu.async_copy(
                tab.at[idx_v.at[r]],
                rows_v.at[pl.ds(r * _S, _S)], sem))
      for c in copies:
        c.wait()
      pltpu.sync_copy(rows_v, out.at[pl.ds(base, _PER_W)])

  return k(item_table, url_table, item_idx, url_idx)


def _ln(x, g, b):
  d = x.shape[-1]
  jm = jnp.full((d, d), 1.0 / d, jnp.float32)
  m = jnp.dot(x, jm, preferred_element_type=jnp.float32)
  xc = x - m
  v = jnp.dot(xc * xc, jm, preferred_element_type=jnp.float32)
  inv = lax.rsqrt(v + 1e-5)
  return xc * inv * g + b


def _dot(a, b):
  return jnp.dot(a, b, preferred_element_type=jnp.float32)


def _onehot(ids_col, width):
  i = lax.broadcasted_iota(jnp.int32, (ids_col.shape[0], width), 1)
  return (ids_col == i).astype(jnp.float32)


def _tc_body(ev_ref, cat_ref, pr_ref, nm_ref, qr_ref, it_ref, ur_ref,
             evt_ref, ctt_ref, prt_ref, wdt_ref,
             ev_g, ev_b, ct_g, ct_b, pr_g, pr_b, wd_g, wd_b,
             it_g, it_b, ur_g, ur_b,
             ipW, ipb, ip_g, ip_b,
             upW, upb, up_g, up_b,
             nmW, nmb, nm_g, nm_b,
             iW1, ib1, i_g, i_b, iW2, ib2,
             fW1, fb1, f1g, f1b, fW2, fb2, f2g, f2b,
             out_ref):
  wdt = wdt_ref[...]

  def bag(ids3):
    ids = ids3.reshape(_BLK, 16)
    t = ids.shape[0]
    iw = lax.broadcasted_iota(jnp.int16, (t, 384), 1)
    counts = jnp.zeros((t, 384), jnp.int16)
    for w in range(16):
      idw = ids[:, w:w + 1]
      idw16 = jnp.where(idw == 0, -1, idw).astype(jnp.int16)
      counts += (idw16 == iw).astype(jnp.int16)
    countsf = counts.astype(jnp.float32)
    cnt = _dot(countsf, jnp.full((384, 1), 1.0, jnp.float32))
    s = _dot(countsf, wdt)
    return jnp.where(cnt > 0, s / jnp.maximum(cnt, 1.0), 0.0)

  event_emb = _ln(_dot(_onehot(ev_ref[...], 8), evt_ref[...]), ev_g[...], ev_b[...])
  cat_emb = _ln(_dot(_onehot(cat_ref[...], 1024), ctt_ref[...]), ct_g[...], ct_b[...])
  price_emb = _ln(_dot(_onehot(pr_ref[...], 128), prt_ref[...]), pr_g[...], pr_b[...])

  name_emb = _ln(bag(nm_ref[...]), wd_g[...], wd_b[...])
  name_emb = _ln(jax.nn.relu(_dot(name_emb, nmW[...]) + nmb[...]), nm_g[...], nm_b[...])
  query_emb = _ln(bag(qr_ref[...]), wd_g[...], wd_b[...])

  item_emb = _ln(it_ref[...], it_g[...], it_b[...])
  item_emb = jax.nn.relu(_ln(_dot(item_emb, ipW[...]) + ipb[...], ip_g[...], ip_b[...]))
  url_emb = _ln(ur_ref[...], ur_g[...], ur_b[...])
  url_emb = jax.nn.relu(_ln(_dot(url_emb, upW[...]) + upb[...], up_g[...], up_b[...]))

  feats = [event_emb, cat_emb, price_emb, name_emb, query_emb, item_emb, url_emb]

  j128 = jnp.full((_H, _H), 1.0, jnp.float32)
  fstack = jnp.concatenate(feats, axis=0)
  n2 = _dot(fstack * fstack, j128)
  nstack = fstack * lax.rsqrt(jnp.maximum(n2, 1e-24))
  h = jax.nn.relu(_ln(_dot(nstack, iW1[...]) + ib1[...], i_g[...], i_b[...]))
  s = jax.nn.sigmoid(_dot(h, iW2[...]) + ib2[...])

  t = ev_ref.shape[0]
  scores = [s[i * t:(i + 1) * t] for i in range(7)]
  m = scores[0]
  for sc in scores[1:]:
    m = jnp.maximum(m, sc)
  es = [jnp.exp(sc - m) for sc in scores]
  z = es[0]
  for e in es[1:]:
    z = z + e
  ws = [e / z for e in es]

  cf = jnp.concatenate([f * w for f, w in zip(feats, ws)], axis=1)
  h1 = jax.nn.relu(_ln(_dot(cf, fW1[...]) + fb1[...], f1g[...], f1b[...]))
  out = jnp.tanh(_ln(_dot(h1, fW2[...]) + fb2[...], f2g[...], f2b[...]))
  out = jnp.where(jnp.isnan(out), jnp.zeros_like(out), out)
  out_ref[...] = jnp.clip(out, -5.0, 5.0).reshape(_BB, _S, _H)


def _tc_forward(ev, cat, pr, nm, qr, item_rows, url_rows, weights):
  def tok2(shape):
    return pl.BlockSpec((_BLK,) + shape[1:], lambda i: (i,) + (0,) * (len(shape) - 1))

  def full(a):
    return pl.BlockSpec(a.shape, lambda i: (0,) * a.ndim)

  bat3 = pl.BlockSpec((_BB, _S, 16), lambda i: (i, 0, 0))
  args = [ev, cat, pr, nm, qr, item_rows, url_rows] + weights
  in_specs = ([tok2(a.shape) for a in [ev, cat, pr]] + [bat3, bat3] +
              [tok2(item_rows.shape), tok2(url_rows.shape)] +
              [full(w) for w in weights])

  return pl.pallas_call(
      _tc_body,
      grid=(_GRID,),
      in_specs=in_specs,
      out_specs=pl.BlockSpec((_BB, _S, _H), lambda i: (i, 0, 0)),
      out_shape=jax.ShapeDtypeStruct((_B, _S, _H), jnp.float32),
  )(*args)


def kernel(event_types, categories, prices, names, queries, timestamps,
           item_ids, urls, params):
  p = params
  ev = event_types.reshape(_T, 1).astype(jnp.int32)
  cat = categories.reshape(_T, 1).astype(jnp.int32)
  pr = prices.reshape(_T, 1).astype(jnp.int32)
  nm = names.astype(jnp.int32)
  qr = queries.astype(jnp.int32)
  iidx = item_ids.astype(jnp.int32)
  uidx = urls.astype(jnp.int32)

  item_rows, url_rows = _sc_gather(p['item_table'], p['url_table'], iidx, uidx)

  def row2(a):
    return a.reshape(1, -1)

  weights = [
      jnp.pad(p['event_table'], ((0, 1), (0, 0))),
      jnp.pad(p['cat_table'], ((0, 24), (0, 0))),
      jnp.pad(p['price_table'], ((0, 26), (0, 0))),
      jnp.pad(p['word_table'], ((0, 125), (0, 0))),
      row2(p['event_ln_g']), row2(p['event_ln_b']),
      row2(p['cat_ln_g']), row2(p['cat_ln_b']),
      row2(p['price_ln_g']), row2(p['price_ln_b']),
      row2(p['word_ln_g']), row2(p['word_ln_b']),
      row2(p['item_ln_g']), row2(p['item_ln_b']),
      row2(p['url_ln_g']), row2(p['url_ln_b']),
      p['item_proj_W'], row2(p['item_proj_b']),
      row2(p['item_proj_ln_g']), row2(p['item_proj_ln_b']),
      p['url_proj_W'], row2(p['url_proj_b']),
      row2(p['url_proj_ln_g']), row2(p['url_proj_ln_b']),
      p['nm_W'], row2(p['nm_b']), row2(p['nm_ln_g']), row2(p['nm_ln_b']),
      p['imp_W1'], row2(p['imp_b1']), row2(p['imp_ln_g']), row2(p['imp_ln_b']),
      p['imp_W2'], row2(p['imp_b2']),
      p['fus_W1'], row2(p['fus_b1']), row2(p['fus_ln1_g']), row2(p['fus_ln1_b']),
      p['fus_W2'], row2(p['fus_b2']), row2(p['fus_ln2_g']), row2(p['fus_ln2_b']),
  ]

  out = _tc_forward(ev, cat, pr, nm, qr, item_rows, url_rows, weights)
  return out

# --- scband reference (transcript-rebuilt; emitter-appended) ---
"""Pipeline reference for scband-enhanced-feature-encoder-33054068310698 (READ-ONLY COPY).

The authoritative reference and input builder live on the scoring server;
editing this copy changes nothing except your own understanding.
"""

import jax, jax.numpy as jnp
import numpy as np

B = 1024
S = 50
H = 128
NUM_CAT = 1000
NUM_SKU = 1000000
NUM_URL = 100000
ID = 64
UD = 64


def _ln(x, g, b, eps=1e-5):
    m = jnp.mean(x, axis=-1, keepdims=True)
    v = jnp.mean((x - m) ** 2, axis=-1, keepdims=True)
    return (x - m) / jnp.sqrt(v + eps) * g + b


def _lin(x, W, b):
    return x @ W + b


def _bag(table, ids):
    # EmbeddingBag(mode='mean', padding_idx=0): padding entries excluded from mean
    e = table[ids]
    m = (ids != 0).astype(jnp.float32)[..., None]
    s = jnp.sum(e * m, axis=-2)
    c = jnp.sum(m, axis=-2)
    return jnp.where(c > 0, s / jnp.maximum(c, 1.0), 0.0)


def setup_inputs(seed: int = 0) -> dict:
    key = jax.random.key(seed)
    ks = jax.random.split(key, 32)
    inp = {}
    inp['event_types'] = jax.random.randint(ks[0], (B, S), 0, 7)
    inp['categories'] = jax.random.randint(ks[1], (B, S), 0, NUM_CAT)
    inp['prices'] = jax.random.randint(ks[2], (B, S), 0, 102)
    inp['names'] = jax.random.randint(ks[3], (B, S, 16), 0, 259)
    inp['queries'] = jax.random.randint(ks[4], (B, S, 16), 0, 259)
    inp['timestamps'] = jax.random.normal(ks[5], (B, S), dtype=jnp.float32)
    inp['item_ids'] = jax.random.randint(ks[6], (B, S), 0, NUM_SKU)
    inp['urls'] = jax.random.randint(ks[7], (B, S), 0, NUM_URL)

    def nrm(k, shape):
        return jax.random.normal(k, shape, dtype=jnp.float32) * 0.01

    def xav(k, fi, fo):
        lim = float(np.sqrt(6.0 / (fi + fo)))
        return jax.random.uniform(k, (fi, fo), minval=-lim, maxval=lim, dtype=jnp.float32)

    p = {}
    p['event_table'] = nrm(ks[8], (7, H))
    p['cat_table'] = nrm(ks[9], (NUM_CAT, H))
    p['price_table'] = nrm(ks[10], (102, H))
    p['word_table'] = nrm(ks[11], (259, H)).at[0].set(0.0)
    p['item_table'] = nrm(ks[12], (NUM_SKU, ID)).at[0].set(0.0)
    p['url_table'] = nrm(ks[13], (NUM_URL, UD)).at[0].set(0.0)
    for nm, d in [('event', H), ('cat', H), ('price', H), ('word', H), ('item', ID), ('url', UD)]:
        p[nm + '_ln_g'] = jnp.ones((d,), jnp.float32)
        p[nm + '_ln_b'] = jnp.zeros((d,), jnp.float32)
    p['item_proj_W'] = xav(ks[14], ID, H); p['item_proj_b'] = jnp.zeros((H,), jnp.float32)
    p['item_proj_ln_g'] = jnp.ones((H,), jnp.float32); p['item_proj_ln_b'] = jnp.zeros((H,), jnp.float32)
    p['url_proj_W'] = xav(ks[15], UD, H); p['url_proj_b'] = jnp.zeros((H,), jnp.float32)
    p['url_proj_ln_g'] = jnp.ones((H,), jnp.float32); p['url_proj_ln_b'] = jnp.zeros((H,), jnp.float32)
    p['imp_W1'] = xav(ks[16], H, 64); p['imp_b1'] = jnp.zeros((64,), jnp.float32)
    p['imp_ln_g'] = jnp.ones((64,), jnp.float32); p['imp_ln_b'] = jnp.zeros((64,), jnp.float32)
    p['imp_W2'] = xav(ks[17], 64, 1); p['imp_b2'] = jnp.zeros((1,), jnp.float32)
    p['fus_W1'] = xav(ks[18], 7 * H, 2 * H); p['fus_b1'] = jnp.zeros((2 * H,), jnp.float32)
    p['fus_ln1_g'] = jnp.ones((2 * H,), jnp.float32); p['fus_ln1_b'] = jnp.zeros((2 * H,), jnp.float32)
    p['fus_W2'] = xav(ks[19], 2 * H, H); p['fus_b2'] = jnp.zeros((H,), jnp.float32)
    p['fus_ln2_g'] = jnp.ones((H,), jnp.float32); p['fus_ln2_b'] = jnp.zeros((H,), jnp.float32)
    p['nm_W'] = xav(ks[20], H, H); p['nm_b'] = jnp.zeros((H,), jnp.float32)
    p['nm_ln_g'] = jnp.ones((H,), jnp.float32); p['nm_ln_b'] = jnp.zeros((H,), jnp.float32)
    inp['params'] = p
    return inp


def _fwd(p, event_types, categories, prices, names, queries, item_ids, urls):
    event_emb = _ln(p['event_table'][event_types], p['event_ln_g'], p['event_ln_b'])
    cat_emb = _ln(p['cat_table'][categories], p['cat_ln_g'], p['cat_ln_b'])
    price_emb = _ln(p['price_table'][prices], p['price_ln_g'], p['price_ln_b'])
    name_emb = _bag(p['word_table'], names.reshape(-1, 16)).reshape(B, S, H)
    name_emb = _ln(name_emb, p['word_ln_g'], p['word_ln_b'])
    name_emb = _ln(jax.nn.relu(_lin(name_emb, p['nm_W'], p['nm_b'])), p['nm_ln_g'], p['nm_ln_b'])
    query_emb = _bag(p['word_table'], queries.reshape(-1, 16)).reshape(B, S, H)
    query_emb = _ln(query_emb, p['word_ln_g'], p['word_ln_b'])
    item_emb = _ln(p['item_table'][item_ids], p['item_ln_g'], p['item_ln_b'])
    item_emb = jax.nn.relu(_ln(_lin(item_emb, p['item_proj_W'], p['item_proj_b']), p['item_proj_ln_g'], p['item_proj_ln_b']))
    url_emb = _ln(p['url_table'][urls], p['url_ln_g'], p['url_ln_b'])
    url_emb = jax.nn.relu(_ln(_lin(url_emb, p['url_proj_W'], p['url_proj_b']), p['url_proj_ln_g'], p['url_proj_ln_b']))
    feats = [event_emb, cat_emb, price_emb, name_emb, query_emb, item_emb, url_emb]
    scores = []
    for f in feats:
        nf = f / jnp.maximum(jnp.linalg.norm(f, axis=-1, keepdims=True), 1e-12)
        h = _ln(_lin(nf, p['imp_W1'], p['imp_b1']), p['imp_ln_g'], p['imp_ln_b'])
        h = jax.nn.relu(h)
        scores.append(jax.nn.sigmoid(_lin(h, p['imp_W2'], p['imp_b2'])))
    all_scores = jnp.concatenate(scores, axis=-1)
    w = jax.nn.softmax(all_scores, axis=-1)[..., None]
    cat_feats = jnp.concatenate([f * w[:, :, i] for i, f in enumerate(feats)], axis=-1)
    h = jax.nn.relu(_ln(_lin(cat_feats, p['fus_W1'], p['fus_b1']), p['fus_ln1_g'], p['fus_ln1_b']))
    out = jnp.tanh(_ln(_lin(h, p['fus_W2'], p['fus_b2']), p['fus_ln2_g'], p['fus_ln2_b']))
    out = jnp.where(jnp.isnan(out), jnp.zeros_like(out), out)
    return jnp.clip(out, -5.0, 5.0)


def reference(event_types, categories, prices, names, queries, timestamps, item_ids, urls, params):
    return _fwd(params, event_types, categories, prices, names, queries, item_ids, urls)

if __name__ == "__main__":
    import jax
    _d = setup_inputs()
    print(jax.jit(kernel)(*tuple(_d.values())))

</pallas_src>

<mosaic_0001>
#map = affine_map<(d0, d1) -> (0, 0)>
module attributes {stable_mosaic.version = 14 : i64} {
  func.func @k(%arg0: i32, %arg1: i32, %arg2: memref<1000000x64xf32, #tpu.memory_space<hbm>>, %arg3: memref<100000x64xf32, #tpu.memory_space<hbm>>, %arg4: memref<1024x50xi32, #tpu.memory_space<hbm>>, %arg5: memref<1024x50xi32, #tpu.memory_space<hbm>>, %arg6: memref<51200x64xf32, #tpu.memory_space<hbm>>, %arg7: memref<51200x64xf32, #tpu.memory_space<hbm>>, %arg8: memref<32x50xi32, #tpu.memory_space<vmem>>, %arg9: memref<1600x64xf32, #tpu.memory_space<vmem>>, %arg10: memref<!tpu.dma_semaphore, #tpu.memory_space<semaphore_mem>>) attributes {dimension_semantics = [#tpu.dimension_semantics<core_parallel>, #tpu.dimension_semantics<subcore_parallel>], iteration_bounds = array<i64: 2, 16>, scalar_prefetch = 0 : i64, scratch_operands = 3 : i64, tpu.core_type = #tpu.core_type<sc_vector_subcore>, window_params = [{transform_indices = #map}, {transform_indices = #map}, {transform_indices = #map}, {transform_indices = #map}, {transform_indices = #map}, {transform_indices = #map}]} {
    %mul3A = arith.constant 2 : i32
    %mul3A_0 = arith.muli %arg1, %mul3A : i32
    %add3A = arith.addi %mul3A_0, %arg0 : i32
    %mul3A_1 = arith.constant 1600 : i32
    %mul3A_2 = arith.muli %add3A, %mul3A_1 : i32
    %mul3A_3 = arith.constant 32 : i32
    %mul3A_4 = arith.muli %add3A, %mul3A_3 : i32
    "tpu.region"() ({
      %run_scoped3A = tpu.sem_alloc : memref<!tpu.dma_semaphore, #tpu.memory_space<semaphore_mem>>
      %dma_start3A_1285 = arith.constant 0 : i32
      %dma_start3A_1286 = tpu.memref_slice %arg4[%mul3A_4, %dma_start3A_1285] : memref<1024x50xi32, #tpu.memory_space<hbm>> -> memref<32x50xi32, #tpu.memory_space<hbm>>
      %dma_start3A_1287 = arith.constant 0 : i32
      %dma_start3A_1288 = tpu.memref_slice %arg4[%mul3A_4, %dma_start3A_1287] : memref<1024x50xi32, #tpu.memory_space<hbm>> -> memref<32x50xi32, #tpu.memory_space<hbm>>
      tpu.enqueue_dma source(%dma_start3A_1288 : memref<32x50xi32, #tpu.memory_space<hbm>>) target(%arg8 : memref<32x50xi32, #tpu.memory_space<vmem>>) target_semaphore(%run_scoped3A : memref<!tpu.dma_semaphore, #tpu.memory_space<semaphore_mem>>)
      %dma_wait3A_1289 = arith.constant 0 : i32
      %dma_wait3A_1290 = tpu.memref_slice %arg4[%mul3A_4, %dma_wait3A_1289] : memref<1024x50xi32, #tpu.memory_space<hbm>> -> memref<32x50xi32, #tpu.memory_space<hbm>>
      %dma_wait3A_1291 = arith.constant 0 : i32
      %dma_wait3A_1292 = tpu.memref_slice %arg4[%mul3A_4, %dma_wait3A_1291] : memref<1024x50xi32, #tpu.memory_space<hbm>> -> memref<32x50xi32, #tpu.memory_space<hbm>>
      tpu.wait_dma2 semaphore(%run_scoped3A : memref<!tpu.dma_semaphore, #tpu.memory_space<semaphore_mem>>) src(%dma_wait3A_1292 : memref<32x50xi32, #tpu.memory_space<hbm>>) dst(%arg8 : memref<32x50xi32, #tpu.memory_space<vmem>>)
      tpu.yield
    }) : () -> ()
    %dma_start3A = arith.constant 0 : i32
    %dma_start3A_5 = arith.constant 0 : i32
    %dma_start3A_6 = arith.constant 0 : i32
    %dma_start3A_7 = tpu.memref_slice %arg9[%dma_start3A_5, %dma_start3A_6] : memref<1600x64xf32, #tpu.memory_space<vmem>> -> memref<50x64xf32, #tpu.memory_space<vmem>>
    %dma_start3A_8 = arith.constant 0 : i32
    %dma_start3A_9 = tpu.memref_slice %arg8[%dma_start3A, %dma_start3A_8] : memref<32x50xi32, #tpu.memory_space<vmem>> -> memref<1x50xi32, #tpu.memory_space<vmem>>
    %dma_start3A_10 = tpu.memref_squeeze %dma_start3A_9 : memref<1x50xi32, #tpu.memory_space<vmem>> -> memref<50xi32, #tpu.memory_space<vmem>>
    %dma_start3A_11 = arith.constant 0 : i32
    %dma_start3A_12 = arith.constant 0 : i32
    %dma_start3A_13 = tpu.memref_slice %arg2[%dma_start3A_11, %dma_start3A_12] : memref<1000000x64xf32, #tpu.memory_space<hbm>> -> memref<1000000x64xf32, #tpu.memory_space<hbm>>
    tpu.enqueue_indirect_dma source(%dma_start3A_13 : memref<1000000x64xf32, #tpu.memory_space<hbm>>) target(%dma_start3A_7 : memref<50x64xf32, #tpu.memory_space<vmem>>) offsets(%dma_start3A_10 : memref<50xi32, #tpu.memory_space<vmem>>) semaphore(%arg10 : memref<!tpu.dma_semaphore, #tpu.memory_space<semaphore_mem>>)
    %dma_start3A_14 = arith.constant 1 : i32
    %dma_start3A_15 = arith.constant 50 : i32
    %dma_start3A_16 = arith.constant 0 : i32
    %dma_start3A_17 = tpu.memref_slice %arg9[%dma_start3A_15, %dma_start3A_16] : memref<1600x64xf32, #tpu.memory_space<vmem>> -> memref<50x64xf32, #tpu.memory_space<vmem>>
    %dma_start3A_18 = arith.constant 0 : i32
    %dma_start3A_19 = tpu.memref_slice %arg8[%dma_start3A_14, %dma_start3A_18] : memref<32x50xi32, #tpu.memory_space<vmem>> -> memref<1x50xi32, #tpu.memory_space<vmem>>
    %dma_start3A_20 = tpu.memref_squeeze %dma_start3A_19 : memref<1x50xi32, #tpu.memory_space<vmem>> -> memref<50xi32, #tpu.memory_space<vmem>>
    %dma_start3A_21 = arith.constant 0 : i32
    %dma_start3A_22 = arith.constant 0 : i32
    %dma_start3A_23 = tpu.memref_slice %arg2[%dma_start3A_21, %dma_start3A_22] : memref<1000000x64xf32, #tpu.memory_space<hbm>> -> memref<1000000x64xf32, #tpu.memory_space<hbm>>
    tpu.enqueue_indirect_dma source(%dma_start3A_23 : memref<1000000x64xf32, #tpu.memory_space<hbm>>) target(%dma_start3A_17 : memref<50x64xf32, #tpu.memory_space<vmem>>) offsets(%dma_start3A_20 : memref<50xi32, #tpu.memory_space<vmem>>) semaphore(%arg10 : memref<!tpu.dma_semaphore, #tpu.memory_space<semaphore_mem>>)
    %dma_start3A_24 = arith.constant 2 : i32
    %dma_start3A_25 = arith.constant 100 : i32
    %dma_start3A_26 = arith.constant 0 : i32
    %dma_start3A_27 = tpu.memref_slice %arg9[%dma_start3A_25, %dma_start3A_26] : memref<1600x64xf32, #tpu.memory_space<vmem>> -> memref<50x64xf32, #tpu.memory_space<vmem>>
    %dma_start3A_28 = arith.constant 0 : i32
    %dma_start3A_29 = tpu.memref_slice %arg8[%dma_start3A_24, %dma_start3A_28] : memref<32x50xi32, #tpu.memory_space<vmem>> -> memref<1x50xi32, #tpu.memory_space<vmem>>
    %dma_start3A_30 = tpu.memref_squeeze %dma_start3A_29 : memref<1x50xi32, #tpu.memory_space<vmem>> -> memref<50xi32, #tpu.memory_space<vmem>>
    %dma_start3A_31 = arith.constant 0 : i32
    %dma_start3A_32 = arith.constant 0 : i32
    %dma_start3A_33 = tpu.memref_slice %arg2[%dma_start3A_31, %dma_start3A_32] : memref<1000000x64xf32, #tpu.memory_space<hbm>> -> memref<1000000x64xf32, #tpu.memory_space<hbm>>
    tpu.enqueue_indirect_dma source(%dma_start3A_33 : memref<1000000x64xf32, #tpu.memory_space<hbm>>) target(%dma_start3A_27 : memref<50x64xf32, #tpu.memory_space<vmem>>) offsets(%dma_start3A_30 : memref<50xi32, #tpu.memory_space<vmem>>) semaphore(%arg10 : memref<!tpu.dma_semaphore, #tpu.memory_space<semaphore_mem>>)
    %dma_start3A_34 = arith.constant 3 : i32
    %dma_start3A_35 = arith.constant 150 : i32
    %dma_start3A_36 = arith.constant 0 : i32
    %dma_start3A_37 = tpu.memref_slice %arg9[%dma_start3A_35, %dma_start3A_36] : memref<1600x64xf32, #tpu.memory_space<vmem>> -> memref<50x64xf32, #tpu.memory_space<vmem>>
    %dma_start3A_38 = arith.constant 0 : i32
    %dma_start3A_39 = tpu.memref_slice %arg8[%dma_start3A_34, %dma_start3A_38] : memref<32x50xi32, #tpu.memory_space<vmem>> -> memref<1x50xi32, #tpu.memory_space<vmem>>
    %dma_start3A_40 = tpu.memref_squeeze %dma_start3A_39 : memref<1x50xi32, #tpu.memory_space<vmem>> -> memref<50xi32, #tpu.memory_space<vmem>>
    %dma_start3A_41 = arith.constant 0 : i32
    %dma_start3A_42 = arith.constant 0 : i32
    %dma_start3A_43 = tpu.memref_slice %arg2[%dma_start3A_41, %dma_start3A_42] : memref<1000000x64xf32, #tpu.memory_space<hbm>> -> memref<1000000x64xf32, #tpu.memory_space<hbm>>
    tpu.enqueue_indirect_dma source(%dma_start3A_43 : memref<1000000x64xf32, #tpu.memory_space<hbm>>) target(%dma_start3A_37 : memref<50x64xf32, #tpu.memory_space<vmem>>) offsets(%dma_start3A_40 : memref<50xi32, #tpu.memory_space<vmem>>) semaphore(%arg10 : memref<!tpu.dma_semaphore, #tpu.memory_space<semaphore_mem>>)
    %dma_start3A_44 = arith.constant 4 : i32
    %dma_start3A_45 = arith.constant 200 : i32
    %dma_start3A_46 = arith.constant 0 : i32
    %dma_start3A_47 = tpu.memref_slice %arg9[%dma_start3A_45, %dma_start3A_46] : memref<1600x64xf32, #tpu.memory_space<vmem>> -> memref<50x64xf32, #tpu.memory_space<vmem>>
    %dma_start3A_48 = arith.constant 0 : i32
    %dma_start3A_49 = tpu.memref_slice %arg8[%dma_start3A_44, %dma_start3A_48] : memref<32x50xi32, #tpu.memory_space<vmem>> -> memref<1x50xi32, #tpu.memory_space<vmem>>
    %dma_start3A_50 = tpu.memref_squeeze %dma_start3A_49 : memref<1x50xi32, #tpu.memory_space<vmem>> -> memref<50xi32, #tpu.memory_space<vmem>>
    %dma_start3A_51 = arith.constant 0 : i32
    %dma_start3A_52 = arith.constant 0 : i32
    %dma_start3A_53 = tpu.memref_slice %arg2[%dma_start3A_51, %dma_start3A_52] : memref<1000000x64xf32, #tpu.memory_space<hbm>> -> memref<1000000x64xf32, #tpu.memory_space<hbm>>
    tpu.enqueue_indirect_dma source(%dma_start3A_53 : memref<1000000x64xf32, #tpu.memory_space<hbm>>) target(%dma_start3A_47 : memref<50x64xf32, #tpu.memory_space<vmem>>) offsets(%dma_start3A_50 : memref<50xi32, #tpu.memory_space<vmem>>) semaphore(%arg10 : memref<!tpu.dma_semaphore, #tpu.memory_space<semaphore_mem>>)
    %dma_start3A_54 = arith.constant 5 : i32
    %dma_start3A_55 = arith.constant 250 : i32
    %dma_start3A_56 = arith.constant 0 : i32
    %dma_start3A_57 = tpu.memref_slice %arg9[%dma_start3A_55, %dma_start3A_56] : memref<1600x64xf32, #tpu.memory_space<vmem>> -> memref<50x64xf32, #tpu.memory_space<vmem>>
    %dma_start3A_58 = arith.constant 0 : i32
    %dma_start3A_59 = tpu.memref_slice %arg8[%dma_start3A_54, %dma_start3A_58] : memref<32x50xi32, #tpu.memory_space<vmem>> -> memref<1x50xi32, #tpu.memory_space<vmem>>
    %dma_start3A_60 = tpu.memref_squeeze %dma_start3A_59 : memref<1x50xi32, #tpu.memory_space<vmem>> -> memref<50xi32, #tpu.memory_space<vmem>>
    %dma_start3A_61 = arith.constant 0 : i32
    %dma_start3A_62 = arith.constant 0 : i32
    %dma_start3A_63 = tpu.memref_slice %arg2[%dma_start3A_61, %dma_start3A_62] : memref<1000000x64xf32, #tpu.memory_space<hbm>> -> memref<1000000x64xf32, #tpu.memory_space<hbm>>
    tpu.enqueue_indirect_dma source(%dma_start3A_63 : memref<1000000x64xf32, #tpu.memory_space<hbm>>) target(%dma_start3A_57 : memref<50x64xf32, #tpu.memory_space<vmem>>) offsets(%dma_start3A_60 : memref<50xi32, #tpu.memory_space<vmem>>) semaphore(%arg10 : memref<!tpu.dma_semaphore, #tpu.memory_space<semaphore_mem>>)
    %dma_start3A_64 = arith.constant 6 : i32
    %dma_start3A_65 = arith.constant 300 : i32
    %dma_start3A_66 = arith.constant 0 : i32
    %dma_start3A_67 = tpu.memref_slice %arg9[%dma_start3A_65, %dma_start3A_66] : memref<1600x64xf32, #tpu.memory_space<vmem>> -> memref<50x64xf32, #tpu.memory_space<vmem>>
    %dma_start3A_68 = arith.constant 0 : i32
    %dma_start3A_69 = tpu.memref_slice %arg8[%dma_start3A_64, %dma_start3A_68] : memref<32x50xi32, #tpu.memory_space<vmem>> -> memref<1x50xi32, #tpu.memory_space<vmem>>
    %dma_start3A_70 = tpu.memref_squeeze %dma_start3A_69 : memref<1x50xi32, #tpu.memory_space<vmem>> -> memref<50xi32, #tpu.memory_space<vmem>>
    %dma_start3A_71 = arith.constant 0 : i32
    %dma_start3A_72 = arith.constant 0 : i32
    %dma_start3A_73 = tpu.memref_slice %arg2[%dma_start3A_71, %dma_start3A_72] : memref<1000000x64xf32, #tpu.memory_space<hbm>> -> memref<1000000x64xf32, #tpu.memory_space<hbm>>
    tpu.enqueue_indirect_dma source(%dma_start3A_73 : memref<1000000x64xf32, #tpu.memory_space<hbm>>) target(%dma_start3A_67 : memref<50x64xf32, #tpu.memory_space<vmem>>) offsets(%dma_start3A_70 : memref<50xi32, #tpu.memory_space<vmem>>) semaphore(%arg10 : memref<!tpu.dma_semaphore, #tpu.memory_space<semaphore_mem>>)
    %dma_start3A_74 = arith.constant 7 : i32
    %dma_start3A_75 = arith.constant 350 : i32
    %dma_start3A_76 = arith.constant 0 : i32
    %dma_start3A_77 = tpu.memref_slice %arg9[%dma_start3A_75, %dma_start3A_76] : memref<1600x64xf32, #tpu.memory_space<vmem>> -> memref<50x64xf32, #tpu.memory_space<vmem>>
    %dma_start3A_78 = arith.constant 0 : i32
    %dma_start3A_79 = tpu.memref_slice %arg8[%dma_start3A_74, %dma_start3A_78] : memref<32x50xi32, #tpu.memory_space<vmem>> -> memref<1x50xi32, #tpu.memory_space<vmem>>
    %dma_start3A_80 = tpu.memref_squeeze %dma_start3A_79 : memref<1x50xi32, #tpu.memory_space<vmem>> -> memref<50xi32, #tpu.memory_space<vmem>>
    %dma_start3A_81 = arith.constant 0 : i32
    %dma_start3A_82 = arith.constant 0 : i32
    %dma_start3A_83 = tpu.memref_slice %arg2[%dma_start3A_81, %dma_start3A_82] : memref<1000000x64xf32, #tpu.memory_space<hbm>> -> memref<1000000x64xf32, #tpu.memory_space<hbm>>
    tpu.enqueue_indirect_dma source(%dma_start3A_83 : memref<1000000x64xf32, #tpu.memory_space<hbm>>) target(%dma_start3A_77 : memref<50x64xf32, #tpu.memory_space<vmem>>) offsets(%dma_start3A_80 : memref<50xi32, #tpu.memory_space<vmem>>) semaphore(%arg10 : memref<!tpu.dma_semaphore, #tpu.memory_space<semaphore_mem>>)
    %dma_start3A_84 = arith.constant 8 : i32
    %dma_start3A_85 = arith.constant 400 : i32
    %dma_start3A_86 = arith.constant 0 : i32
    %dma_start3A_87 = tpu.memref_slice %arg9[%dma_start3A_85, %dma_start3A_86] : memref<1600x64xf32, #tpu.memory_space<vmem>> -> memref<50x64xf32, #tpu.memory_space<vmem>>
    %dma_start3A_88 = arith.constant 0 : i32
    %dma_start3A_89 = tpu.memref_slice %arg8[%dma_start3A_84, %dma_start3A_88] : memref<32x50xi32, #tpu.memory_space<vmem>> -> memref<1x50xi32, #tpu.memory_space<vmem>>
    %dma_start3A_90 = tpu.memref_squeeze %dma_start3A_89 : memref<1x50xi32, #tpu.memory_space<vmem>> -> memref<50xi32, #tpu.memory_space<vmem>>
    %dma_start3A_91 = arith.constant 0 : i32
    %dma_start3A_92 = arith.constant 0 : i32
    %dma_start3A_93 = tpu.memref_slice %arg2[%dma_start3A_91, %dma_start3A_92] : memref<1000000x64xf32, #tpu.memory_space<hbm>> -> memref<1000000x64xf32, #tpu.memory_space<hbm>>
    tpu.enqueue_indirect_dma source(%dma_start3A_93 : memref<1000000x64xf32, #tpu.memory_space<hbm>>) target(%dma_start3A_87 : memref<50x64xf32, #tpu.memory_space<vmem>>) offsets(%dma_start3A_90 : memref<50xi32, #tpu.memory_space<vmem>>) semaphore(%arg10 : memref<!tpu.dma_semaphore, #tpu.memory_space<semaphore_mem>>)
    %dma_start3A_94 = arith.constant 9 : i32
    %dma_start3A_95 = arith.constant 450 : i32
    %dma_start3A_96 = arith.constant 0 : i32
    %dma_start3A_97 = tpu.memref_slice %arg9[%dma_start3A_95, %dma_start3A_96] : memref<1600x64xf32, #tpu.memory_space<vmem>> -> memref<50x64xf32, #tpu.memory_space<vmem>>
    %dma_start3A_98 = arith.constant 0 : i32
    %dma_start3A_99 = tpu.memref_slice %arg8[%dma_start3A_94, %dma_start3A_98] : memref<32x50xi32, #tpu.memory_space<vmem>> -> memref<1x50xi32, #tpu.memory_space<vmem>>
    %dma_start3A_100 = tpu.memref_squeeze %dma_start3A_99 : memref<1x50xi32, #tpu.memory_space<vmem>> -> memref<50xi32, #tpu.memory_space<vmem>>
    %dma_start3A_101 = arith.constant 0 : i32
    %dma_start3A_102 = arith.constant 0 : i32
    %dma_start3A_103 = tpu.memref_slice %arg2[%dma_start3A_101, %dma_start3A_102] : memref<1000000x64xf32, #tpu.memory_space<hbm>> -> memref<1000000x64xf32, #tpu.memory_space<hbm>>
    tpu.enqueue_indirect_dma source(%dma_start3A_103 : memref<1000000x64xf32, #tpu.memory_space<hbm>>) target(%dma_start3A_97 : memref<50x64xf32, #tpu.memory_space<vmem>>) offsets(%dma_start3A_100 : memref<50xi32, #tpu.memory_space<vmem>>) semaphore(%arg10 : memref<!tpu.dma_semaphore, #tpu.memory_space<semaphore_mem>>)
    %dma_start3A_104 = arith.constant 10 : i32
    %dma_start3A_105 = arith.constant 500 : i32
    %dma_start3A_106 = arith.constant 0 : i32
    %dma_start3A_107 = tpu.memref_slice %arg9[%dma_start3A_105, %dma_start3A_106] : memref<1600x64xf32, #tpu.memory_space<vmem>> -> memref<50x64xf32, #tpu.memory_space<vmem>>
    %dma_start3A_108 = arith.constant 0 : i32
    %dma_start3A_109 = tpu.memref_slice %arg8[%dma_start3A_104, %dma_start3A_108] : memref<32x50xi32, #tpu.memory_space<vmem>> -> memref<1x50xi32, #tpu.memory_space<vmem>>
    %dma_start3A_110 = tpu.memref_squeeze %dma_start3A_109 : memref<1x50xi32, #tpu.memory_space<vmem>> -> memref<50xi32, #tpu.memory_space<vmem>>
    %dma_start3A_111 = arith.constant 0 : i32
    %dma_start3A_112 = arith.constant 0 : i32
    %dma_start3A_113 = tpu.memref_slice %arg2[%dma_start3A_111, %dma_start3A_112] : memref<1000000x64xf32, #tpu.memory_space<hbm>> -> memref<1000000x64xf32, #tpu.memory_space<hbm>>
    tpu.enqueue_indirect_dma source(%dma_start3A_113 : memref<1000000x64xf32, #tpu.memory_space<hbm>>) target(%dma_start3A_107 : memref<50x64xf32, #tpu.memory_space<vmem>>) offsets(%dma_start3A_110 : memref<50xi32, #tpu.memory_space<vmem>>) semaphore(%arg10 : memref<!tpu.dma_semaphore, #tpu.memory_space<semaphore_mem>>)
    %dma_start3A_114 = arith.constant 11 : i32
    %dma_start3A_115 = arith.constant 550 : i32
    %dma_start3A_116 = arith.constant 0 : i32
    %dma_start3A_117 = tpu.memref_slice %arg9[%dma_start3A_115, %dma_start3A_116] : memref<1600x64xf32, #tpu.memory_space<vmem>> -> memref<50x64xf32, #tpu.memory_space<vmem>>
    %dma_start3A_118 = arith.constant 0 : i32
    %dma_start3A_119 = tpu.memref_slice %arg8[%dma_start3A_114, %dma_start3A_118] : memref<32x50xi32, #tpu.memory_space<vmem>> -> memref<1x50xi32, #tpu.memory_space<vmem>>
    %dma_start3A_120 = tpu.memref_squeeze %dma_start3A_119 : memref<1x50xi32, #tpu.memory_space<vmem>> -> memref<50xi32, #tpu.memory_space<vmem>>
    %dma_start3A_121 = arith.constant 0 : i32
    %dma_start3A_122 = arith.constant 0 : i32
    %dma_start3A_123 = tpu.memref_slice %arg2[%dma_start3A_121, %dma_start3A_122] : memref<1000000x64xf32, #tpu.memory_space<hbm>> -> memref<1000000x64xf32, #tpu.memory_space<hbm>>
    tpu.enqueue_indirect_dma source(%dma_start3A_123 : memref<1000000x64xf32, #tpu.memory_space<hbm>>) target(%dma_start3A_117 : memref<50x64xf32, #tpu.memory_space<vmem>>) offsets(%dma_start3A_120 : memref<50xi32, #tpu.memory_space<vmem>>) semaphore(%arg10 : memref<!tpu.dma_semaphore, #tpu.memory_space<semaphore_mem>>)
    %dma_start3A_124 = arith.constant 12 : i32
    %dma_start3A_125 = arith.constant 600 : i32
    %dma_start3A_126 = arith.constant 0 : i32
    %dma_start3A_127 = tpu.memref_slice %arg9[%dma_start3A_125, %dma_start3A_126] : memref<1600x64xf32, #tpu.memory_space<vmem>> -> memref<50x64xf32, #tpu.memory_space<vmem>>
    %dma_start3A_128 = arith.constant 0 : i32
    %dma_start3A_129 = tpu.memref_slice %arg8[%dma_start3A_124, %dma_start3A_128] : memref<32x50xi32, #tpu.memory_space<vmem>> -> memref<1x50xi32, #tpu.memory_space<vmem>>
    %dma_start3A_130 = tpu.memref_squeeze %dma_start3A_129 : memref<1x50xi32, #tpu.memory_space<vmem>> -> memref<50xi32, #tpu.memory_space<vmem>>
    %dma_start3A_131 = arith.constant 0 : i32
    %dma_start3A_132 = arith.constant 0 : i32
    %dma_start3A_133 = tpu.memref_slice %arg2[%dma_start3A_131, %dma_start3A_132] : memref<1000000x64xf32, #tpu.memory_space<hbm>> -> memref<1000000x64xf32, #tpu.memory_space<hbm>>
    tpu.enqueue_indirect_dma source(%dma_start3A_133 : memref<1000000x64xf32, #tpu.memory_space<hbm>>) target(%dma_start3A_127 : memref<50x64xf32, #tpu.memory_space<vmem>>) offsets(%dma_start3A_130 : memref<50xi32, #tpu.memory_space<vmem>>) semaphore(%arg10 : memref<!tpu.dma_semaphore, #tpu.memory_space<semaphore_mem>>)
    %dma_start3A_134 = arith.constant 13 : i32
    %dma_start3A_135 = arith.constant 650 : i32
    %dma_start3A_136 = arith.constant 0 : i32
    %dma_start3A_137 = tpu.memref_slice %arg9[%dma_start3A_135, %dma_start3A_136] : memref<1600x64xf32, #tpu.memory_space<vmem>> -> memref<50x64xf32, #tpu.memory_space<vmem>>
    %dma_start3A_138 = arith.constant 0 : i32
    %dma_start3A_139 = tpu.memref_slice %arg8[%dma_start3A_134, %dma_start3A_138] : memref<32x50xi32, #tpu.memory_space<vmem>> -> memref<1x50xi32, #tpu.memory_space<vmem>>
    %dma_start3A_140 = tpu.memref_squeeze %dma_start3A_139 : memref<1x50xi32, #tpu.memory_space<vmem>> -> memref<50xi32, #tpu.memory_space<vmem>>
    %dma_start3A_141 = arith.constant 0 : i32
    %dma_start3A_142 = arith.constant 0 : i32
    %dma_start3A_143 = tpu.memref_slice %arg2[%dma_start3A_141, %dma_start3A_142] : memref<1000000x64xf32, #tpu.memory_space<hbm>> -> memref<1000000x64xf32, #tpu.memory_space<hbm>>
    tpu.enqueue_indirect_dma source(%dma_start3A_143 : memref<1000000x64xf32, #tpu.memory_space<hbm>>) target(%dma_start3A_137 : memref<50x64xf32, #tpu.memory_space<vmem>>) offsets(%dma_start3A_140 : memref<50xi32, #tpu.memory_space<vmem>>) semaphore(%arg10 : memref<!tpu.dma_semaphore, #tpu.memory_space<semaphore_mem>>)
    %dma_start3A_144 = arith.constant 14 : i32
    %dma_start3A_145 = arith.constant 700 : i32
    %dma_start3A_146 = arith.constant 0 : i32
    %dma_start3A_147 = tpu.memref_slice %arg9[%dma_start3A_145, %dma_start3A_146] : memref<1600x64xf32, #tpu.memory_space<vmem>> -> memref<50x64xf32, #tpu.memory_space<vmem>>
    %dma_start3A_148 = arith.constant 0 : i32
    %dma_start3A_149 = tpu.memref_slice %arg8[%dma_start3A_144, %dma_start3A_148] : memref<32x50xi32, #tpu.memory_space<vmem>> -> memref<1x50xi32, #tpu.memory_space<vmem>>
    %dma_start3A_150 = tpu.memref_squeeze %dma_start3A_149 : memref<1x50xi32, #tpu.memory_space<vmem>> -> memref<50xi32, #tpu.memory_space<vmem>>
    %dma_start3A_151 = arith.constant 0 : i32
    %dma_start3A_152 = arith.constant 0 : i32
    %dma_start3A_153 = tpu.memref_slice %arg2[%dma_start3A_151, %dma_start3A_152] : memref<1000000x64xf32, #tpu.memory_space<hbm>> -> memref<1000000x64xf32, #tpu.memory_space<hbm>>
    tpu.enqueue_indirect_dma source(%dma_start3A_153 : memref<1000000x64xf32, #tpu.memory_space<hbm>>) target(%dma_start3A_147 : memref<50x64xf32, #tpu.memory_space<vmem>>) offsets(%dma_start3A_150 : memref<50xi32, #tpu.memory_space<vmem>>) semaphore(%arg10 : memref<!tpu.dma_semaphore, #tpu.memory_space<semaphore_mem>>)
    %dma_start3A_154 = arith.constant 15 : i32
    %dma_start3A_155 = arith.constant 750 : i32
    %dma_start3A_156 = arith.constant 0 : i32
    %dma_start3A_157 = tpu.memref_slice %arg9[%dma_start3A_155, %dma_start3A_156] : memref<1600x64xf32, #tpu.memory_space<vmem>> -> memref<50x64xf32, #tpu.memory_space<vmem>>
    %dma_start3A_158 = arith.constant 0 : i32
    %dma_start3A_159 = tpu.memref_slice %arg8[%dma_start3A_154, %dma_start3A_158] : memref<32x50xi32, #tpu.memory_space<vmem>> -> memref<1x50xi32, #tpu.memory_space<vmem>>
    %dma_start3A_160 = tpu.memref_squeeze %dma_start3A_159 : memref<1x50xi32, #tpu.memory_space<vmem>> -> memref<50xi32, #tpu.memory_space<vmem>>
    %dma_start3A_161 = arith.constant 0 : i32
    %dma_start3A_162 = arith.constant 0 : i32
    %dma_start3A_163 = tpu.memref_slice %arg2[%dma_start3A_161, %dma_start3A_162] : memref<1000000x64xf32, #tpu.memory_space<hbm>> -> memref<1000000x64xf32, #tpu.memory_space<hbm>>
    tpu.enqueue_indirect_dma source(%dma_start3A_163 : memref<1000000x64xf32, #tpu.memory_space<hbm>>) target(%dma_start3A_157 : memref<50x64xf32, #tpu.memory_space<vmem>>) offsets(%dma_start3A_160 : memref<50xi32, #tpu.memory_space<vmem>>) semaphore(%arg10 : memref<!tpu.dma_semaphore, #tpu.memory_space<semaphore_mem>>)
    %dma_start3A_164 = arith.constant 16 : i32
    %dma_start3A_165 = arith.constant 800 : i32
    %dma_start3A_166 = arith.constant 0 : i32
    %dma_start3A_167 = tpu.memref_slice %arg9[%dma_start3A_165, %dma_start3A_166] : memref<1600x64xf32, #tpu.memory_space<vmem>> -> memref<50x64xf32, #tpu.memory_space<vmem>>
    %dma_start3A_168 = arith.constant 0 : i32
    %dma_start3A_169 = tpu.memref_slice %arg8[%dma_start3A_164, %dma_start3A_168] : memref<32x50xi32, #tpu.memory_space<vmem>> -> memref<1x50xi32, #tpu.memory_space<vmem>>
    %dma_start3A_170 = tpu.memref_squeeze %dma_start3A_169 : memref<1x50xi32, #tpu.memory_space<vmem>> -> memref<50xi32, #tpu.memory_space<vmem>>
    %dma_start3A_171 = arith.constant 0 : i32
    %dma_start3A_172 = arith.constant 0 : i32
    %dma_start3A_173 = tpu.memref_slice %arg2[%dma_start3A_171, %dma_start3A_172] : memref<1000000x64xf32, #tpu.memory_space<hbm>> -> memref<1000000x64xf32, #tpu.memory_space<hbm>>
    tpu.enqueue_indirect_dma source(%dma_start3A_173 : memref<1000000x64xf32, #tpu.memory_space<hbm>>) target(%dma_start3A_167 : memref<50x64xf32, #tpu.memory_space<vmem>>) offsets(%dma_start3A_170 : memref<50xi32, #tpu.memory_space<vmem>>) semaphore(%arg10 : memref<!tpu.dma_semaphore, #tpu.memory_space<semaphore_mem>>)
    %dma_start3A_174 = arith.constant 17 : i32
    %dma_start3A_175 = arith.constant 850 : i32
    %dma_start3A_176 = arith.constant 0 : i32
    %dma_start3A_177 = tpu.memref_slice %arg9[%dma_start3A_175, %dma_start3A_176] : memref<1600x64xf32, #tpu.memory_space<vmem>> -> memref<50x64xf32, #tpu.memory_space<vmem>>
    %dma_start3A_178 = arith.constant 0 : i32
    %dma_start3A_179 = tpu.memref_slice %arg8[%dma_start3A_174, %dma_start3A_178] : memref<32x50xi32, #tpu.memory_space<vmem>> -> memref<1x50xi32, #tpu.memory_space<vmem>>
    %dma_start3A_180 = tpu.memref_squeeze %dma_start3A_179 : memref<1x50xi32, #tpu.memory_space<vmem>> -> memref<50xi32, #tpu.memory_space<vmem>>
    %dma_start3A_181 = arith.constant 0 : i32
    %dma_start3A_182 = arith.constant 0 : i32
    %dma_start3A_183 = tpu.memref_slice %arg2[%dma_start3A_181, %dma_start3A_182] : memref<1000000x64xf32, #tpu.memory_space<hbm>> -> memref<1000000x64xf32, #tpu.memory_space<hbm>>
    tpu.enqueue_indirect_dma source(%dma_start3A_183 : memref<1000000x64xf32, #tpu.memory_space<hbm>>) target(%dma_start3A_177 : memref<50x64xf32, #tpu.memory_space<vmem>>) offsets(%dma_start3A_180 : memref<50xi32, #tpu.memory_space<vmem>>) semaphore(%arg10 : memref<!tpu.dma_semaphore, #tpu.memory_space<semaphore_mem>>)
    %dma_start3A_184 = arith.constant 18 : i32
    %dma_start3A_185 = arith.constant 900 : i32
    %dma_start3A_186 = arith.constant 0 : i32
    %dma_start3A_187 = tpu.memref_slice %arg9[%dma_start3A_185, %dma_start3A_186] : memref<1600x64xf32, #tpu.memory_space<vmem>> -> memref<50x64xf32, #tpu.memory_space<vmem>>
    %dma_start3A_188 = arith.constant 0 : i32
    %dma_start3A_189 = tpu.memref_slice %arg8[%dma_start3A_184, %dma_start3A_188] : memref<32x50xi32, #tpu.memory_space<vmem>> -> memref<1x50xi32, #tpu.memory_space<vmem>>
    %dma_start3A_190 = tpu.memref_squeeze %dma_start3A_189 : memref<1x50xi32, #tpu.memory_space<vmem>> -> memref<50xi32, #tpu.memory_space<vmem>>
    %dma_start3A_191 = arith.constant 0 : i32
    %dma_start3A_192 = arith.constant 0 : i32
    %dma_start3A_193 = tpu.memref_slice %arg2[%dma_start3A_191, %dma_start3A_192] : memref<1000000x64xf32, #tpu.memory_space<hbm>> -> memref<1000000x64xf32, #tpu.memory_space<hbm>>
    tpu.enqueue_indirect_dma source(%dma_start3A_193 : memref<1000000x64xf32, #tpu.memory_space<hbm>>) target(%dma_start3A_187 : memref<50x64xf32, #tpu.memory_space<vmem>>) offsets(%dma_start3A_190 : memref<50xi32, #tpu.memory_space<vmem>>) semaphore(%arg10 : memref<!tpu.dma_semaphore, #tpu.memory_space<semaphore_mem>>)
    %dma_start3A_194 = arith.constant 19 : i32
    %dma_start3A_195 = arith.constant 950 : i32
    %dma_start3A_196 = arith.constant 0 : i32
    %dma_start3A_197 = tpu.memref_slice %arg9[%dma_start3A_195, %dma_start3A_196] : memref<1600x64xf32, #tpu.memory_space<vmem>> -> memref<50x64xf32, #tpu.memory_space<vmem>>
    %dma_start3A_198 = arith.constant 0 : i32
    %dma_start3A_199 = tpu.memref_slice %arg8[%dma_start3A_194, %dma_start3A_198] : memref<32x50xi32, #tpu.memory_space<vmem>> -> memref<1x50xi32, #tpu.memory_space<vmem>>
    %dma_start3A_200 = tpu.memref_squeeze %dma_start3A_199 : memref<1x50xi32, #tpu.memory_space<vmem>> -> memref<50xi32, #tpu.memory_space<vmem>>
    %dma_start3A_201 = arith.constant 0 : i32
    %dma_start3A_202 = arith.constant 0 : i32
    %dma_start3A_203 = tpu.memref_slice %arg2[%dma_start3A_201, %dma_start3A_202] : memref<1000000x64xf32, #tpu.memory_space<hbm>> -> memref<1000000x64xf32, #tpu.memory_space<hbm>>
    tpu.enqueue_indirect_dma source(%dma_start3A_203 : memref<1000000x64xf32, #tpu.memory_space<hbm>>) target(%dma_start3A_197 : memref<50x64xf32, #tpu.memory_space<vmem>>) offsets(%dma_start3A_200 : memref<50xi32, #tpu.memory_space<vmem>>) semaphore(%arg10 : memref<!tpu.dma_semaphore, #tpu.memory_space<semaphore_mem>>)
    %dma_start3A_204 = arith.constant 20 : i32
    %dma_start3A_205 = arith.constant 1000 : i32
    %dma_start3A_206 = arith.constant 0 : i32
    %dma_start3A_207 = tpu.memref_slice %arg9[%dma_start3A_205, %dma_start3A_206] : memref<1600x64xf32, #tpu.memory_space<vmem>> -> memref<50x64xf32, #tpu.memory_space<vmem>>
    %dma_start3A_208 = arith.constant 0 : i32
    %dma_start3A_209 = tpu.memref_slice %arg8[%dma_start3A_204, %dma_start3A_208] : memref<32x50xi32, #tpu.memory_space<vmem>> -> memref<1x50xi32, #tpu.memory_space<vmem>>
    %dma_start3A_210 = tpu.memref_squeeze %dma_start3A_209 : memref<1x50xi32, #tpu.memory_space<vmem>> -> memref<50xi32, #tpu.memory_space<vmem>>
    %dma_start3A_211 = arith.constant 0 : i32
    %dma_start3A_212 = arith.constant 0 : i32
    %dma_start3A_213 = tpu.memref_slice %arg2[%dma_start3A_211, %dma_start3A_212] : memref<1000000x64xf32, #tpu.memory_space<hbm>> -> memref<1000000x64xf32, #tpu.memory_space<hbm>>
    tpu.enqueue_indirect_dma source(%dma_start3A_213 : memref<1000000x64xf32, #tpu.memory_space<hbm>>) target(%dma_start3A_207 : memref<50x64xf32, #tpu.memory_space<vmem>>) offsets(%dma_start3A_210 : memref<50xi32, #tpu.memory_space<vmem>>) semaphore(%arg10 : memref<!tpu.dma_semaphore, #tpu.memory_space<semaphore_mem>>)
    %dma_start3A_214 = arith.constant 21 : i32
    %dma_start3A_215 = arith.constant 1050 : i32
    %dma_start3A_216 = arith.constant 0 : i32
    %dma_start3A_217 = tpu.memref_slice %arg9[%dma_start3A_215, %dma_start3A_216] : memref<1600x64xf32, #tpu.memory_space<vmem>> -> memref<50x64xf32, #tpu.memory_space<vmem>>
    %dma_start3A_218 = arith.constant 0 : i32
    %dma_start3A_219 = tpu.memref_slice %arg8[%dma_start3A_214, %dma_start3A_218] : memref<32x50xi32, #tpu.memory_space<vmem>> -> memref<1x50xi32, #tpu.memory_space<vmem>>
    %dma_start3A_220 = tpu.memref_squeeze %dma_start3A_219 : memref<1x50xi32, #tpu.memory_space<vmem>> -> memref<50xi32, #tpu.memory_space<vmem>>
    %dma_start3A_221 = arith.constant 0 : i32
    %dma_start3A_222 = arith.constant 0 : i32
    %dma_start3A_223 = tpu.memref_slice %arg2[%dma_start3A_221, %dma_start3A_222] : memref<1000000x64xf32, #tpu.memory_space<hbm>> -> memref<1000000x64xf32, #tpu.memory_space<hbm>>
    tpu.enqueue_indirect_dma source(%dma_start3A_223 : memref<1000000x64xf32, #tpu.memory_space<hbm>>) target(%dma_start3A_217 : memref<50x64xf32, #tpu.memory_space<vmem>>) offsets(%dma_start3A_220 : memref<50xi32, #tpu.memory_space<vmem>>) semaphore(%arg10 : memref<!tpu.dma_semaphore, #tpu.memory_space<semaphore_mem>>)
    %dma_start3A_224 = arith.constant 22 : i32
    %dma_start3A_225 = arith.constant 1100 : i32
    %dma_start3A_226 = arith.constant 0 : i32
    %dma_start3A_227 = tpu.memref_slice %arg9[%dma_start3A_225, %dma_start3A_226] : memref<1600x64xf32, #tpu.memory_space<vmem>> -> memref<50x64xf32, #tpu.memory_space<vmem>>
    %dma_start3A_228 = arith.constant 0 : i32
    %dma_start3A_229 = tpu.memref_slice %arg8[%dma_start3A_224, %dma_start3A_228] : memref<32x50xi32, #tpu.memory_space<vmem>> -> memref<1x50xi32, #tpu.memory_space<vmem>>
    %dma_start3A_230 = tpu.memref_squeeze %dma_start3A_229 : memref<1x50xi32, #tpu.memory_space<vmem>> -> memref<50xi32, #tpu.memory_space<vmem>>
    %dma_start3A_231 = arith.constant 0 : i32
    %dma_start3A_232 = arith.constant 0 : i32
    %dma_start3A_233 = tpu.memref_slice %arg2[%dma_start3A_231, %dma_start3A_232] : memref<1000000x64xf32, #tpu.memory_space<hbm>> -> memref<1000000x64xf32, #tpu.memory_space<hbm>>
    tpu.enqueue_indirect_dma source(%dma_start3A_233 : memref<1000000x64xf32, #tpu.memory_space<hbm>>) target(%dma_start3A_227 : memref<50x64xf32, #tpu.memory_space<vmem>>) offsets(%dma_start3A_230 : memref<50xi32, #tpu.memory_space<vmem>>) semaphore(%arg10 : memref<!tpu.dma_semaphore, #tpu.memory_space<semaphore_mem>>)
    %dma_start3A_234 = arith.constant 23 : i32
    %dma_start3A_235 = arith.constant 1150 : i32
    %dma_start3A_236 = arith.constant 0 : i32
    %dma_start3A_237 = tpu.memref_slice %arg9[%dma_start3A_235, %dma_start3A_236] : memref<1600x64xf32, #tpu.memory_space<vmem>> -> memref<50x64xf32, #tpu.memory_space<vmem>>
    %dma_start3A_238 = arith.constant 0 : i32
    %dma_start3A_239 = tpu.memref_slice %arg8[%dma_start3A_234, %dma_start3A_238] : memref<32x50xi32, #tpu.memory_space<vmem>> -> memref<1x50xi32, #tpu.memory_space<vmem>>
    %dma_start3A_240 = tpu.memref_squeeze %dma_start3A_239 : memref<1x50xi32, #tpu.memory_space<vmem>> -> memref<50xi32, #tpu.memory_space<vmem>>
    %dma_start3A_241 = arith.constant 0 : i32
    %dma_start3A_242 = arith.constant 0 : i32
    %dma_start3A_243 = tpu.memref_slice %arg2[%dma_start3A_241, %dma_start3A_242] : memref<1000000x64xf32, #tpu.memory_space<hbm>> -> memref<1000000x64xf32, #tpu.memory_space<hbm>>
    tpu.enqueue_indirect_dma source(%dma_start3A_243 : memref<1000000x64xf32, #tpu.memory_space<hbm>>) target(%dma_start3A_237 : memref<50x64xf32, #tpu.memory_space<vmem>>) offsets(%dma_start3A_240 : memref<50xi32, #tpu.memory_space<vmem>>) semaphore(%arg10 : memref<!tpu.dma_semaphore, #tpu.memory_space<semaphore_mem>>)
    %dma_start3A_244 = arith.constant 24 : i32
    %dma_start3A_245 = arith.constant 1200 : i32
    %dma_start3A_246 = arith.constant 0 : i32
    %dma_start3A_247 = tpu.memref_slice %arg9[%dma_start3A_245, %dma_start3A_246] : memref<1600x64xf32, #tpu.memory_space<vmem>> -> memref<50x64xf32, #tpu.memory_space<vmem>>
    %dma_start3A_248 = arith.constant 0 : i32
    %dma_start3A_249 = tpu.memref_slice %arg8[%dma_start3A_244, %dma_start3A_248] : memref<32x50xi32, #tpu.memory_space<vmem>> -> memref<1x50xi32, #tpu.memory_space<vmem>>
    %dma_start3A_250 = tpu.memref_squeeze %dma_start3A_249 : memref<1x50xi32, #tpu.memory_space<vmem>> -> memref<50xi32, #tpu.memory_space<vmem>>
    %dma_start3A_251 = arith.constant 0 : i32
    %dma_start3A_252 = arith.constant 0 : i32
    %dma_start3A_253 = tpu.memref_slice %arg2[%dma_start3A_251, %dma_start3A_252] : memref<1000000x64xf32, #tpu.memory_space<hbm>> -> memref<1000000x64xf32, #tpu.memory_space<hbm>>
    tpu.enqueue_indirect_dma source(%dma_start3A_253 : memref<1000000x64xf32, #tpu.memory_space<hbm>>) target(%dma_start3A_247 : memref<50x64xf32, #tpu.memory_space<vmem>>) offsets(%dma_start3A_250 : memref<50xi32, #tpu.memory_space<vmem>>) semaphore(%arg10 : memref<!tpu.dma_semaphore, #tpu.memory_space<semaphore_mem>>)
    %dma_start3A_254 = arith.constant 25 : i32
    %dma_start3A_255 = arith.constant 1250 : i32
    %dma_start3A_256 = arith.constant 0 : i32
    %dma_start3A_257 = tpu.memref_slice %arg9[%dma_start3A_255, %dma_start3A_256] : memref<1600x64xf32, #tpu.memory_space<vmem>> -> memref<50x64xf32, #tpu.memory_space<vmem>>
    %dma_start3A_258 = arith.constant 0 : i32
    %dma_start3A_259 = tpu.memref_slice %arg8[%dma_start3A_254, %dma_start3A_258] : memref<32x50xi32, #tpu.memory_space<vmem>> -> memref<1x50xi32, #tpu.memory_space<vmem>>
    %dma_start3A_260 = tpu.memref_squeeze %dma_start3A_259 : memref<1x50xi32, #tpu.memory_space<vmem>> -> memref<50xi32, #tpu.memory_space<vmem>>
    %dma_start3A_261 = arith.constant 0 : i32
    %dma_start3A_262 = arith.constant 0 : i32
    %dma_start3A_263 = tpu.memref_slice %arg2[%dma_start3A_261, %dma_start3A_262] : memref<1000000x64xf32, #tpu.memory_space<hbm>> -> memref<1000000x64xf32, #tpu.memory_space<hbm>>
    tpu.enqueue_indirect_dma source(%dma_start3A_263 : memref<1000000x64xf32, #tpu.memory_space<hbm>>) target(%dma_start3A_257 : memref<50x64xf32, #tpu.memory_space<vmem>>) offsets(%dma_start3A_260 : memref<50xi32, #tpu.memory_space<vmem>>) semaphore(%arg10 : memref<!tpu.dma_semaphore, #tpu.memory_space<semaphore_mem>>)
    %dma_start3A_264 = arith.constant 26 : i32
    %dma_start3A_265 = arith.constant 1300 : i32
    %dma_start3A_266 = arith.constant 0 : i32
    %dma_start3A_267 = tpu.memref_slice %arg9[%dma_start3A_265, %dma_start3A_266] : memref<1600x64xf32, #tpu.memory_space<vmem>> -> memref<50x64xf32, #tpu.memory_space<vmem>>
    %dma_start3A_268 = arith.constant 0 : i32
    %dma_start3A_269 = tpu.memref_slice %arg8[%dma_start3A_264, %dma_start3A_268] : memref<32x50xi32, #tpu.memory_space<vmem>> -> memref<1x50xi32, #tpu.memory_space<vmem>>
    %dma_start3A_270 = tpu.memref_squeeze %dma_start3A_269 : memref<1x50xi32, #tpu.memory_space<vmem>> -> memref<50xi32, #tpu.memory_space<vmem>>
    %dma_start3A_271 = arith.constant 0 : i32
    %dma_start3A_272 = arith.constant 0 : i32
    %dma_start3A_273 = tpu.memref_slice %arg2[%dma_start3A_271, %dma_start3A_272] : memref<1000000x64xf32, #tpu.memory_space<hbm>> -> memref<1000000x64xf32, #tpu.memory_space<hbm>>
    tpu.enqueue_indirect_dma source(%dma_start3A_273 : memref<1000000x64xf32, #tpu.memory_space<hbm>>) target(%dma_start3A_267 : memref<50x64xf32, #tpu.memory_space<vmem>>) offsets(%dma_start3A_270 : memref<50xi32, #tpu.memory_space<vmem>>) semaphore(%arg10 : memref<!tpu.dma_semaphore, #tpu.memory_space<semaphore_mem>>)
    %dma_start3A_274 = arith.constant 27 : i32
    %dma_start3A_275 = arith.constant 1350 : i32
    %dma_start3A_276 = arith.constant 0 : i32
    %dma_start3A_277 = tpu.memref_slice %arg9[%dma_start3A_275, %dma_start3A_276] : memref<1600x64xf32, #tpu.memory_space<vmem>> -> memref<50x64xf32, #tpu.memory_space<vmem>>
    %dma_start3A_278 = arith.constant 0 : i32
    %dma_start3A_279 = tpu.memref_slice %arg8[%dma_start3A_274, %dma_start3A_278] : memref<32x50xi32, #tpu.memory_space<vmem>> -> memref<1x50xi32, #tpu.memory_space<vmem>>
    %dma_start3A_280 = tpu.memref_squeeze %dma_start3A_279 : memref<1x50xi32, #tpu.memory_space<vmem>> -> memref<50xi32, #tpu.memory_space<vmem>>
    %dma_start3A_281 = arith.constant 0 : i32
    %dma_start3A_282 = arith.constant 0 : i32
    %dma_start3A_283 = tpu.memref_slice %arg2[%dma_start3A_281, %dma_start3A_282] : memref<1000000x64xf32, #tpu.memory_space<hbm>> -> memref<1000000x64xf32, #tpu.memory_space<hbm>>
    tpu.enqueue_indirect_dma source(%dma_start3A_283 : memref<1000000x64xf32, #tpu.memory_space<hbm>>) target(%dma_start3A_277 : memref<50x64xf32, #tpu.memory_space<vmem>>) offsets(%dma_start3A_280 : memref<50xi32, #tpu.memory_space<vmem>>) semaphore(%arg10 : memref<!tpu.dma_semaphore, #tpu.memory_space<semaphore_mem>>)
    %dma_start3A_284 = arith.constant 28 : i32
    %dma_start3A_285 = arith.constant 1400 : i32
    %dma_start3A_286 = arith.constant 0 : i32
    %dma_start3A_287 = tpu.memref_slice %arg9[%dma_start3A_285, %dma_start3A_286] : memref<1600x64xf32, #tpu.memory_space<vmem>> -> memref<50x64xf32, #tpu.memory_space<vmem>>
    %dma_start3A_288 = arith.constant 0 : i32
    %dma_start3A_289 = tpu.memref_slice %arg8[%dma_start3A_284, %dma_start3A_288] : memref<32x50xi32, #tpu.memory_space<vmem>> -> memref<1x50xi32, #tpu.memory_space<vmem>>
    %dma_start3A_290 = tpu.memref_squeeze %dma_start3A_289 : memref<1x50xi32, #tpu.memory_space<vmem>> -> memref<50xi32, #tpu.memory_space<vmem>>
    %dma_start3A_291 = arith.constant 0 : i32
    %dma_start3A_292 = arith.constant 0 : i32
    %dma_start3A_293 = tpu.memref_slice %arg2[%dma_start3A_291, %dma_start3A_292] : memref<1000000x64xf32, #tpu.memory_space<hbm>> -> memref<1000000x64xf32, #tpu.memory_space<hbm>>
    tpu.enqueue_indirect_dma source(%dma_start3A_293 : memref<1000000x64xf32, #tpu.memory_space<hbm>>) target(%dma_start3A_287 : memref<50x64xf32, #tpu.memory_space<vmem>>) offsets(%dma_start3A_290 : memref<50xi32, #tpu.memory_space<vmem>>) semaphore(%arg10 : memref<!tpu.dma_semaphore, #tpu.memory_space<semaphore_mem>>)
    %dma_start3A_294 = arith.constant 29 : i32
    %dma_start3A_295 = arith.constant 1450 : i32
    %dma_start3A_296 = arith.constant 0 : i32
    %dma_start3A_297 = tpu.memref_slice %arg9[%dma_start3A_295, %dma_start3A_296] : memref<1600x64xf32, #tpu.memory_space<vmem>> -> memref<50x64xf32, #tpu.memory_space<vmem>>
    %dma_start3A_298 = arith.constant 0 : i32
    %dma_start3A_299 = tpu.memref_slice %arg8[%dma_start3A_294, %dma_start3A_298] : memref<32x50xi32, #tpu.memory_space<vmem>> -> memref<1x50xi32, #tpu.memory_space<vmem>>
    %dma_start3A_300 = tpu.memref_squeeze %dma_start3A_299 : memref<1x50xi32, #tpu.memory_space<vmem>> -> memref<50xi32, #tpu.memory_space<vmem>>
    %dma_start3A_301 = arith.constant 0 : i32
    %dma_start3A_302 = arith.constant 0 : i32
    %dma_start3A_303 = tpu.memref_slice %arg2[%dma_start3A_301, %dma_start3A_302] : memref<1000000x64xf32, #tpu.memory_space<hbm>> -> memref<1000000x64xf32, #tpu.memory_space<hbm>>
    tpu.enqueue_indirect_dma source(%dma_start3A_303 : memref<1000000x64xf32, #tpu.memory_space<hbm>>) target(%dma_start3A_297 : memref<50x64xf32, #tpu.memory_space<vmem>>) offsets(%dma_start3A_300 : memref<50xi32, #tpu.memory_space<vmem>>) semaphore(%arg10 : memref<!tpu.dma_semaphore, #tpu.memory_space<semaphore_mem>>)
    %dma_start3A_304 = arith.constant 30 : i32
    %dma_start3A_305 = arith.constant 1500 : i32
    %dma_start3A_306 = arith.constant 0 : i32
    %dma_start3A_307 = tpu.memref_slice %arg9[%dma_start3A_305, %dma_start3A_306] : memref<1600x64xf32, #tpu.memory_space<vmem>> -> memref<50x64xf32, #tpu.memory_space<vmem>>
    %dma_start3A_308 = arith.constant 0 : i32
    %dma_start3A_309 = tpu.memref_slice %arg8[%dma_start3A_304, %dma_start3A_308] : memref<32x50xi32, #tpu.memory_space<vmem>> -> memref<1x50xi32, #tpu.memory_space<vmem>>
    %dma_start3A_310 = tpu.memref_squeeze %dma_start3A_309 : memref<1x50xi32, #tpu.memory_space<vmem>> -> memref<50xi32, #tpu.memory_space<vmem>>
    %dma_start3A_311 = arith.constant 0 : i32
    %dma_start3A_312 = arith.constant 0 : i32
    %dma_start3A_313 = tpu.memref_slice %arg2[%dma_start3A_311, %dma_start3A_312] : memref<1000000x64xf32, #tpu.memory_space<hbm>> -> memref<1000000x64xf32, #tpu.memory_space<hbm>>
    tpu.enqueue_indirect_dma source(%dma_start3A_313 : memref<1000000x64xf32, #tpu.memory_space<hbm>>) target(%dma_start3A_307 : memref<50x64xf32, #tpu.memory_space<vmem>>) offsets(%dma_start3A_310 : memref<50xi32, #tpu.memory_space<vmem>>) semaphore(%arg10 : memref<!tpu.dma_semaphore, #tpu.memory_space<semaphore_mem>>)
    %dma_start3A_314 = arith.constant 31 : i32
    %dma_start3A_315 = arith.constant 1550 : i32
    %dma_start3A_316 = arith.constant 0 : i32
    %dma_start3A_317 = tpu.memref_slice %arg9[%dma_start3A_315, %dma_start3A_316] : memref<1600x64xf32, #tpu.memory_space<vmem>> -> memref<50x64xf32, #tpu.memory_space<vmem>>
    %dma_start3A_318 = arith.constant 0 : i32
    %dma_start3A_319 = tpu.memref_slice %arg8[%dma_start3A_314, %dma_start3A_318] : memref<32x50xi32, #tpu.memory_space<vmem>> -> memref<1x50xi32, #tpu.memory_space<vmem>>
    %dma_start3A_320 = tpu.memref_squeeze %dma_start3A_319 : memref<1x50xi32, #tpu.memory_space<vmem>> -> memref<50xi32, #tpu.memory_space<vmem>>
    %dma_start3A_321 = arith.constant 0 : i32
    %dma_start3A_322 = arith.constant 0 : i32
    %dma_start3A_323 = tpu.memref_slice %arg2[%dma_start3A_321, %dma_start3A_322] : memref<1000000x64xf32, #tpu.memory_space<hbm>> -> memref<1000000x64xf32, #tpu.memory_space<hbm>>
    tpu.enqueue_indirect_dma source(%dma_start3A_323 : memref<1000000x64xf32, #tpu.memory_space<hbm>>) target(%dma_start3A_317 : memref<50x64xf32, #tpu.memory_space<vmem>>) offsets(%dma_start3A_320 : memref<50xi32, #tpu.memory_space<vmem>>) semaphore(%arg10 : memref<!tpu.dma_semaphore, #tpu.memory_space<semaphore_mem>>)
    %dma_wait3A = arith.constant 0 : i32
    %dma_wait3A_324 = arith.constant 0 : i32
    %dma_wait3A_325 = arith.constant 0 : i32
    %dma_wait3A_326 = tpu.memref_slice %arg9[%dma_wait3A_324, %dma_wait3A_325] : memref<1600x64xf32, #tpu.memory_space<vmem>> -> memref<50x64xf32, #tpu.memory_space<vmem>>
    %dma_wait3A_327 = arith.constant 0 : i32
    %dma_wait3A_328 = tpu.memref_slice %arg8[%dma_wait3A, %dma_wait3A_327] : memref<32x50xi32, #tpu.memory_space<vmem>> -> memref<1x50xi32, #tpu.memory_space<vmem>>
    %dma_wait3A_329 = tpu.memref_squeeze %dma_wait3A_328 : memref<1x50xi32, #tpu.memory_space<vmem>> -> memref<50xi32, #tpu.memory_space<vmem>>
    %dma_wait3A_330 = arith.constant 0 : i32
    %dma_wait3A_331 = arith.constant 0 : i32
    %dma_wait3A_332 = tpu.memref_slice %arg2[%dma_wait3A_330, %dma_wait3A_331] : memref<1000000x64xf32, #tpu.memory_space<hbm>> -> memref<1000000x64xf32, #tpu.memory_space<hbm>>
    tpu.wait_indirect_dma semaphore(%arg10 : memref<!tpu.dma_semaphore, #tpu.memory_space<semaphore_mem>>) src(%dma_wait3A_332 : memref<1000000x64xf32, #tpu.memory_space<hbm>>) dst(%dma_wait3A_326 : memref<50x64xf32, #tpu.memory_space<vmem>>)
    %dma_wait3A_333 = arith.constant 1 : i32
    %dma_wait3A_334 = arith.constant 50 : i32
    %dma_wait3A_335 = arith.constant 0 : i32
    %dma_wait3A_336 = tpu.memref_slice %arg9[%dma_wait3A_334, %dma_wait3A_335] : memref<1600x64xf32, #tpu.memory_space<vmem>> -> memref<50x64xf32, #tpu.memory_space<vmem>>
    %dma_wait3A_337 = arith.constant 0 : i32
    %dma_wait3A_338 = tpu.memref_slice %arg8[%dma_wait3A_333, %dma_wait3A_337] : memref<32x50xi32, #tpu.memory_space<vmem>> -> memref<1x50xi32, #tpu.memory_space<vmem>>
    %dma_wait3A_339 = tpu.memref_squeeze %dma_wait3A_338 : memref<1x50xi32, #tpu.memory_space<vmem>> -> memref<50xi32, #tpu.memory_space<vmem>>
    %dma_wait3A_340 = arith.constant 0 : i32
    %dma_wait3A_341 = arith.constant 0 : i32
    %dma_wait3A_342 = tpu.memref_slice %arg2[%dma_wait3A_340, %dma_wait3A_341] : memref<1000000x64xf32, #tpu.memory_space<hbm>> -> memref<1000000x64xf32, #tpu.memory_space<hbm>>
    tpu.wait_indirect_dma semaphore(%arg10 : memref<!tpu.dma_semaphore, #tpu.memory_space<semaphore_mem>>) src(%dma_wait3A_342 : memref<1000000x64xf32, #tpu.memory_space<hbm>>) dst(%dma_wait3A_336 : memref<50x64xf32, #tpu.memory_space<vmem>>)
    %dma_wait3A_343 = arith.constant 2 : i32
    %dma_wait3A_344 = arith.constant 100 : i32
    %dma_wait3A_345 = arith.constant 0 : i32
    %dma_wait3A_346 = tpu.memref_slice %arg9[%dma_wait3A_344, %dma_wait3A_345] : memref<1600x64xf32, #tpu.memory_space<vmem>> -> memref<50x64xf32, #tpu.memory_space<vmem>>
    %dma_wait3A_347 = arith.constant 0 : i32
    %dma_wait3A_348 = tpu.memref_slice %arg8[%dma_wait3A_343, %dma_wait3A_347] : memref<32x50xi32, #tpu.memory_space<vmem>> -> memref<1x50xi32, #tpu.memory_space<vmem>>
    %dma_wait3A_349 = tpu.memref_squeeze %dma_wait3A_348 : memref<1x50xi32, #tpu.memory_space<vmem>> -> memref<50xi32, #tpu.memory_space<vmem>>
    %dma_wait3A_350 = arith.constant 0 : i32
    %dma_wait3A_351 = arith.constant 0 : i32
    %dma_wait3A_352 = tpu.memref_slice %arg2[%dma_wait3A_350, %dma_wait3A_351] : memref<1000000x64xf32, #tpu.memory_space<hbm>> -> memref<1000000x64xf32, #tpu.memory_space<hbm>>
    tpu.wait_indirect_dma semaphore(%arg10 : memref<!tpu.dma_semaphore, #tpu.memory_space<semaphore_mem>>) src(%dma_wait3A_352 : memref<1000000x64xf32, #tpu.memory_space<hbm>>) dst(%dma_wait3A_346 : memref<50x64xf32, #tpu.memory_space<vmem>>)
    %dma_wait3A_353 = arith.constant 3 : i32
    %dma_wait3A_354 = arith.constant 150 : i32
    %dma_wait3A_355 = arith.constant 0 : i32
    %dma_wait3A_356 = tpu.memref_slice %arg9[%dma_wait3A_354, %dma_wait3A_355] : memref<1600x64xf32, #tpu.memory_space<vmem>> -> memref<50x64xf32, #tpu.memory_space<vmem>>
    %dma_wait3A_357 = arith.constant 0 : i32
    %dma_wait3A_358 = tpu.memref_slice %arg8[%dma_wait3A_353, %dma_wait3A_357] : memref<32x50xi32, #tpu.memory_space<vmem>> -> memref<1x50xi32, #tpu.memory_space<vmem>>
    %dma_wait3A_359 = tpu.memref_squeeze %dma_wait3A_358 : memref<1x50xi32, #tpu.memory_space<vmem>> -> memref<50xi32, #tpu.memory_space<vmem>>
    %dma_wait3A_360 = arith.constant 0 : i32
    %dma_wait3A_361 = arith.constant 0 : i32
    %dma_wait3A_362 = tpu.memref_slice %arg2[%dma_wait3A_360, %dma_wait3A_361] : memref<1000000x64xf32, #tpu.memory_space<hbm>> -> memref<1000000x64xf32, #tpu.memory_space<hbm>>
    tpu.wait_indirect_dma semaphore(%arg10 : memref<!tpu.dma_semaphore, #tpu.memory_space<semaphore_mem>>) src(%dma_wait3A_362 : memref<1000000x64xf32, #tpu.memory_space<hbm>>) dst(%dma_wait3A_356 : memref<50x64xf32, #tpu.memory_space<vmem>>)
    %dma_wait3A_363 = arith.constant 4 : i32
    %dma_wait3A_364 = arith.constant 200 : i32
    %dma_wait3A_365 = arith.constant 0 : i32
    %dma_wait3A_366 = tpu.memref_slice %arg9[%dma_wait3A_364, %dma_wait3A_365] : memref<1600x64xf32, #tpu.memory_space<vmem>> -> memref<50x64xf32, #tpu.memory_space<vmem>>
    %dma_wait3A_367 = arith.constant 0 : i32
    %dma_wait3A_368 = tpu.memref_slice %arg8[%dma_wait3A_363, %dma_wait3A_367] : memref<32x50xi32, #tpu.memory_space<vmem>> -> memref<1x50xi32, #tpu.memory_space<vmem>>
    %dma_wait3A_369 = tpu.memref_squeeze %dma_wait3A_368 : memref<1x50xi32, #tpu.memory_space<vmem>> -> memref<50xi32, #tpu.memory_space<vmem>>
    %dma_wait3A_370 = arith.constant 0 : i32
    %dma_wait3A_371 = arith.constant 0 : i32
    %dma_wait3A_372 = tpu.memref_slice %arg2[%dma_wait3A_370, %dma_wait3A_371] : memref<1000000x64xf32, #tpu.memory_space<hbm>> -> memref<1000000x64xf32, #tpu.memory_space<hbm>>
    tpu.wait_indirect_dma semaphore(%arg10 : memref<!tpu.dma_semaphore, #tpu.memory_space<semaphore_mem>>) src(%dma_wait3A_372 : memref<1000000x64xf32, #tpu.memory_space<hbm>>) dst(%dma_wait3A_366 : memref<50x64xf32, #tpu.memory_space<vmem>>)
    %dma_wait3A_373 = arith.constant 5 : i32
    %dma_wait3A_374 = arith.constant 250 : i32
    %dma_wait3A_375 = arith.constant 0 : i32
    %dma_wait3A_376 = tpu.memref_slice %arg9[%dma_wait3A_374, %dma_wait3A_375] : memref<1600x64xf32, #tpu.memory_space<vmem>> -> memref<50x64xf32, #tpu.memory_space<vmem>>
    %dma_wait3A_377 = arith.constant 0 : i32
    %dma_wait3A_378 = tpu.memref_slice %arg8[%dma_wait3A_373, %dma_wait3A_377] : memref<32x50xi32, #tpu.memory_space<vmem>> -> memref<1x50xi32, #tpu.memory_space<vmem>>
    %dma_wait3A_379 = tpu.memref_squeeze %dma_wait3A_378 : memref<1x50xi32, #tpu.memory_space<vmem>> -> memref<50xi32, #tpu.memory_space<vmem>>
    %dma_wait3A_380 = arith.constant 0 : i32
    %dma_wait3A_381 = arith.constant 0 : i32
    %dma_wait3A_382 = tpu.memref_slice %arg2[%dma_wait3A_380, %dma_wait3A_381] : memref<1000000x64xf32, #tpu.memory_space<hbm>> -> memref<1000000x64xf32, #tpu.memory_space<hbm>>
    tpu.wait_indirect_dma semaphore(%arg10 : memref<!tpu.dma_semaphore, #tpu.memory_space<semaphore_mem>>) src(%dma_wait3A_382 : memref<1000000x64xf32, #tpu.memory_space<hbm>>) dst(%dma_wait3A_376 : memref<50x64xf32, #tpu.memory_space<vmem>>)
    %dma_wait3A_383 = arith.constant 6 : i32
    %dma_wait3A_384 = arith.constant 300 : i32
    %dma_wait3A_385 = arith.constant 0 : i32
    %dma_wait3A_386 = tpu.memref_slice %arg9[%dma_wait3A_384, %dma_wait3A_385] : memref<1600x64xf32, #tpu.memory_space<vmem>> -> memref<50x64xf32, #tpu.memory_space<vmem>>
    %dma_wait3A_387 = arith.constant 0 : i32
    %dma_wait3A_388 = tpu.memref_slice %arg8[%dma_wait3A_383, %dma_wait3A_387] : memref<32x50xi32, #tpu.memory_space<vmem>> -> memref<1x50xi32, #tpu.memory_space<vmem>>
    %dma_wait3A_389 = tpu.memref_squeeze %dma_wait3A_388 : memref<1x50xi32, #tpu.memory_space<vmem>> -> memref<50xi32, #tpu.memory_space<vmem>>
    %dma_wait3A_390 = arith.constant 0 : i32
    %dma_wait3A_391 = arith.constant 0 : i32
    %dma_wait3A_392 = tpu.memref_slice %arg2[%dma_wait3A_390, %dma_wait3A_391] : memref<1000000x64xf32, #tpu.memory_space<hbm>> -> memref<1000000x64xf32, #tpu.memory_space<hbm>>
    tpu.wait_indirect_dma semaphore(%arg10 : memref<!tpu.dma_semaphore, #tpu.memory_space<semaphore_mem>>) src(%dma_wait3A_392 : memref<1000000x64xf32, #tpu.memory_space<hbm>>) dst(%dma_wait3A_386 : memref<50x64xf32, #tpu.memory_space<vmem>>)
    %dma_wait3A_393 = arith.constant 7 : i32
    %dma_wait3A_394 = arith.constant 350 : i32
    %dma_wait3A_395 = arith.constant 0 : i32
    %dma_wait3A_396 = tpu.memref_slice %arg9[%dma_wait3A_394, %dma_wait3A_395] : memref<1600x64xf32, #tpu.memory_space<vmem>> -> memref<50x64xf32, #tpu.memory_space<vmem>>
    %dma_wait3A_397 = arith.constant 0 : i32
    %dma_wait3A_398 = tpu.memref_slice %arg8[%dma_wait3A_393, %dma_wait3A_397] : memref<32x50xi32, #tpu.memory_space<vmem>> -> memref<1x50xi32, #tpu.memory_space<vmem>>
    %dma_wait3A_399 = tpu.memref_squeeze %dma_wait3A_398 : memref<1x50xi32, #tpu.memory_space<vmem>> -> memref<50xi32, #tpu.memory_space<vmem>>
    %dma_wait3A_400 = arith.constant 0 : i32
    %dma_wait3A_401 = arith.constant 0 : i32
    %dma_wait3A_402 = tpu.memref_slice %arg2[%dma_wait3A_400, %dma_wait3A_401] : memref<1000000x64xf32, #tpu.memory_space<hbm>> -> memref<1000000x64xf32, #tpu.memory_space<hbm>>
    tpu.wait_indirect_dma semaphore(%arg10 : memref<!tpu.dma_semaphore, #tpu.memory_space<semaphore_mem>>) src(%dma_wait3A_402 : memref<1000000x64xf32, #tpu.memory_space<hbm>>) dst(%dma_wait3A_396 : memref<50x64xf32, #tpu.memory_space<vmem>>)
    %dma_wait3A_403 = arith.constant 8 : i32
    %dma_wait3A_404 = arith.constant 400 : i32
    %dma_wait3A_405 = arith.constant 0 : i32
    %dma_wait3A_406 = tpu.memref_slice %arg9[%dma_wait3A_404, %dma_wait3A_405] : memref<1600x64xf32, #tpu.memory_space<vmem>> -> memref<50x64xf32, #tpu.memory_space<vmem>>
    %dma_wait3A_407 = arith.constant 0 : i32
    %dma_wait3A_408 = tpu.memref_slice %arg8[%dma_wait3A_403, %dma_wait3A_407] : memref<32x50xi32, #tpu.memory_space<vmem>> -> memref<1x50xi32, #tpu.memory_space<vmem>>
    %dma_wait3A_409 = tpu.memref_squeeze %dma_wait3A_408 : memref<1x50xi32, #tpu.memory_space<vmem>> -> memref<50xi32, #tpu.memory_space<vmem>>
    %dma_wait3A_410 = arith.constant 0 : i32
    %dma_wait3A_411 = arith.constant 0 : i32
    %dma_wait3A_412 = tpu.memref_slice %arg2[%dma_wait3A_410, %dma_wait3A_411] : memref<1000000x64xf32, #tpu.memory_space<hbm>> -> memref<1000000x64xf32, #tpu.memory_space<hbm>>
    tpu.wait_indirect_dma semaphore(%arg10 : memref<!tpu.dma_semaphore, #tpu.memory_space<semaphore_mem>>) src(%dma_wait3A_412 : memref<1000000x64xf32, #tpu.memory_space<hbm>>) dst(%dma_wait3A_406 : memref<50x64xf32, #tpu.memory_space<vmem>>)
    %dma_wait3A_413 = arith.constant 9 : i32
    %dma_wait3A_414 = arith.constant 450 : i32
    %dma_wait3A_415 = arith.constant 0 : i32
    %dma_wait3A_416 = tpu.memref_slice %arg9[%dma_wait3A_414, %dma_wait3A_415] : memref<1600x64xf32, #tpu.memory_space<vmem>> -> memref<50x64xf32, #tpu.memory_space<vmem>>
    %dma_wait3A_417 = arith.constant 0 : i32
    %dma_wait3A_418 = tpu.memref_slice %arg8[%dma_wait3A_413, %dma_wait3A_417] : memref<32x50xi32, #tpu.memory_space<vmem>> -> memref<1x50xi32, #tpu.memory_space<vmem>>
    %dma_wait3A_419 = tpu.memref_squeeze %dma_wait3A_418 : memref<1x50xi32, #tpu.memory_space<vmem>> -> memref<50xi32, #tpu.memory_space<vmem>>
    %dma_wait3A_420 = arith.constant 0 : i32
    %dma_wait3A_421 = arith.constant 0 : i32
    %dma_wait3A_422 = tpu.memref_slice %arg2[%dma_wait3A_420, %dma_wait3A_421] : memref<1000000x64xf32, #tpu.memory_space<hbm>> -> memref<1000000x64xf32, #tpu.memory_space<hbm>>
    tpu.wait_indirect_dma semaphore(%arg10 : memref<!tpu.dma_semaphore, #tpu.memory_space<semaphore_mem>>) src(%dma_wait3A_422 : memref<1000000x64xf32, #tpu.memory_space<hbm>>) dst(%dma_wait3A_416 : memref<50x64xf32, #tpu.memory_space<vmem>>)
    %dma_wait3A_423 = arith.constant 10 : i32
    %dma_wait3A_424 = arith.constant 500 : i32
    %dma_wait3A_425 = arith.constant 0 : i32
    %dma_wait3A_426 = tpu.memref_slice %arg9[%dma_wait3A_424, %dma_wait3A_425] : memref<1600x64xf32, #tpu.memory_space<vmem>> -> memref<50x64xf32, #tpu.memory_space<vmem>>
    %dma_wait3A_427 = arith.constant 0 : i32
    %dma_wait3A_428 = tpu.memref_slice %arg8[%dma_wait3A_423, %dma_wait3A_427] : memref<32x50xi32, #tpu.memory_space<vmem>> -> memref<1x50xi32, #tpu.memory_space<vmem>>
    %dma_wait3A_429 = tpu.memref_squeeze %dma_wait3A_428 : memref<1x50xi32, #tpu.memory_space<vmem>> -> memref<50xi32, #tpu.memory_space<vmem>>
    %dma_wait3A_430 = arith.constant 0 : i32
    %dma_wait3A_431 = arith.constant 0 : i32
    %dma_wait3A_432 = tpu.memref_slice %arg2[%dma_wait3A_430, %dma_wait3A_431] : memref<1000000x64xf32, #tpu.memory_space<hbm>> -> memref<1000000x64xf32, #tpu.memory_space<hbm>>
    tpu.wait_indirect_dma semaphore(%arg10 : memref<!tpu.dma_semaphore, #tpu.memory_space<semaphore_mem>>) src(%dma_wait3A_432 : memref<1000000x64xf32, #tpu.memory_space<hbm>>) dst(%dma_wait3A_426 : memref<50x64xf32, #tpu.memory_space<vmem>>)
    %dma_wait3A_433 = arith.constant 11 : i32
    %dma_wait3A_434 = arith.constant 550 : i32
    %dma_wait3A_435 = arith.constant 0 : i32
    %dma_wait3A_436 = tpu.memref_slice %arg9[%dma_wait3A_434, %dma_wait3A_435] : memref<1600x64xf32, #tpu.memory_space<vmem>> -> memref<50x64xf32, #tpu.memory_space<vmem>>
    %dma_wait3A_437 = arith.constant 0 : i32
    %dma_wait3A_438 = tpu.memref_slice %arg8[%dma_wait3A_433, %dma_wait3A_437] : memref<32x50xi32, #tpu.memory_space<vmem>> -> memref<1x50xi32, #tpu.memory_space<vmem>>
    %dma_wait3A_439 = tpu.memref_squeeze %dma_wait3A_438 : memref<1x50xi32, #tpu.memory_space<vmem>> -> memref<50xi32, #tpu.memory_space<vmem>>
    %dma_wait3A_440 = arith.constant 0 : i32
    %dma_wait3A_441 = arith.constant 0 : i32
    %dma_wait3A_442 = tpu.memref_slice %arg2[%dma_wait3A_440, %dma_wait3A_441] : memref<1000000x64xf32, #tpu.memory_space<hbm>> -> memref<1000000x64xf32, #tpu.memory_space<hbm>>
    tpu.wait_indirect_dma semaphore(%arg10 : memref<!tpu.dma_semaphore, #tpu.memory_space<semaphore_mem>>) src(%dma_wait3A_442 : memref<1000000x64xf32, #tpu.memory_space<hbm>>) dst(%dma_wait3A_436 : memref<50x64xf32, #tpu.memory_space<vmem>>)
    %dma_wait3A_443 = arith.constant 12 : i32
    %dma_wait3A_444 = arith.constant 600 : i32
    %dma_wait3A_445 = arith.constant 0 : i32
    %dma_wait3A_446 = tpu.memref_slice %arg9[%dma_wait3A_444, %dma_wait3A_445] : memref<1600x64xf32, #tpu.memory_space<vmem>> -> memref<50x64xf32, #tpu.memory_space<vmem>>
    %dma_wait3A_447 = arith.constant 0 : i32
    %dma_wait3A_448 = tpu.memref_slice %arg8[%dma_wait3A_443, %dma_wait3A_447] : memref<32x50xi32, #tpu.memory_space<vmem>> -> memref<1x50xi32, #tpu.memory_space<vmem>>
    %dma_wait3A_449 = tpu.memref_squeeze %dma_wait3A_448 : memref<1x50xi32, #tpu.memory_space<vmem>> -> memref<50xi32, #tpu.memory_space<vmem>>
    %dma_wait3A_450 = arith.constant 0 : i32
    %dma_wait3A_451 = arith.constant 0 : i32
    %dma_wait3A_452 = tpu.memref_slice %arg2[%dma_wait3A_450, %dma_wait3A_451] : memref<1000000x64xf32, #tpu.memory_space<hbm>> -> memref<1000000x64xf32, #tpu.memory_space<hbm>>
    tpu.wait_indirect_dma semaphore(%arg10 : memref<!tpu.dma_semaphore, #tpu.memory_space<semaphore_mem>>) src(%dma_wait3A_452 : memref<1000000x64xf32, #tpu.memory_space<hbm>>) dst(%dma_wait3A_446 : memref<50x64xf32, #tpu.memory_space<vmem>>)
    %dma_wait3A_453 = arith.constant 13 : i32
    %dma_wait3A_454 = arith.constant 650 : i32
    %dma_wait3A_455 = arith.constant 0 : i32
    %dma_wait3A_456 = tpu.memref_slice %arg9[%dma_wait3A_454, %dma_wait3A_455] : memref<1600x64xf32, #tpu.memory_space<vmem>> -> memref<50x64xf32, #tpu.memory_space<vmem>>
    %dma_wait3A_457 = arith.constant 0 : i32
    %dma_wait3A_458 = tpu.memref_slice %arg8[%dma_wait3A_453, %dma_wait3A_457] : memref<32x50xi32, #tpu.memory_space<vmem>> -> memref<1x50xi32, #tpu.memory_space<vmem>>
    %dma_wait3A_459 = tpu.memref_squeeze %dma_wait3A_458 : memref<1x50xi32, #tpu.memory_space<vmem>> -> memref<50xi32, #tpu.memory_space<vmem>>
    %dma_wait3A_460 = arith.constant 0 : i32
    %dma_wait3A_461 = arith.constant 0 : i32
    %dma_wait3A_462 = tpu.memref_slice %arg2[%dma_wait3A_460, %dma_wait3A_461] : memref<1000000x64xf32, #tpu.memory_space<hbm>> -> memref<1000000x64xf32, #tpu.memory_space<hbm>>
    tpu.wait_indirect_dma semaphore(%arg10 : memref<!tpu.dma_semaphore, #tpu.memory_space<semaphore_mem>>) src(%dma_wait3A_462 : memref<1000000x64xf32, #tpu.memory_space<hbm>>) dst(%dma_wait3A_456 : memref<50x64xf32, #tpu.memory_space<vmem>>)
    %dma_wait3A_463 = arith.constant 14 : i32
    %dma_wait3A_464 = arith.constant 700 : i32
    %dma_wait3A_465 = arith.constant 0 : i32
    %dma_wait3A_466 = tpu.memref_slice %arg9[%dma_wait3A_464, %dma_wait3A_465] : memref<1600x64xf32, #tpu.memory_space<vmem>> -> memref<50x64xf32, #tpu.memory_space<vmem>>
    %dma_wait3A_467 = arith.constant 0 : i32
    %dma_wait3A_468 = tpu.memref_slice %arg8[%dma_wait3A_463, %dma_wait3A_467] : memref<32x50xi32, #tpu.memory_space<vmem>> -> memref<1x50xi32, #tpu.memory_space<vmem>>
    %dma_wait3A_469 = tpu.memref_squeeze %dma_wait3A_468 : memref<1x50xi32, #tpu.memory_space<vmem>> -> memref<50xi32, #tpu.memory_space<vmem>>
    %dma_wait3A_470 = arith.constant 0 : i32
    %dma_wait3A_471 = arith.constant 0 : i32
    %dma_wait3A_472 = tpu.memref_slice %arg2[%dma_wait3A_470, %dma_wait3A_471] : memref<1000000x64xf32, #tpu.memory_space<hbm>> -> memref<1000000x64xf32, #tpu.memory_space<hbm>>
    tpu.wait_indirect_dma semaphore(%arg10 : memref<!tpu.dma_semaphore, #tpu.memory_space<semaphore_mem>>) src(%dma_wait3A_472 : memref<1000000x64xf32, #tpu.memory_space<hbm>>) dst(%dma_wait3A_466 : memref<50x64xf32, #tpu.memory_space<vmem>>)
    %dma_wait3A_473 = arith.constant 15 : i32
    %dma_wait3A_474 = arith.constant 750 : i32
    %dma_wait3A_475 = arith.constant 0 : i32
    %dma_wait3A_476 = tpu.memref_slice %arg9[%dma_wait3A_474, %dma_wait3A_475] : memref<1600x64xf32, #tpu.memory_space<vmem>> -> memref<50x64xf32, #tpu.memory_space<vmem>>
    %dma_wait3A_477 = arith.constant 0 : i32
    %dma_wait3A_478 = tpu.memref_slice %arg8[%dma_wait3A_473, %dma_wait3A_477] : memref<32x50xi32, #tpu.memory_space<vmem>> -> memref<1x50xi32, #tpu.memory_space<vmem>>
    %dma_wait3A_479 = tpu.memref_squeeze %dma_wait3A_478 : memref<1x50xi32, #tpu.memory_space<vmem>> -> memref<50xi32, #tpu.memory_space<vmem>>
    %dma_wait3A_480 = arith.constant 0 : i32
    %dma_wait3A_481 = arith.constant 0 : i32
    %dma_wait3A_482 = tpu.memref_slice %arg2[%dma_wait3A_480, %dma_wait3A_481] : memref<1000000x64xf32, #tpu.memory_space<hbm>> -> memref<1000000x64xf32, #tpu.memory_space<hbm>>
    tpu.wait_indirect_dma semaphore(%arg10 : memref<!tpu.dma_semaphore, #tpu.memory_space<semaphore_mem>>) src(%dma_wait3A_482 : memref<1000000x64xf32, #tpu.memory_space<hbm>>) dst(%dma_wait3A_476 : memref<50x64xf32, #tpu.memory_space<vmem>>)
    %dma_wait3A_483 = arith.constant 16 : i32
    %dma_wait3A_484 = arith.constant 800 : i32
    %dma_wait3A_485 = arith.constant 0 : i32
    %dma_wait3A_486 = tpu.memref_slice %arg9[%dma_wait3A_484, %dma_wait3A_485] : memref<1600x64xf32, #tpu.memory_space<vmem>> -> memref<50x64xf32, #tpu.memory_space<vmem>>
    %dma_wait3A_487 = arith.constant 0 : i32
    %dma_wait3A_488 = tpu.memref_slice %arg8[%dma_wait3A_483, %dma_wait3A_487] : memref<32x50xi32, #tpu.memory_space<vmem>> -> memref<1x50xi32, #tpu.memory_space<vmem>>
    %dma_wait3A_489 = tpu.memref_squeeze %dma_wait3A_488 : memref<1x50xi32, #tpu.memory_space<vmem>> -> memref<50xi32, #tpu.memory_space<vmem>>
    %dma_wait3A_490 = arith.constant 0 : i32
    %dma_wait3A_491 = arith.constant 0 : i32
    %dma_wait3A_492 = tpu.memref_slice %arg2[%dma_wait3A_490, %dma_wait3A_491] : memref<1000000x64xf32, #tpu.memory_space<hbm>> -> memref<1000000x64xf32, #tpu.memory_space<hbm>>
    tpu.wait_indirect_dma semaphore(%arg10 : memref<!tpu.dma_semaphore, #tpu.memory_space<semaphore_mem>>) src(%dma_wait3A_492 : memref<1000000x64xf32, #tpu.memory_space<hbm>>) dst(%dma_wait3A_486 : memref<50x64xf32, #tpu.memory_space<vmem>>)
    %dma_wait3A_493 = arith.constant 17 : i32
    %dma_wait3A_494 = arith.constant 850 : i32
    %dma_wait3A_495 = arith.constant 0 : i32
    %dma_wait3A_496 = tpu.memref_slice %arg9[%dma_wait3A_494, %dma_wait3A_495] : memref<1600x64xf32, #tpu.memory_space<vmem>> -> memref<50x64xf32, #tpu.memory_space<vmem>>
    %dma_wait3A_497 = arith.constant 0 : i32
    %dma_wait3A_498 = tpu.memref_slice %arg8[%dma_wait3A_493, %dma_wait3A_497] : memref<32x50xi32, #tpu.memory_space<vmem>> -> memref<1x50xi32, #tpu.memory_space<vmem>>
    %dma_wait3A_499 = tpu.memref_squeeze %dma_wait3A_498 : memref<1x50xi32, #tpu.memory_space<vmem>> -> memref<50xi32, #tpu.memory_space<vmem>>
    %dma_wait3A_500 = arith.constant 0 : i32
    %dma_wait3A_501 = arith.constant 0 : i32
    %dma_wait3A_502 = tpu.memref_slice %arg2[%dma_wait3A_500, %dma_wait3A_501] : memref<1000000x64xf32, #tpu.memory_space<hbm>> -> memref<1000000x64xf32, #tpu.memory_space<hbm>>
    tpu.wait_indirect_dma semaphore(%arg10 : memref<!tpu.dma_semaphore, #tpu.memory_space<semaphore_mem>>) src(%dma_wait3A_502 : memref<1000000x64xf32, #tpu.memory_space<hbm>>) dst(%dma_wait3A_496 : memref<50x64xf32, #tpu.memory_space<vmem>>)
    %dma_wait3A_503 = arith.constant 18 : i32
    %dma_wait3A_504 = arith.constant 900 : i32
    %dma_wait3A_505 = arith.constant 0 : i32
    %dma_wait3A_506 = tpu.memref_slice %arg9[%dma_wait3A_504, %dma_wait3A_505] : memref<1600x64xf32, #tpu.memory_space<vmem>> -> memref<50x64xf32, #tpu.memory_space<vmem>>
    %dma_wait3A_507 = arith.constant 0 : i32
    %dma_wait3A_508 = tpu.memref_slice %arg8[%dma_wait3A_503, %dma_wait3A_507] : memref<32x50xi32, #tpu.memory_space<vmem>> -> memref<1x50xi32, #tpu.memory_space<vmem>>
    %dma_wait3A_509 = tpu.memref_squeeze %dma_wait3A_508 : memref<1x50xi32, #tpu.memory_space<vmem>> -> memref<50xi32, #tpu.memory_space<vmem>>
    %dma_wait3A_510 = arith.constant 0 : i32
    %dma_wait3A_511 = arith.constant 0 : i32
    %dma_wait3A_512 = tpu.memref_slice %arg2[%dma_wait3A_510, %dma_wait3A_511] : memref<1000000x64xf32, #tpu.memory_space<hbm>> -> memref<1000000x64xf32, #tpu.memory_space<hbm>>
    tpu.wait_indirect_dma semaphore(%arg10 : memref<!tpu.dma_semaphore, #tpu.memory_space<semaphore_mem>>) src(%dma_wait3A_512 : memref<1000000x64xf32, #tpu.memory_space<hbm>>) dst(%dma_wait3A_506 : memref<50x64xf32, #tpu.memory_space<vmem>>)
    %dma_wait3A_513 = arith.constant 19 : i32
    %dma_wait3A_514 = arith.constant 950 : i32
    %dma_wait3A_515 = arith.constant 0 : i32
    %dma_wait3A_516 = tpu.memref_slice %arg9[%dma_wait3A_514, %dma_wait3A_515] : memref<1600x64xf32, #tpu.memory_space<vmem>> -> memref<50x64xf32, #tpu.memory_space<vmem>>
    %dma_wait3A_517 = arith.constant 0 : i32
    %dma_wait3A_518 = tpu.memref_slice %arg8[%dma_wait3A_513, %dma_wait3A_517] : memref<32x50xi32, #tpu.memory_space<vmem>> -> memref<1x50xi32, #tpu.memory_space<vmem>>
    %dma_wait3A_519 = tpu.memref_squeeze %dma_wait3A_518 : memref<1x50xi32, #tpu.memory_space<vmem>> -> memref<50xi32, #tpu.memory_space<vmem>>
    %dma_wait3A_520 = arith.constant 0 : i32
    %dma_wait3A_521 = arith.constant 0 : i32
    %dma_wait3A_522 = tpu.memref_slice %arg2[%dma_wait3A_520, %dma_wait3A_521] : memref<1000000x64xf32, #tpu.memory_space<hbm>> -> memref<1000000x64xf32, #tpu.memory_space<hbm>>
    tpu.wait_indirect_dma semaphore(%arg10 : memref<!tpu.dma_semaphore, #tpu.memory_space<semaphore_mem>>) src(%dma_wait3A_522 : memref<1000000x64xf32, #tpu.memory_space<hbm>>) dst(%dma_wait3A_516 : memref<50x64xf32, #tpu.memory_space<vmem>>)
    %dma_wait3A_523 = arith.constant 20 : i32
    %dma_wait3A_524 = arith.constant 1000 : i32
    %dma_wait3A_525 = arith.constant 0 : i32
    %dma_wait3A_526 = tpu.memref_slice %arg9[%dma_wait3A_524, %dma_wait3A_525] : memref<1600x64xf32, #tpu.memory_space<vmem>> -> memref<50x64xf32, #tpu.memory_space<vmem>>
    %dma_wait3A_527 = arith.constant 0 : i32
    %dma_wait3A_528 = tpu.memref_slice %arg8[%dma_wait3A_523, %dma_wait3A_527] : memref<32x50xi32, #tpu.memory_space<vmem>> -> memref<1x50xi32, #tpu.memory_space<vmem>>
    %dma_wait3A_529 = tpu.memref_squeeze %dma_wait3A_528 : memref<1x50xi32, #tpu.memory_space<vmem>> -> memref<50xi32, #tpu.memory_space<vmem>>
    %dma_wait3A_530 = arith.constant 0 : i32
    %dma_wait3A_531 = arith.constant 0 : i32
    %dma_wait3A_532 = tpu.memref_slice %arg2[%dma_wait3A_530, %dma_wait3A_531] : memref<1000000x64xf32, #tpu.memory_space<hbm>> -> memref<1000000x64xf32, #tpu.memory_space<hbm>>
    tpu.wait_indirect_dma semaphore(%arg10 : memref<!tpu.dma_semaphore, #tpu.memory_space<semaphore_mem>>) src(%dma_wait3A_532 : memref<1000000x64xf32, #tpu.memory_space<hbm>>) dst(%dma_wait3A_526 : memref<50x64xf32, #tpu.memory_space<vmem>>)
    %dma_wait3A_533 = arith.constant 21 : i32
    %dma_wait3A_534 = arith.constant 1050 : i32
    %dma_wait3A_535 = arith.constant 0 : i32
    %dma_wait3A_536 = tpu.memref_slice %arg9[%dma_wait3A_534, %dma_wait3A_535] : memref<1600x64xf32, #tpu.memory_space<vmem>> -> memref<50x64xf32, #tpu.memory_space<vmem>>
    %dma_wait3A_537 = arith.constant 0 : i32
    %dma_wait3A_538 = tpu.memref_slice %arg8[%dma_wait3A_533, %dma_wait3A_537] : memref<32x50xi32, #tpu.memory_space<vmem>> -> memref<1x50xi32, #tpu.memory_space<vmem>>
    %dma_wait3A_539 = tpu.memref_squeeze %dma_wait3A_538 : memref<1x50xi32, #tpu.memory_space<vmem>> -> memref<50xi32, #tpu.memory_space<vmem>>
    %dma_wait3A_540 = arith.constant 0 : i32
    %dma_wait3A_541 = arith.constant 0 : i32
    %dma_wait3A_542 = tpu.memref_slice %arg2[%dma_wait3A_540, %dma_wait3A_541] : memref<1000000x64xf32, #tpu.memory_space<hbm>> -> memref<1000000x64xf32, #tpu.memory_space<hbm>>
    tpu.wait_indirect_dma semaphore(%arg10 : memref<!tpu.dma_semaphore, #tpu.memory_space<semaphore_mem>>) src(%dma_wait3A_542 : memref<1000000x64xf32, #tpu.memory_space<hbm>>) dst(%dma_wait3A_536 : memref<50x64xf32, #tpu.memory_space<vmem>>)
    %dma_wait3A_543 = arith.constant 22 : i32
    %dma_wait3A_544 = arith.constant 1100 : i32
    %dma_wait3A_545 = arith.constant 0 : i32
    %dma_wait3A_546 = tpu.memref_slice %arg9[%dma_wait3A_544, %dma_wait3A_545] : memref<1600x64xf32, #tpu.memory_space<vmem>> -> memref<50x64xf32, #tpu.memory_space<vmem>>
    %dma_wait3A_547 = arith.constant 0 : i32
    %dma_wait3A_548 = tpu.memref_slice %arg8[%dma_wait3A_543, %dma_wait3A_547] : memref<32x50xi32, #tpu.memory_space<vmem>> -> memref<1x50xi32, #tpu.memory_space<vmem>>
    %dma_wait3A_549 = tpu.memref_squeeze %dma_wait3A_548 : memref<1x50xi32, #tpu.memory_space<vmem>> -> memref<50xi32, #tpu.memory_space<vmem>>
    %dma_wait3A_550 = arith.constant 0 : i32
    %dma_wait3A_551 = arith.constant 0 : i32
    %dma_wait3A_552 = tpu.memref_slice %arg2[%dma_wait3A_550, %dma_wait3A_551] : memref<1000000x64xf32, #tpu.memory_space<hbm>> -> memref<1000000x64xf32, #tpu.memory_space<hbm>>
    tpu.wait_indirect_dma semaphore(%arg10 : memref<!tpu.dma_semaphore, #tpu.memory_space<semaphore_mem>>) src(%dma_wait3A_552 : memref<1000000x64xf32, #tpu.memory_space<hbm>>) dst(%dma_wait3A_546 : memref<50x64xf32, #tpu.memory_space<vmem>>)
    %dma_wait3A_553 = arith.constant 23 : i32
    %dma_wait3A_554 = arith.constant 1150 : i32
    %dma_wait3A_555 = arith.constant 0 : i32
    %dma_wait3A_556 = tpu.memref_slice %arg9[%dma_wait3A_554, %dma_wait3A_555] : memref<1600x64xf32, #tpu.memory_space<vmem>> -> memref<50x64xf32, #tpu.memory_space<vmem>>
    %dma_wait3A_557 = arith.constant 0 : i32
    %dma_wait3A_558 = tpu.memref_slice %arg8[%dma_wait3A_553, %dma_wait3A_557] : memref<32x50xi32, #tpu.memory_space<vmem>> -> memref<1x50xi32, #tpu.memory_space<vmem>>
    %dma_wait3A_559 = tpu.memref_squeeze %dma_wait3A_558 : memref<1x50xi32, #tpu.memory_space<vmem>> -> memref<50xi32, #tpu.memory_space<vmem>>
    %dma_wait3A_560 = arith.constant 0 : i32
    %dma_wait3A_561 = arith.constant 0 : i32
    %dma_wait3A_562 = tpu.memref_slice %arg2[%dma_wait3A_560, %dma_wait3A_561] : memref<1000000x64xf32, #tpu.memory_space<hbm>> -> memref<1000000x64xf32, #tpu.memory_space<hbm>>
    tpu.wait_indirect_dma semaphore(%arg10 : memref<!tpu.dma_semaphore, #tpu.memory_space<semaphore_mem>>) src(%dma_wait3A_562 : memref<1000000x64xf32, #tpu.memory_space<hbm>>) dst(%dma_wait3A_556 : memref<50x64xf32, #tpu.memory_space<vmem>>)
    %dma_wait3A_563 = arith.constant 24 : i32
    %dma_wait3A_564 = arith.constant 1200 : i32
    %dma_wait3A_565 = arith.constant 0 : i32
    %dma_wait3A_566 = tpu.memref_slice %arg9[%dma_wait3A_564, %dma_wait3A_565] : memref<1600x64xf32, #tpu.memory_space<vmem>> -> memref<50x64xf32, #tpu.memory_space<vmem>>
    %dma_wait3A_567 = arith.constant 0 : i32
    %dma_wait3A_568 = tpu.memref_slice %arg8[%dma_wait3A_563, %dma_wait3A_567] : memref<32x50xi32, #tpu.memory_space<vmem>> -> memref<1x50xi32, #tpu.memory_space<vmem>>
    %dma_wait3A_569 = tpu.memref_squeeze %dma_wait3A_568 : memref<1x50xi32, #tpu.memory_space<vmem>> -> memref<50xi32, #tpu.memory_space<vmem>>
    %dma_wait3A_570 = arith.constant 0 : i32
    %dma_wait3A_571 = arith.constant 0 : i32
    %dma_wait3A_572 = tpu.memref_slice %arg2[%dma_wait3A_570, %dma_wait3A_571] : memref<1000000x64xf32, #tpu.memory_space<hbm>> -> memref<1000000x64xf32, #tpu.memory_space<hbm>>
    tpu.wait_indirect_dma semaphore(%arg10 : memref<!tpu.dma_semaphore, #tpu.memory_space<semaphore_mem>>) src(%dma_wait3A_572 : memref<1000000x64xf32, #tpu.memory_space<hbm>>) dst(%dma_wait3A_566 : memref<50x64xf32, #tpu.memory_space<vmem>>)
    %dma_wait3A_573 = arith.constant 25 : i32
    %dma_wait3A_574 = arith.constant 1250 : i32
    %dma_wait3A_575 = arith.constant 0 : i32
    %dma_wait3A_576 = tpu.memref_slice %arg9[%dma_wait3A_574, %dma_wait3A_575] : memref<1600x64xf32, #tpu.memory_space<vmem>> -> memref<50x64xf32, #tpu.memory_space<vmem>>
    %dma_wait3A_577 = arith.constant 0 : i32
    %dma_wait3A_578 = tpu.memref_slice %arg8[%dma_wait3A_573, %dma_wait3A_577] : memref<32x50xi32, #tpu.memory_space<vmem>> -> memref<1x50xi32, #tpu.memory_space<vmem>>
    %dma_wait3A_579 = tpu.memref_squeeze %dma_wait3A_578 : memref<1x50xi32, #tpu.memory_space<vmem>> -> memref<50xi32, #tpu.memory_space<vmem>>
    %dma_wait3A_580 = arith.constant 0 : i32
    %dma_wait3A_581 = arith.constant 0 : i32
    %dma_wait3A_582 = tpu.memref_slice %arg2[%dma_wait3A_580, %dma_wait3A_581] : memref<1000000x64xf32, #tpu.memory_space<hbm>> -> memref<1000000x64xf32, #tpu.memory_space<hbm>>
    tpu.wait_indirect_dma semaphore(%arg10 : memref<!tpu.dma_semaphore, #tpu.memory_space<semaphore_mem>>) src(%dma_wait3A_582 : memref<1000000x64xf32, #tpu.memory_space<hbm>>) dst(%dma_wait3A_576 : memref<50x64xf32, #tpu.memory_space<vmem>>)
    %dma_wait3A_583 = arith.constant 26 : i32
    %dma_wait3A_584 = arith.constant 1300 : i32
    %dma_wait3A_585 = arith.constant 0 : i32
    %dma_wait3A_586 = tpu.memref_slice %arg9[%dma_wait3A_584, %dma_wait3A_585] : memref<1600x64xf32, #tpu.memory_space<vmem>> -> memref<50x64xf32, #tpu.memory_space<vmem>>
    %dma_wait3A_587 = arith.constant 0 : i32
    %dma_wait3A_588 = tpu.memref_slice %arg8[%dma_wait3A_583, %dma_wait3A_587] : memref<32x50xi32, #tpu.memory_space<vmem>> -> memref<1x50xi32, #tpu.memory_space<vmem>>
    %dma_wait3A_589 = tpu.memref_squeeze %dma_wait3A_588 : memref<1x50xi32, #tpu.memory_space<vmem>> -> memref<50xi32, #tpu.memory_space<vmem>>
    %dma_wait3A_590 = arith.constant 0 : i32
    %dma_wait3A_591 = arith.constant 0 : i32
    %dma_wait3A_592 = tpu.memref_slice %arg2[%dma_wait3A_590, %dma_wait3A_591] : memref<1000000x64xf32, #tpu.memory_space<hbm>> -> memref<1000000x64xf32, #tpu.memory_space<hbm>>
    tpu.wait_indirect_dma semaphore(%arg10 : memref<!tpu.dma_semaphore, #tpu.memory_space<semaphore_mem>>) src(%dma_wait3A_592 : memref<1000000x64xf32, #tpu.memory_space<hbm>>) dst(%dma_wait3A_586 : memref<50x64xf32, #tpu.memory_space<vmem>>)
    %dma_wait3A_593 = arith.constant 27 : i32
    %dma_wait3A_594 = arith.constant 1350 : i32
    %dma_wait3A_595 = arith.constant 0 : i32
    %dma_wait3A_596 = tpu.memref_slice %arg9[%dma_wait3A_594, %dma_wait3A_595] : memref<1600x64xf32, #tpu.memory_space<vmem>> -> memref<50x64xf32, #tpu.memory_space<vmem>>
    %dma_wait3A_597 = arith.constant 0 : i32
    %dma_wait3A_598 = tpu.memref_slice %arg8[%dma_wait3A_593, %dma_wait3A_597] : memref<32x50xi32, #tpu.memory_space<vmem>> -> memref<1x50xi32, #tpu.memory_space<vmem>>
    %dma_wait3A_599 = tpu.memref_squeeze %dma_wait3A_598 : memref<1x50xi32, #tpu.memory_space<vmem>> -> memref<50xi32, #tpu.memory_space<vmem>>
    %dma_wait3A_600 = arith.constant 0 : i32
    %dma_wait3A_601 = arith.constant 0 : i32
    %dma_wait3A_602 = tpu.memref_slice %arg2[%dma_wait3A_600, %dma_wait3A_601] : memref<1000000x64xf32, #tpu.memory_space<hbm>> -> memref<1000000x64xf32, #tpu.memory_space<hbm>>
    tpu.wait_indirect_dma semaphore(%arg10 : memref<!tpu.dma_semaphore, #tpu.memory_space<semaphore_mem>>) src(%dma_wait3A_602 : memref<1000000x64xf32, #tpu.memory_space<hbm>>) dst(%dma_wait3A_596 : memref<50x64xf32, #tpu.memory_space<vmem>>)
    %dma_wait3A_603 = arith.constant 28 : i32
    %dma_wait3A_604 = arith.constant 1400 : i32
    %dma_wait3A_605 = arith.constant 0 : i32
    %dma_wait3A_606 = tpu.memref_slice %arg9[%dma_wait3A_604, %dma_wait3A_605] : memref<1600x64xf32, #tpu.memory_space<vmem>> -> memref<50x64xf32, #tpu.memory_space<vmem>>
    %dma_wait3A_607 = arith.constant 0 : i32
    %dma_wait3A_608 = tpu.memref_slice %arg8[%dma_wait3A_603, %dma_wait3A_607] : memref<32x50xi32, #tpu.memory_space<vmem>> -> memref<1x50xi32, #tpu.memory_space<vmem>>
    %dma_wait3A_609 = tpu.memref_squeeze %dma_wait3A_608 : memref<1x50xi32, #tpu.memory_space<vmem>> -> memref<50xi32, #tpu.memory_space<vmem>>
    %dma_wait3A_610 = arith.constant 0 : i32
    %dma_wait3A_611 = arith.constant 0 : i32
    %dma_wait3A_612 = tpu.memref_slice %arg2[%dma_wait3A_610, %dma_wait3A_611] : memref<1000000x64xf32, #tpu.memory_space<hbm>> -> memref<1000000x64xf32, #tpu.memory_space<hbm>>
    tpu.wait_indirect_dma semaphore(%arg10 : memref<!tpu.dma_semaphore, #tpu.memory_space<semaphore_mem>>) src(%dma_wait3A_612 : memref<1000000x64xf32, #tpu.memory_space<hbm>>) dst(%dma_wait3A_606 : memref<50x64xf32, #tpu.memory_space<vmem>>)
    %dma_wait3A_613 = arith.constant 29 : i32
    %dma_wait3A_614 = arith.constant 1450 : i32
    %dma_wait3A_615 = arith.constant 0 : i32
    %dma_wait3A_616 = tpu.memref_slice %arg9[%dma_wait3A_614, %dma_wait3A_615] : memref<1600x64xf32, #tpu.memory_space<vmem>> -> memref<50x64xf32, #tpu.memory_space<vmem>>
    %dma_wait3A_617 = arith.constant 0 : i32
    %dma_wait3A_618 = tpu.memref_slice %arg8[%dma_wait3A_613, %dma_wait3A_617] : memref<32x50xi32, #tpu.memory_space<vmem>> -> memref<1x50xi32, #tpu.memory_space<vmem>>
    %dma_wait3A_619 = tpu.memref_squeeze %dma_wait3A_618 : memref<1x50xi32, #tpu.memory_space<vmem>> -> memref<50xi32, #tpu.memory_space<vmem>>
    %dma_wait3A_620 = arith.constant 0 : i32
    %dma_wait3A_621 = arith.constant 0 : i32
    %dma_wait3A_622 = tpu.memref_slice %arg2[%dma_wait3A_620, %dma_wait3A_621] : memref<1000000x64xf32, #tpu.memory_space<hbm>> -> memref<1000000x64xf32, #tpu.memory_space<hbm>>
    tpu.wait_indirect_dma semaphore(%arg10 : memref<!tpu.dma_semaphore, #tpu.memory_space<semaphore_mem>>) src(%dma_wait3A_622 : memref<1000000x64xf32, #tpu.memory_space<hbm>>) dst(%dma_wait3A_616 : memref<50x64xf32, #tpu.memory_space<vmem>>)
    %dma_wait3A_623 = arith.constant 30 : i32
    %dma_wait3A_624 = arith.constant 1500 : i32
    %dma_wait3A_625 = arith.constant 0 : i32
    %dma_wait3A_626 = tpu.memref_slice %arg9[%dma_wait3A_624, %dma_wait3A_625] : memref<1600x64xf32, #tpu.memory_space<vmem>> -> memref<50x64xf32, #tpu.memory_space<vmem>>
    %dma_wait3A_627 = arith.constant 0 : i32
    %dma_wait3A_628 = tpu.memref_slice %arg8[%dma_wait3A_623, %dma_wait3A_627] : memref<32x50xi32, #tpu.memory_space<vmem>> -> memref<1x50xi32, #tpu.memory_space<vmem>>
    %dma_wait3A_629 = tpu.memref_squeeze %dma_wait3A_628 : memref<1x50xi32, #tpu.memory_space<vmem>> -> memref<50xi32, #tpu.memory_space<vmem>>
    %dma_wait3A_630 = arith.constant 0 : i32
    %dma_wait3A_631 = arith.constant 0 : i32
    %dma_wait3A_632 = tpu.memref_slice %arg2[%dma_wait3A_630, %dma_wait3A_631] : memref<1000000x64xf32, #tpu.memory_space<hbm>> -> memref<1000000x64xf32, #tpu.memory_space<hbm>>
    tpu.wait_indirect_dma semaphore(%arg10 : memref<!tpu.dma_semaphore, #tpu.memory_space<semaphore_mem>>) src(%dma_wait3A_632 : memref<1000000x64xf32, #tpu.memory_space<hbm>>) dst(%dma_wait3A_626 : memref<50x64xf32, #tpu.memory_space<vmem>>)
    %dma_wait3A_633 = arith.constant 31 : i32
    %dma_wait3A_634 = arith.constant 1550 : i32
    %dma_wait3A_635 = arith.constant 0 : i32
    %dma_wait3A_636 = tpu.memref_slice %arg9[%dma_wait3A_634, %dma_wait3A_635] : memref<1600x64xf32, #tpu.memory_space<vmem>> -> memref<50x64xf32, #tpu.memory_space<vmem>>
    %dma_wait3A_637 = arith.constant 0 : i32
    %dma_wait3A_638 = tpu.memref_slice %arg8[%dma_wait3A_633, %dma_wait3A_637] : memref<32x50xi32, #tpu.memory_space<vmem>> -> memref<1x50xi32, #tpu.memory_space<vmem>>
    %dma_wait3A_639 = tpu.memref_squeeze %dma_wait3A_638 : memref<1x50xi32, #tpu.memory_space<vmem>> -> memref<50xi32, #tpu.memory_space<vmem>>
    %dma_wait3A_640 = arith.constant 0 : i32
    %dma_wait3A_641 = arith.constant 0 : i32
    %dma_wait3A_642 = tpu.memref_slice %arg2[%dma_wait3A_640, %dma_wait3A_641] : memref<1000000x64xf32, #tpu.memory_space<hbm>> -> memref<1000000x64xf32, #tpu.memory_space<hbm>>
    tpu.wait_indirect_dma semaphore(%arg10 : memref<!tpu.dma_semaphore, #tpu.memory_space<semaphore_mem>>) src(%dma_wait3A_642 : memref<1000000x64xf32, #tpu.memory_space<hbm>>) dst(%dma_wait3A_636 : memref<50x64xf32, #tpu.memory_space<vmem>>)
    "tpu.region"() ({
      %run_scoped3A = tpu.sem_alloc : memref<!tpu.dma_semaphore, #tpu.memory_space<semaphore_mem>>
      %dma_start3A_1285 = arith.constant 0 : i32
      %dma_start3A_1286 = tpu.memref_slice %arg6[%mul3A_2, %dma_start3A_1285] : memref<51200x64xf32, #tpu.memory_space<hbm>> -> memref<1600x64xf32, #tpu.memory_space<hbm>>
      %dma_start3A_1287 = arith.constant 0 : i32
      %dma_start3A_1288 = tpu.memref_slice %arg6[%mul3A_2, %dma_start3A_1287] : memref<51200x64xf32, #tpu.memory_space<hbm>> -> memref<1600x64xf32, #tpu.memory_space<hbm>>
      tpu.enqueue_dma source(%arg9 : memref<1600x64xf32, #tpu.memory_space<vmem>>) target(%dma_start3A_1288 : memref<1600x64xf32, #tpu.memory_space<hbm>>) target_semaphore(%run_scoped3A : memref<!tpu.dma_semaphore, #tpu.memory_space<semaphore_mem>>)
      %dma_wait3A_1289 = arith.constant 0 : i32
      %dma_wait3A_1290 = tpu.memref_slice %arg6[%mul3A_2, %dma_wait3A_1289] : memref<51200x64xf32, #tpu.memory_space<hbm>> -> memref<1600x64xf32, #tpu.memory_space<hbm>>
      %dma_wait3A_1291 = arith.constant 0 : i32
      %dma_wait3A_1292 = tpu.memref_slice %arg6[%mul3A_2, %dma_wait3A_1291] : memref<51200x64xf32, #tpu.memory_space<hbm>> -> memref<1600x64xf32, #tpu.memory_space<hbm>>
      tpu.wait_dma2 semaphore(%run_scoped3A : memref<!tpu.dma_semaphore, #tpu.memory_space<semaphore_mem>>) src(%arg9 : memref<1600x64xf32, #tpu.memory_space<vmem>>) dst(%dma_wait3A_1292 : memref<1600x64xf32, #tpu.memory_space<hbm>>)
      tpu.yield
    }) : () -> ()
    %mul3A_643 = arith.constant 32 : i32
    %mul3A_644 = arith.muli %add3A, %mul3A_643 : i32
    "tpu.region"() ({
      %run_scoped3A = tpu.sem_alloc : memref<!tpu.dma_semaphore, #tpu.memory_space<semaphore_mem>>
      %dma_start3A_1285 = arith.constant 0 : i32
      %dma_start3A_1286 = tpu.memref_slice %arg5[%mul3A_644, %dma_start3A_1285] : memref<1024x50xi32, #tpu.memory_space<hbm>> -> memref<32x50xi32, #tpu.memory_space<hbm>>
      %dma_start3A_1287 = arith.constant 0 : i32
      %dma_start3A_1288 = tpu.memref_slice %arg5[%mul3A_644, %dma_start3A_1287] : memref<1024x50xi32, #tpu.memory_space<hbm>> -> memref<32x50xi32, #tpu.memory_space<hbm>>
      tpu.enqueue_dma source(%dma_start3A_1288 : memref<32x50xi32, #tpu.memory_space<hbm>>) target(%arg8 : memref<32x50xi32, #tpu.memory_space<vmem>>) target_semaphore(%run_scoped3A : memref<!tpu.dma_semaphore, #tpu.memory_space<semaphore_mem>>)
      %dma_wait3A_1289 = arith.constant 0 : i32
      %dma_wait3A_1290 = tpu.memref_slice %arg5[%mul3A_644, %dma_wait3A_1289] : memref<1024x50xi32, #tpu.memory_space<hbm>> -> memref<32x50xi32, #tpu.memory_space<hbm>>
      %dma_wait3A_1291 = arith.constant 0 : i32
      %dma_wait3A_1292 = tpu.memref_slice %arg5[%mul3A_644, %dma_wait3A_1291] : memref<1024x50xi32, #tpu.memory_space<hbm>> -> memref<32x50xi32, #tpu.memory_space<hbm>>
      tpu.wait_dma2 semaphore(%run_scoped3A : memref<!tpu.dma_semaphore, #tpu.memory_space<semaphore_mem>>) src(%dma_wait3A_1292 : memref<32x50xi32, #tpu.memory_space<hbm>>) dst(%arg8 : memref<32x50xi32, #tpu.memory_space<vmem>>)
      tpu.yield
    }) : () -> ()
    %dma_start3A_645 = arith.constant 0 : i32
    %dma_start3A_646 = arith.constant 0 : i32
    %dma_start3A_647 = arith.constant 0 : i32
    %dma_start3A_648 = tpu.memref_slice %arg9[%dma_start3A_646, %dma_start3A_647] : memref<1600x64xf32, #tpu.memory_space<vmem>> -> memref<50x64xf32, #tpu.memory_space<vmem>>
    %dma_start3A_649 = arith.constant 0 : i32
    %dma_start3A_650 = tpu.memref_slice %arg8[%dma_start3A_645, %dma_start3A_649] : memref<32x50xi32, #tpu.memory_space<vmem>> -> memref<1x50xi32, #tpu.memory_space<vmem>>
    %dma_start3A_651 = tpu.memref_squeeze %dma_start3A_650 : memref<1x50xi32, #tpu.memory_space<vmem>> -> memref<50xi32, #tpu.memory_space<vmem>>
    %dma_start3A_652 = arith.constant 0 : i32
    %dma_start3A_653 = arith.constant 0 : i32
    %dma_start3A_654 = tpu.memref_slice %arg3[%dma_start3A_652, %dma_start3A_653] : memref<100000x64xf32, #tpu.memory_space<hbm>> -> memref<100000x64xf32, #tpu.memory_space<hbm>>
    tpu.enqueue_indirect_dma source(%dma_start3A_654 : memref<100000x64xf32, #tpu.memory_space<hbm>>) target(%dma_start3A_648 : memref<50x64xf32, #tpu.memory_space<vmem>>) offsets(%dma_start3A_651 : memref<50xi32, #tpu.memory_space<vmem>>) semaphore(%arg10 : memref<!tpu.dma_semaphore, #tpu.memory_space<semaphore_mem>>)
    %dma_start3A_655 = arith.constant 1 : i32
    %dma_start3A_656 = arith.constant 50 : i32
    %dma_start3A_657 = arith.constant 0 : i32
    %dma_start3A_658 = tpu.memref_slice %arg9[%dma_start3A_656, %dma_start3A_657] : memref<1600x64xf32, #tpu.memory_space<vmem>> -> memref<50x64xf32, #tpu.memory_space<vmem>>
    %dma_start3A_659 = arith.constant 0 : i32
    %dma_start3A_660 = tpu.memref_slice %arg8[%dma_start3A_655, %dma_start3A_659] : memref<32x50xi32, #tpu.memory_space<vmem>> -> memref<1x50xi32, #tpu.memory_space<vmem>>
    %dma_start3A_661 = tpu.memref_squeeze %dma_start3A_660 : memref<1x50xi32, #tpu.memory_space<vmem>> -> memref<50xi32, #tpu.memory_space<vmem>>
    %dma_start3A_662 = arith.constant 0 : i32
    %dma_start3A_663 = arith.constant 0 : i32
    %dma_start3A_664 = tpu.memref_slice %arg3[%dma_start3A_662, %dma_start3A_663] : memref<100000x64xf32, #tpu.memory_space<hbm>> -> memref<100000x64xf32, #tpu.memory_space<hbm>>
    tpu.enqueue_indirect_dma source(%dma_start3A_664 : memref<100000x64xf32, #tpu.memory_space<hbm>>) target(%dma_start3A_658 : memref<50x64xf32, #tpu.memory_space<vmem>>) offsets(%dma_start3A_661 : memref<50xi32, #tpu.memory_space<vmem>>) semaphore(%arg10 : memref<!tpu.dma_semaphore, #tpu.memory_space<semaphore_mem>>)
    %dma_start3A_665 = arith.constant 2 : i32
    %dma_start3A_666 = arith.constant 100 : i32
    %dma_start3A_667 = arith.constant 0 : i32
    %dma_start3A_668 = tpu.memref_slice %arg9[%dma_start3A_666, %dma_start3A_667] : memref<1600x64xf32, #tpu.memory_space<vmem>> -> memref<50x64xf32, #tpu.memory_space<vmem>>
    %dma_start3A_669 = arith.constant 0 : i32
    %dma_start3A_670 = tpu.memref_slice %arg8[%dma_start3A_665, %dma_start3A_669] : memref<32x50xi32, #tpu.memory_space<vmem>> -> memref<1x50xi32, #tpu.memory_space<vmem>>
    %dma_start3A_671 = tpu.memref_squeeze %dma_start3A_670 : memref<1x50xi32, #tpu.memory_space<vmem>> -> memref<50xi32, #tpu.memory_space<vmem>>
    %dma_start3A_672 = arith.constant 0 : i32
    %dma_start3A_673 = arith.constant 0 : i32
    %dma_start3A_674 = tpu.memref_slice %arg3[%dma_start3A_672, %dma_start3A_673] : memref<100000x64xf32, #tpu.memory_space<hbm>> -> memref<100000x64xf32, #tpu.memory_space<hbm>>
    tpu.enqueue_indirect_dma source(%dma_start3A_674 : memref<100000x64xf32, #tpu.memory_space<hbm>>) target(%dma_start3A_668 : memref<50x64xf32, #tpu.memory_space<vmem>>) offsets(%dma_start3A_671 : memref<50xi32, #tpu.memory_space<vmem>>) semaphore(%arg10 : memref<!tpu.dma_semaphore, #tpu.memory_space<semaphore_mem>>)
    %dma_start3A_675 = arith.constant 3 : i32
    %dma_start3A_676 = arith.constant 150 : i32
    %dma_start3A_677 = arith.constant 0 : i32
    %dma_start3A_678 = tpu.memref_slice %arg9[%dma_start3A_676, %dma_start3A_677] : memref<1600x64xf32, #tpu.memory_space<vmem>> -> memref<50x64xf32, #tpu.memory_space<vmem>>
    %dma_start3A_679 = arith.constant 0 : i32
    %dma_start3A_680 = tpu.memref_slice %arg8[%dma_start3A_675, %dma_start3A_679] : memref<32x50xi32, #tpu.memory_space<vmem>> -> memref<1x50xi32, #tpu.memory_space<vmem>>
    %dma_start3A_681 = tpu.memref_squeeze %dma_start3A_680 : memref<1x50xi32, #tpu.memory_space<vmem>> -> memref<50xi32, #tpu.memory_space<vmem>>
    %dma_start3A_682 = arith.constant 0 : i32
    %dma_start3A_683 = arith.constant 0 : i32
    %dma_start3A_684 = tpu.memref_slice %arg3[%dma_start3A_682, %dma_start3A_683] : memref<100000x64xf32, #tpu.memory_space<hbm>> -> memref<100000x64xf32, #tpu.memory_space<hbm>>
    tpu.enqueue_indirect_dma source(%dma_start3A_684 : memref<100000x64xf32, #tpu.memory_space<hbm>>) target(%dma_start3A_678 : memref<50x64xf32, #tpu.memory_space<vmem>>) offsets(%dma_start3A_681 : memref<50xi32, #tpu.memory_space<vmem>>) semaphore(%arg10 : memref<!tpu.dma_semaphore, #tpu.memory_space<semaphore_mem>>)
    %dma_start3A_685 = arith.constant 4 : i32
    %dma_start3A_686 = arith.constant 200 : i32
    %dma_start3A_687 = arith.constant 0 : i32
    %dma_start3A_688 = tpu.memref_slice %arg9[%dma_start3A_686, %dma_start3A_687] : memref<1600x64xf32, #tpu.memory_space<vmem>> -> memref<50x64xf32, #tpu.memory_space<vmem>>
    %dma_start3A_689 = arith.constant 0 : i32
    %dma_start3A_690 = tpu.memref_slice %arg8[%dma_start3A_685, %dma_start3A_689] : memref<32x50xi32, #tpu.memory_space<vmem>> -> memref<1x50xi32, #tpu.memory_space<vmem>>
    %dma_start3A_691 = tpu.memref_squeeze %dma_start3A_690 : memref<1x50xi32, #tpu.memory_space<vmem>> -> memref<50xi32, #tpu.memory_space<vmem>>
    %dma_start3A_692 = arith.constant 0 : i32
    %dma_start3A_693 = arith.constant 0 : i32
    %dma_start3A_694 = tpu.memref_slice %arg3[%dma_start3A_692, %dma_start3A_693] : memref<100000x64xf32, #tpu.memory_space<hbm>> -> memref<100000x64xf32, #tpu.memory_space<hbm>>
    tpu.enqueue_indirect_dma source(%dma_start3A_694 : memref<100000x64xf32, #tpu.memory_space<hbm>>) target(%dma_start3A_688 : memref<50x64xf32, #tpu.memory_space<vmem>>) offsets(%dma_start3A_691 : memref<50xi32, #tpu.memory_space<vmem>>) semaphore(%arg10 : memref<!tpu.dma_semaphore, #tpu.memory_space<semaphore_mem>>)
    %dma_start3A_695 = arith.constant 5 : i32
    %dma_start3A_696 = arith.constant 250 : i32
    %dma_start3A_697 = arith.constant 0 : i32
    %dma_start3A_698 = tpu.memref_slice %arg9[%dma_start3A_696, %dma_start3A_697] : memref<1600x64xf32, #tpu.memory_space<vmem>> -> memref<50x64xf32, #tpu.memory_space<vmem>>
    %dma_start3A_699 = arith.constant 0 : i32
    %dma_start3A_700 = tpu.memref_slice %arg8[%dma_start3A_695, %dma_start3A_699] : memref<32x50xi32, #tpu.memory_space<vmem>> -> memref<1x50xi32, #tpu.memory_space<vmem>>
    %dma_start3A_701 = tpu.memref_squeeze %dma_start3A_700 : memref<1x50xi32, #tpu.memory_space<vmem>> -> memref<50xi32, #tpu.memory_space<vmem>>
    %dma_start3A_702 = arith.constant 0 : i32
    %dma_start3A_703 = arith.constant 0 : i32
    %dma_start3A_704 = tpu.memref_slice %arg3[%dma_start3A_702, %dma_start3A_703] : memref<100000x64xf32, #tpu.memory_space<hbm>> -> memref<100000x64xf32, #tpu.memory_space<hbm>>
    tpu.enqueue_indirect_dma source(%dma_start3A_704 : memref<100000x64xf32, #tpu.memory_space<hbm>>) target(%dma_start3A_698 : memref<50x64xf32, #tpu.memory_space<vmem>>) offsets(%dma_start3A_701 : memref<50xi32, #tpu.memory_space<vmem>>) semaphore(%arg10 : memref<!tpu.dma_semaphore, #tpu.memory_space<semaphore_mem>>)
    %dma_start3A_705 = arith.constant 6 : i32
    %dma_start3A_706 = arith.constant 300 : i32
    %dma_start3A_707 = arith.constant 0 : i32
    %dma_start3A_708 = tpu.memref_slice %arg9[%dma_start3A_706, %dma_start3A_707] : memref<1600x64xf32, #tpu.memory_space<vmem>> -> memref<50x64xf32, #tpu.memory_space<vmem>>
    %dma_start3A_709 = arith.constant 0 : i32
    %dma_start3A_710 = tpu.memref_slice %arg8[%dma_start3A_705, %dma_start3A_709] : memref<32x50xi32, #tpu.memory_space<vmem>> -> memref<1x50xi32, #tpu.memory_space<vmem>>
    %dma_start3A_711 = tpu.memref_squeeze %dma_start3A_710 : memref<1x50xi32, #tpu.memory_space<vmem>> -> memref<50xi32, #tpu.memory_space<vmem>>
    %dma_start3A_712 = arith.constant 0 : i32
    %dma_start3A_713 = arith.constant 0 : i32
    %dma_start3A_714 = tpu.memref_slice %arg3[%dma_start3A_712, %dma_start3A_713] : memref<100000x64xf32, #tpu.memory_space<hbm>> -> memref<100000x64xf32, #tpu.memory_space<hbm>>
    tpu.enqueue_indirect_dma source(%dma_start3A_714 : memref<100000x64xf32, #tpu.memory_space<hbm>>) target(%dma_start3A_708 : memref<50x64xf32, #tpu.memory_space<vmem>>) offsets(%dma_start3A_711 : memref<50xi32, #tpu.memory_space<vmem>>) semaphore(%arg10 : memref<!tpu.dma_semaphore, #tpu.memory_space<semaphore_mem>>)
    %dma_start3A_715 = arith.constant 7 : i32
    %dma_start3A_716 = arith.constant 350 : i32
    %dma_start3A_717 = arith.constant 0 : i32
    %dma_start3A_718 = tpu.memref_slice %arg9[%dma_start3A_716, %dma_start3A_717] : memref<1600x64xf32, #tpu.memory_space<vmem>> -> memref<50x64xf32, #tpu.memory_space<vmem>>
    %dma_start3A_719 = arith.constant 0 : i32
    %dma_start3A_720 = tpu.memref_slice %arg8[%dma_start3A_715, %dma_start3A_719] : memref<32x50xi32, #tpu.memory_space<vmem>> -> memref<1x50xi32, #tpu.memory_space<vmem>>
    %dma_start3A_721 = tpu.memref_squeeze %dma_start3A_720 : memref<1x50xi32, #tpu.memory_space<vmem>> -> memref<50xi32, #tpu.memory_space<vmem>>
    %dma_start3A_722 = arith.constant 0 : i32
    %dma_start3A_723 = arith.constant 0 : i32
    %dma_start3A_724 = tpu.memref_slice %arg3[%dma_start3A_722, %dma_start3A_723] : memref<100000x64xf32, #tpu.memory_space<hbm>> -> memref<100000x64xf32, #tpu.memory_space<hbm>>
    tpu.enqueue_indirect_dma source(%dma_start3A_724 : memref<100000x64xf32, #tpu.memory_space<hbm>>) target(%dma_start3A_718 : memref<50x64xf32, #tpu.memory_space<vmem>>) offsets(%dma_start3A_721 : memref<50xi32, #tpu.memory_space<vmem>>) semaphore(%arg10 : memref<!tpu.dma_semaphore, #tpu.memory_space<semaphore_mem>>)
    %dma_start3A_725 = arith.constant 8 : i32
    %dma_start3A_726 = arith.constant 400 : i32
    %dma_start3A_727 = arith.constant 0 : i32
    %dma_start3A_728 = tpu.memref_slice %arg9[%dma_start3A_726, %dma_start3A_727] : memref<1600x64xf32, #tpu.memory_space<vmem>> -> memref<50x64xf32, #tpu.memory_space<vmem>>
    %dma_start3A_729 = arith.constant 0 : i32
    %dma_start3A_730 = tpu.memref_slice %arg8[%dma_start3A_725, %dma_start3A_729] : memref<32x50xi32, #tpu.memory_space<vmem>> -> memref<1x50xi32, #tpu.memory_space<vmem>>
    %dma_start3A_731 = tpu.memref_squeeze %dma_start3A_730 : memref<1x50xi32, #tpu.memory_space<vmem>> -> memref<50xi32, #tpu.memory_space<vmem>>
    %dma_start3A_732 = arith.constant 0 : i32
    %dma_start3A_733 = arith.constant 0 : i32
    %dma_start3A_734 = tpu.memref_slice %arg3[%dma_start3A_732, %dma_start3A_733] : memref<100000x64xf32, #tpu.memory_space<hbm>> -> memref<100000x64xf32, #tpu.memory_space<hbm>>
    tpu.enqueue_indirect_dma source(%dma_start3A_734 : memref<100000x64xf32, #tpu.memory_space<hbm>>) target(%dma_start3A_728 : memref<50x64xf32, #tpu.memory_space<vmem>>) offsets(%dma_start3A_731 : memref<50xi32, #tpu.memory_space<vmem>>) semaphore(%arg10 : memref<!tpu.dma_semaphore, #tpu.memory_space<semaphore_mem>>)
    %dma_start3A_735 = arith.constant 9 : i32
    %dma_start3A_736 = arith.constant 450 : i32
    %dma_start3A_737 = arith.constant 0 : i32
    %dma_start3A_738 = tpu.memref_slice %arg9[%dma_start3A_736, %dma_start3A_737] : memref<1600x64xf32, #tpu.memory_space<vmem>> -> memref<50x64xf32, #tpu.memory_space<vmem>>
    %dma_start3A_739 = arith.constant 0 : i32
    %dma_start3A_740 = tpu.memref_slice %arg8[%dma_start3A_735, %dma_start3A_739] : memref<32x50xi32, #tpu.memory_space<vmem>> -> memref<1x50xi32, #tpu.memory_space<vmem>>
    %dma_start3A_741 = tpu.memref_squeeze %dma_start3A_740 : memref<1x50xi32, #tpu.memory_space<vmem>> -> memref<50xi32, #tpu.memory_space<vmem>>
    %dma_start3A_742 = arith.constant 0 : i32
    %dma_start3A_743 = arith.constant 0 : i32
    %dma_start3A_744 = tpu.memref_slice %arg3[%dma_start3A_742, %dma_start3A_743] : memref<100000x64xf32, #tpu.memory_space<hbm>> -> memref<100000x64xf32, #tpu.memory_space<hbm>>
    tpu.enqueue_indirect_dma source(%dma_start3A_744 : memref<100000x64xf32, #tpu.memory_space<hbm>>) target(%dma_start3A_738 : memref<50x64xf32, #tpu.memory_space<vmem>>) offsets(%dma_start3A_741 : memref<50xi32, #tpu.memory_space<vmem>>) semaphore(%arg10 : memref<!tpu.dma_semaphore, #tpu.memory_space<semaphore_mem>>)
    %dma_start3A_745 = arith.constant 10 : i32
    %dma_start3A_746 = arith.constant 500 : i32
    %dma_start3A_747 = arith.constant 0 : i32
    %dma_start3A_748 = tpu.memref_slice %arg9[%dma_start3A_746, %dma_start3A_747] : memref<1600x64xf32, #tpu.memory_space<vmem>> -> memref<50x64xf32, #tpu.memory_space<vmem>>
    %dma_start3A_749 = arith.constant 0 : i32
    %dma_start3A_750 = tpu.memref_slice %arg8[%dma_start3A_745, %dma_start3A_749] : memref<32x50xi32, #tpu.memory_space<vmem>> -> memref<1x50xi32, #tpu.memory_space<vmem>>
    %dma_start3A_751 = tpu.memref_squeeze %dma_start3A_750 : memref<1x50xi32, #tpu.memory_space<vmem>> -> memref<50xi32, #tpu.memory_space<vmem>>
    %dma_start3A_752 = arith.constant 0 : i32
    %dma_start3A_753 = arith.constant 0 : i32
    %dma_start3A_754 = tpu.memref_slice %arg3[%dma_start3A_752, %dma_start3A_753] : memref<100000x64xf32, #tpu.memory_space<hbm>> -> memref<100000x64xf32, #tpu.memory_space<hbm>>
    tpu.enqueue_indirect_dma source(%dma_start3A_754 : memref<100000x64xf32, #tpu.memory_space<hbm>>) target(%dma_start3A_748 : memref<50x64xf32, #tpu.memory_space<vmem>>) offsets(%dma_start3A_751 : memref<50xi32, #tpu.memory_space<vmem>>) semaphore(%arg10 : memref<!tpu.dma_semaphore, #tpu.memory_space<semaphore_mem>>)
    %dma_start3A_755 = arith.constant 11 : i32
    %dma_start3A_756 = arith.constant 550 : i32
    %dma_start3A_757 = arith.constant 0 : i32
    %dma_start3A_758 = tpu.memref_slice %arg9[%dma_start3A_756, %dma_start3A_757] : memref<1600x64xf32, #tpu.memory_space<vmem>> -> memref<50x64xf32, #tpu.memory_space<vmem>>
    %dma_start3A_759 = arith.constant 0 : i32
    %dma_start3A_760 = tpu.memref_slice %arg8[%dma_start3A_755, %dma_start3A_759] : memref<32x50xi32, #tpu.memory_space<vmem>> -> memref<1x50xi32, #tpu.memory_space<vmem>>
    %dma_start3A_761 = tpu.memref_squeeze %dma_start3A_760 : memref<1x50xi32, #tpu.memory_space<vmem>> -> memref<50xi32, #tpu.memory_space<vmem>>
    %dma_start3A_762 = arith.constant 0 : i32
    %dma_start3A_763 = arith.constant 0 : i32
    %dma_start3A_764 = tpu.memref_slice %arg3[%dma_start3A_762, %dma_start3A_763] : memref<100000x64xf32, #tpu.memory_space<hbm>> -> memref<100000x64xf32, #tpu.memory_space<hbm>>
    tpu.enqueue_indirect_dma source(%dma_start3A_764 : memref<100000x64xf32, #tpu.memory_space<hbm>>) target(%dma_start3A_758 : memref<50x64xf32, #tpu.memory_space<vmem>>) offsets(%dma_start3A_761 : memref<50xi32, #tpu.memory_space<vmem>>) semaphore(%arg10 : memref<!tpu.dma_semaphore, #tpu.memory_space<semaphore_mem>>)
    %dma_start3A_765 = arith.constant 12 : i32
    %dma_start3A_766 = arith.constant 600 : i32
    %dma_start3A_767 = arith.constant 0 : i32
    %dma_start3A_768 = tpu.memref_slice %arg9[%dma_start3A_766, %dma_start3A_767] : memref<1600x64xf32, #tpu.memory_space<vmem>> -> memref<50x64xf32, #tpu.memory_space<vmem>>
    %dma_start3A_769 = arith.constant 0 : i32
    %dma_start3A_770 = tpu.memref_slice %arg8[%dma_start3A_765, %dma_start3A_769] : memref<32x50xi32, #tpu.memory_space<vmem>> -> memref<1x50xi32, #tpu.memory_space<vmem>>
    %dma_start3A_771 = tpu.memref_squeeze %dma_start3A_770 : memref<1x50xi32, #tpu.memory_space<vmem>> -> memref<50xi32, #tpu.memory_space<vmem>>
    %dma_start3A_772 = arith.constant 0 : i32
    %dma_start3A_773 = arith.constant 0 : i32
    %dma_start3A_774 = tpu.memref_slice %arg3[%dma_start3A_772, %dma_start3A_773] : memref<100000x64xf32, #tpu.memory_space<hbm>> -> memref<100000x64xf32, #tpu.memory_space<hbm>>
    tpu.enqueue_indirect_dma source(%dma_start3A_774 : memref<100000x64xf32, #tpu.memory_space<hbm>>) target(%dma_start3A_768 : memref<50x64xf32, #tpu.memory_space<vmem>>) offsets(%dma_start3A_771 : memref<50xi32, #tpu.memory_space<vmem>>) semaphore(%arg10 : memref<!tpu.dma_semaphore, #tpu.memory_space<semaphore_mem>>)
    %dma_start3A_775 = arith.constant 13 : i32
    %dma_start3A_776 = arith.constant 650 : i32
    %dma_start3A_777 = arith.constant 0 : i32
    %dma_start3A_778 = tpu.memref_slice %arg9[%dma_start3A_776, %dma_start3A_777] : memref<1600x64xf32, #tpu.memory_space<vmem>> -> memref<50x64xf32, #tpu.memory_space<vmem>>
    %dma_start3A_779 = arith.constant 0 : i32
    %dma_start3A_780 = tpu.memref_slice %arg8[%dma_start3A_775, %dma_start3A_779] : memref<32x50xi32, #tpu.memory_space<vmem>> -> memref<1x50xi32, #tpu.memory_space<vmem>>
    %dma_start3A_781 = tpu.memref_squeeze %dma_start3A_780 : memref<1x50xi32, #tpu.memory_space<vmem>> -> memref<50xi32, #tpu.memory_space<vmem>>
    %dma_start3A_782 = arith.constant 0 : i32
    %dma_start3A_783 = arith.constant 0 : i32
    %dma_start3A_784 = tpu.memref_slice %arg3[%dma_start3A_782, %dma_start3A_783] : memref<100000x64xf32, #tpu.memory_space<hbm>> -> memref<100000x64xf32, #tpu.memory_space<hbm>>
    tpu.enqueue_indirect_dma source(%dma_start3A_784 : memref<100000x64xf32, #tpu.memory_space<hbm>>) target(%dma_start3A_778 : memref<50x64xf32, #tpu.memory_space<vmem>>) offsets(%dma_start3A_781 : memref<50xi32, #tpu.memory_space<vmem>>) semaphore(%arg10 : memref<!tpu.dma_semaphore, #tpu.memory_space<semaphore_mem>>)
    %dma_start3A_785 = arith.constant 14 : i32
    %dma_start3A_786 = arith.constant 700 : i32
    %dma_start3A_787 = arith.constant 0 : i32
    %dma_start3A_788 = tpu.memref_slice %arg9[%dma_start3A_786, %dma_start3A_787] : memref<1600x64xf32, #tpu.memory_space<vmem>> -> memref<50x64xf32, #tpu.memory_space<vmem>>
    %dma_start3A_789 = arith.constant 0 : i32
    %dma_start3A_790 = tpu.memref_slice %arg8[%dma_start3A_785, %dma_start3A_789] : memref<32x50xi32, #tpu.memory_space<vmem>> -> memref<1x50xi32, #tpu.memory_space<vmem>>
    %dma_start3A_791 = tpu.memref_squeeze %dma_start3A_790 : memref<1x50xi32, #tpu.memory_space<vmem>> -> memref<50xi32, #tpu.memory_space<vmem>>
    %dma_start3A_792 = arith.constant 0 : i32
    %dma_start3A_793 = arith.constant 0 : i32
    %dma_start3A_794 = tpu.memref_slice %arg3[%dma_start3A_792, %dma_start3A_793] : memref<100000x64xf32, #tpu.memory_space<hbm>> -> memref<100000x64xf32, #tpu.memory_space<hbm>>
    tpu.enqueue_indirect_dma source(%dma_start3A_794 : memref<100000x64xf32, #tpu.memory_space<hbm>>) target(%dma_start3A_788 : memref<50x64xf32, #tpu.memory_space<vmem>>) offsets(%dma_start3A_791 : memref<50xi32, #tpu.memory_space<vmem>>) semaphore(%arg10 : memref<!tpu.dma_semaphore, #tpu.memory_space<semaphore_mem>>)
    %dma_start3A_795 = arith.constant 15 : i32
    %dma_start3A_796 = arith.constant 750 : i32
    %dma_start3A_797 = arith.constant 0 : i32
    %dma_start3A_798 = tpu.memref_slice %arg9[%dma_start3A_796, %dma_start3A_797] : memref<1600x64xf32, #tpu.memory_space<vmem>> -> memref<50x64xf32, #tpu.memory_space<vmem>>
    %dma_start3A_799 = arith.constant 0 : i32
    %dma_start3A_800 = tpu.memref_slice %arg8[%dma_start3A_795, %dma_start3A_799] : memref<32x50xi32, #tpu.memory_space<vmem>> -> memref<1x50xi32, #tpu.memory_space<vmem>>
    %dma_start3A_801 = tpu.memref_squeeze %dma_start3A_800 : memref<1x50xi32, #tpu.memory_space<vmem>> -> memref<50xi32, #tpu.memory_space<vmem>>
    %dma_start3A_802 = arith.constant 0 : i32
    %dma_start3A_803 = arith.constant 0 : i32
    %dma_start3A_804 = tpu.memref_slice %arg3[%dma_start3A_802, %dma_start3A_803] : memref<100000x64xf32, #tpu.memory_space<hbm>> -> memref<100000x64xf32, #tpu.memory_space<hbm>>
    tpu.enqueue_indirect_dma source(%dma_start3A_804 : memref<100000x64xf32, #tpu.memory_space<hbm>>) target(%dma_start3A_798 : memref<50x64xf32, #tpu.memory_space<vmem>>) offsets(%dma_start3A_801 : memref<50xi32, #tpu.memory_space<vmem>>) semaphore(%arg10 : memref<!tpu.dma_semaphore, #tpu.memory_space<semaphore_mem>>)
    %dma_start3A_805 = arith.constant 16 : i32
    %dma_start3A_806 = arith.constant 800 : i32
    %dma_start3A_807 = arith.constant 0 : i32
    %dma_start3A_808 = tpu.memref_slice %arg9[%dma_start3A_806, %dma_start3A_807] : memref<1600x64xf32, #tpu.memory_space<vmem>> -> memref<50x64xf32, #tpu.memory_space<vmem>>
    %dma_start3A_809 = arith.constant 0 : i32
    %dma_start3A_810 = tpu.memref_slice %arg8[%dma_start3A_805, %dma_start3A_809] : memref<32x50xi32, #tpu.memory_space<vmem>> -> memref<1x50xi32, #tpu.memory_space<vmem>>
    %dma_start3A_811 = tpu.memref_squeeze %dma_start3A_810 : memref<1x50xi32, #tpu.memory_space<vmem>> -> memref<50xi32, #tpu.memory_space<vmem>>
    %dma_start3A_812 = arith.constant 0 : i32
    %dma_start3A_813 = arith.constant 0 : i32
    %dma_start3A_814 = tpu.memref_slice %arg3[%dma_start3A_812, %dma_start3A_813] : memref<100000x64xf32, #tpu.memory_space<hbm>> -> memref<100000x64xf32, #tpu.memory_space<hbm>>
    tpu.enqueue_indirect_dma source(%dma_start3A_814 : memref<100000x64xf32, #tpu.memory_space<hbm>>) target(%dma_start3A_808 : memref<50x64xf32, #tpu.memory_space<vmem>>) offsets(%dma_start3A_811 : memref<50xi32, #tpu.memory_space<vmem>>) semaphore(%arg10 : memref<!tpu.dma_semaphore, #tpu.memory_space<semaphore_mem>>)
    %dma_start3A_815 = arith.constant 17 : i32
    %dma_start3A_816 = arith.constant 850 : i32
    %dma_start3A_817 = arith.constant 0 : i32
    %dma_start3A_818 = tpu.memref_slice %arg9[%dma_start3A_816, %dma_start3A_817] : memref<1600x64xf32, #tpu.memory_space<vmem>> -> memref<50x64xf32, #tpu.memory_space<vmem>>
    %dma_start3A_819 = arith.constant 0 : i32
    %dma_start3A_820 = tpu.memref_slice %arg8[%dma_start3A_815, %dma_start3A_819] : memref<32x50xi32, #tpu.memory_space<vmem>> -> memref<1x50xi32, #tpu.memory_space<vmem>>
    %dma_start3A_821 = tpu.memref_squeeze %dma_start3A_820 : memref<1x50xi32, #tpu.memory_space<vmem>> -> memref<50xi32, #tpu.memory_space<vmem>>
    %dma_start3A_822 = arith.constant 0 : i32
    %dma_start3A_823 = arith.constant 0 : i32
    %dma_start3A_824 = tpu.memref_slice %arg3[%dma_start3A_822, %dma_start3A_823] : memref<100000x64xf32, #tpu.memory_space<hbm>> -> memref<100000x64xf32, #tpu.memory_space<hbm>>
    tpu.enqueue_indirect_dma source(%dma_start3A_824 : memref<100000x64xf32, #tpu.memory_space<hbm>>) target(%dma_start3A_818 : memref<50x64xf32, #tpu.memory_space<vmem>>) offsets(%dma_start3A_821 : memref<50xi32, #tpu.memory_space<vmem>>) semaphore(%arg10 : memref<!tpu.dma_semaphore, #tpu.memory_space<semaphore_mem>>)
    %dma_start3A_825 = arith.constant 18 : i32
    %dma_start3A_826 = arith.constant 900 : i32
    %dma_start3A_827 = arith.constant 0 : i32
    %dma_start3A_828 = tpu.memref_slice %arg9[%dma_start3A_826, %dma_start3A_827] : memref<1600x64xf32, #tpu.memory_space<vmem>> -> memref<50x64xf32, #tpu.memory_space<vmem>>
    %dma_start3A_829 = arith.constant 0 : i32
    %dma_start3A_830 = tpu.memref_slice %arg8[%dma_start3A_825, %dma_start3A_829] : memref<32x50xi32, #tpu.memory_space<vmem>> -> memref<1x50xi32, #tpu.memory_space<vmem>>
    %dma_start3A_831 = tpu.memref_squeeze %dma_start3A_830 : memref<1x50xi32, #tpu.memory_space<vmem>> -> memref<50xi32, #tpu.memory_space<vmem>>
    %dma_start3A_832 = arith.constant 0 : i32
    %dma_start3A_833 = arith.constant 0 : i32
    %dma_start3A_834 = tpu.memref_slice %arg3[%dma_start3A_832, %dma_start3A_833] : memref<100000x64xf32, #tpu.memory_space<hbm>> -> memref<100000x64xf32, #tpu.memory_space<hbm>>
    tpu.enqueue_indirect_dma source(%dma_start3A_834 : memref<100000x64xf32, #tpu.memory_space<hbm>>) target(%dma_start3A_828 : memref<50x64xf32, #tpu.memory_space<vmem>>) offsets(%dma_start3A_831 : memref<50xi32, #tpu.memory_space<vmem>>) semaphore(%arg10 : memref<!tpu.dma_semaphore, #tpu.memory_space<semaphore_mem>>)
    %dma_start3A_835 = arith.constant 19 : i32
    %dma_start3A_836 = arith.constant 950 : i32
    %dma_start3A_837 = arith.constant 0 : i32
    %dma_start3A_838 = tpu.memref_slice %arg9[%dma_start3A_836, %dma_start3A_837] : memref<1600x64xf32, #tpu.memory_space<vmem>> -> memref<50x64xf32, #tpu.memory_space<vmem>>
    %dma_start3A_839 = arith.constant 0 : i32
    %dma_start3A_840 = tpu.memref_slice %arg8[%dma_start3A_835, %dma_start3A_839] : memref<32x50xi32, #tpu.memory_space<vmem>> -> memref<1x50xi32, #tpu.memory_space<vmem>>
    %dma_start3A_841 = tpu.memref_squeeze %dma_start3A_840 : memref<1x50xi32, #tpu.memory_space<vmem>> -> memref<50xi32, #tpu.memory_space<vmem>>
    %dma_start3A_842 = arith.constant 0 : i32
    %dma_start3A_843 = arith.constant 0 : i32
    %dma_start3A_844 = tpu.memref_slice %arg3[%dma_start3A_842, %dma_start3A_843] : memref<100000x64xf32, #tpu.memory_space<hbm>> -> memref<100000x64xf32, #tpu.memory_space<hbm>>
    tpu.enqueue_indirect_dma source(%dma_start3A_844 : memref<100000x64xf32, #tpu.memory_space<hbm>>) target(%dma_start3A_838 : memref<50x64xf32, #tpu.memory_space<vmem>>) offsets(%dma_start3A_841 : memref<50xi32, #tpu.memory_space<vmem>>) semaphore(%arg10 : memref<!tpu.dma_semaphore, #tpu.memory_space<semaphore_mem>>)
    %dma_start3A_845 = arith.constant 20 : i32
    %dma_start3A_846 = arith.constant 1000 : i32
    %dma_start3A_847 = arith.constant 0 : i32
    %dma_start3A_848 = tpu.memref_slice %arg9[%dma_start3A_846, %dma_start3A_847] : memref<1600x64xf32, #tpu.memory_space<vmem>> -> memref<50x64xf32, #tpu.memory_space<vmem>>
    %dma_start3A_849 = arith.constant 0 : i32
    %dma_start3A_850 = tpu.memref_slice %arg8[%dma_start3A_845, %dma_start3A_849] : memref<32x50xi32, #tpu.memory_space<vmem>> -> memref<1x50xi32, #tpu.memory_space<vmem>>
    %dma_start3A_851 = tpu.memref_squeeze %dma_start3A_850 : memref<1x50xi32, #tpu.memory_space<vmem>> -> memref<50xi32, #tpu.memory_space<vmem>>
    %dma_start3A_852 = arith.constant 0 : i32
    %dma_start3A_853 = arith.constant 0 : i32
    %dma_start3A_854 = tpu.memref_slice %arg3[%dma_start3A_852, %dma_start3A_853] : memref<100000x64xf32, #tpu.memory_space<hbm>> -> memref<100000x64xf32, #tpu.memory_space<hbm>>
    tpu.enqueue_indirect_dma source(%dma_start3A_854 : memref<100000x64xf32, #tpu.memory_space<hbm>>) target(%dma_start3A_848 : memref<50x64xf32, #tpu.memory_space<vmem>>) offsets(%dma_start3A_851 : memref<50xi32, #tpu.memory_space<vmem>>) semaphore(%arg10 : memref<!tpu.dma_semaphore, #tpu.memory_space<semaphore_mem>>)
    %dma_start3A_855 = arith.constant 21 : i32
    %dma_start3A_856 = arith.constant 1050 : i32
    %dma_start3A_857 = arith.constant 0 : i32
    %dma_start3A_858 = tpu.memref_slice %arg9[%dma_start3A_856, %dma_start3A_857] : memref<1600x64xf32, #tpu.memory_space<vmem>> -> memref<50x64xf32, #tpu.memory_space<vmem>>
    %dma_start3A_859 = arith.constant 0 : i32
    %dma_start3A_860 = tpu.memref_slice %arg8[%dma_start3A_855, %dma_start3A_859] : memref<32x50xi32, #tpu.memory_space<vmem>> -> memref<1x50xi32, #tpu.memory_space<vmem>>
    %dma_start3A_861 = tpu.memref_squeeze %dma_start3A_860 : memref<1x50xi32, #tpu.memory_space<vmem>> -> memref<50xi32, #tpu.memory_space<vmem>>
    %dma_start3A_862 = arith.constant 0 : i32
    %dma_start3A_863 = arith.constant 0 : i32
    %dma_start3A_864 = tpu.memref_slice %arg3[%dma_start3A_862, %dma_start3A_863] : memref<100000x64xf32, #tpu.memory_space<hbm>> -> memref<100000x64xf32, #tpu.memory_space<hbm>>
    tpu.enqueue_indirect_dma source(%dma_start3A_864 : memref<100000x64xf32, #tpu.memory_space<hbm>>) target(%dma_start3A_858 : memref<50x64xf32, #tpu.memory_space<vmem>>) offsets(%dma_start3A_861 : memref<50xi32, #tpu.memory_space<vmem>>) semaphore(%arg10 : memref<!tpu.dma_semaphore, #tpu.memory_space<semaphore_mem>>)
    %dma_start3A_865 = arith.constant 22 : i32
    %dma_start3A_866 = arith.constant 1100 : i32
    %dma_start3A_867 = arith.constant 0 : i32
    %dma_start3A_868 = tpu.memref_slice %arg9[%dma_start3A_866, %dma_start3A_867] : memref<1600x64xf32, #tpu.memory_space<vmem>> -> memref<50x64xf32, #tpu.memory_space<vmem>>
    %dma_start3A_869 = arith.constant 0 : i32
    %dma_start3A_870 = tpu.memref_slice %arg8[%dma_start3A_865, %dma_start3A_869] : memref<32x50xi32, #tpu.memory_space<vmem>> -> memref<1x50xi32, #tpu.memory_space<vmem>>
    %dma_start3A_871 = tpu.memref_squeeze %dma_start3A_870 : memref<1x50xi32, #tpu.memory_space<vmem>> -> memref<50xi32, #tpu.memory_space<vmem>>
    %dma_start3A_872 = arith.constant 0 : i32
    %dma_start3A_873 = arith.constant 0 : i32
    %dma_start3A_874 = tpu.memref_slice %arg3[%dma_start3A_872, %dma_start3A_873] : memref<100000x64xf32, #tpu.memory_space<hbm>> -> memref<100000x64xf32, #tpu.memory_space<hbm>>
    tpu.enqueue_indirect_dma source(%dma_start3A_874 : memref<100000x64xf32, #tpu.memory_space<hbm>>) target(%dma_start3A_868 : memref<50x64xf32, #tpu.memory_space<vmem>>) offsets(%dma_start3A_871 : memref<50xi32, #tpu.memory_space<vmem>>) semaphore(%arg10 : memref<!tpu.dma_semaphore, #tpu.memory_space<semaphore_mem>>)
    %dma_start3A_875 = arith.constant 23 : i32
    %dma_start3A_876 = arith.constant 1150 : i32
    %dma_start3A_877 = arith.constant 0 : i32
    %dma_start3A_878 = tpu.memref_slice %arg9[%dma_start3A_876, %dma_start3A_877] : memref<1600x64xf32, #tpu.memory_space<vmem>> -> memref<50x64xf32, #tpu.memory_space<vmem>>
    %dma_start3A_879 = arith.constant 0 : i32
    %dma_start3A_880 = tpu.memref_slice %arg8[%dma_start3A_875, %dma_start3A_879] : memref<32x50xi32, #tpu.memory_space<vmem>> -> memref<1x50xi32, #tpu.memory_space<vmem>>
    %dma_start3A_881 = tpu.memref_squeeze %dma_start3A_880 : memref<1x50xi32, #tpu.memory_space<vmem>> -> memref<50xi32, #tpu.memory_space<vmem>>
    %dma_start3A_882 = arith.constant 0 : i32
    %dma_start3A_883 = arith.constant 0 : i32
    %dma_start3A_884 = tpu.memref_slice %arg3[%dma_start3A_882, %dma_start3A_883] : memref<100000x64xf32, #tpu.memory_space<hbm>> -> memref<100000x64xf32, #tpu.memory_space<hbm>>
    tpu.enqueue_indirect_dma source(%dma_start3A_884 : memref<100000x64xf32, #tpu.memory_space<hbm>>) target(%dma_start3A_878 : memref<50x64xf32, #tpu.memory_space<vmem>>) offsets(%dma_start3A_881 : memref<50xi32, #tpu.memory_space<vmem>>) semaphore(%arg10 : memref<!tpu.dma_semaphore, #tpu.memory_space<semaphore_mem>>)
    %dma_start3A_885 = arith.constant 24 : i32
    %dma_start3A_886 = arith.constant 1200 : i32
    %dma_start3A_887 = arith.constant 0 : i32
    %dma_start3A_888 = tpu.memref_slice %arg9[%dma_start3A_886, %dma_start3A_887] : memref<1600x64xf32, #tpu.memory_space<vmem>> -> memref<50x64xf32, #tpu.memory_space<vmem>>
    %dma_start3A_889 = arith.constant 0 : i32
    %dma_start3A_890 = tpu.memref_slice %arg8[%dma_start3A_885, %dma_start3A_889] : memref<32x50xi32, #tpu.memory_space<vmem>> -> memref<1x50xi32, #tpu.memory_space<vmem>>
    %dma_start3A_891 = tpu.memref_squeeze %dma_start3A_890 : memref<1x50xi32, #tpu.memory_space<vmem>> -> memref<50xi32, #tpu.memory_space<vmem>>
    %dma_start3A_892 = arith.constant 0 : i32
    %dma_start3A_893 = arith.constant 0 : i32
    %dma_start3A_894 = tpu.memref_slice %arg3[%dma_start3A_892, %dma_start3A_893] : memref<100000x64xf32, #tpu.memory_space<hbm>> -> memref<100000x64xf32, #tpu.memory_space<hbm>>
    tpu.enqueue_indirect_dma source(%dma_start3A_894 : memref<100000x64xf32, #tpu.memory_space<hbm>>) target(%dma_start3A_888 : memref<50x64xf32, #tpu.memory_space<vmem>>) offsets(%dma_start3A_891 : memref<50xi32, #tpu.memory_space<vmem>>) semaphore(%arg10 : memref<!tpu.dma_semaphore, #tpu.memory_space<semaphore_mem>>)
    %dma_start3A_895 = arith.constant 25 : i32
    %dma_start3A_896 = arith.constant 1250 : i32
    %dma_start3A_897 = arith.constant 0 : i32
    %dma_start3A_898 = tpu.memref_slice %arg9[%dma_start3A_896, %dma_start3A_897] : memref<1600x64xf32, #tpu.memory_space<vmem>> -> memref<50x64xf32, #tpu.memory_space<vmem>>
    %dma_start3A_899 = arith.constant 0 : i32
    %dma_start3A_900 = tpu.memref_slice %arg8[%dma_start3A_895, %dma_start3A_899] : memref<32x50xi32, #tpu.memory_space<vmem>> -> memref<1x50xi32, #tpu.memory_space<vmem>>
    %dma_start3A_901 = tpu.memref_squeeze %dma_start3A_900 : memref<1x50xi32, #tpu.memory_space<vmem>> -> memref<50xi32, #tpu.memory_space<vmem>>
    %dma_start3A_902 = arith.constant 0 : i32
    %dma_start3A_903 = arith.constant 0 : i32
    %dma_start3A_904 = tpu.memref_slice %arg3[%dma_start3A_902, %dma_start3A_903] : memref<100000x64xf32, #tpu.memory_space<hbm>> -> memref<100000x64xf32, #tpu.memory_space<hbm>>
    tpu.enqueue_indirect_dma source(%dma_start3A_904 : memref<100000x64xf32, #tpu.memory_space<hbm>>) target(%dma_start3A_898 : memref<50x64xf32, #tpu.memory_space<vmem>>) offsets(%dma_start3A_901 : memref<50xi32, #tpu.memory_space<vmem>>) semaphore(%arg10 : memref<!tpu.dma_semaphore, #tpu.memory_space<semaphore_mem>>)
    %dma_start3A_905 = arith.constant 26 : i32
    %dma_start3A_906 = arith.constant 1300 : i32
    %dma_start3A_907 = arith.constant 0 : i32
    %dma_start3A_908 = tpu.memref_slice %arg9[%dma_start3A_906, %dma_start3A_907] : memref<1600x64xf32, #tpu.memory_space<vmem>> -> memref<50x64xf32, #tpu.memory_space<vmem>>
    %dma_start3A_909 = arith.constant 0 : i32
    %dma_start3A_910 = tpu.memref_slice %arg8[%dma_start3A_905, %dma_start3A_909] : memref<32x50xi32, #tpu.memory_space<vmem>> -> memref<1x50xi32, #tpu.memory_space<vmem>>
    %dma_start3A_911 = tpu.memref_squeeze %dma_start3A_910 : memref<1x50xi32, #tpu.memory_space<vmem>> -> memref<50xi32, #tpu.memory_space<vmem>>
    %dma_start3A_912 = arith.constant 0 : i32
    %dma_start3A_913 = arith.constant 0 : i32
    %dma_start3A_914 = tpu.memref_slice %arg3[%dma_start3A_912, %dma_start3A_913] : memref<100000x64xf32, #tpu.memory_space<hbm>> -> memref<100000x64xf32, #tpu.memory_space<hbm>>
    tpu.enqueue_indirect_dma source(%dma_start3A_914 : memref<100000x64xf32, #tpu.memory_space<hbm>>) target(%dma_start3A_908 : memref<50x64xf32, #tpu.memory_space<vmem>>) offsets(%dma_start3A_911 : memref<50xi32, #tpu.memory_space<vmem>>) semaphore(%arg10 : memref<!tpu.dma_semaphore, #tpu.memory_space<semaphore_mem>>)
    %dma_start3A_915 = arith.constant 27 : i32
    %dma_start3A_916 = arith.constant 1350 : i32
    %dma_start3A_917 = arith.constant 0 : i32
    %dma_start3A_918 = tpu.memref_slice %arg9[%dma_start3A_916, %dma_start3A_917] : memref<1600x64xf32, #tpu.memory_space<vmem>> -> memref<50x64xf32, #tpu.memory_space<vmem>>
    %dma_start3A_919 = arith.constant 0 : i32
    %dma_start3A_920 = tpu.memref_slice %arg8[%dma_start3A_915, %dma_start3A_919] : memref<32x50xi32, #tpu.memory_space<vmem>> -> memref<1x50xi32, #tpu.memory_space<vmem>>
    %dma_start3A_921 = tpu.memref_squeeze %dma_start3A_920 : memref<1x50xi32, #tpu.memory_space<vmem>> -> memref<50xi32, #tpu.memory_space<vmem>>
    %dma_start3A_922 = arith.constant 0 : i32
    %dma_start3A_923 = arith.constant 0 : i32
    %dma_start3A_924 = tpu.memref_slice %arg3[%dma_start3A_922, %dma_start3A_923] : memref<100000x64xf32, #tpu.memory_space<hbm>> -> memref<100000x64xf32, #tpu.memory_space<hbm>>
    tpu.enqueue_indirect_dma source(%dma_start3A_924 : memref<100000x64xf32, #tpu.memory_space<hbm>>) target(%dma_start3A_918 : memref<50x64xf32, #tpu.memory_space<vmem>>) offsets(%dma_start3A_921 : memref<50xi32, #tpu.memory_space<vmem>>) semaphore(%arg10 : memref<!tpu.dma_semaphore, #tpu.memory_space<semaphore_mem>>)
    %dma_start3A_925 = arith.constant 28 : i32
    %dma_start3A_926 = arith.constant 1400 : i32
    %dma_start3A_927 = arith.constant 0 : i32
    %dma_start3A_928 = tpu.memref_slice %arg9[%dma_start3A_926, %dma_start3A_927] : memref<1600x64xf32, #tpu.memory_space<vmem>> -> memref<50x64xf32, #tpu.memory_space<vmem>>
    %dma_start3A_929 = arith.constant 0 : i32
    %dma_start3A_930 = tpu.memref_slice %arg8[%dma_start3A_925, %dma_start3A_929] : memref<32x50xi32, #tpu.memory_space<vmem>> -> memref<1x50xi32, #tpu.memory_space<vmem>>
    %dma_start3A_931 = tpu.memref_squeeze %dma_start3A_930 : memref<1x50xi32, #tpu.memory_space<vmem>> -> memref<50xi32, #tpu.memory_space<vmem>>
    %dma_start3A_932 = arith.constant 0 : i32
    %dma_start3A_933 = arith.constant 0 : i32
    %dma_start3A_934 = tpu.memref_slice %arg3[%dma_start3A_932, %dma_start3A_933] : memref<100000x64xf32, #tpu.memory_space<hbm>> -> memref<100000x64xf32, #tpu.memory_space<hbm>>
    tpu.enqueue_indirect_dma source(%dma_start3A_934 : memref<100000x64xf32, #tpu.memory_space<hbm>>) target(%dma_start3A_928 : memref<50x64xf32, #tpu.memory_space<vmem>>) offsets(%dma_start3A_931 : memref<50xi32, #tpu.memory_space<vmem>>) semaphore(%arg10 : memref<!tpu.dma_semaphore, #tpu.memory_space<semaphore_mem>>)
    %dma_start3A_935 = arith.constant 29 : i32
    %dma_start3A_936 = arith.constant 1450 : i32
    %dma_start3A_937 = arith.constant 0 : i32
    %dma_start3A_938 = tpu.memref_slice %arg9[%dma_start3A_936, %dma_start3A_937] : memref<1600x64xf32, #tpu.memory_space<vmem>> -> memref<50x64xf32, #tpu.memory_space<vmem>>
    %dma_start3A_939 = arith.constant 0 : i32
    %dma_start3A_940 = tpu.memref_slice %arg8[%dma_start3A_935, %dma_start3A_939] : memref<32x50xi32, #tpu.memory_space<vmem>> -> memref<1x50xi32, #tpu.memory_space<vmem>>
    %dma_start3A_941 = tpu.memref_squeeze %dma_start3A_940 : memref<1x50xi32, #tpu.memory_space<vmem>> -> memref<50xi32, #tpu.memory_space<vmem>>
    %dma_start3A_942 = arith.constant 0 : i32
    %dma_start3A_943 = arith.constant 0 : i32
    %dma_start3A_944 = tpu.memref_slice %arg3[%dma_start3A_942, %dma_start3A_943] : memref<100000x64xf32, #tpu.memory_space<hbm>> -> memref<100000x64xf32, #tpu.memory_space<hbm>>
    tpu.enqueue_indirect_dma source(%dma_start3A_944 : memref<100000x64xf32, #tpu.memory_space<hbm>>) target(%dma_start3A_938 : memref<50x64xf32, #tpu.memory_space<vmem>>) offsets(%dma_start3A_941 : memref<50xi32, #tpu.memory_space<vmem>>) semaphore(%arg10 : memref<!tpu.dma_semaphore, #tpu.memory_space<semaphore_mem>>)
    %dma_start3A_945 = arith.constant 30 : i32
    %dma_start3A_946 = arith.constant 1500 : i32
    %dma_start3A_947 = arith.constant 0 : i32
    %dma_start3A_948 = tpu.memref_slice %arg9[%dma_start3A_946, %dma_start3A_947] : memref<1600x64xf32, #tpu.memory_space<vmem>> -> memref<50x64xf32, #tpu.memory_space<vmem>>
    %dma_start3A_949 = arith.constant 0 : i32
    %dma_start3A_950 = tpu.memref_slice %arg8[%dma_start3A_945, %dma_start3A_949] : memref<32x50xi32, #tpu.memory_space<vmem>> -> memref<1x50xi32, #tpu.memory_space<vmem>>
    %dma_start3A_951 = tpu.memref_squeeze %dma_start3A_950 : memref<1x50xi32, #tpu.memory_space<vmem>> -> memref<50xi32, #tpu.memory_space<vmem>>
    %dma_start3A_952 = arith.constant 0 : i32
    %dma_start3A_953 = arith.constant 0 : i32
    %dma_start3A_954 = tpu.memref_slice %arg3[%dma_start3A_952, %dma_start3A_953] : memref<100000x64xf32, #tpu.memory_space<hbm>> -> memref<100000x64xf32, #tpu.memory_space<hbm>>
    tpu.enqueue_indirect_dma source(%dma_start3A_954 : memref<100000x64xf32, #tpu.memory_space<hbm>>) target(%dma_start3A_948 : memref<50x64xf32, #tpu.memory_space<vmem>>) offsets(%dma_start3A_951 : memref<50xi32, #tpu.memory_space<vmem>>) semaphore(%arg10 : memref<!tpu.dma_semaphore, #tpu.memory_space<semaphore_mem>>)
    %dma_start3A_955 = arith.constant 31 : i32
    %dma_start3A_956 = arith.constant 1550 : i32
    %dma_start3A_957 = arith.constant 0 : i32
    %dma_start3A_958 = tpu.memref_slice %arg9[%dma_start3A_956, %dma_start3A_957] : memref<1600x64xf32, #tpu.memory_space<vmem>> -> memref<50x64xf32, #tpu.memory_space<vmem>>
    %dma_start3A_959 = arith.constant 0 : i32
    %dma_start3A_960 = tpu.memref_slice %arg8[%dma_start3A_955, %dma_start3A_959] : memref<32x50xi32, #tpu.memory_space<vmem>> -> memref<1x50xi32, #tpu.memory_space<vmem>>
    %dma_start3A_961 = tpu.memref_squeeze %dma_start3A_960 : memref<1x50xi32, #tpu.memory_space<vmem>> -> memref<50xi32, #tpu.memory_space<vmem>>
    %dma_start3A_962 = arith.constant 0 : i32
    %dma_start3A_963 = arith.constant 0 : i32
    %dma_start3A_964 = tpu.memref_slice %arg3[%dma_start3A_962, %dma_start3A_963] : memref<100000x64xf32, #tpu.memory_space<hbm>> -> memref<100000x64xf32, #tpu.memory_space<hbm>>
    tpu.enqueue_indirect_dma source(%dma_start3A_964 : memref<100000x64xf32, #tpu.memory_space<hbm>>) target(%dma_start3A_958 : memref<50x64xf32, #tpu.memory_space<vmem>>) offsets(%dma_start3A_961 : memref<50xi32, #tpu.memory_space<vmem>>) semaphore(%arg10 : memref<!tpu.dma_semaphore, #tpu.memory_space<semaphore_mem>>)
    %dma_wait3A_965 = arith.constant 0 : i32
    %dma_wait3A_966 = arith.constant 0 : i32
    %dma_wait3A_967 = arith.constant 0 : i32
    %dma_wait3A_968 = tpu.memref_slice %arg9[%dma_wait3A_966, %dma_wait3A_967] : memref<1600x64xf32, #tpu.memory_space<vmem>> -> memref<50x64xf32, #tpu.memory_space<vmem>>
    %dma_wait3A_969 = arith.constant 0 : i32
    %dma_wait3A_970 = tpu.memref_slice %arg8[%dma_wait3A_965, %dma_wait3A_969] : memref<32x50xi32, #tpu.memory_space<vmem>> -> memref<1x50xi32, #tpu.memory_space<vmem>>
    %dma_wait3A_971 = tpu.memref_squeeze %dma_wait3A_970 : memref<1x50xi32, #tpu.memory_space<vmem>> -> memref<50xi32, #tpu.memory_space<vmem>>
    %dma_wait3A_972 = arith.constant 0 : i32
    %dma_wait3A_973 = arith.constant 0 : i32
    %dma_wait3A_974 = tpu.memref_slice %arg3[%dma_wait3A_972, %dma_wait3A_973] : memref<100000x64xf32, #tpu.memory_space<hbm>> -> memref<100000x64xf32, #tpu.memory_space<hbm>>
    tpu.wait_indirect_dma semaphore(%arg10 : memref<!tpu.dma_semaphore, #tpu.memory_space<semaphore_mem>>) src(%dma_wait3A_974 : memref<100000x64xf32, #tpu.memory_space<hbm>>) dst(%dma_wait3A_968 : memref<50x64xf32, #tpu.memory_space<vmem>>)
    %dma_wait3A_975 = arith.constant 1 : i32
    %dma_wait3A_976 = arith.constant 50 : i32
    %dma_wait3A_977 = arith.constant 0 : i32
    %dma_wait3A_978 = tpu.memref_slice %arg9[%dma_wait3A_976, %dma_wait3A_977] : memref<1600x64xf32, #tpu.memory_space<vmem>> -> memref<50x64xf32, #tpu.memory_space<vmem>>
    %dma_wait3A_979 = arith.constant 0 : i32
    %dma_wait3A_980 = tpu.memref_slice %arg8[%dma_wait3A_975, %dma_wait3A_979] : memref<32x50xi32, #tpu.memory_space<vmem>> -> memref<1x50xi32, #tpu.memory_space<vmem>>
    %dma_wait3A_981 = tpu.memref_squeeze %dma_wait3A_980 : memref<1x50xi32, #tpu.memory_space<vmem>> -> memref<50xi32, #tpu.memory_space<vmem>>
    %dma_wait3A_982 = arith.constant 0 : i32
    %dma_wait3A_983 = arith.constant 0 : i32
    %dma_wait3A_984 = tpu.memref_slice %arg3[%dma_wait3A_982, %dma_wait3A_983] : memref<100000x64xf32, #tpu.memory_space<hbm>> -> memref<100000x64xf32, #tpu.memory_space<hbm>>
    tpu.wait_indirect_dma semaphore(%arg10 : memref<!tpu.dma_semaphore, #tpu.memory_space<semaphore_mem>>) src(%dma_wait3A_984 : memref<100000x64xf32, #tpu.memory_space<hbm>>) dst(%dma_wait3A_978 : memref<50x64xf32, #tpu.memory_space<vmem>>)
    %dma_wait3A_985 = arith.constant 2 : i32
    %dma_wait3A_986 = arith.constant 100 : i32
    %dma_wait3A_987 = arith.constant 0 : i32
    %dma_wait3A_988 = tpu.memref_slice %arg9[%dma_wait3A_986, %dma_wait3A_987] : memref<1600x64xf32, #tpu.memory_space<vmem>> -> memref<50x64xf32, #tpu.memory_space<vmem>>
    %dma_wait3A_989 = arith.constant 0 : i32
    %dma_wait3A_990 = tpu.memref_slice %arg8[%dma_wait3A_985, %dma_wait3A_989] : memref<32x50xi32, #tpu.memory_space<vmem>> -> memref<1x50xi32, #tpu.memory_space<vmem>>
    %dma_wait3A_991 = tpu.memref_squeeze %dma_wait3A_990 : memref<1x50xi32, #tpu.memory_space<vmem>> -> memref<50xi32, #tpu.memory_space<vmem>>
    %dma_wait3A_992 = arith.constant 0 : i32
    %dma_wait3A_993 = arith.constant 0 : i32
    %dma_wait3A_994 = tpu.memref_slice %arg3[%dma_wait3A_992, %dma_wait3A_993] : memref<100000x64xf32, #tpu.memory_space<hbm>> -> memref<100000x64xf32, #tpu.memory_space<hbm>>
    tpu.wait_indirect_dma semaphore(%arg10 : memref<!tpu.dma_semaphore, #tpu.memory_space<semaphore_mem>>) src(%dma_wait3A_994 : memref<100000x64xf32, #tpu.memory_space<hbm>>) dst(%dma_wait3A_988 : memref<50x64xf32, #tpu.memory_space<vmem>>)
    %dma_wait3A_995 = arith.constant 3 : i32
    %dma_wait3A_996 = arith.constant 150 : i32
    %dma_wait3A_997 = arith.constant 0 : i32
    %dma_wait3A_998 = tpu.memref_slice %arg9[%dma_wait3A_996, %dma_wait3A_997] : memref<1600x64xf32, #tpu.memory_space<vmem>> -> memref<50x64xf32, #tpu.memory_space<vmem>>
    %dma_wait3A_999 = arith.constant 0 : i32
    %dma_wait3A_1000 = tpu.memref_slice %arg8[%dma_wait3A_995, %dma_wait3A_999] : memref<32x50xi32, #tpu.memory_space<vmem>> -> memref<1x50xi32, #tpu.memory_space<vmem>>
    %dma_wait3A_1001 = tpu.memref_squeeze %dma_wait3A_1000 : memref<1x50xi32, #tpu.memory_space<vmem>> -> memref<50xi32, #tpu.memory_space<vmem>>
    %dma_wait3A_1002 = arith.constant 0 : i32
    %dma_wait3A_1003 = arith.constant 0 : i32
    %dma_wait3A_1004 = tpu.memref_slice %arg3[%dma_wait3A_1002, %dma_wait3A_1003] : memref<100000x64xf32, #tpu.memory_space<hbm>> -> memref<100000x64xf32, #tpu.memory_space<hbm>>
    tpu.wait_indirect_dma semaphore(%arg10 : memref<!tpu.dma_semaphore, #tpu.memory_space<semaphore_mem>>) src(%dma_wait3A_1004 : memref<100000x64xf32, #tpu.memory_space<hbm>>) dst(%dma_wait3A_998 : memref<50x64xf32, #tpu.memory_space<vmem>>)
    %dma_wait3A_1005 = arith.constant 4 : i32
    %dma_wait3A_1006 = arith.constant 200 : i32
    %dma_wait3A_1007 = arith.constant 0 : i32
    %dma_wait3A_1008 = tpu.memref_slice %arg9[%dma_wait3A_1006, %dma_wait3A_1007] : memref<1600x64xf32, #tpu.memory_space<vmem>> -> memref<50x64xf32, #tpu.memory_space<vmem>>
    %dma_wait3A_1009 = arith.constant 0 : i32
    %dma_wait3A_1010 = tpu.memref_slice %arg8[%dma_wait3A_1005, %dma_wait3A_1009] : memref<32x50xi32, #tpu.memory_space<vmem>> -> memref<1x50xi32, #tpu.memory_space<vmem>>
    %dma_wait3A_1011 = tpu.memref_squeeze %dma_wait3A_1010 : memref<1x50xi32, #tpu.memory_space<vmem>> -> memref<50xi32, #tpu.memory_space<vmem>>
    %dma_wait3A_1012 = arith.constant 0 : i32
    %dma_wait3A_1013 = arith.constant 0 : i32
    %dma_wait3A_1014 = tpu.memref_slice %arg3[%dma_wait3A_1012, %dma_wait3A_1013] : memref<100000x64xf32, #tpu.memory_space<hbm>> -> memref<100000x64xf32, #tpu.memory_space<hbm>>
    tpu.wait_indirect_dma semaphore(%arg10 : memref<!tpu.dma_semaphore, #tpu.memory_space<semaphore_mem>>) src(%dma_wait3A_1014 : memref<100000x64xf32, #tpu.memory_space<hbm>>) dst(%dma_wait3A_1008 : memref<50x64xf32, #tpu.memory_space<vmem>>)
    %dma_wait3A_1015 = arith.constant 5 : i32
    %dma_wait3A_1016 = arith.constant 250 : i32
    %dma_wait3A_1017 = arith.constant 0 : i32
    %dma_wait3A_1018 = tpu.memref_slice %arg9[%dma_wait3A_1016, %dma_wait3A_1017] : memref<1600x64xf32, #tpu.memory_space<vmem>> -> memref<50x64xf32, #tpu.memory_space<vmem>>
    %dma_wait3A_1019 = arith.constant 0 : i32
    %dma_wait3A_1020 = tpu.memref_slice %arg8[%dma_wait3A_1015, %dma_wait3A_1019] : memref<32x50xi32, #tpu.memory_space<vmem>> -> memref<1x50xi32, #tpu.memory_space<vmem>>
    %dma_wait3A_1021 = tpu.memref_squeeze %dma_wait3A_1020 : memref<1x50xi32, #tpu.memory_space<vmem>> -> memref<50xi32, #tpu.memory_space<vmem>>
    %dma_wait3A_1022 = arith.constant 0 : i32
    %dma_wait3A_1023 = arith.constant 0 : i32
    %dma_wait3A_1024 = tpu.memref_slice %arg3[%dma_wait3A_1022, %dma_wait3A_1023] : memref<100000x64xf32, #tpu.memory_space<hbm>> -> memref<100000x64xf32, #tpu.memory_space<hbm>>
    tpu.wait_indirect_dma semaphore(%arg10 : memref<!tpu.dma_semaphore, #tpu.memory_space<semaphore_mem>>) src(%dma_wait3A_1024 : memref<100000x64xf32, #tpu.memory_space<hbm>>) dst(%dma_wait3A_1018 : memref<50x64xf32, #tpu.memory_space<vmem>>)
    %dma_wait3A_1025 = arith.constant 6 : i32
    %dma_wait3A_1026 = arith.constant 300 : i32
    %dma_wait3A_1027 = arith.constant 0 : i32
    %dma_wait3A_1028 = tpu.memref_slice %arg9[%dma_wait3A_1026, %dma_wait3A_1027] : memref<1600x64xf32, #tpu.memory_space<vmem>> -> memref<50x64xf32, #tpu.memory_space<vmem>>
    %dma_wait3A_1029 = arith.constant 0 : i32
    %dma_wait3A_1030 = tpu.memref_slice %arg8[%dma_wait3A_1025, %dma_wait3A_1029] : memref<32x50xi32, #tpu.memory_space<vmem>> -> memref<1x50xi32, #tpu.memory_space<vmem>>
    %dma_wait3A_1031 = tpu.memref_squeeze %dma_wait3A_1030 : memref<1x50xi32, #tpu.memory_space<vmem>> -> memref<50xi32, #tpu.memory_space<vmem>>
    %dma_wait3A_1032 = arith.constant 0 : i32
    %dma_wait3A_1033 = arith.constant 0 : i32
    %dma_wait3A_1034 = tpu.memref_slice %arg3[%dma_wait3A_1032, %dma_wait3A_1033] : memref<100000x64xf32, #tpu.memory_space<hbm>> -> memref<100000x64xf32, #tpu.memory_space<hbm>>
    tpu.wait_indirect_dma semaphore(%arg10 : memref<!tpu.dma_semaphore, #tpu.memory_space<semaphore_mem>>) src(%dma_wait3A_1034 : memref<100000x64xf32, #tpu.memory_space<hbm>>) dst(%dma_wait3A_1028 : memref<50x64xf32, #tpu.memory_space<vmem>>)
    %dma_wait3A_1035 = arith.constant 7 : i32
    %dma_wait3A_1036 = arith.constant 350 : i32
    %dma_wait3A_1037 = arith.constant 0 : i32
    %dma_wait3A_1038 = tpu.memref_slice %arg9[%dma_wait3A_1036, %dma_wait3A_1037] : memref<1600x64xf32, #tpu.memory_space<vmem>> -> memref<50x64xf32, #tpu.memory_space<vmem>>
    %dma_wait3A_1039 = arith.constant 0 : i32
    %dma_wait3A_1040 = tpu.memref_slice %arg8[%dma_wait3A_1035, %dma_wait3A_1039] : memref<32x50xi32, #tpu.memory_space<vmem>> -> memref<1x50xi32, #tpu.memory_space<vmem>>
    %dma_wait3A_1041 = tpu.memref_squeeze %dma_wait3A_1040 : memref<1x50xi32, #tpu.memory_space<vmem>> -> memref<50xi32, #tpu.memory_space<vmem>>
    %dma_wait3A_1042 = arith.constant 0 : i32
    %dma_wait3A_1043 = arith.constant 0 : i32
    %dma_wait3A_1044 = tpu.memref_slice %arg3[%dma_wait3A_1042, %dma_wait3A_1043] : memref<100000x64xf32, #tpu.memory_space<hbm>> -> memref<100000x64xf32, #tpu.memory_space<hbm>>
    tpu.wait_indirect_dma semaphore(%arg10 : memref<!tpu.dma_semaphore, #tpu.memory_space<semaphore_mem>>) src(%dma_wait3A_1044 : memref<100000x64xf32, #tpu.memory_space<hbm>>) dst(%dma_wait3A_1038 : memref<50x64xf32, #tpu.memory_space<vmem>>)
    %dma_wait3A_1045 = arith.constant 8 : i32
    %dma_wait3A_1046 = arith.constant 400 : i32
    %dma_wait3A_1047 = arith.constant 0 : i32
    %dma_wait3A_1048 = tpu.memref_slice %arg9[%dma_wait3A_1046, %dma_wait3A_1047] : memref<1600x64xf32, #tpu.memory_space<vmem>> -> memref<50x64xf32, #tpu.memory_space<vmem>>
    %dma_wait3A_1049 = arith.constant 0 : i32
    %dma_wait3A_1050 = tpu.memref_slice %arg8[%dma_wait3A_1045, %dma_wait3A_1049] : memref<32x50xi32, #tpu.memory_space<vmem>> -> memref<1x50xi32, #tpu.memory_space<vmem>>
    %dma_wait3A_1051 = tpu.memref_squeeze %dma_wait3A_1050 : memref<1x50xi32, #tpu.memory_space<vmem>> -> memref<50xi32, #tpu.memory_space<vmem>>
    %dma_wait3A_1052 = arith.constant 0 : i32
    %dma_wait3A_1053 = arith.constant 0 : i32
    %dma_wait3A_1054 = tpu.memref_slice %arg3[%dma_wait3A_1052, %dma_wait3A_1053] : memref<100000x64xf32, #tpu.memory_space<hbm>> -> memref<100000x64xf32, #tpu.memory_space<hbm>>
    tpu.wait_indirect_dma semaphore(%arg10 : memref<!tpu.dma_semaphore, #tpu.memory_space<semaphore_mem>>) src(%dma_wait3A_1054 : memref<100000x64xf32, #tpu.memory_space<hbm>>) dst(%dma_wait3A_1048 : memref<50x64xf32, #tpu.memory_space<vmem>>)
    %dma_wait3A_1055 = arith.constant 9 : i32
    %dma_wait3A_1056 = arith.constant 450 : i32
    %dma_wait3A_1057 = arith.constant 0 : i32
    %dma_wait3A_1058 = tpu.memref_slice %arg9[%dma_wait3A_1056, %dma_wait3A_1057] : memref<1600x64xf32, #tpu.memory_space<vmem>> -> memref<50x64xf32, #tpu.memory_space<vmem>>
    %dma_wait3A_1059 = arith.constant 0 : i32
    %dma_wait3A_1060 = tpu.memref_slice %arg8[%dma_wait3A_1055, %dma_wait3A_1059] : memref<32x50xi32, #tpu.memory_space<vmem>> -> memref<1x50xi32, #tpu.memory_space<vmem>>
    %dma_wait3A_1061 = tpu.memref_squeeze %dma_wait3A_1060 : memref<1x50xi32, #tpu.memory_space<vmem>> -> memref<50xi32, #tpu.memory_space<vmem>>
    %dma_wait3A_1062 = arith.constant 0 : i32
    %dma_wait3A_1063 = arith.constant 0 : i32
    %dma_wait3A_1064 = tpu.memref_slice %arg3[%dma_wait3A_1062, %dma_wait3A_1063] : memref<100000x64xf32, #tpu.memory_space<hbm>> -> memref<100000x64xf32, #tpu.memory_space<hbm>>
    tpu.wait_indirect_dma semaphore(%arg10 : memref<!tpu.dma_semaphore, #tpu.memory_space<semaphore_mem>>) src(%dma_wait3A_1064 : memref<100000x64xf32, #tpu.memory_space<hbm>>) dst(%dma_wait3A_1058 : memref<50x64xf32, #tpu.memory_space<vmem>>)
    %dma_wait3A_1065 = arith.constant 10 : i32
    %dma_wait3A_1066 = arith.constant 500 : i32
    %dma_wait3A_1067 = arith.constant 0 : i32
    %dma_wait3A_1068 = tpu.memref_slice %arg9[%dma_wait3A_1066, %dma_wait3A_1067] : memref<1600x64xf32, #tpu.memory_space<vmem>> -> memref<50x64xf32, #tpu.memory_space<vmem>>
    %dma_wait3A_1069 = arith.constant 0 : i32
    %dma_wait3A_1070 = tpu.memref_slice %arg8[%dma_wait3A_1065, %dma_wait3A_1069] : memref<32x50xi32, #tpu.memory_space<vmem>> -> memref<1x50xi32, #tpu.memory_space<vmem>>
    %dma_wait3A_1071 = tpu.memref_squeeze %dma_wait3A_1070 : memref<1x50xi32, #tpu.memory_space<vmem>> -> memref<50xi32, #tpu.memory_space<vmem>>
    %dma_wait3A_1072 = arith.constant 0 : i32
    %dma_wait3A_1073 = arith.constant 0 : i32
    %dma_wait3A_1074 = tpu.memref_slice %arg3[%dma_wait3A_1072, %dma_wait3A_1073] : memref<100000x64xf32, #tpu.memory_space<hbm>> -> memref<100000x64xf32, #tpu.memory_space<hbm>>
    tpu.wait_indirect_dma semaphore(%arg10 : memref<!tpu.dma_semaphore, #tpu.memory_space<semaphore_mem>>) src(%dma_wait3A_1074 : memref<100000x64xf32, #tpu.memory_space<hbm>>) dst(%dma_wait3A_1068 : memref<50x64xf32, #tpu.memory_space<vmem>>)
    %dma_wait3A_1075 = arith.constant 11 : i32
    %dma_wait3A_1076 = arith.constant 550 : i32
    %dma_wait3A_1077 = arith.constant 0 : i32
    %dma_wait3A_1078 = tpu.memref_slice %arg9[%dma_wait3A_1076, %dma_wait3A_1077] : memref<1600x64xf32, #tpu.memory_space<vmem>> -> memref<50x64xf32, #tpu.memory_space<vmem>>
    %dma_wait3A_1079 = arith.constant 0 : i32
    %dma_wait3A_1080 = tpu.memref_slice %arg8[%dma_wait3A_1075, %dma_wait3A_1079] : memref<32x50xi32, #tpu.memory_space<vmem>> -> memref<1x50xi32, #tpu.memory_space<vmem>>
    %dma_wait3A_1081 = tpu.memref_squeeze %dma_wait3A_1080 : memref<1x50xi32, #tpu.memory_space<vmem>> -> memref<50xi32, #tpu.memory_space<vmem>>
    %dma_wait3A_1082 = arith.constant 0 : i32
    %dma_wait3A_1083 = arith.constant 0 : i32
    %dma_wait3A_1084 = tpu.memref_slice %arg3[%dma_wait3A_1082, %dma_wait3A_1083] : memref<100000x64xf32, #tpu.memory_space<hbm>> -> memref<100000x64xf32, #tpu.memory_space<hbm>>
    tpu.wait_indirect_dma semaphore(%arg10 : memref<!tpu.dma_semaphore, #tpu.memory_space<semaphore_mem>>) src(%dma_wait3A_1084 : memref<100000x64xf32, #tpu.memory_space<hbm>>) dst(%dma_wait3A_1078 : memref<50x64xf32, #tpu.memory_space<vmem>>)
    %dma_wait3A_1085 = arith.constant 12 : i32
    %dma_wait3A_1086 = arith.constant 600 : i32
    %dma_wait3A_1087 = arith.constant 0 : i32
    %dma_wait3A_1088 = tpu.memref_slice %arg9[%dma_wait3A_1086, %dma_wait3A_1087] : memref<1600x64xf32, #tpu.memory_space<vmem>> -> memref<50x64xf32, #tpu.memory_space<vmem>>
    %dma_wait3A_1089 = arith.constant 0 : i32
    %dma_wait3A_1090 = tpu.memref_slice %arg8[%dma_wait3A_1085, %dma_wait3A_1089] : memref<32x50xi32, #tpu.memory_space<vmem>> -> memref<1x50xi32, #tpu.memory_space<vmem>>
    %dma_wait3A_1091 = tpu.memref_squeeze %dma_wait3A_1090 : memref<1x50xi32, #tpu.memory_space<vmem>> -> memref<50xi32, #tpu.memory_space<vmem>>
    %dma_wait3A_1092 = arith.constant 0 : i32
    %dma_wait3A_1093 = arith.constant 0 : i32
    %dma_wait3A_1094 = tpu.memref_slice %arg3[%dma_wait3A_1092, %dma_wait3A_1093] : memref<100000x64xf32, #tpu.memory_space<hbm>> -> memref<100000x64xf32, #tpu.memory_space<hbm>>
    tpu.wait_indirect_dma semaphore(%arg10 : memref<!tpu.dma_semaphore, #tpu.memory_space<semaphore_mem>>) src(%dma_wait3A_1094 : memref<100000x64xf32, #tpu.memory_space<hbm>>) dst(%dma_wait3A_1088 : memref<50x64xf32, #tpu.memory_space<vmem>>)
    %dma_wait3A_1095 = arith.constant 13 : i32
    %dma_wait3A_1096 = arith.constant 650 : i32
    %dma_wait3A_1097 = arith.constant 0 : i32
    %dma_wait3A_1098 = tpu.memref_slice %arg9[%dma_wait3A_1096, %dma_wait3A_1097] : memref<1600x64xf32, #tpu.memory_space<vmem>> -> memref<50x64xf32, #tpu.memory_space<vmem>>
    %dma_wait3A_1099 = arith.constant 0 : i32
    %dma_wait3A_1100 = tpu.memref_slice %arg8[%dma_wait3A_1095, %dma_wait3A_1099] : memref<32x50xi32, #tpu.memory_space<vmem>> -> memref<1x50xi32, #tpu.memory_space<vmem>>
    %dma_wait3A_1101 = tpu.memref_squeeze %dma_wait3A_1100 : memref<1x50xi32, #tpu.memory_space<vmem>> -> memref<50xi32, #tpu.memory_space<vmem>>
    %dma_wait3A_1102 = arith.constant 0 : i32
    %dma_wait3A_1103 = arith.constant 0 : i32
    %dma_wait3A_1104 = tpu.memref_slice %arg3[%dma_wait3A_1102, %dma_wait3A_1103] : memref<100000x64xf32, #tpu.memory_space<hbm>> -> memref<100000x64xf32, #tpu.memory_space<hbm>>
    tpu.wait_indirect_dma semaphore(%arg10 : memref<!tpu.dma_semaphore, #tpu.memory_space<semaphore_mem>>) src(%dma_wait3A_1104 : memref<100000x64xf32, #tpu.memory_space<hbm>>) dst(%dma_wait3A_1098 : memref<50x64xf32, #tpu.memory_space<vmem>>)
    %dma_wait3A_1105 = arith.constant 14 : i32
    %dma_wait3A_1106 = arith.constant 700 : i32
    %dma_wait3A_1107 = arith.constant 0 : i32
    %dma_wait3A_1108 = tpu.memref_slice %arg9[%dma_wait3A_1106, %dma_wait3A_1107] : memref<1600x64xf32, #tpu.memory_space<vmem>> -> memref<50x64xf32, #tpu.memory_space<vmem>>
    %dma_wait3A_1109 = arith.constant 0 : i32
    %dma_wait3A_1110 = tpu.memref_slice %arg8[%dma_wait3A_1105, %dma_wait3A_1109] : memref<32x50xi32, #tpu.memory_space<vmem>> -> memref<1x50xi32, #tpu.memory_space<vmem>>
    %dma_wait3A_1111 = tpu.memref_squeeze %dma_wait3A_1110 : memref<1x50xi32, #tpu.memory_space<vmem>> -> memref<50xi32, #tpu.memory_space<vmem>>
    %dma_wait3A_1112 = arith.constant 0 : i32
    %dma_wait3A_1113 = arith.constant 0 : i32
    %dma_wait3A_1114 = tpu.memref_slice %arg3[%dma_wait3A_1112, %dma_wait3A_1113] : memref<100000x64xf32, #tpu.memory_space<hbm>> -> memref<100000x64xf32, #tpu.memory_space<hbm>>
    tpu.wait_indirect_dma semaphore(%arg10 : memref<!tpu.dma_semaphore, #tpu.memory_space<semaphore_mem>>) src(%dma_wait3A_1114 : memref<100000x64xf32, #tpu.memory_space<hbm>>) dst(%dma_wait3A_1108 : memref<50x64xf32, #tpu.memory_space<vmem>>)
    %dma_wait3A_1115 = arith.constant 15 : i32
    %dma_wait3A_1116 = arith.constant 750 : i32
    %dma_wait3A_1117 = arith.constant 0 : i32
    %dma_wait3A_1118 = tpu.memref_slice %arg9[%dma_wait3A_1116, %dma_wait3A_1117] : memref<1600x64xf32, #tpu.memory_space<vmem>> -> memref<50x64xf32, #tpu.memory_space<vmem>>
    %dma_wait3A_1119 = arith.constant 0 : i32
    %dma_wait3A_1120 = tpu.memref_slice %arg8[%dma_wait3A_1115, %dma_wait3A_1119] : memref<32x50xi32, #tpu.memory_space<vmem>> -> memref<1x50xi32, #tpu.memory_space<vmem>>
    %dma_wait3A_1121 = tpu.memref_squeeze %dma_wait3A_1120 : memref<1x50xi32, #tpu.memory_space<vmem>> -> memref<50xi32, #tpu.memory_space<vmem>>
    %dma_wait3A_1122 = arith.constant 0 : i32
    %dma_wait3A_1123 = arith.constant 0 : i32
    %dma_wait3A_1124 = tpu.memref_slice %arg3[%dma_wait3A_1122, %dma_wait3A_1123] : memref<100000x64xf32, #tpu.memory_space<hbm>> -> memref<100000x64xf32, #tpu.memory_space<hbm>>
    tpu.wait_indirect_dma semaphore(%arg10 : memref<!tpu.dma_semaphore, #tpu.memory_space<semaphore_mem>>) src(%dma_wait3A_1124 : memref<100000x64xf32, #tpu.memory_space<hbm>>) dst(%dma_wait3A_1118 : memref<50x64xf32, #tpu.memory_space<vmem>>)
    %dma_wait3A_1125 = arith.constant 16 : i32
    %dma_wait3A_1126 = arith.constant 800 : i32
    %dma_wait3A_1127 = arith.constant 0 : i32
    %dma_wait3A_1128 = tpu.memref_slice %arg9[%dma_wait3A_1126, %dma_wait3A_1127] : memref<1600x64xf32, #tpu.memory_space<vmem>> -> memref<50x64xf32, #tpu.memory_space<vmem>>
    %dma_wait3A_1129 = arith.constant 0 : i32
    %dma_wait3A_1130 = tpu.memref_slice %arg8[%dma_wait3A_1125, %dma_wait3A_1129] : memref<32x50xi32, #tpu.memory_space<vmem>> -> memref<1x50xi32, #tpu.memory_space<vmem>>
    %dma_wait3A_1131 = tpu.memref_squeeze %dma_wait3A_1130 : memref<1x50xi32, #tpu.memory_space<vmem>> -> memref<50xi32, #tpu.memory_space<vmem>>
    %dma_wait3A_1132 = arith.constant 0 : i32
    %dma_wait3A_1133 = arith.constant 0 : i32
    %dma_wait3A_1134 = tpu.memref_slice %arg3[%dma_wait3A_1132, %dma_wait3A_1133] : memref<100000x64xf32, #tpu.memory_space<hbm>> -> memref<100000x64xf32, #tpu.memory_space<hbm>>
    tpu.wait_indirect_dma semaphore(%arg10 : memref<!tpu.dma_semaphore, #tpu.memory_space<semaphore_mem>>) src(%dma_wait3A_1134 : memref<100000x64xf32, #tpu.memory_space<hbm>>) dst(%dma_wait3A_1128 : memref<50x64xf32, #tpu.memory_space<vmem>>)
    %dma_wait3A_1135 = arith.constant 17 : i32
    %dma_wait3A_1136 = arith.constant 850 : i32
    %dma_wait3A_1137 = arith.constant 0 : i32
    %dma_wait3A_1138 = tpu.memref_slice %arg9[%dma_wait3A_1136, %dma_wait3A_1137] : memref<1600x64xf32, #tpu.memory_space<vmem>> -> memref<50x64xf32, #tpu.memory_space<vmem>>
    %dma_wait3A_1139 = arith.constant 0 : i32
    %dma_wait3A_1140 = tpu.memref_slice %arg8[%dma_wait3A_1135, %dma_wait3A_1139] : memref<32x50xi32, #tpu.memory_space<vmem>> -> memref<1x50xi32, #tpu.memory_space<vmem>>
    %dma_wait3A_1141 = tpu.memref_squeeze %dma_wait3A_1140 : memref<1x50xi32, #tpu.memory_space<vmem>> -> memref<50xi32, #tpu.memory_space<vmem>>
    %dma_wait3A_1142 = arith.constant 0 : i32
    %dma_wait3A_1143 = arith.constant 0 : i32
    %dma_wait3A_1144 = tpu.memref_slice %arg3[%dma_wait3A_1142, %dma_wait3A_1143] : memref<100000x64xf32, #tpu.memory_space<hbm>> -> memref<100000x64xf32, #tpu.memory_space<hbm>>
    tpu.wait_indirect_dma semaphore(%arg10 : memref<!tpu.dma_semaphore, #tpu.memory_space<semaphore_mem>>) src(%dma_wait3A_1144 : memref<100000x64xf32, #tpu.memory_space<hbm>>) dst(%dma_wait3A_1138 : memref<50x64xf32, #tpu.memory_space<vmem>>)
    %dma_wait3A_1145 = arith.constant 18 : i32
    %dma_wait3A_1146 = arith.constant 900 : i32
    %dma_wait3A_1147 = arith.constant 0 : i32
    %dma_wait3A_1148 = tpu.memref_slice %arg9[%dma_wait3A_1146, %dma_wait3A_1147] : memref<1600x64xf32, #tpu.memory_space<vmem>> -> memref<50x64xf32, #tpu.memory_space<vmem>>
    %dma_wait3A_1149 = arith.constant 0 : i32
    %dma_wait3A_1150 = tpu.memref_slice %arg8[%dma_wait3A_1145, %dma_wait3A_1149] : memref<32x50xi32, #tpu.memory_space<vmem>> -> memref<1x50xi32, #tpu.memory_space<vmem>>
    %dma_wait3A_1151 = tpu.memref_squeeze %dma_wait3A_1150 : memref<1x50xi32, #tpu.memory_space<vmem>> -> memref<50xi32, #tpu.memory_space<vmem>>
    %dma_wait3A_1152 = arith.constant 0 : i32
    %dma_wait3A_1153 = arith.constant 0 : i32
    %dma_wait3A_1154 = tpu.memref_slice %arg3[%dma_wait3A_1152, %dma_wait3A_1153] : memref<100000x64xf32, #tpu.memory_space<hbm>> -> memref<100000x64xf32, #tpu.memory_space<hbm>>
    tpu.wait_indirect_dma semaphore(%arg10 : memref<!tpu.dma_semaphore, #tpu.memory_space<semaphore_mem>>) src(%dma_wait3A_1154 : memref<100000x64xf32, #tpu.memory_space<hbm>>) dst(%dma_wait3A_1148 : memref<50x64xf32, #tpu.memory_space<vmem>>)
    %dma_wait3A_1155 = arith.constant 19 : i32
    %dma_wait3A_1156 = arith.constant 950 : i32
    %dma_wait3A_1157 = arith.constant 0 : i32
    %dma_wait3A_1158 = tpu.memref_slice %arg9[%dma_wait3A_1156, %dma_wait3A_1157] : memref<1600x64xf32, #tpu.memory_space<vmem>> -> memref<50x64xf32, #tpu.memory_space<vmem>>
    %dma_wait3A_1159 = arith.constant 0 : i32
    %dma_wait3A_1160 = tpu.memref_slice %arg8[%dma_wait3A_1155, %dma_wait3A_1159] : memref<32x50xi32, #tpu.memory_space<vmem>> -> memref<1x50xi32, #tpu.memory_space<vmem>>
    %dma_wait3A_1161 = tpu.memref_squeeze %dma_wait3A_1160 : memref<1x50xi32, #tpu.memory_space<vmem>> -> memref<50xi32, #tpu.memory_space<vmem>>
    %dma_wait3A_1162 = arith.constant 0 : i32
    %dma_wait3A_1163 = arith.constant 0 : i32
    %dma_wait3A_1164 = tpu.memref_slice %arg3[%dma_wait3A_1162, %dma_wait3A_1163] : memref<100000x64xf32, #tpu.memory_space<hbm>> -> memref<100000x64xf32, #tpu.memory_space<hbm>>
    tpu.wait_indirect_dma semaphore(%arg10 : memref<!tpu.dma_semaphore, #tpu.memory_space<semaphore_mem>>) src(%dma_wait3A_1164 : memref<100000x64xf32, #tpu.memory_space<hbm>>) dst(%dma_wait3A_1158 : memref<50x64xf32, #tpu.memory_space<vmem>>)
    %dma_wait3A_1165 = arith.constant 20 : i32
    %dma_wait3A_1166 = arith.constant 1000 : i32
    %dma_wait3A_1167 = arith.constant 0 : i32
    %dma_wait3A_1168 = tpu.memref_slice %arg9[%dma_wait3A_1166, %dma_wait3A_1167] : memref<1600x64xf32, #tpu.memory_space<vmem>> -> memref<50x64xf32, #tpu.memory_space<vmem>>
    %dma_wait3A_1169 = arith.constant 0 : i32
    %dma_wait3A_1170 = tpu.memref_slice %arg8[%dma_wait3A_1165, %dma_wait3A_1169] : memref<32x50xi32, #tpu.memory_space<vmem>> -> memref<1x50xi32, #tpu.memory_space<vmem>>
    %dma_wait3A_1171 = tpu.memref_squeeze %dma_wait3A_1170 : memref<1x50xi32, #tpu.memory_space<vmem>> -> memref<50xi32, #tpu.memory_space<vmem>>
    %dma_wait3A_1172 = arith.constant 0 : i32
    %dma_wait3A_1173 = arith.constant 0 : i32
    %dma_wait3A_1174 = tpu.memref_slice %arg3[%dma_wait3A_1172, %dma_wait3A_1173] : memref<100000x64xf32, #tpu.memory_space<hbm>> -> memref<100000x64xf32, #tpu.memory_space<hbm>>
    tpu.wait_indirect_dma semaphore(%arg10 : memref<!tpu.dma_semaphore, #tpu.memory_space<semaphore_mem>>) src(%dma_wait3A_1174 : memref<100000x64xf32, #tpu.memory_space<hbm>>) dst(%dma_wait3A_1168 : memref<50x64xf32, #tpu.memory_space<vmem>>)
    %dma_wait3A_1175 = arith.constant 21 : i32
    %dma_wait3A_1176 = arith.constant 1050 : i32
    %dma_wait3A_1177 = arith.constant 0 : i32
    %dma_wait3A_1178 = tpu.memref_slice %arg9[%dma_wait3A_1176, %dma_wait3A_1177] : memref<1600x64xf32, #tpu.memory_space<vmem>> -> memref<50x64xf32, #tpu.memory_space<vmem>>
    %dma_wait3A_1179 = arith.constant 0 : i32
    %dma_wait3A_1180 = tpu.memref_slice %arg8[%dma_wait3A_1175, %dma_wait3A_1179] : memref<32x50xi32, #tpu.memory_space<vmem>> -> memref<1x50xi32, #tpu.memory_space<vmem>>
    %dma_wait3A_1181 = tpu.memref_squeeze %dma_wait3A_1180 : memref<1x50xi32, #tpu.memory_space<vmem>> -> memref<50xi32, #tpu.memory_space<vmem>>
    %dma_wait3A_1182 = arith.constant 0 : i32
    %dma_wait3A_1183 = arith.constant 0 : i32
    %dma_wait3A_1184 = tpu.memref_slice %arg3[%dma_wait3A_1182, %dma_wait3A_1183] : memref<100000x64xf32, #tpu.memory_space<hbm>> -> memref<100000x64xf32, #tpu.memory_space<hbm>>
    tpu.wait_indirect_dma semaphore(%arg10 : memref<!tpu.dma_semaphore, #tpu.memory_space<semaphore_mem>>) src(%dma_wait3A_1184 : memref<100000x64xf32, #tpu.memory_space<hbm>>) dst(%dma_wait3A_1178 : memref<50x64xf32, #tpu.memory_space<vmem>>)
    %dma_wait3A_1185 = arith.constant 22 : i32
    %dma_wait3A_1186 = arith.constant 1100 : i32
    %dma_wait3A_1187 = arith.constant 0 : i32
    %dma_wait3A_1188 = tpu.memref_slice %arg9[%dma_wait3A_1186, %dma_wait3A_1187] : memref<1600x64xf32, #tpu.memory_space<vmem>> -> memref<50x64xf32, #tpu.memory_space<vmem>>
    %dma_wait3A_1189 = arith.constant 0 : i32
    %dma_wait3A_1190 = tpu.memref_slice %arg8[%dma_wait3A_1185, %dma_wait3A_1189] : memref<32x50xi32, #tpu.memory_space<vmem>> -> memref<1x50xi32, #tpu.memory_space<vmem>>
    %dma_wait3A_1191 = tpu.memref_squeeze %dma_wait3A_1190 : memref<1x50xi32, #tpu.memory_space<vmem>> -> memref<50xi32, #tpu.memory_space<vmem>>
    %dma_wait3A_1192 = arith.constant 0 : i32
    %dma_wait3A_1193 = arith.constant 0 : i32
    %dma_wait3A_1194 = tpu.memref_slice %arg3[%dma_wait3A_1192, %dma_wait3A_1193] : memref<100000x64xf32, #tpu.memory_space<hbm>> -> memref<100000x64xf32, #tpu.memory_space<hbm>>
    tpu.wait_indirect_dma semaphore(%arg10 : memref<!tpu.dma_semaphore, #tpu.memory_space<semaphore_mem>>) src(%dma_wait3A_1194 : memref<100000x64xf32, #tpu.memory_space<hbm>>) dst(%dma_wait3A_1188 : memref<50x64xf32, #tpu.memory_space<vmem>>)
    %dma_wait3A_1195 = arith.constant 23 : i32
    %dma_wait3A_1196 = arith.constant 1150 : i32
    %dma_wait3A_1197 = arith.constant 0 : i32
    %dma_wait3A_1198 = tpu.memref_slice %arg9[%dma_wait3A_1196, %dma_wait3A_1197] : memref<1600x64xf32, #tpu.memory_space<vmem>> -> memref<50x64xf32, #tpu.memory_space<vmem>>
    %dma_wait3A_1199 = arith.constant 0 : i32
    %dma_wait3A_1200 = tpu.memref_slice %arg8[%dma_wait3A_1195, %dma_wait3A_1199] : memref<32x50xi32, #tpu.memory_space<vmem>> -> memref<1x50xi32, #tpu.memory_space<vmem>>
    %dma_wait3A_1201 = tpu.memref_squeeze %dma_wait3A_1200 : memref<1x50xi32, #tpu.memory_space<vmem>> -> memref<50xi32, #tpu.memory_space<vmem>>
    %dma_wait3A_1202 = arith.constant 0 : i32
    %dma_wait3A_1203 = arith.constant 0 : i32
    %dma_wait3A_1204 = tpu.memref_slice %arg3[%dma_wait3A_1202, %dma_wait3A_1203] : memref<100000x64xf32, #tpu.memory_space<hbm>> -> memref<100000x64xf32, #tpu.memory_space<hbm>>
    tpu.wait_indirect_dma semaphore(%arg10 : memref<!tpu.dma_semaphore, #tpu.memory_space<semaphore_mem>>) src(%dma_wait3A_1204 : memref<100000x64xf32, #tpu.memory_space<hbm>>) dst(%dma_wait3A_1198 : memref<50x64xf32, #tpu.memory_space<vmem>>)
    %dma_wait3A_1205 = arith.constant 24 : i32
    %dma_wait3A_1206 = arith.constant 1200 : i32
    %dma_wait3A_1207 = arith.constant 0 : i32
    %dma_wait3A_1208 = tpu.memref_slice %arg9[%dma_wait3A_1206, %dma_wait3A_1207] : memref<1600x64xf32, #tpu.memory_space<vmem>> -> memref<50x64xf32, #tpu.memory_space<vmem>>
    %dma_wait3A_1209 = arith.constant 0 : i32
    %dma_wait3A_1210 = tpu.memref_slice %arg8[%dma_wait3A_1205, %dma_wait3A_1209] : memref<32x50xi32, #tpu.memory_space<vmem>> -> memref<1x50xi32, #tpu.memory_space<vmem>>
    %dma_wait3A_1211 = tpu.memref_squeeze %dma_wait3A_1210 : memref<1x50xi32, #tpu.memory_space<vmem>> -> memref<50xi32, #tpu.memory_space<vmem>>
    %dma_wait3A_1212 = arith.constant 0 : i32
    %dma_wait3A_1213 = arith.constant 0 : i32
    %dma_wait3A_1214 = tpu.memref_slice %arg3[%dma_wait3A_1212, %dma_wait3A_1213] : memref<100000x64xf32, #tpu.memory_space<hbm>> -> memref<100000x64xf32, #tpu.memory_space<hbm>>
    tpu.wait_indirect_dma semaphore(%arg10 : memref<!tpu.dma_semaphore, #tpu.memory_space<semaphore_mem>>) src(%dma_wait3A_1214 : memref<100000x64xf32, #tpu.memory_space<hbm>>) dst(%dma_wait3A_1208 : memref<50x64xf32, #tpu.memory_space<vmem>>)
    %dma_wait3A_1215 = arith.constant 25 : i32
    %dma_wait3A_1216 = arith.constant 1250 : i32
    %dma_wait3A_1217 = arith.constant 0 : i32
    %dma_wait3A_1218 = tpu.memref_slice %arg9[%dma_wait3A_1216, %dma_wait3A_1217] : memref<1600x64xf32, #tpu.memory_space<vmem>> -> memref<50x64xf32, #tpu.memory_space<vmem>>
    %dma_wait3A_1219 = arith.constant 0 : i32
    %dma_wait3A_1220 = tpu.memref_slice %arg8[%dma_wait3A_1215, %dma_wait3A_1219] : memref<32x50xi32, #tpu.memory_space<vmem>> -> memref<1x50xi32, #tpu.memory_space<vmem>>
    %dma_wait3A_1221 = tpu.memref_squeeze %dma_wait3A_1220 : memref<1x50xi32, #tpu.memory_space<vmem>> -> memref<50xi32, #tpu.memory_space<vmem>>
    %dma_wait3A_1222 = arith.constant 0 : i32
    %dma_wait3A_1223 = arith.constant 0 : i32
    %dma_wait3A_1224 = tpu.memref_slice %arg3[%dma_wait3A_1222, %dma_wait3A_1223] : memref<100000x64xf32, #tpu.memory_space<hbm>> -> memref<100000x64xf32, #tpu.memory_space<hbm>>
    tpu.wait_indirect_dma semaphore(%arg10 : memref<!tpu.dma_semaphore, #tpu.memory_space<semaphore_mem>>) src(%dma_wait3A_1224 : memref<100000x64xf32, #tpu.memory_space<hbm>>) dst(%dma_wait3A_1218 : memref<50x64xf32, #tpu.memory_space<vmem>>)
    %dma_wait3A_1225 = arith.constant 26 : i32
    %dma_wait3A_1226 = arith.constant 1300 : i32
    %dma_wait3A_1227 = arith.constant 0 : i32
    %dma_wait3A_1228 = tpu.memref_slice %arg9[%dma_wait3A_1226, %dma_wait3A_1227] : memref<1600x64xf32, #tpu.memory_space<vmem>> -> memref<50x64xf32, #tpu.memory_space<vmem>>
    %dma_wait3A_1229 = arith.constant 0 : i32
    %dma_wait3A_1230 = tpu.memref_slice %arg8[%dma_wait3A_1225, %dma_wait3A_1229] : memref<32x50xi32, #tpu.memory_space<vmem>> -> memref<1x50xi32, #tpu.memory_space<vmem>>
    %dma_wait3A_1231 = tpu.memref_squeeze %dma_wait3A_1230 : memref<1x50xi32, #tpu.memory_space<vmem>> -> memref<50xi32, #tpu.memory_space<vmem>>
    %dma_wait3A_1232 = arith.constant 0 : i32
    %dma_wait3A_1233 = arith.constant 0 : i32
    %dma_wait3A_1234 = tpu.memref_slice %arg3[%dma_wait3A_1232, %dma_wait3A_1233] : memref<100000x64xf32, #tpu.memory_space<hbm>> -> memref<100000x64xf32, #tpu.memory_space<hbm>>
    tpu.wait_indirect_dma semaphore(%arg10 : memref<!tpu.dma_semaphore, #tpu.memory_space<semaphore_mem>>) src(%dma_wait3A_1234 : memref<100000x64xf32, #tpu.memory_space<hbm>>) dst(%dma_wait3A_1228 : memref<50x64xf32, #tpu.memory_space<vmem>>)
    %dma_wait3A_1235 = arith.constant 27 : i32
    %dma_wait3A_1236 = arith.constant 1350 : i32
    %dma_wait3A_1237 = arith.constant 0 : i32
    %dma_wait3A_1238 = tpu.memref_slice %arg9[%dma_wait3A_1236, %dma_wait3A_1237] : memref<1600x64xf32, #tpu.memory_space<vmem>> -> memref<50x64xf32, #tpu.memory_space<vmem>>
    %dma_wait3A_1239 = arith.constant 0 : i32
    %dma_wait3A_1240 = tpu.memref_slice %arg8[%dma_wait3A_1235, %dma_wait3A_1239] : memref<32x50xi32, #tpu.memory_space<vmem>> -> memref<1x50xi32, #tpu.memory_space<vmem>>
    %dma_wait3A_1241 = tpu.memref_squeeze %dma_wait3A_1240 : memref<1x50xi32, #tpu.memory_space<vmem>> -> memref<50xi32, #tpu.memory_space<vmem>>
    %dma_wait3A_1242 = arith.constant 0 : i32
    %dma_wait3A_1243 = arith.constant 0 : i32
    %dma_wait3A_1244 = tpu.memref_slice %arg3[%dma_wait3A_1242, %dma_wait3A_1243] : memref<100000x64xf32, #tpu.memory_space<hbm>> -> memref<100000x64xf32, #tpu.memory_space<hbm>>
    tpu.wait_indirect_dma semaphore(%arg10 : memref<!tpu.dma_semaphore, #tpu.memory_space<semaphore_mem>>) src(%dma_wait3A_1244 : memref<100000x64xf32, #tpu.memory_space<hbm>>) dst(%dma_wait3A_1238 : memref<50x64xf32, #tpu.memory_space<vmem>>)
    %dma_wait3A_1245 = arith.constant 28 : i32
    %dma_wait3A_1246 = arith.constant 1400 : i32
    %dma_wait3A_1247 = arith.constant 0 : i32
    %dma_wait3A_1248 = tpu.memref_slice %arg9[%dma_wait3A_1246, %dma_wait3A_1247] : memref<1600x64xf32, #tpu.memory_space<vmem>> -> memref<50x64xf32, #tpu.memory_space<vmem>>
    %dma_wait3A_1249 = arith.constant 0 : i32
    %dma_wait3A_1250 = tpu.memref_slice %arg8[%dma_wait3A_1245, %dma_wait3A_1249] : memref<32x50xi32, #tpu.memory_space<vmem>> -> memref<1x50xi32, #tpu.memory_space<vmem>>
    %dma_wait3A_1251 = tpu.memref_squeeze %dma_wait3A_1250 : memref<1x50xi32, #tpu.memory_space<vmem>> -> memref<50xi32, #tpu.memory_space<vmem>>
    %dma_wait3A_1252 = arith.constant 0 : i32
    %dma_wait3A_1253 = arith.constant 0 : i32
    %dma_wait3A_1254 = tpu.memref_slice %arg3[%dma_wait3A_1252, %dma_wait3A_1253] : memref<100000x64xf32, #tpu.memory_space<hbm>> -> memref<100000x64xf32, #tpu.memory_space<hbm>>
    tpu.wait_indirect_dma semaphore(%arg10 : memref<!tpu.dma_semaphore, #tpu.memory_space<semaphore_mem>>) src(%dma_wait3A_1254 : memref<100000x64xf32, #tpu.memory_space<hbm>>) dst(%dma_wait3A_1248 : memref<50x64xf32, #tpu.memory_space<vmem>>)
    %dma_wait3A_1255 = arith.constant 29 : i32
    %dma_wait3A_1256 = arith.constant 1450 : i32
    %dma_wait3A_1257 = arith.constant 0 : i32
    %dma_wait3A_1258 = tpu.memref_slice %arg9[%dma_wait3A_1256, %dma_wait3A_1257] : memref<1600x64xf32, #tpu.memory_space<vmem>> -> memref<50x64xf32, #tpu.memory_space<vmem>>
    %dma_wait3A_1259 = arith.constant 0 : i32
    %dma_wait3A_1260 = tpu.memref_slice %arg8[%dma_wait3A_1255, %dma_wait3A_1259] : memref<32x50xi32, #tpu.memory_space<vmem>> -> memref<1x50xi32, #tpu.memory_space<vmem>>
    %dma_wait3A_1261 = tpu.memref_squeeze %dma_wait3A_1260 : memref<1x50xi32, #tpu.memory_space<vmem>> -> memref<50xi32, #tpu.memory_space<vmem>>
    %dma_wait3A_1262 = arith.constant 0 : i32
    %dma_wait3A_1263 = arith.constant 0 : i32
    %dma_wait3A_1264 = tpu.memref_slice %arg3[%dma_wait3A_1262, %dma_wait3A_1263] : memref<100000x64xf32, #tpu.memory_space<hbm>> -> memref<100000x64xf32, #tpu.memory_space<hbm>>
    tpu.wait_indirect_dma semaphore(%arg10 : memref<!tpu.dma_semaphore, #tpu.memory_space<semaphore_mem>>) src(%dma_wait3A_1264 : memref<100000x64xf32, #tpu.memory_space<hbm>>) dst(%dma_wait3A_1258 : memref<50x64xf32, #tpu.memory_space<vmem>>)
    %dma_wait3A_1265 = arith.constant 30 : i32
    %dma_wait3A_1266 = arith.constant 1500 : i32
    %dma_wait3A_1267 = arith.constant 0 : i32
    %dma_wait3A_1268 = tpu.memref_slice %arg9[%dma_wait3A_1266, %dma_wait3A_1267] : memref<1600x64xf32, #tpu.memory_space<vmem>> -> memref<50x64xf32, #tpu.memory_space<vmem>>
    %dma_wait3A_1269 = arith.constant 0 : i32
    %dma_wait3A_1270 = tpu.memref_slice %arg8[%dma_wait3A_1265, %dma_wait3A_1269] : memref<32x50xi32, #tpu.memory_space<vmem>> -> memref<1x50xi32, #tpu.memory_space<vmem>>
    %dma_wait3A_1271 = tpu.memref_squeeze %dma_wait3A_1270 : memref<1x50xi32, #tpu.memory_space<vmem>> -> memref<50xi32, #tpu.memory_space<vmem>>
    %dma_wait3A_1272 = arith.constant 0 : i32
    %dma_wait3A_1273 = arith.constant 0 : i32
    %dma_wait3A_1274 = tpu.memref_slice %arg3[%dma_wait3A_1272, %dma_wait3A_1273] : memref<100000x64xf32, #tpu.memory_space<hbm>> -> memref<100000x64xf32, #tpu.memory_space<hbm>>
    tpu.wait_indirect_dma semaphore(%arg10 : memref<!tpu.dma_semaphore, #tpu.memory_space<semaphore_mem>>) src(%dma_wait3A_1274 : memref<100000x64xf32, #tpu.memory_space<hbm>>) dst(%dma_wait3A_1268 : memref<50x64xf32, #tpu.memory_space<vmem>>)
    %dma_wait3A_1275 = arith.constant 31 : i32
    %dma_wait3A_1276 = arith.constant 1550 : i32
    %dma_wait3A_1277 = arith.constant 0 : i32
    %dma_wait3A_1278 = tpu.memref_slice %arg9[%dma_wait3A_1276, %dma_wait3A_1277] : memref<1600x64xf32, #tpu.memory_space<vmem>> -> memref<50x64xf32, #tpu.memory_space<vmem>>
    %dma_wait3A_1279 = arith.constant 0 : i32
    %dma_wait3A_1280 = tpu.memref_slice %arg8[%dma_wait3A_1275, %dma_wait3A_1279] : memref<32x50xi32, #tpu.memory_space<vmem>> -> memref<1x50xi32, #tpu.memory_space<vmem>>
    %dma_wait3A_1281 = tpu.memref_squeeze %dma_wait3A_1280 : memref<1x50xi32, #tpu.memory_space<vmem>> -> memref<50xi32, #tpu.memory_space<vmem>>
    %dma_wait3A_1282 = arith.constant 0 : i32
    %dma_wait3A_1283 = arith.constant 0 : i32
    %dma_wait3A_1284 = tpu.memref_slice %arg3[%dma_wait3A_1282, %dma_wait3A_1283] : memref<100000x64xf32, #tpu.memory_space<hbm>> -> memref<100000x64xf32, #tpu.memory_space<hbm>>
    tpu.wait_indirect_dma semaphore(%arg10 : memref<!tpu.dma_semaphore, #tpu.memory_space<semaphore_mem>>) src(%dma_wait3A_1284 : memref<100000x64xf32, #tpu.memory_space<hbm>>) dst(%dma_wait3A_1278 : memref<50x64xf32, #tpu.memory_space<vmem>>)
    "tpu.region"() ({
      %run_scoped3A = tpu.sem_alloc : memref<!tpu.dma_semaphore, #tpu.memory_space<semaphore_mem>>
      %dma_start3A_1285 = arith.constant 0 : i32
      %dma_start3A_1286 = tpu.memref_slice %arg7[%mul3A_2, %dma_start3A_1285] : memref<51200x64xf32, #tpu.memory_space<hbm>> -> memref<1600x64xf32, #tpu.memory_space<hbm>>
      %dma_start3A_1287 = arith.constant 0 : i32
      %dma_start3A_1288 = tpu.memref_slice %arg7[%mul3A_2, %dma_start3A_1287] : memref<51200x64xf32, #tpu.memory_space<hbm>> -> memref<1600x64xf32, #tpu.memory_space<hbm>>
      tpu.enqueue_dma source(%arg9 : memref<1600x64xf32, #tpu.memory_space<vmem>>) target(%dma_start3A_1288 : memref<1600x64xf32, #tpu.memory_space<hbm>>) target_semaphore(%run_scoped3A : memref<!tpu.dma_semaphore, #tpu.memory_space<semaphore_mem>>)
      %dma_wait3A_1289 = arith.constant 0 : i32
      %dma_wait3A_1290 = tpu.memref_slice %arg7[%mul3A_2, %dma_wait3A_1289] : memref<51200x64xf32, #tpu.memory_space<hbm>> -> memref<1600x64xf32, #tpu.memory_space<hbm>>
      %dma_wait3A_1291 = arith.constant 0 : i32
      %dma_wait3A_1292 = tpu.memref_slice %arg7[%mul3A_2, %dma_wait3A_1291] : memref<51200x64xf32, #tpu.memory_space<hbm>> -> memref<1600x64xf32, #tpu.memory_space<hbm>>
      tpu.wait_dma2 semaphore(%run_scoped3A : memref<!tpu.dma_semaphore, #tpu.memory_space<semaphore_mem>>) src(%arg9 : memref<1600x64xf32, #tpu.memory_space<vmem>>) dst(%dma_wait3A_1292 : memref<1600x64xf32, #tpu.memory_space<hbm>>)
      tpu.yield
    }) : () -> ()
    return
  }
}

module attributes {stable_mosaic.version = 14 : i64} {
  func.func @_tc_body(%arg0: i32, %arg1: memref<1600x1xi32, #tpu.memory_space<vmem>>, %arg2: memref<1600x1xi32, #tpu.memory_space<vmem>>, %arg3: memref<1600x1xi32, #tpu.memory_space<vmem>>, %arg4: memref<32x50x16xi32, #tpu.memory_space<vmem>>, %arg5: memref<32x50x16xi32, #tpu.memory_space<vmem>>, %arg6: memref<1600x64xf32, #tpu.memory_space<vmem>>, %arg7: memref<1600x64xf32, #tpu.memory_space<vmem>>, %arg8: memref<8x128xf32, #tpu.memory_space<vmem>>, %arg9: memref<1024x128xf32, #tpu.memory_space<vmem>>, %arg10: memref<128x128xf32, #tpu.memory_space<vmem>>, %arg11: memref<384x128xf32, #tpu.memory_space<vmem>>, %arg12: memref<1x128xf32, #tpu.memory_space<vmem>>, %arg13: memref<1x128xf32, #tpu.memory_space<vmem>>, %arg14: memref<1x128xf32, #tpu.memory_space<vmem>>, %arg15: memref<1x128xf32, #tpu.memory_space<vmem>>, %arg16: memref<1x128xf32, #tpu.memory_space<vmem>>, %arg17: memref<1x128xf32, #tpu.memory_space<vmem>>, %arg18: memref<1x128xf32, #tpu.memory_space<vmem>>, %arg19: memref<1x128xf32, #tpu.memory_space<vmem>>, %arg20: memref<1x64xf32, #tpu.memory_space<vmem>>, %arg21: memref<1x64xf32, #tpu.memory_space<vmem>>, %arg22: memref<1x64xf32, #tpu.memory_space<vmem>>, %arg23: memref<1x64xf32, #tpu.memory_space<vmem>>, %arg24: memref<64x128xf32, #tpu.memory_space<vmem>>, %arg25: memref<1x128xf32, #tpu.memory_space<vmem>>, %arg26: memref<1x128xf32, #tpu.memory_space<vmem>>, %arg27: memref<1x128xf32, #tpu.memory_space<vmem>>, %arg28: memref<64x128xf32, #tpu.memory_space<vmem>>, %arg29: memref<1x128xf32, #tpu.memory_space<vmem>>, %arg30: memref<1x128xf32, #tpu.memory_space<vmem>>, %arg31: memref<1x128xf32, #tpu.memory_space<vmem>>, %arg32: memref<128x128xf32, #tpu.memory_space<vmem>>, %arg33: memref<1x128xf32, #tpu.memory_space<vmem>>, %arg34: memref<1x128xf32, #tpu.memory_space<vmem>>, %arg35: memref<1x128xf32, #tpu.memory_space<vmem>>, %arg36: memref<128x64xf32, #tpu.memory_space<vmem>>, %arg37: memref<1x64xf32, #tpu.memory_space<vmem>>, %arg38: memref<1x64xf32, #tpu.memory_space<vmem>>, %arg39: memref<1x64xf32, #tpu.memory_space<vmem>>, %arg40: memref<64x1xf32, #tpu.memory_space<vmem>>, %arg41: memref<1x1xf32, #tpu.memory_space<vmem>>, %arg42: memref<896x256xf32, #tpu.memory_space<vmem>>, %arg43: memref<1x256xf32, #tpu.memory_space<vmem>>, %arg44: memref<1x256xf32, #tpu.memory_space<vmem>>, %arg45: memref<1x256xf32, #tpu.memory_space<vmem>>, %arg46: memref<256x128xf32, #tpu.memory_space<vmem>>, %arg47: memref<1x128xf32, #tpu.memory_space<vmem>>, %arg48: memref<1x128xf32, #tpu.memory_space<vmem>>, %arg49: memref<1x128xf32, #tpu.memory_space<vmem>>, %arg50: memref<32x50x128xf32, #tpu.memory_space<vmem>>) attributes {dimension_semantics = [#tpu.dimension_semantics<arbitrary>], iteration_bounds = array<i64: 32>, scalar_prefetch = 0 : i64, scratch_operands = 0 : i64, tpu.core_type = #tpu.core_type<tc>, window_params = [{transform_indices = @transform_0, window_bounds = array<i64: 1600, 1>}, {transform_indices = @transform_1, window_bounds = array<i64: 1600, 1>}, {transform_indices = @transform_2, window_bounds = array<i64: 1600, 1>}, {transform_indices = @transform_3, window_bounds = array<i64: 32, 50, 16>}, {transform_indices = @transform_4, window_bounds = array<i64: 32, 50, 16>}, {transform_indices = @transform_5, window_bounds = array<i64: 1600, 64>}, {transform_indices = @transform_6, window_bounds = array<i64: 1600, 64>}, {pipeline_mode = #tpu.pipeline_mode<synchronous>, transform_indices = @transform_7, window_bounds = array<i64: 8, 128>}, {pipeline_mode = #tpu.pipeline_mode<synchronous>, transform_indices = @transform_8, window_bounds = array<i64: 1024, 128>}, {pipeline_mode = #tpu.pipeline_mode<synchronous>, transform_indices = @transform_9, window_bounds = array<i64: 128, 128>}, {pipeline_mode = #tpu.pipeline_mode<synchronous>, transform_indices = @transform_10, window_bounds = array<i64: 384, 128>}, {pipeline_mode = #tpu.pipeline_mode<synchronous>, transform_indices = @transform_11, window_bounds = array<i64: 1, 128>}, {pipeline_mode = #tpu.pipeline_mode<synchronous>, transform_indices = @transform_12, window_bounds = array<i64: 1, 128>}, {pipeline_mode = #tpu.pipeline_mode<synchronous>, transform_indices = @transform_13, window_bounds = array<i64: 1, 128>}, {pipeline_mode = #tpu.pipeline_mode<synchronous>, transform_indices = @transform_14, window_bounds = array<i64: 1, 128>}, {pipeline_mode = #tpu.pipeline_mode<synchronous>, transform_indices = @transform_15, window_bounds = array<i64: 1, 128>}, {pipeline_mode = #tpu.pipeline_mode<synchronous>, transform_indices = @transform_16, window_bounds = array<i64: 1, 128>}, {pipeline_mode = #tpu.pipeline_mode<synchronous>, transform_indices = @transform_17, window_bounds = array<i64: 1, 128>}, {pipeline_mode = #tpu.pipeline_mode<synchronous>, transform_indices = @transform_18, window_bounds = array<i64: 1, 128>}, {pipeline_mode = #tpu.pipeline_mode<synchronous>, transform_indices = @transform_19, window_bounds = array<i64: 1, 64>}, {pipeline_mode = #tpu.pipeline_mode<synchronous>, transform_indices = @transform_20, window_bounds = array<i64: 1, 64>}, {pipeline_mode = #tpu.pipeline_mode<synchronous>, transform_indices = @transform_21, window_bounds = array<i64: 1, 64>}, {pipeline_mode = #tpu.pipeline_mode<synchronous>, transform_indices = @transform_22, window_bounds = array<i64: 1, 64>}, {pipeline_mode = #tpu.pipeline_mode<synchronous>, transform_indices = @transform_23, window_bounds = array<i64: 64, 128>}, {pipeline_mode = #tpu.pipeline_mode<synchronous>, transform_indices = @transform_24, window_bounds = array<i64: 1, 128>}, {pipeline_mode = #tpu.pipeline_mode<synchronous>, transform_indices = @transform_25, window_bounds = array<i64: 1, 128>}, {pipeline_mode = #tpu.pipeline_mode<synchronous>, transform_indices = @transform_26, window_bounds = array<i64: 1, 128>}, {pipeline_mode = #tpu.pipeline_mode<synchronous>, transform_indices = @transform_27, window_bounds = array<i64: 64, 128>}, {pipeline_mode = #tpu.pipeline_mode<synchronous>, transform_indices = @transform_28, window_bounds = array<i64: 1, 128>}, {pipeline_mode = #tpu.pipeline_mode<synchronous>, transform_indices = @transform_29, window_bounds = array<i64: 1, 128>}, {pipeline_mode = #tpu.pipeline_mode<synchronous>, transform_indices = @transform_30, window_bounds = array<i64: 1, 128>}, {pipeline_mode = #tpu.pipeline_mode<synchronous>, transform_indices = @transform_31, window_bounds = array<i64: 128, 128>}, {pipeline_mode = #tpu.pipeline_mode<synchronous>, transform_indices = @transform_32, window_bounds = array<i64: 1, 128>}, {pipeline_mode = #tpu.pipeline_mode<synchronous>, transform_indices = @transform_33, window_bounds = array<i64: 1, 128>}, {pipeline_mode = #tpu.pipeline_mode<synchronous>, transform_indices = @transform_34, window_bounds = array<i64: 1, 128>}, {pipeline_mode = #tpu.pipeline_mode<synchronous>, transform_indices = @transform_35, window_bounds = array<i64: 128, 64>}, {pipeline_mode = #tpu.pipeline_mode<synchronous>, transform_indices = @transform_36, window_bounds = array<i64: 1, 64>}, {pipeline_mode = #tpu.pipeline_mode<synchronous>, transform_indices = @transform_37, window_bounds = array<i64: 1, 64>}, {pipeline_mode = #tpu.pipeline_mode<synchronous>, transform_indices = @transform_38, window_bounds = array<i64: 1, 64>}, {pipeline_mode = #tpu.pipeline_mode<synchronous>, transform_indices = @transform_39, window_bounds = array<i64: 64, 1>}, {pipeline_mode = #tpu.pipeline_mode<synchronous>, transform_indices = @transform_40, window_bounds = array<i64: 1, 1>}, {pipeline_mode = #tpu.pipeline_mode<synchronous>, transform_indices = @transform_41, window_bounds = array<i64: 896, 256>}, {pipeline_mode = #tpu.pipeline_mode<synchronous>, transform_indices = @transform_42, window_bounds = array<i64: 1, 256>}, {pipeline_mode = #tpu.pipeline_mode<synchronous>, transform_indices = @transform_43, window_bounds = array<i64: 1, 256>}, {pipeline_mode = #tpu.pipeline_mode<synchronous>, transform_indices = @transform_44, window_bounds = array<i64: 1, 256>}, {pipeline_mode = #tpu.pipeline_mode<synchronous>, transform_indices = @transform_45, window_bounds = array<i64: 256, 128>}, {pipeline_mode = #tpu.pipeline_mode<synchronous>, transform_indices = @transform_46, window_bounds = array<i64: 1, 128>}, {pipeline_mode = #tpu.pipeline_mode<synchronous>, transform_indices = @transform_47, window_bounds = array<i64: 1, 128>}, {pipeline_mode = #tpu.pipeline_mode<synchronous>, transform_indices = @transform_48, window_bounds = array<i64: 1, 128>}, {transform_indices = @transform_49, window_bounds = array<i64: 32, 50, 128>}]} {
    %get3A = arith.constant 0 : index
    %get3A_0 = arith.constant 0 : index
    %get3A_1 = vector.load %arg11[%get3A, %get3A_0] : memref<384x128xf32, #tpu.memory_space<vmem>>, vector<384x128xf32>
    %get3A_2 = arith.constant 0 : index
    %get3A_3 = arith.constant 0 : index
    %get3A_4 = vector.load %arg1[%get3A_2, %get3A_3] : memref<1600x1xi32, #tpu.memory_space<vmem>>, vector<1600x1xi32>
    %iota3A = tpu.iota {dimensions = array<i32: 1>} : vector<1600x8xi32>
    %eq3A = vector.broadcast %get3A_4 : vector<1600x1xi32> to vector<1600x8xi32>
    %eq3A_5 = arith.cmpi eq, %eq3A, %iota3A : vector<1600x8xi32>
    %convert_element_type3A = arith.extui %eq3A_5 : vector<1600x8xi1> to vector<1600x8xi32>
    %convert_element_type3A_6 = arith.sitofp %convert_element_type3A : vector<1600x8xi32> to vector<1600x8xf32>
    %get3A_7 = arith.constant 0 : index
    %get3A_8 = arith.constant 0 : index
    %get3A_9 = vector.load %arg8[%get3A_7, %get3A_8] : memref<8x128xf32, #tpu.memory_space<vmem>>, vector<8x128xf32>
    %dot_general3A = arith.constant dense<0.000000e+00> : vector<1600x128xf32>
    %dot_general3A_10 = tpu.matmul %convert_element_type3A_6, %get3A_9, %dot_general3A {dimension_numbers = #tpu.dot_dimension_numbers<[1], [0], [0], [1], [0, 0, 1, 1], [], []>, transpose_lhs_hint = false} : vector<1600x8xf32>, vector<8x128xf32>, vector<1600x128xf32> -> vector<1600x128xf32>
    %get3A_11 = arith.constant 0 : index
    %get3A_12 = arith.constant 0 : index
    %get3A_13 = vector.load %arg12[%get3A_11, %get3A_12] : memref<1x128xf32, #tpu.memory_space<vmem>>, vector<1x128xf32>
    %get3A_14 = arith.constant 0 : index
    %get3A_15 = arith.constant 0 : index
    %get3A_16 = vector.load %arg13[%get3A_14, %get3A_15] : memref<1x128xf32, #tpu.memory_space<vmem>>, vector<1x128xf32>
    %reduce_sum3A = arith.constant dense<0.000000e+00> : vector<1600xf32>
    %reduce_sum3A_17 = vector.multi_reduction <add>, %dot_general3A_10, %reduce_sum3A [1] : vector<1600x128xf32> to vector<1600xf32>
    %broadcast_in_dim3A = vector.shape_cast %reduce_sum3A_17 : vector<1600xf32> to vector<1600x1xf32>
    %div3A = arith.constant 1.280000e+02 : f32
    %div3A_18 = vector.broadcast %div3A : f32 to vector<1600x1xf32>
    %div3A_19 = arith.divf %broadcast_in_dim3A, %div3A_18 : vector<1600x1xf32>
    %sub3A = vector.broadcast %div3A_19 : vector<1600x1xf32> to vector<1600x128xf32>
    %sub3A_20 = arith.subf %dot_general3A_10, %sub3A : vector<1600x128xf32>
    %integer_pow3A = arith.mulf %sub3A_20, %sub3A_20 : vector<1600x128xf32>
    %reduce_sum3A_21 = arith.constant dense<0.000000e+00> : vector<1600xf32>
    %reduce_sum3A_22 = vector.multi_reduction <add>, %integer_pow3A, %reduce_sum3A_21 [1] : vector<1600x128xf32> to vector<1600xf32>
    %broadcast_in_dim3A_23 = vector.shape_cast %reduce_sum3A_22 : vector<1600xf32> to vector<1600x1xf32>
    %div3A_24 = arith.constant 1.280000e+02 : f32
    %div3A_25 = vector.broadcast %div3A_24 : f32 to vector<1600x1xf32>
    %div3A_26 = arith.divf %broadcast_in_dim3A_23, %div3A_25 : vector<1600x1xf32>
    %sub3A_27 = vector.broadcast %div3A_19 : vector<1600x1xf32> to vector<1600x128xf32>
    %sub3A_28 = arith.subf %dot_general3A_10, %sub3A_27 : vector<1600x128xf32>
    %add3A = arith.constant 9.99999974E-6 : f32
    %add3A_29 = vector.broadcast %add3A : f32 to vector<1600x1xf32>
    %add3A_30 = arith.addf %div3A_26, %add3A_29 : vector<1600x1xf32>
    %sqrt3A = math.sqrt %add3A_30 : vector<1600x1xf32>
    %div3A_31 = vector.broadcast %sqrt3A : vector<1600x1xf32> to vector<1600x128xf32>
    %div3A_32 = arith.divf %sub3A_28, %div3A_31 : vector<1600x128xf32>
    %mul3A = vector.broadcast %get3A_13 : vector<1x128xf32> to vector<1600x128xf32>
    %mul3A_33 = arith.mulf %div3A_32, %mul3A : vector<1600x128xf32>
    %add3A_34 = vector.broadcast %get3A_16 : vector<1x128xf32> to vector<1600x128xf32>
    %add3A_35 = arith.addf %mul3A_33, %add3A_34 : vector<1600x128xf32>
    %get3A_36 = arith.constant 0 : index
    %get3A_37 = arith.constant 0 : index
    %get3A_38 = vector.load %arg2[%get3A_36, %get3A_37] : memref<1600x1xi32, #tpu.memory_space<vmem>>, vector<1600x1xi32>
    %iota3A_39 = tpu.iota {dimensions = array<i32: 1>} : vector<1600x1024xi32>
    %eq3A_40 = vector.broadcast %get3A_38 : vector<1600x1xi32> to vector<1600x1024xi32>
    %eq3A_41 = arith.cmpi eq, %eq3A_40, %iota3A_39 : vector<1600x1024xi32>
    %convert_element_type3A_42 = arith.extui %eq3A_41 : vector<1600x1024xi1> to vector<1600x1024xi32>
    %convert_element_type3A_43 = arith.sitofp %convert_element_type3A_42 : vector<1600x1024xi32> to vector<1600x1024xf32>
    %get3A_44 = arith.constant 0 : index
    %get3A_45 = arith.constant 0 : index
    %get3A_46 = vector.load %arg9[%get3A_44, %get3A_45] : memref<1024x128xf32, #tpu.memory_space<vmem>>, vector<1024x128xf32>
    %dot_general3A_47 = arith.constant dense<0.000000e+00> : vector<1600x128xf32>
    %dot_general3A_48 = tpu.matmul %convert_element_type3A_43, %get3A_46, %dot_general3A_47 {dimension_numbers = #tpu.dot_dimension_numbers<[1], [0], [0], [1], [0, 0, 1, 1], [], []>, transpose_lhs_hint = false} : vector<1600x1024xf32>, vector<1024x128xf32>, vector<1600x128xf32> -> vector<1600x128xf32>
    %get3A_49 = arith.constant 0 : index
    %get3A_50 = arith.constant 0 : index
    %get3A_51 = vector.load %arg14[%get3A_49, %get3A_50] : memref<1x128xf32, #tpu.memory_space<vmem>>, vector<1x128xf32>
    %get3A_52 = arith.constant 0 : index
    %get3A_53 = arith.constant 0 : index
    %get3A_54 = vector.load %arg15[%get3A_52, %get3A_53] : memref<1x128xf32, #tpu.memory_space<vmem>>, vector<1x128xf32>
    %reduce_sum3A_55 = arith.constant dense<0.000000e+00> : vector<1600xf32>
    %reduce_sum3A_56 = vector.multi_reduction <add>, %dot_general3A_48, %reduce_sum3A_55 [1] : vector<1600x128xf32> to vector<1600xf32>
    %broadcast_in_dim3A_57 = vector.shape_cast %reduce_sum3A_56 : vector<1600xf32> to vector<1600x1xf32>
    %div3A_58 = arith.constant 1.280000e+02 : f32
    %div3A_59 = vector.broadcast %div3A_58 : f32 to vector<1600x1xf32>
    %div3A_60 = arith.divf %broadcast_in_dim3A_57, %div3A_59 : vector<1600x1xf32>
    %sub3A_61 = vector.broadcast %div3A_60 : vector<1600x1xf32> to vector<1600x128xf32>
    %sub3A_62 = arith.subf %dot_general3A_48, %sub3A_61 : vector<1600x128xf32>
    %integer_pow3A_63 = arith.mulf %sub3A_62, %sub3A_62 : vector<1600x128xf32>
    %reduce_sum3A_64 = arith.constant dense<0.000000e+00> : vector<1600xf32>
    %reduce_sum3A_65 = vector.multi_reduction <add>, %integer_pow3A_63, %reduce_sum3A_64 [1] : vector<1600x128xf32> to vector<1600xf32>
    %broadcast_in_dim3A_66 = vector.shape_cast %reduce_sum3A_65 : vector<1600xf32> to vector<1600x1xf32>
    %div3A_67 = arith.constant 1.280000e+02 : f32
    %div3A_68 = vector.broadcast %div3A_67 : f32 to vector<1600x1xf32>
    %div3A_69 = arith.divf %broadcast_in_dim3A_66, %div3A_68 : vector<1600x1xf32>
    %sub3A_70 = vector.broadcast %div3A_60 : vector<1600x1xf32> to vector<1600x128xf32>
    %sub3A_71 = arith.subf %dot_general3A_48, %sub3A_70 : vector<1600x128xf32>
    %add3A_72 = arith.constant 9.99999974E-6 : f32
    %add3A_73 = vector.broadcast %add3A_72 : f32 to vector<1600x1xf32>
    %add3A_74 = arith.addf %div3A_69, %add3A_73 : vector<1600x1xf32>
    %sqrt3A_75 = math.sqrt %add3A_74 : vector<1600x1xf32>
    %div3A_76 = vector.broadcast %sqrt3A_75 : vector<1600x1xf32> to vector<1600x128xf32>
    %div3A_77 = arith.divf %sub3A_71, %div3A_76 : vector<1600x128xf32>
    %mul3A_78 = vector.broadcast %get3A_51 : vector<1x128xf32> to vector<1600x128xf32>
    %mul3A_79 = arith.mulf %div3A_77, %mul3A_78 : vector<1600x128xf32>
    %add3A_80 = vector.broadcast %get3A_54 : vector<1x128xf32> to vector<1600x128xf32>
    %add3A_81 = arith.addf %mul3A_79, %add3A_80 : vector<1600x128xf32>
    %get3A_82 = arith.constant 0 : index
    %get3A_83 = arith.constant 0 : index
    %get3A_84 = vector.load %arg3[%get3A_82, %get3A_83] : memref<1600x1xi32, #tpu.memory_space<vmem>>, vector<1600x1xi32>
    %iota3A_85 = tpu.iota {dimensions = array<i32: 1>} : vector<1600x128xi32>
    %eq3A_86 = vector.broadcast %get3A_84 : vector<1600x1xi32> to vector<1600x128xi32>
    %eq3A_87 = arith.cmpi eq, %eq3A_86, %iota3A_85 : vector<1600x128xi32>
    %convert_element_type3A_88 = arith.extui %eq3A_87 : vector<1600x128xi1> to vector<1600x128xi32>
    %convert_element_type3A_89 = arith.sitofp %convert_element_type3A_88 : vector<1600x128xi32> to vector<1600x128xf32>
    %get3A_90 = arith.constant 0 : index
    %get3A_91 = arith.constant 0 : index
    %get3A_92 = vector.load %arg10[%get3A_90, %get3A_91] : memref<128x128xf32, #tpu.memory_space<vmem>>, vector<128x128xf32>
    %dot_general3A_93 = arith.constant dense<0.000000e+00> : vector<1600x128xf32>
    %dot_general3A_94 = tpu.matmul %convert_element_type3A_89, %get3A_92, %dot_general3A_93 {dimension_numbers = #tpu.dot_dimension_numbers<[1], [0], [0], [1], [0, 0, 1, 1], [], []>, transpose_lhs_hint = false} : vector<1600x128xf32>, vector<128x128xf32>, vector<1600x128xf32> -> vector<1600x128xf32>
    %get3A_95 = arith.constant 0 : index
    %get3A_96 = arith.constant 0 : index
    %get3A_97 = vector.load %arg16[%get3A_95, %get3A_96] : memref<1x128xf32, #tpu.memory_space<vmem>>, vector<1x128xf32>
    %get3A_98 = arith.constant 0 : index
    %get3A_99 = arith.constant 0 : index
    %get3A_100 = vector.load %arg17[%get3A_98, %get3A_99] : memref<1x128xf32, #tpu.memory_space<vmem>>, vector<1x128xf32>
    %reduce_sum3A_101 = arith.constant dense<0.000000e+00> : vector<1600xf32>
    %reduce_sum3A_102 = vector.multi_reduction <add>, %dot_general3A_94, %reduce_sum3A_101 [1] : vector<1600x128xf32> to vector<1600xf32>
    %broadcast_in_dim3A_103 = vector.shape_cast %reduce_sum3A_102 : vector<1600xf32> to vector<1600x1xf32>
    %div3A_104 = arith.constant 1.280000e+02 : f32
    %div3A_105 = vector.broadcast %div3A_104 : f32 to vector<1600x1xf32>
    %div3A_106 = arith.divf %broadcast_in_dim3A_103, %div3A_105 : vector<1600x1xf32>
    %sub3A_107 = vector.broadcast %div3A_106 : vector<1600x1xf32> to vector<1600x128xf32>
    %sub3A_108 = arith.subf %dot_general3A_94, %sub3A_107 : vector<1600x128xf32>
    %integer_pow3A_109 = arith.mulf %sub3A_108, %sub3A_108 : vector<1600x128xf32>
    %reduce_sum3A_110 = arith.constant dense<0.000000e+00> : vector<1600xf32>
    %reduce_sum3A_111 = vector.multi_reduction <add>, %integer_pow3A_109, %reduce_sum3A_110 [1] : vector<1600x128xf32> to vector<1600xf32>
    %broadcast_in_dim3A_112 = vector.shape_cast %reduce_sum3A_111 : vector<1600xf32> to vector<1600x1xf32>
    %div3A_113 = arith.constant 1.280000e+02 : f32
    %div3A_114 = vector.broadcast %div3A_113 : f32 to vector<1600x1xf32>
    %div3A_115 = arith.divf %broadcast_in_dim3A_112, %div3A_114 : vector<1600x1xf32>
    %sub3A_116 = vector.broadcast %div3A_106 : vector<1600x1xf32> to vector<1600x128xf32>
    %sub3A_117 = arith.subf %dot_general3A_94, %sub3A_116 : vector<1600x128xf32>
    %add3A_118 = arith.constant 9.99999974E-6 : f32
    %add3A_119 = vector.broadcast %add3A_118 : f32 to vector<1600x1xf32>
    %add3A_120 = arith.addf %div3A_115, %add3A_119 : vector<1600x1xf32>
    %sqrt3A_121 = math.sqrt %add3A_120 : vector<1600x1xf32>
    %div3A_122 = vector.broadcast %sqrt3A_121 : vector<1600x1xf32> to vector<1600x128xf32>
    %div3A_123 = arith.divf %sub3A_117, %div3A_122 : vector<1600x128xf32>
    %mul3A_124 = vector.broadcast %get3A_97 : vector<1x128xf32> to vector<1600x128xf32>
    %mul3A_125 = arith.mulf %div3A_123, %mul3A_124 : vector<1600x128xf32>
    %add3A_126 = vector.broadcast %get3A_100 : vector<1x128xf32> to vector<1600x128xf32>
    %add3A_127 = arith.addf %mul3A_125, %add3A_126 : vector<1600x128xf32>
    %get3A_128 = arith.constant 0 : index
    %get3A_129 = arith.constant 0 : index
    %get3A_130 = arith.constant 0 : index
    %get3A_131 = vector.load %arg4[%get3A_128, %get3A_129, %get3A_130] : memref<32x50x16xi32, #tpu.memory_space<vmem>>, vector<32x50x16xi32>
    %reshape3A = vector.shape_cast %get3A_131 : vector<32x50x16xi32> to vector<1600x16xi32>
    %iota3A_132 = tpu.iota {dimensions = array<i32: 1>} : vector<1600x384xi16>
    %broadcast_in_dim3A_133 = arith.constant 0 : i16
    %broadcast_in_dim3A_134 = vector.broadcast %broadcast_in_dim3A_133 : i16 to vector<1600x384xi16>
    %slice3A = vector.extract_strided_slice %reshape3A {offsets = [0, 0], sizes = [1600, 1], strides = [1, 1]} : vector<1600x16xi32> to vector<1600x1xi32>
    %eq3A_135 = arith.constant 0 : i32
    %eq3A_136 = vector.broadcast %eq3A_135 : i32 to vector<1600x1xi32>
    %eq3A_137 = arith.cmpi eq, %slice3A, %eq3A_136 : vector<1600x1xi32>
    %jit3A = arith.constant -1 : i32
    %broadcast_in_dim3A_138 = vector.broadcast %jit3A : i32 to vector<1600x1xi32>
    %select_n3A = arith.select %eq3A_137, %broadcast_in_dim3A_138, %slice3A : vector<1600x1xi1>, vector<1600x1xi32>
    %convert_element_type3A_139 = arith.trunci %select_n3A : vector<1600x1xi32> to vector<1600x1xi16>
    %eq3A_140 = vector.broadcast %convert_element_type3A_139 : vector<1600x1xi16> to vector<1600x384xi16>
    %eq3A_141 = arith.cmpi eq, %eq3A_140, %iota3A_132 : vector<1600x384xi16>
    %convert_element_type3A_142 = arith.extui %eq3A_141 : vector<1600x384xi1> to vector<1600x384xi16>
    %add3A_143 = arith.addi %broadcast_in_dim3A_134, %convert_element_type3A_142 : vector<1600x384xi16>
    %slice3A_144 = vector.extract_strided_slice %reshape3A {offsets = [0, 1], sizes = [1600, 1], strides = [1, 1]} : vector<1600x16xi32> to vector<1600x1xi32>
    %eq3A_145 = arith.constant 0 : i32
    %eq3A_146 = vector.broadcast %eq3A_145 : i32 to vector<1600x1xi32>
    %eq3A_147 = arith.cmpi eq, %slice3A_144, %eq3A_146 : vector<1600x1xi32>
    %jit3A_148 = arith.constant -1 : i32
    %broadcast_in_dim3A_149 = vector.broadcast %jit3A_148 : i32 to vector<1600x1xi32>
    %select_n3A_150 = arith.select %eq3A_147, %broadcast_in_dim3A_149, %slice3A_144 : vector<1600x1xi1>, vector<1600x1xi32>
    %convert_element_type3A_151 = arith.trunci %select_n3A_150 : vector<1600x1xi32> to vector<1600x1xi16>
    %eq3A_152 = vector.broadcast %convert_element_type3A_151 : vector<1600x1xi16> to vector<1600x384xi16>
    %eq3A_153 = arith.cmpi eq, %eq3A_152, %iota3A_132 : vector<1600x384xi16>
    %convert_element_type3A_154 = arith.extui %eq3A_153 : vector<1600x384xi1> to vector<1600x384xi16>
    %add3A_155 = arith.addi %add3A_143, %convert_element_type3A_154 : vector<1600x384xi16>
    %slice3A_156 = vector.extract_strided_slice %reshape3A {offsets = [0, 2], sizes = [1600, 1], strides = [1, 1]} : vector<1600x16xi32> to vector<1600x1xi32>
    %eq3A_157 = arith.constant 0 : i32
    %eq3A_158 = vector.broadcast %eq3A_157 : i32 to vector<1600x1xi32>
    %eq3A_159 = arith.cmpi eq, %slice3A_156, %eq3A_158 : vector<1600x1xi32>
    %jit3A_160 = arith.constant -1 : i32
    %broadcast_in_dim3A_161 = vector.broadcast %jit3A_160 : i32 to vector<1600x1xi32>
    %select_n3A_162 = arith.select %eq3A_159, %broadcast_in_dim3A_161, %slice3A_156 : vector<1600x1xi1>, vector<1600x1xi32>
    %convert_element_type3A_163 = arith.trunci %select_n3A_162 : vector<1600x1xi32> to vector<1600x1xi16>
    %eq3A_164 = vector.broadcast %convert_element_type3A_163 : vector<1600x1xi16> to vector<1600x384xi16>
    %eq3A_165 = arith.cmpi eq, %eq3A_164, %iota3A_132 : vector<1600x384xi16>
    %convert_element_type3A_166 = arith.extui %eq3A_165 : vector<1600x384xi1> to vector<1600x384xi16>
    %add3A_167 = arith.addi %add3A_155, %convert_element_type3A_166 : vector<1600x384xi16>
    %slice3A_168 = vector.extract_strided_slice %reshape3A {offsets = [0, 3], sizes = [1600, 1], strides = [1, 1]} : vector<1600x16xi32> to vector<1600x1xi32>
    %eq3A_169 = arith.constant 0 : i32
    %eq3A_170 = vector.broadcast %eq3A_169 : i32 to vector<1600x1xi32>
    %eq3A_171 = arith.cmpi eq, %slice3A_168, %eq3A_170 : vector<1600x1xi32>
    %jit3A_172 = arith.constant -1 : i32
    %broadcast_in_dim3A_173 = vector.broadcast %jit3A_172 : i32 to vector<1600x1xi32>
    %select_n3A_174 = arith.select %eq3A_171, %broadcast_in_dim3A_173, %slice3A_168 : vector<1600x1xi1>, vector<1600x1xi32>
    %convert_element_type3A_175 = arith.trunci %select_n3A_174 : vector<1600x1xi32> to vector<1600x1xi16>
    %eq3A_176 = vector.broadcast %convert_element_type3A_175 : vector<1600x1xi16> to vector<1600x384xi16>
    %eq3A_177 = arith.cmpi eq, %eq3A_176, %iota3A_132 : vector<1600x384xi16>
    %convert_element_type3A_178 = arith.extui %eq3A_177 : vector<1600x384xi1> to vector<1600x384xi16>
    %add3A_179 = arith.addi %add3A_167, %convert_element_type3A_178 : vector<1600x384xi16>
    %slice3A_180 = vector.extract_strided_slice %reshape3A {offsets = [0, 4], sizes = [1600, 1], strides = [1, 1]} : vector<1600x16xi32> to vector<1600x1xi32>
    %eq3A_181 = arith.constant 0 : i32
    %eq3A_182 = vector.broadcast %eq3A_181 : i32 to vector<1600x1xi32>
    %eq3A_183 = arith.cmpi eq, %slice3A_180, %eq3A_182 : vector<1600x1xi32>
    %jit3A_184 = arith.constant -1 : i32
    %broadcast_in_dim3A_185 = vector.broadcast %jit3A_184 : i32 to vector<1600x1xi32>
    %select_n3A_186 = arith.select %eq3A_183, %broadcast_in_dim3A_185, %slice3A_180 : vector<1600x1xi1>, vector<1600x1xi32>
    %convert_element_type3A_187 = arith.trunci %select_n3A_186 : vector<1600x1xi32> to vector<1600x1xi16>
    %eq3A_188 = vector.broadcast %convert_element_type3A_187 : vector<1600x1xi16> to vector<1600x384xi16>
    %eq3A_189 = arith.cmpi eq, %eq3A_188, %iota3A_132 : vector<1600x384xi16>
    %convert_element_type3A_190 = arith.extui %eq3A_189 : vector<1600x384xi1> to vector<1600x384xi16>
    %add3A_191 = arith.addi %add3A_179, %convert_element_type3A_190 : vector<1600x384xi16>
    %slice3A_192 = vector.extract_strided_slice %reshape3A {offsets = [0, 5], sizes = [1600, 1], strides = [1, 1]} : vector<1600x16xi32> to vector<1600x1xi32>
    %eq3A_193 = arith.constant 0 : i32
    %eq3A_194 = vector.broadcast %eq3A_193 : i32 to vector<1600x1xi32>
    %eq3A_195 = arith.cmpi eq, %slice3A_192, %eq3A_194 : vector<1600x1xi32>
    %jit3A_196 = arith.constant -1 : i32
    %broadcast_in_dim3A_197 = vector.broadcast %jit3A_196 : i32 to vector<1600x1xi32>
    %select_n3A_198 = arith.select %eq3A_195, %broadcast_in_dim3A_197, %slice3A_192 : vector<1600x1xi1>, vector<1600x1xi32>
    %convert_element_type3A_199 = arith.trunci %select_n3A_198 : vector<1600x1xi32> to vector<1600x1xi16>
    %eq3A_200 = vector.broadcast %convert_element_type3A_199 : vector<1600x1xi16> to vector<1600x384xi16>
    %eq3A_201 = arith.cmpi eq, %eq3A_200, %iota3A_132 : vector<1600x384xi16>
    %convert_element_type3A_202 = arith.extui %eq3A_201 : vector<1600x384xi1> to vector<1600x384xi16>
    %add3A_203 = arith.addi %add3A_191, %convert_element_type3A_202 : vector<1600x384xi16>
    %slice3A_204 = vector.extract_strided_slice %reshape3A {offsets = [0, 6], sizes = [1600, 1], strides = [1, 1]} : vector<1600x16xi32> to vector<1600x1xi32>
    %eq3A_205 = arith.constant 0 : i32
    %eq3A_206 = vector.broadcast %eq3A_205 : i32 to vector<1600x1xi32>
    %eq3A_207 = arith.cmpi eq, %slice3A_204, %eq3A_206 : vector<1600x1xi32>
    %jit3A_208 = arith.constant -1 : i32
    %broadcast_in_dim3A_209 = vector.broadcast %jit3A_208 : i32 to vector<1600x1xi32>
    %select_n3A_210 = arith.select %eq3A_207, %broadcast_in_dim3A_209, %slice3A_204 : vector<1600x1xi1>, vector<1600x1xi32>
    %convert_element_type3A_211 = arith.trunci %select_n3A_210 : vector<1600x1xi32> to vector<1600x1xi16>
    %eq3A_212 = vector.broadcast %convert_element_type3A_211 : vector<1600x1xi16> to vector<1600x384xi16>
    %eq3A_213 = arith.cmpi eq, %eq3A_212, %iota3A_132 : vector<1600x384xi16>
    %convert_element_type3A_214 = arith.extui %eq3A_213 : vector<1600x384xi1> to vector<1600x384xi16>
    %add3A_215 = arith.addi %add3A_203, %convert_element_type3A_214 : vector<1600x384xi16>
    %slice3A_216 = vector.extract_strided_slice %reshape3A {offsets = [0, 7], sizes = [1600, 1], strides = [1, 1]} : vector<1600x16xi32> to vector<1600x1xi32>
    %eq3A_217 = arith.constant 0 : i32
    %eq3A_218 = vector.broadcast %eq3A_217 : i32 to vector<1600x1xi32>
    %eq3A_219 = arith.cmpi eq, %slice3A_216, %eq3A_218 : vector<1600x1xi32>
    %jit3A_220 = arith.constant -1 : i32
    %broadcast_in_dim3A_221 = vector.broadcast %jit3A_220 : i32 to vector<1600x1xi32>
    %select_n3A_222 = arith.select %eq3A_219, %broadcast_in_dim3A_221, %slice3A_216 : vector<1600x1xi1>, vector<1600x1xi32>
    %convert_element_type3A_223 = arith.trunci %select_n3A_222 : vector<1600x1xi32> to vector<1600x1xi16>
    %eq3A_224 = vector.broadcast %convert_element_type3A_223 : vector<1600x1xi16> to vector<1600x384xi16>
    %eq3A_225 = arith.cmpi eq, %eq3A_224, %iota3A_132 : vector<1600x384xi16>
    %convert_element_type3A_226 = arith.extui %eq3A_225 : vector<1600x384xi1> to vector<1600x384xi16>
    %add3A_227 = arith.addi %add3A_215, %convert_element_type3A_226 : vector<1600x384xi16>
    %slice3A_228 = vector.extract_strided_slice %reshape3A {offsets = [0, 8], sizes = [1600, 1], strides = [1, 1]} : vector<1600x16xi32> to vector<1600x1xi32>
    %eq3A_229 = arith.constant 0 : i32
    %eq3A_230 = vector.broadcast %eq3A_229 : i32 to vector<1600x1xi32>
    %eq3A_231 = arith.cmpi eq, %slice3A_228, %eq3A_230 : vector<1600x1xi32>
    %jit3A_232 = arith.constant -1 : i32
    %broadcast_in_dim3A_233 = vector.broadcast %jit3A_232 : i32 to vector<1600x1xi32>
    %select_n3A_234 = arith.select %eq3A_231, %broadcast_in_dim3A_233, %slice3A_228 : vector<1600x1xi1>, vector<1600x1xi32>
    %convert_element_type3A_235 = arith.trunci %select_n3A_234 : vector<1600x1xi32> to vector<1600x1xi16>
    %eq3A_236 = vector.broadcast %convert_element_type3A_235 : vector<1600x1xi16> to vector<1600x384xi16>
    %eq3A_237 = arith.cmpi eq, %eq3A_236, %iota3A_132 : vector<1600x384xi16>
    %convert_element_type3A_238 = arith.extui %eq3A_237 : vector<1600x384xi1> to vector<1600x384xi16>
    %add3A_239 = arith.addi %add3A_227, %convert_element_type3A_238 : vector<1600x384xi16>
    %slice3A_240 = vector.extract_strided_slice %reshape3A {offsets = [0, 9], sizes = [1600, 1], strides = [1, 1]} : vector<1600x16xi32> to vector<1600x1xi32>
    %eq3A_241 = arith.constant 0 : i32
    %eq3A_242 = vector.broadcast %eq3A_241 : i32 to vector<1600x1xi32>
    %eq3A_243 = arith.cmpi eq, %slice3A_240, %eq3A_242 : vector<1600x1xi32>
    %jit3A_244 = arith.constant -1 : i32
    %broadcast_in_dim3A_245 = vector.broadcast %jit3A_244 : i32 to vector<1600x1xi32>
    %select_n3A_246 = arith.select %eq3A_243, %broadcast_in_dim3A_245, %slice3A_240 : vector<1600x1xi1>, vector<1600x1xi32>
    %convert_element_type3A_247 = arith.trunci %select_n3A_246 : vector<1600x1xi32> to vector<1600x1xi16>
    %eq3A_248 = vector.broadcast %convert_element_type3A_247 : vector<1600x1xi16> to vector<1600x384xi16>
    %eq3A_249 = arith.cmpi eq, %eq3A_248, %iota3A_132 : vector<1600x384xi16>
    %convert_element_type3A_250 = arith.extui %eq3A_249 : vector<1600x384xi1> to vector<1600x384xi16>
    %add3A_251 = arith.addi %add3A_239, %convert_element_type3A_250 : vector<1600x384xi16>
    %slice3A_252 = vector.extract_strided_slice %reshape3A {offsets = [0, 10], sizes = [1600, 1], strides = [1, 1]} : vector<1600x16xi32> to vector<1600x1xi32>
    %eq3A_253 = arith.constant 0 : i32
    %eq3A_254 = vector.broadcast %eq3A_253 : i32 to vector<1600x1xi32>
    %eq3A_255 = arith.cmpi eq, %slice3A_252, %eq3A_254 : vector<1600x1xi32>
    %jit3A_256 = arith.constant -1 : i32
    %broadcast_in_dim3A_257 = vector.broadcast %jit3A_256 : i32 to vector<1600x1xi32>
    %select_n3A_258 = arith.select %eq3A_255, %broadcast_in_dim3A_257, %slice3A_252 : vector<1600x1xi1>, vector<1600x1xi32>
    %convert_element_type3A_259 = arith.trunci %select_n3A_258 : vector<1600x1xi32> to vector<1600x1xi16>
    %eq3A_260 = vector.broadcast %convert_element_type3A_259 : vector<1600x1xi16> to vector<1600x384xi16>
    %eq3A_261 = arith.cmpi eq, %eq3A_260, %iota3A_132 : vector<1600x384xi16>
    %convert_element_type3A_262 = arith.extui %eq3A_261 : vector<1600x384xi1> to vector<1600x384xi16>
    %add3A_263 = arith.addi %add3A_251, %convert_element_type3A_262 : vector<1600x384xi16>
    %slice3A_264 = vector.extract_strided_slice %reshape3A {offsets = [0, 11], sizes = [1600, 1], strides = [1, 1]} : vector<1600x16xi32> to vector<1600x1xi32>
    %eq3A_265 = arith.constant 0 : i32
    %eq3A_266 = vector.broadcast %eq3A_265 : i32 to vector<1600x1xi32>
    %eq3A_267 = arith.cmpi eq, %slice3A_264, %eq3A_266 : vector<1600x1xi32>
    %jit3A_268 = arith.constant -1 : i32
    %broadcast_in_dim3A_269 = vector.broadcast %jit3A_268 : i32 to vector<1600x1xi32>
    %select_n3A_270 = arith.select %eq3A_267, %broadcast_in_dim3A_269, %slice3A_264 : vector<1600x1xi1>, vector<1600x1xi32>
    %convert_element_type3A_271 = arith.trunci %select_n3A_270 : vector<1600x1xi32> to vector<1600x1xi16>
    %eq3A_272 = vector.broadcast %convert_element_type3A_271 : vector<1600x1xi16> to vector<1600x384xi16>
    %eq3A_273 = arith.cmpi eq, %eq3A_272, %iota3A_132 : vector<1600x384xi16>
    %convert_element_type3A_274 = arith.extui %eq3A_273 : vector<1600x384xi1> to vector<1600x384xi16>
    %add3A_275 = arith.addi %add3A_263, %convert_element_type3A_274 : vector<1600x384xi16>
    %slice3A_276 = vector.extract_strided_slice %reshape3A {offsets = [0, 12], sizes = [1600, 1], strides = [1, 1]} : vector<1600x16xi32> to vector<1600x1xi32>
    %eq3A_277 = arith.constant 0 : i32
    %eq3A_278 = vector.broadcast %eq3A_277 : i32 to vector<1600x1xi32>
    %eq3A_279 = arith.cmpi eq, %slice3A_276, %eq3A_278 : vector<1600x1xi32>
    %jit3A_280 = arith.constant -1 : i32
    %broadcast_in_dim3A_281 = vector.broadcast %jit3A_280 : i32 to vector<1600x1xi32>
    %select_n3A_282 = arith.select %eq3A_279, %broadcast_in_dim3A_281, %slice3A_276 : vector<1600x1xi1>, vector<1600x1xi32>
    %convert_element_type3A_283 = arith.trunci %select_n3A_282 : vector<1600x1xi32> to vector<1600x1xi16>
    %eq3A_284 = vector.broadcast %convert_element_type3A_283 : vector<1600x1xi16> to vector<1600x384xi16>
    %eq3A_285 = arith.cmpi eq, %eq3A_284, %iota3A_132 : vector<1600x384xi16>
    %convert_element_type3A_286 = arith.extui %eq3A_285 : vector<1600x384xi1> to vector<1600x384xi16>
    %add3A_287 = arith.addi %add3A_275, %convert_element_type3A_286 : vector<1600x384xi16>
    %slice3A_288 = vector.extract_strided_slice %reshape3A {offsets = [0, 13], sizes = [1600, 1], strides = [1, 1]} : vector<1600x16xi32> to vector<1600x1xi32>
    %eq3A_289 = arith.constant 0 : i32
    %eq3A_290 = vector.broadcast %eq3A_289 : i32 to vector<1600x1xi32>
    %eq3A_291 = arith.cmpi eq, %slice3A_288, %eq3A_290 : vector<1600x1xi32>
    %jit3A_292 = arith.constant -1 : i32
    %broadcast_in_dim3A_293 = vector.broadcast %jit3A_292 : i32 to vector<1600x1xi32>
    %select_n3A_294 = arith.select %eq3A_291, %broadcast_in_dim3A_293, %slice3A_288 : vector<1600x1xi1>, vector<1600x1xi32>
    %convert_element_type3A_295 = arith.trunci %select_n3A_294 : vector<1600x1xi32> to vector<1600x1xi16>
    %eq3A_296 = vector.broadcast %convert_element_type3A_295 : vector<1600x1xi16> to vector<1600x384xi16>
    %eq3A_297 = arith.cmpi eq, %eq3A_296, %iota3A_132 : vector<1600x384xi16>
    %convert_element_type3A_298 = arith.extui %eq3A_297 : vector<1600x384xi1> to vector<1600x384xi16>
    %add3A_299 = arith.addi %add3A_287, %convert_element_type3A_298 : vector<1600x384xi16>
    %slice3A_300 = vector.extract_strided_slice %reshape3A {offsets = [0, 14], sizes = [1600, 1], strides = [1, 1]} : vector<1600x16xi32> to vector<1600x1xi32>
    %eq3A_301 = arith.constant 0 : i32
    %eq3A_302 = vector.broadcast %eq3A_301 : i32 to vector<1600x1xi32>
    %eq3A_303 = arith.cmpi eq, %slice3A_300, %eq3A_302 : vector<1600x1xi32>
    %jit3A_304 = arith.constant -1 : i32
    %broadcast_in_dim3A_305 = vector.broadcast %jit3A_304 : i32 to vector<1600x1xi32>
    %select_n3A_306 = arith.select %eq3A_303, %broadcast_in_dim3A_305, %slice3A_300 : vector<1600x1xi1>, vector<1600x1xi32>
    %convert_element_type3A_307 = arith.trunci %select_n3A_306 : vector<1600x1xi32> to vector<1600x1xi16>
    %eq3A_308 = vector.broadcast %convert_element_type3A_307 : vector<1600x1xi16> to vector<1600x384xi16>
    %eq3A_309 = arith.cmpi eq, %eq3A_308, %iota3A_132 : vector<1600x384xi16>
    %convert_element_type3A_310 = arith.extui %eq3A_309 : vector<1600x384xi1> to vector<1600x384xi16>
    %add3A_311 = arith.addi %add3A_299, %convert_element_type3A_310 : vector<1600x384xi16>
    %slice3A_312 = vector.extract_strided_slice %reshape3A {offsets = [0, 15], sizes = [1600, 1], strides = [1, 1]} : vector<1600x16xi32> to vector<1600x1xi32>
    %eq3A_313 = arith.constant 0 : i32
    %eq3A_314 = vector.broadcast %eq3A_313 : i32 to vector<1600x1xi32>
    %eq3A_315 = arith.cmpi eq, %slice3A_312, %eq3A_314 : vector<1600x1xi32>
    %jit3A_316 = arith.constant -1 : i32
    %broadcast_in_dim3A_317 = vector.broadcast %jit3A_316 : i32 to vector<1600x1xi32>
    %select_n3A_318 = arith.select %eq3A_315, %broadcast_in_dim3A_317, %slice3A_312 : vector<1600x1xi1>, vector<1600x1xi32>
    %convert_element_type3A_319 = arith.trunci %select_n3A_318 : vector<1600x1xi32> to vector<1600x1xi16>
    %eq3A_320 = vector.broadcast %convert_element_type3A_319 : vector<1600x1xi16> to vector<1600x384xi16>
    %eq3A_321 = arith.cmpi eq, %eq3A_320, %iota3A_132 : vector<1600x384xi16>
    %convert_element_type3A_322 = arith.extui %eq3A_321 : vector<1600x384xi1> to vector<1600x384xi16>
    %add3A_323 = arith.addi %add3A_311, %convert_element_type3A_322 : vector<1600x384xi16>
    %convert_element_type3A_324 = arith.sitofp %add3A_323 : vector<1600x384xi16> to vector<1600x384xf32>
    %broadcast_in_dim3A_325 = arith.constant 1.000000e+00 : f32
    %broadcast_in_dim3A_326 = vector.broadcast %broadcast_in_dim3A_325 : f32 to vector<384x1xf32>
    %dot_general3A_327 = arith.constant dense<0.000000e+00> : vector<1600x1xf32>
    %dot_general3A_328 = tpu.matmul %convert_element_type3A_324, %broadcast_in_dim3A_326, %dot_general3A_327 {dimension_numbers = #tpu.dot_dimension_numbers<[1], [0], [0], [1], [0, 0, 1, 1], [], []>, transpose_lhs_hint = false} : vector<1600x384xf32>, vector<384x1xf32>, vector<1600x1xf32> -> vector<1600x1xf32>
    %dot_general3A_329 = arith.constant dense<0.000000e+00> : vector<1600x128xf32>
    %dot_general3A_330 = tpu.matmul %convert_element_type3A_324, %get3A_1, %dot_general3A_329 {dimension_numbers = #tpu.dot_dimension_numbers<[1], [0], [0], [1], [0, 0, 1, 1], [], []>, transpose_lhs_hint = false} : vector<1600x384xf32>, vector<384x128xf32>, vector<1600x128xf32> -> vector<1600x128xf32>
    %gt3A = arith.constant 0.000000e+00 : f32
    %gt3A_331 = vector.broadcast %gt3A : f32 to vector<1600x1xf32>
    %gt3A_332 = arith.cmpf ogt, %dot_general3A_328, %gt3A_331 : vector<1600x1xf32>
    %max3A = arith.constant 1.000000e+00 : f32
    %max3A_333 = vector.broadcast %max3A : f32 to vector<1600x1xf32>
    %max3A_334 = arith.maximumf %dot_general3A_328, %max3A_333 : vector<1600x1xf32>
    %div3A_335 = vector.broadcast %max3A_334 : vector<1600x1xf32> to vector<1600x128xf32>
    %div3A_336 = arith.divf %dot_general3A_330, %div3A_335 : vector<1600x128xf32>
    %jit3A_337 = arith.constant 0.000000e+00 : f32
    %broadcast_in_dim3A_338 = vector.shape_cast %gt3A_332 : vector<1600x1xi1> to vector<1600x1xi1>
    %broadcast_in_dim3A_339 = vector.broadcast %broadcast_in_dim3A_338 : vector<1600x1xi1> to vector<1600x128xi1>
    %broadcast_in_dim3A_340 = vector.broadcast %jit3A_337 : f32 to vector<1600x128xf32>
    %select_n3A_341 = arith.select %broadcast_in_dim3A_339, %div3A_336, %broadcast_in_dim3A_340 : vector<1600x128xi1>, vector<1600x128xf32>
    %get3A_342 = arith.constant 0 : index
    %get3A_343 = arith.constant 0 : index
    %get3A_344 = vector.load %arg18[%get3A_342, %get3A_343] : memref<1x128xf32, #tpu.memory_space<vmem>>, vector<1x128xf32>
    %get3A_345 = arith.constant 0 : index
    %get3A_346 = arith.constant 0 : index
    %get3A_347 = vector.load %arg19[%get3A_345, %get3A_346] : memref<1x128xf32, #tpu.memory_space<vmem>>, vector<1x128xf32>
    %reduce_sum3A_348 = arith.constant dense<0.000000e+00> : vector<1600xf32>
    %reduce_sum3A_349 = vector.multi_reduction <add>, %select_n3A_341, %reduce_sum3A_348 [1] : vector<1600x128xf32> to vector<1600xf32>
    %broadcast_in_dim3A_350 = vector.shape_cast %reduce_sum3A_349 : vector<1600xf32> to vector<1600x1xf32>
    %div3A_351 = arith.constant 1.280000e+02 : f32
    %div3A_352 = vector.broadcast %div3A_351 : f32 to vector<1600x1xf32>
    %div3A_353 = arith.divf %broadcast_in_dim3A_350, %div3A_352 : vector<1600x1xf32>
    %sub3A_354 = vector.broadcast %div3A_353 : vector<1600x1xf32> to vector<1600x128xf32>
    %sub3A_355 = arith.subf %select_n3A_341, %sub3A_354 : vector<1600x128xf32>
    %integer_pow3A_356 = arith.mulf %sub3A_355, %sub3A_355 : vector<1600x128xf32>
    %reduce_sum3A_357 = arith.constant dense<0.000000e+00> : vector<1600xf32>
    %reduce_sum3A_358 = vector.multi_reduction <add>, %integer_pow3A_356, %reduce_sum3A_357 [1] : vector<1600x128xf32> to vector<1600xf32>
    %broadcast_in_dim3A_359 = vector.shape_cast %reduce_sum3A_358 : vector<1600xf32> to vector<1600x1xf32>
    %div3A_360 = arith.constant 1.280000e+02 : f32
    %div3A_361 = vector.broadcast %div3A_360 : f32 to vector<1600x1xf32>
    %div3A_362 = arith.divf %broadcast_in_dim3A_359, %div3A_361 : vector<1600x1xf32>
    %sub3A_363 = vector.broadcast %div3A_353 : vector<1600x1xf32> to vector<1600x128xf32>
    %sub3A_364 = arith.subf %select_n3A_341, %sub3A_363 : vector<1600x128xf32>
    %add3A_365 = arith.constant 9.99999974E-6 : f32
    %add3A_366 = vector.broadcast %add3A_365 : f32 to vector<1600x1xf32>
    %add3A_367 = arith.addf %div3A_362, %add3A_366 : vector<1600x1xf32>
    %sqrt3A_368 = math.sqrt %add3A_367 : vector<1600x1xf32>
    %div3A_369 = vector.broadcast %sqrt3A_368 : vector<1600x1xf32> to vector<1600x128xf32>
    %div3A_370 = arith.divf %sub3A_364, %div3A_369 : vector<1600x128xf32>
    %mul3A_371 = vector.broadcast %get3A_344 : vector<1x128xf32> to vector<1600x128xf32>
    %mul3A_372 = arith.mulf %div3A_370, %mul3A_371 : vector<1600x128xf32>
    %add3A_373 = vector.broadcast %get3A_347 : vector<1x128xf32> to vector<1600x128xf32>
    %add3A_374 = arith.addf %mul3A_372, %add3A_373 : vector<1600x128xf32>
    %get3A_375 = arith.constant 0 : index
    %get3A_376 = arith.constant 0 : index
    %get3A_377 = vector.load %arg32[%get3A_375, %get3A_376] : memref<128x128xf32, #tpu.memory_space<vmem>>, vector<128x128xf32>
    %dot_general3A_378 = arith.constant dense<0.000000e+00> : vector<1600x128xf32>
    %dot_general3A_379 = tpu.matmul %add3A_374, %get3A_377, %dot_general3A_378 {dimension_numbers = #tpu.dot_dimension_numbers<[1], [0], [0], [1], [0, 0, 1, 1], [], []>, transpose_lhs_hint = false} : vector<1600x128xf32>, vector<128x128xf32>, vector<1600x128xf32> -> vector<1600x128xf32>
    %get3A_380 = arith.constant 0 : index
    %get3A_381 = arith.constant 0 : index
    %get3A_382 = vector.load %arg33[%get3A_380, %get3A_381] : memref<1x128xf32, #tpu.memory_space<vmem>>, vector<1x128xf32>
    %add3A_383 = vector.broadcast %get3A_382 : vector<1x128xf32> to vector<1600x128xf32>
    %add3A_384 = arith.addf %dot_general3A_379, %add3A_383 : vector<1600x128xf32>
    %max3A_385 = arith.constant 0.000000e+00 : f32
    %max3A_386 = vector.broadcast %max3A_385 : f32 to vector<1600x128xf32>
    %max3A_387 = arith.maximumf %add3A_384, %max3A_386 : vector<1600x128xf32>
    %get3A_388 = arith.constant 0 : index
    %get3A_389 = arith.constant 0 : index
    %get3A_390 = vector.load %arg34[%get3A_388, %get3A_389] : memref<1x128xf32, #tpu.memory_space<vmem>>, vector<1x128xf32>
    %get3A_391 = arith.constant 0 : index
    %get3A_392 = arith.constant 0 : index
    %get3A_393 = vector.load %arg35[%get3A_391, %get3A_392] : memref<1x128xf32, #tpu.memory_space<vmem>>, vector<1x128xf32>
    %reduce_sum3A_394 = arith.constant dense<0.000000e+00> : vector<1600xf32>
    %reduce_sum3A_395 = vector.multi_reduction <add>, %max3A_387, %reduce_sum3A_394 [1] : vector<1600x128xf32> to vector<1600xf32>
    %broadcast_in_dim3A_396 = vector.shape_cast %reduce_sum3A_395 : vector<1600xf32> to vector<1600x1xf32>
    %div3A_397 = arith.constant 1.280000e+02 : f32
    %div3A_398 = vector.broadcast %div3A_397 : f32 to vector<1600x1xf32>
    %div3A_399 = arith.divf %broadcast_in_dim3A_396, %div3A_398 : vector<1600x1xf32>
    %sub3A_400 = vector.broadcast %div3A_399 : vector<1600x1xf32> to vector<1600x128xf32>
    %sub3A_401 = arith.subf %max3A_387, %sub3A_400 : vector<1600x128xf32>
    %integer_pow3A_402 = arith.mulf %sub3A_401, %sub3A_401 : vector<1600x128xf32>
    %reduce_sum3A_403 = arith.constant dense<0.000000e+00> : vector<1600xf32>
    %reduce_sum3A_404 = vector.multi_reduction <add>, %integer_pow3A_402, %reduce_sum3A_403 [1] : vector<1600x128xf32> to vector<1600xf32>
    %broadcast_in_dim3A_405 = vector.shape_cast %reduce_sum3A_404 : vector<1600xf32> to vector<1600x1xf32>
    %div3A_406 = arith.constant 1.280000e+02 : f32
    %div3A_407 = vector.broadcast %div3A_406 : f32 to vector<1600x1xf32>
    %div3A_408 = arith.divf %broadcast_in_dim3A_405, %div3A_407 : vector<1600x1xf32>
    %sub3A_409 = vector.broadcast %div3A_399 : vector<1600x1xf32> to vector<1600x128xf32>
    %sub3A_410 = arith.subf %max3A_387, %sub3A_409 : vector<1600x128xf32>
    %add3A_411 = arith.constant 9.99999974E-6 : f32
    %add3A_412 = vector.broadcast %add3A_411 : f32 to vector<1600x1xf32>
    %add3A_413 = arith.addf %div3A_408, %add3A_412 : vector<1600x1xf32>
    %sqrt3A_414 = math.sqrt %add3A_413 : vector<1600x1xf32>
    %div3A_415 = vector.broadcast %sqrt3A_414 : vector<1600x1xf32> to vector<1600x128xf32>
    %div3A_416 = arith.divf %sub3A_410, %div3A_415 : vector<1600x128xf32>
    %mul3A_417 = vector.broadcast %get3A_390 : vector<1x128xf32> to vector<1600x128xf32>
    %mul3A_418 = arith.mulf %div3A_416, %mul3A_417 : vector<1600x128xf32>
    %add3A_419 = vector.broadcast %get3A_393 : vector<1x128xf32> to vector<1600x128xf32>
    %add3A_420 = arith.addf %mul3A_418, %add3A_419 : vector<1600x128xf32>
    %get3A_421 = arith.constant 0 : index
    %get3A_422 = arith.constant 0 : index
    %get3A_423 = arith.constant 0 : index
    %get3A_424 = vector.load %arg5[%get3A_421, %get3A_422, %get3A_423] : memref<32x50x16xi32, #tpu.memory_space<vmem>>, vector<32x50x16xi32>
    %reshape3A_425 = vector.shape_cast %get3A_424 : vector<32x50x16xi32> to vector<1600x16xi32>
    %iota3A_426 = tpu.iota {dimensions = array<i32: 1>} : vector<1600x384xi16>
    %broadcast_in_dim3A_427 = arith.constant 0 : i16
    %broadcast_in_dim3A_428 = vector.broadcast %broadcast_in_dim3A_427 : i16 to vector<1600x384xi16>
    %slice3A_429 = vector.extract_strided_slice %reshape3A_425 {offsets = [0, 0], sizes = [1600, 1], strides = [1, 1]} : vector<1600x16xi32> to vector<1600x1xi32>
    %eq3A_430 = arith.constant 0 : i32
    %eq3A_431 = vector.broadcast %eq3A_430 : i32 to vector<1600x1xi32>
    %eq3A_432 = arith.cmpi eq, %slice3A_429, %eq3A_431 : vector<1600x1xi32>
    %jit3A_433 = arith.constant -1 : i32
    %broadcast_in_dim3A_434 = vector.broadcast %jit3A_433 : i32 to vector<1600x1xi32>
    %select_n3A_435 = arith.select %eq3A_432, %broadcast_in_dim3A_434, %slice3A_429 : vector<1600x1xi1>, vector<1600x1xi32>
    %convert_element_type3A_436 = arith.trunci %select_n3A_435 : vector<1600x1xi32> to vector<1600x1xi16>
    %eq3A_437 = vector.broadcast %convert_element_type3A_436 : vector<1600x1xi16> to vector<1600x384xi16>
    %eq3A_438 = arith.cmpi eq, %eq3A_437, %iota3A_426 : vector<1600x384xi16>
    %convert_element_type3A_439 = arith.extui %eq3A_438 : vector<1600x384xi1> to vector<1600x384xi16>
    %add3A_440 = arith.addi %broadcast_in_dim3A_428, %convert_element_type3A_439 : vector<1600x384xi16>
    %slice3A_441 = vector.extract_strided_slice %reshape3A_425 {offsets = [0, 1], sizes = [1600, 1], strides = [1, 1]} : vector<1600x16xi32> to vector<1600x1xi32>
    %eq3A_442 = arith.constant 0 : i32
    %eq3A_443 = vector.broadcast %eq3A_442 : i32 to vector<1600x1xi32>
    %eq3A_444 = arith.cmpi eq, %slice3A_441, %eq3A_443 : vector<1600x1xi32>
    %jit3A_445 = arith.constant -1 : i32
    %broadcast_in_dim3A_446 = vector.broadcast %jit3A_445 : i32 to vector<1600x1xi32>
    %select_n3A_447 = arith.select %eq3A_444, %broadcast_in_dim3A_446, %slice3A_441 : vector<1600x1xi1>, vector<1600x1xi32>
    %convert_element_type3A_448 = arith.trunci %select_n3A_447 : vector<1600x1xi32> to vector<1600x1xi16>
    %eq3A_449 = vector.broadcast %convert_element_type3A_448 : vector<1600x1xi16> to vector<1600x384xi16>
    %eq3A_450 = arith.cmpi eq, %eq3A_449, %iota3A_426 : vector<1600x384xi16>
    %convert_element_type3A_451 = arith.extui %eq3A_450 : vector<1600x384xi1> to vector<1600x384xi16>
    %add3A_452 = arith.addi %add3A_440, %convert_element_type3A_451 : vector<1600x384xi16>
    %slice3A_453 = vector.extract_strided_slice %reshape3A_425 {offsets = [0, 2], sizes = [1600, 1], strides = [1, 1]} : vector<1600x16xi32> to vector<1600x1xi32>
    %eq3A_454 = arith.constant 0 : i32
    %eq3A_455 = vector.broadcast %eq3A_454 : i32 to vector<1600x1xi32>
    %eq3A_456 = arith.cmpi eq, %slice3A_453, %eq3A_455 : vector<1600x1xi32>
    %jit3A_457 = arith.constant -1 : i32
    %broadcast_in_dim3A_458 = vector.broadcast %jit3A_457 : i32 to vector<1600x1xi32>
    %select_n3A_459 = arith.select %eq3A_456, %broadcast_in_dim3A_458, %slice3A_453 : vector<1600x1xi1>, vector<1600x1xi32>
    %convert_element_type3A_460 = arith.trunci %select_n3A_459 : vector<1600x1xi32> to vector<1600x1xi16>
    %eq3A_461 = vector.broadcast %convert_element_type3A_460 : vector<1600x1xi16> to vector<1600x384xi16>
    %eq3A_462 = arith.cmpi eq, %eq3A_461, %iota3A_426 : vector<1600x384xi16>
    %convert_element_type3A_463 = arith.extui %eq3A_462 : vector<1600x384xi1> to vector<1600x384xi16>
    %add3A_464 = arith.addi %add3A_452, %convert_element_type3A_463 : vector<1600x384xi16>
    %slice3A_465 = vector.extract_strided_slice %reshape3A_425 {offsets = [0, 3], sizes = [1600, 1], strides = [1, 1]} : vector<1600x16xi32> to vector<1600x1xi32>
    %eq3A_466 = arith.constant 0 : i32
    %eq3A_467 = vector.broadcast %eq3A_466 : i32 to vector<1600x1xi32>
    %eq3A_468 = arith.cmpi eq, %slice3A_465, %eq3A_467 : vector<1600x1xi32>
    %jit3A_469 = arith.constant -1 : i32
    %broadcast_in_dim3A_470 = vector.broadcast %jit3A_469 : i32 to vector<1600x1xi32>
    %select_n3A_471 = arith.select %eq3A_468, %broadcast_in_dim3A_470, %slice3A_465 : vector<1600x1xi1>, vector<1600x1xi32>
    %convert_element_type3A_472 = arith.trunci %select_n3A_471 : vector<1600x1xi32> to vector<1600x1xi16>
    %eq3A_473 = vector.broadcast %convert_element_type3A_472 : vector<1600x1xi16> to vector<1600x384xi16>
    %eq3A_474 = arith.cmpi eq, %eq3A_473, %iota3A_426 : vector<1600x384xi16>
    %convert_element_type3A_475 = arith.extui %eq3A_474 : vector<1600x384xi1> to vector<1600x384xi16>
    %add3A_476 = arith.addi %add3A_464, %convert_element_type3A_475 : vector<1600x384xi16>
    %slice3A_477 = vector.extract_strided_slice %reshape3A_425 {offsets = [0, 4], sizes = [1600, 1], strides = [1, 1]} : vector<1600x16xi32> to vector<1600x1xi32>
    %eq3A_478 = arith.constant 0 : i32
    %eq3A_479 = vector.broadcast %eq3A_478 : i32 to vector<1600x1xi32>
    %eq3A_480 = arith.cmpi eq, %slice3A_477, %eq3A_479 : vector<1600x1xi32>
    %jit3A_481 = arith.constant -1 : i32
    %broadcast_in_dim3A_482 = vector.broadcast %jit3A_481 : i32 to vector<1600x1xi32>
    %select_n3A_483 = arith.select %eq3A_480, %broadcast_in_dim3A_482, %slice3A_477 : vector<1600x1xi1>, vector<1600x1xi32>
    %convert_element_type3A_484 = arith.trunci %select_n3A_483 : vector<1600x1xi32> to vector<1600x1xi16>
    %eq3A_485 = vector.broadcast %convert_element_type3A_484 : vector<1600x1xi16> to vector<1600x384xi16>
    %eq3A_486 = arith.cmpi eq, %eq3A_485, %iota3A_426 : vector<1600x384xi16>
    %convert_element_type3A_487 = arith.extui %eq3A_486 : vector<1600x384xi1> to vector<1600x384xi16>
    %add3A_488 = arith.addi %add3A_476, %convert_element_type3A_487 : vector<1600x384xi16>
    %slice3A_489 = vector.extract_strided_slice %reshape3A_425 {offsets = [0, 5], sizes = [1600, 1], strides = [1, 1]} : vector<1600x16xi32> to vector<1600x1xi32>
    %eq3A_490 = arith.constant 0 : i32
    %eq3A_491 = vector.broadcast %eq3A_490 : i32 to vector<1600x1xi32>
    %eq3A_492 = arith.cmpi eq, %slice3A_489, %eq3A_491 : vector<1600x1xi32>
    %jit3A_493 = arith.constant -1 : i32
    %broadcast_in_dim3A_494 = vector.broadcast %jit3A_493 : i32 to vector<1600x1xi32>
    %select_n3A_495 = arith.select %eq3A_492, %broadcast_in_dim3A_494, %slice3A_489 : vector<1600x1xi1>, vector<1600x1xi32>
    %convert_element_type3A_496 = arith.trunci %select_n3A_495 : vector<1600x1xi32> to vector<1600x1xi16>
    %eq3A_497 = vector.broadcast %convert_element_type3A_496 : vector<1600x1xi16> to vector<1600x384xi16>
    %eq3A_498 = arith.cmpi eq, %eq3A_497, %iota3A_426 : vector<1600x384xi16>
    %convert_element_type3A_499 = arith.extui %eq3A_498 : vector<1600x384xi1> to vector<1600x384xi16>
    %add3A_500 = arith.addi %add3A_488, %convert_element_type3A_499 : vector<1600x384xi16>
    %slice3A_501 = vector.extract_strided_slice %reshape3A_425 {offsets = [0, 6], sizes = [1600, 1], strides = [1, 1]} : vector<1600x16xi32> to vector<1600x1xi32>
    %eq3A_502 = arith.constant 0 : i32
    %eq3A_503 = vector.broadcast %eq3A_502 : i32 to vector<1600x1xi32>
    %eq3A_504 = arith.cmpi eq, %slice3A_501, %eq3A_503 : vector<1600x1xi32>
    %jit3A_505 = arith.constant -1 : i32
    %broadcast_in_dim3A_506 = vector.broadcast %jit3A_505 : i32 to vector<1600x1xi32>
    %select_n3A_507 = arith.select %eq3A_504, %broadcast_in_dim3A_506, %slice3A_501 : vector<1600x1xi1>, vector<1600x1xi32>
    %convert_element_type3A_508 = arith.trunci %select_n3A_507 : vector<1600x1xi32> to vector<1600x1xi16>
    %eq3A_509 = vector.broadcast %convert_element_type3A_508 : vector<1600x1xi16> to vector<1600x384xi16>
    %eq3A_510 = arith.cmpi eq, %eq3A_509, %iota3A_426 : vector<1600x384xi16>
    %convert_element_type3A_511 = arith.extui %eq3A_510 : vector<1600x384xi1> to vector<1600x384xi16>
    %add3A_512 = arith.addi %add3A_500, %convert_element_type3A_511 : vector<1600x384xi16>
    %slice3A_513 = vector.extract_strided_slice %reshape3A_425 {offsets = [0, 7], sizes = [1600, 1], strides = [1, 1]} : vector<1600x16xi32> to vector<1600x1xi32>
    %eq3A_514 = arith.constant 0 : i32
    %eq3A_515 = vector.broadcast %eq3A_514 : i32 to vector<1600x1xi32>
    %eq3A_516 = arith.cmpi eq, %slice3A_513, %eq3A_515 : vector<1600x1xi32>
    %jit3A_517 = arith.constant -1 : i32
    %broadcast_in_dim3A_518 = vector.broadcast %jit3A_517 : i32 to vector<1600x1xi32>
    %select_n3A_519 = arith.select %eq3A_516, %broadcast_in_dim3A_518, %slice3A_513 : vector<1600x1xi1>, vector<1600x1xi32>
    %convert_element_type3A_520 = arith.trunci %select_n3A_519 : vector<1600x1xi32> to vector<1600x1xi16>
    %eq3A_521 = vector.broadcast %convert_element_type3A_520 : vector<1600x1xi16> to vector<1600x384xi16>
    %eq3A_522 = arith.cmpi eq, %eq3A_521, %iota3A_426 : vector<1600x384xi16>
    %convert_element_type3A_523 = arith.extui %eq3A_522 : vector<1600x384xi1> to vector<1600x384xi16>
    %add3A_524 = arith.addi %add3A_512, %convert_element_type3A_523 : vector<1600x384xi16>
    %slice3A_525 = vector.extract_strided_slice %reshape3A_425 {offsets = [0, 8], sizes = [1600, 1], strides = [1, 1]} : vector<1600x16xi32> to vector<1600x1xi32>
    %eq3A_526 = arith.constant 0 : i32
    %eq3A_527 = vector.broadcast %eq3A_526 : i32 to vector<1600x1xi32>
    %eq3A_528 = arith.cmpi eq, %slice3A_525, %eq3A_527 : vector<1600x1xi32>
    %jit3A_529 = arith.constant -1 : i32
    %broadcast_in_dim3A_530 = vector.broadcast %jit3A_529 : i32 to vector<1600x1xi32>
    %select_n3A_531 = arith.select %eq3A_528, %broadcast_in_dim3A_530, %slice3A_525 : vector<1600x1xi1>, vector<1600x1xi32>
    %convert_element_type3A_532 = arith.trunci %select_n3A_531 : vector<1600x1xi32> to vector<1600x1xi16>
    %eq3A_533 = vector.broadcast %convert_element_type3A_532 : vector<1600x1xi16> to vector<1600x384xi16>
    %eq3A_534 = arith.cmpi eq, %eq3A_533, %iota3A_426 : vector<1600x384xi16>
    %convert_element_type3A_535 = arith.extui %eq3A_534 : vector<1600x384xi1> to vector<1600x384xi16>
    %add3A_536 = arith.addi %add3A_524, %convert_element_type3A_535 : vector<1600x384xi16>
    %slice3A_537 = vector.extract_strided_slice %reshape3A_425 {offsets = [0, 9], sizes = [1600, 1], strides = [1, 1]} : vector<1600x16xi32> to vector<1600x1xi32>
    %eq3A_538 = arith.constant 0 : i32
    %eq3A_539 = vector.broadcast %eq3A_538 : i32 to vector<1600x1xi32>
    %eq3A_540 = arith.cmpi eq, %slice3A_537, %eq3A_539 : vector<1600x1xi32>
    %jit3A_541 = arith.constant -1 : i32
    %broadcast_in_dim3A_542 = vector.broadcast %jit3A_541 : i32 to vector<1600x1xi32>
    %select_n3A_543 = arith.select %eq3A_540, %broadcast_in_dim3A_542, %slice3A_537 : vector<1600x1xi1>, vector<1600x1xi32>
    %convert_element_type3A_544 = arith.trunci %select_n3A_543 : vector<1600x1xi32> to vector<1600x1xi16>
    %eq3A_545 = vector.broadcast %convert_element_type3A_544 : vector<1600x1xi16> to vector<1600x384xi16>
    %eq3A_546 = arith.cmpi eq, %eq3A_545, %iota3A_426 : vector<1600x384xi16>
    %convert_element_type3A_547 = arith.extui %eq3A_546 : vector<1600x384xi1> to vector<1600x384xi16>
    %add3A_548 = arith.addi %add3A_536, %convert_element_type3A_547 : vector<1600x384xi16>
    %slice3A_549 = vector.extract_strided_slice %reshape3A_425 {offsets = [0, 10], sizes = [1600, 1], strides = [1, 1]} : vector<1600x16xi32> to vector<1600x1xi32>
    %eq3A_550 = arith.constant 0 : i32
    %eq3A_551 = vector.broadcast %eq3A_550 : i32 to vector<1600x1xi32>
    %eq3A_552 = arith.cmpi eq, %slice3A_549, %eq3A_551 : vector<1600x1xi32>
    %jit3A_553 = arith.constant -1 : i32
    %broadcast_in_dim3A_554 = vector.broadcast %jit3A_553 : i32 to vector<1600x1xi32>
    %select_n3A_555 = arith.select %eq3A_552, %broadcast_in_dim3A_554, %slice3A_549 : vector<1600x1xi1>, vector<1600x1xi32>
    %convert_element_type3A_556 = arith.trunci %select_n3A_555 : vector<1600x1xi32> to vector<1600x1xi16>
    %eq3A_557 = vector.broadcast %convert_element_type3A_556 : vector<1600x1xi16> to vector<1600x384xi16>
    %eq3A_558 = arith.cmpi eq, %eq3A_557, %iota3A_426 : vector<1600x384xi16>
    %convert_element_type3A_559 = arith.extui %eq3A_558 : vector<1600x384xi1> to vector<1600x384xi16>
    %add3A_560 = arith.addi %add3A_548, %convert_element_type3A_559 : vector<1600x384xi16>
    %slice3A_561 = vector.extract_strided_slice %reshape3A_425 {offsets = [0, 11], sizes = [1600, 1], strides = [1, 1]} : vector<1600x16xi32> to vector<1600x1xi32>
    %eq3A_562 = arith.constant 0 : i32
    %eq3A_563 = vector.broadcast %eq3A_562 : i32 to vector<1600x1xi32>
    %eq3A_564 = arith.cmpi eq, %slice3A_561, %eq3A_563 : vector<1600x1xi32>
    %jit3A_565 = arith.constant -1 : i32
    %broadcast_in_dim3A_566 = vector.broadcast %jit3A_565 : i32 to vector<1600x1xi32>
    %select_n3A_567 = arith.select %eq3A_564, %broadcast_in_dim3A_566, %slice3A_561 : vector<1600x1xi1>, vector<1600x1xi32>
    %convert_element_type3A_568 = arith.trunci %select_n3A_567 : vector<1600x1xi32> to vector<1600x1xi16>
    %eq3A_569 = vector.broadcast %convert_element_type3A_568 : vector<1600x1xi16> to vector<1600x384xi16>
    %eq3A_570 = arith.cmpi eq, %eq3A_569, %iota3A_426 : vector<1600x384xi16>
    %convert_element_type3A_571 = arith.extui %eq3A_570 : vector<1600x384xi1> to vector<1600x384xi16>
    %add3A_572 = arith.addi %add3A_560, %convert_element_type3A_571 : vector<1600x384xi16>
    %slice3A_573 = vector.extract_strided_slice %reshape3A_425 {offsets = [0, 12], sizes = [1600, 1], strides = [1, 1]} : vector<1600x16xi32> to vector<1600x1xi32>
    %eq3A_574 = arith.constant 0 : i32
    %eq3A_575 = vector.broadcast %eq3A_574 : i32 to vector<1600x1xi32>
    %eq3A_576 = arith.cmpi eq, %slice3A_573, %eq3A_575 : vector<1600x1xi32>
    %jit3A_577 = arith.constant -1 : i32
    %broadcast_in_dim3A_578 = vector.broadcast %jit3A_577 : i32 to vector<1600x1xi32>
    %select_n3A_579 = arith.select %eq3A_576, %broadcast_in_dim3A_578, %slice3A_573 : vector<1600x1xi1>, vector<1600x1xi32>
    %convert_element_type3A_580 = arith.trunci %select_n3A_579 : vector<1600x1xi32> to vector<1600x1xi16>
    %eq3A_581 = vector.broadcast %convert_element_type3A_580 : vector<1600x1xi16> to vector<1600x384xi16>
    %eq3A_582 = arith.cmpi eq, %eq3A_581, %iota3A_426 : vector<1600x384xi16>
    %convert_element_type3A_583 = arith.extui %eq3A_582 : vector<1600x384xi1> to vector<1600x384xi16>
    %add3A_584 = arith.addi %add3A_572, %convert_element_type3A_583 : vector<1600x384xi16>
    %slice3A_585 = vector.extract_strided_slice %reshape3A_425 {offsets = [0, 13], sizes = [1600, 1], strides = [1, 1]} : vector<1600x16xi32> to vector<1600x1xi32>
    %eq3A_586 = arith.constant 0 : i32
    %eq3A_587 = vector.broadcast %eq3A_586 : i32 to vector<1600x1xi32>
    %eq3A_588 = arith.cmpi eq, %slice3A_585, %eq3A_587 : vector<1600x1xi32>
    %jit3A_589 = arith.constant -1 : i32
    %broadcast_in_dim3A_590 = vector.broadcast %jit3A_589 : i32 to vector<1600x1xi32>
    %select_n3A_591 = arith.select %eq3A_588, %broadcast_in_dim3A_590, %slice3A_585 : vector<1600x1xi1>, vector<1600x1xi32>
    %convert_element_type3A_592 = arith.trunci %select_n3A_591 : vector<1600x1xi32> to vector<1600x1xi16>
    %eq3A_593 = vector.broadcast %convert_element_type3A_592 : vector<1600x1xi16> to vector<1600x384xi16>
    %eq3A_594 = arith.cmpi eq, %eq3A_593, %iota3A_426 : vector<1600x384xi16>
    %convert_element_type3A_595 = arith.extui %eq3A_594 : vector<1600x384xi1> to vector<1600x384xi16>
    %add3A_596 = arith.addi %add3A_584, %convert_element_type3A_595 : vector<1600x384xi16>
    %slice3A_597 = vector.extract_strided_slice %reshape3A_425 {offsets = [0, 14], sizes = [1600, 1], strides = [1, 1]} : vector<1600x16xi32> to vector<1600x1xi32>
    %eq3A_598 = arith.constant 0 : i32
    %eq3A_599 = vector.broadcast %eq3A_598 : i32 to vector<1600x1xi32>
    %eq3A_600 = arith.cmpi eq, %slice3A_597, %eq3A_599 : vector<1600x1xi32>
    %jit3A_601 = arith.constant -1 : i32
    %broadcast_in_dim3A_602 = vector.broadcast %jit3A_601 : i32 to vector<1600x1xi32>
    %select_n3A_603 = arith.select %eq3A_600, %broadcast_in_dim3A_602, %slice3A_597 : vector<1600x1xi1>, vector<1600x1xi32>
    %convert_element_type3A_604 = arith.trunci %select_n3A_603 : vector<1600x1xi32> to vector<1600x1xi16>
    %eq3A_605 = vector.broadcast %convert_element_type3A_604 : vector<1600x1xi16> to vector<1600x384xi16>
    %eq3A_606 = arith.cmpi eq, %eq3A_605, %iota3A_426 : vector<1600x384xi16>
    %convert_element_type3A_607 = arith.extui %eq3A_606 : vector<1600x384xi1> to vector<1600x384xi16>
    %add3A_608 = arith.addi %add3A_596, %convert_element_type3A_607 : vector<1600x384xi16>
    %slice3A_609 = vector.extract_strided_slice %reshape3A_425 {offsets = [0, 15], sizes = [1600, 1], strides = [1, 1]} : vector<1600x16xi32> to vector<1600x1xi32>
    %eq3A_610 = arith.constant 0 : i32
    %eq3A_611 = vector.broadcast %eq3A_610 : i32 to vector<1600x1xi32>
    %eq3A_612 = arith.cmpi eq, %slice3A_609, %eq3A_611 : vector<1600x1xi32>
    %jit3A_613 = arith.constant -1 : i32
    %broadcast_in_dim3A_614 = vector.broadcast %jit3A_613 : i32 to vector<1600x1xi32>
    %select_n3A_615 = arith.select %eq3A_612, %broadcast_in_dim3A_614, %slice3A_609 : vector<1600x1xi1>, vector<1600x1xi32>
    %convert_element_type3A_616 = arith.trunci %select_n3A_615 : vector<1600x1xi32> to vector<1600x1xi16>
    %eq3A_617 = vector.broadcast %convert_element_type3A_616 : vector<1600x1xi16> to vector<1600x384xi16>
    %eq3A_618 = arith.cmpi eq, %eq3A_617, %iota3A_426 : vector<1600x384xi16>
    %convert_element_type3A_619 = arith.extui %eq3A_618 : vector<1600x384xi1> to vector<1600x384xi16>
    %add3A_620 = arith.addi %add3A_608, %convert_element_type3A_619 : vector<1600x384xi16>
    %convert_element_type3A_621 = arith.sitofp %add3A_620 : vector<1600x384xi16> to vector<1600x384xf32>
    %broadcast_in_dim3A_622 = arith.constant 1.000000e+00 : f32
    %broadcast_in_dim3A_623 = vector.broadcast %broadcast_in_dim3A_622 : f32 to vector<384x1xf32>
    %dot_general3A_624 = arith.constant dense<0.000000e+00> : vector<1600x1xf32>
    %dot_general3A_625 = tpu.matmul %convert_element_type3A_621, %broadcast_in_dim3A_623, %dot_general3A_624 {dimension_numbers = #tpu.dot_dimension_numbers<[1], [0], [0], [1], [0, 0, 1, 1], [], []>, transpose_lhs_hint = false} : vector<1600x384xf32>, vector<384x1xf32>, vector<1600x1xf32> -> vector<1600x1xf32>
    %dot_general3A_626 = arith.constant dense<0.000000e+00> : vector<1600x128xf32>
    %dot_general3A_627 = tpu.matmul %convert_element_type3A_621, %get3A_1, %dot_general3A_626 {dimension_numbers = #tpu.dot_dimension_numbers<[1], [0], [0], [1], [0, 0, 1, 1], [], []>, transpose_lhs_hint = false} : vector<1600x384xf32>, vector<384x128xf32>, vector<1600x128xf32> -> vector<1600x128xf32>
    %gt3A_628 = arith.constant 0.000000e+00 : f32
    %gt3A_629 = vector.broadcast %gt3A_628 : f32 to vector<1600x1xf32>
    %gt3A_630 = arith.cmpf ogt, %dot_general3A_625, %gt3A_629 : vector<1600x1xf32>
    %max3A_631 = arith.constant 1.000000e+00 : f32
    %max3A_632 = vector.broadcast %max3A_631 : f32 to vector<1600x1xf32>
    %max3A_633 = arith.maximumf %dot_general3A_625, %max3A_632 : vector<1600x1xf32>
    %div3A_634 = vector.broadcast %max3A_633 : vector<1600x1xf32> to vector<1600x128xf32>
    %div3A_635 = arith.divf %dot_general3A_627, %div3A_634 : vector<1600x128xf32>
    %jit3A_636 = arith.constant 0.000000e+00 : f32
    %broadcast_in_dim3A_637 = vector.shape_cast %gt3A_630 : vector<1600x1xi1> to vector<1600x1xi1>
    %broadcast_in_dim3A_638 = vector.broadcast %broadcast_in_dim3A_637 : vector<1600x1xi1> to vector<1600x128xi1>
    %broadcast_in_dim3A_639 = vector.broadcast %jit3A_636 : f32 to vector<1600x128xf32>
    %select_n3A_640 = arith.select %broadcast_in_dim3A_638, %div3A_635, %broadcast_in_dim3A_639 : vector<1600x128xi1>, vector<1600x128xf32>
    %get3A_641 = arith.constant 0 : index
    %get3A_642 = arith.constant 0 : index
    %get3A_643 = vector.load %arg18[%get3A_641, %get3A_642] : memref<1x128xf32, #tpu.memory_space<vmem>>, vector<1x128xf32>
    %get3A_644 = arith.constant 0 : index
    %get3A_645 = arith.constant 0 : index
    %get3A_646 = vector.load %arg19[%get3A_644, %get3A_645] : memref<1x128xf32, #tpu.memory_space<vmem>>, vector<1x128xf32>
    %reduce_sum3A_647 = arith.constant dense<0.000000e+00> : vector<1600xf32>
    %reduce_sum3A_648 = vector.multi_reduction <add>, %select_n3A_640, %reduce_sum3A_647 [1] : vector<1600x128xf32> to vector<1600xf32>
    %broadcast_in_dim3A_649 = vector.shape_cast %reduce_sum3A_648 : vector<1600xf32> to vector<1600x1xf32>
    %div3A_650 = arith.constant 1.280000e+02 : f32
    %div3A_651 = vector.broadcast %div3A_650 : f32 to vector<1600x1xf32>
    %div3A_652 = arith.divf %broadcast_in_dim3A_649, %div3A_651 : vector<1600x1xf32>
    %sub3A_653 = vector.broadcast %div3A_652 : vector<1600x1xf32> to vector<1600x128xf32>
    %sub3A_654 = arith.subf %select_n3A_640, %sub3A_653 : vector<1600x128xf32>
    %integer_pow3A_655 = arith.mulf %sub3A_654, %sub3A_654 : vector<1600x128xf32>
    %reduce_sum3A_656 = arith.constant dense<0.000000e+00> : vector<1600xf32>
    %reduce_sum3A_657 = vector.multi_reduction <add>, %integer_pow3A_655, %reduce_sum3A_656 [1] : vector<1600x128xf32> to vector<1600xf32>
    %broadcast_in_dim3A_658 = vector.shape_cast %reduce_sum3A_657 : vector<1600xf32> to vector<1600x1xf32>
    %div3A_659 = arith.constant 1.280000e+02 : f32
    %div3A_660 = vector.broadcast %div3A_659 : f32 to vector<1600x1xf32>
    %div3A_661 = arith.divf %broadcast_in_dim3A_658, %div3A_660 : vector<1600x1xf32>
    %sub3A_662 = vector.broadcast %div3A_652 : vector<1600x1xf32> to vector<1600x128xf32>
    %sub3A_663 = arith.subf %select_n3A_640, %sub3A_662 : vector<1600x128xf32>
    %add3A_664 = arith.constant 9.99999974E-6 : f32
    %add3A_665 = vector.broadcast %add3A_664 : f32 to vector<1600x1xf32>
    %add3A_666 = arith.addf %div3A_661, %add3A_665 : vector<1600x1xf32>
    %sqrt3A_667 = math.sqrt %add3A_666 : vector<1600x1xf32>
    %div3A_668 = vector.broadcast %sqrt3A_667 : vector<1600x1xf32> to vector<1600x128xf32>
    %div3A_669 = arith.divf %sub3A_663, %div3A_668 : vector<1600x128xf32>
    %mul3A_670 = vector.broadcast %get3A_643 : vector<1x128xf32> to vector<1600x128xf32>
    %mul3A_671 = arith.mulf %div3A_669, %mul3A_670 : vector<1600x128xf32>
    %add3A_672 = vector.broadcast %get3A_646 : vector<1x128xf32> to vector<1600x128xf32>
    %add3A_673 = arith.addf %mul3A_671, %add3A_672 : vector<1600x128xf32>
    %get3A_674 = arith.constant 0 : index
    %get3A_675 = arith.constant 0 : index
    %get3A_676 = vector.load %arg6[%get3A_674, %get3A_675] : memref<1600x64xf32, #tpu.memory_space<vmem>>, vector<1600x64xf32>
    %get3A_677 = arith.constant 0 : index
    %get3A_678 = arith.constant 0 : index
    %get3A_679 = vector.load %arg20[%get3A_677, %get3A_678] : memref<1x64xf32, #tpu.memory_space<vmem>>, vector<1x64xf32>
    %get3A_680 = arith.constant 0 : index
    %get3A_681 = arith.constant 0 : index
    %get3A_682 = vector.load %arg21[%get3A_680, %get3A_681] : memref<1x64xf32, #tpu.memory_space<vmem>>, vector<1x64xf32>
    %reduce_sum3A_683 = arith.constant dense<0.000000e+00> : vector<1600xf32>
    %reduce_sum3A_684 = vector.multi_reduction <add>, %get3A_676, %reduce_sum3A_683 [1] : vector<1600x64xf32> to vector<1600xf32>
    %broadcast_in_dim3A_685 = vector.shape_cast %reduce_sum3A_684 : vector<1600xf32> to vector<1600x1xf32>
    %div3A_686 = arith.constant 6.400000e+01 : f32
    %div3A_687 = vector.broadcast %div3A_686 : f32 to vector<1600x1xf32>
    %div3A_688 = arith.divf %broadcast_in_dim3A_685, %div3A_687 : vector<1600x1xf32>
    %sub3A_689 = vector.broadcast %div3A_688 : vector<1600x1xf32> to vector<1600x64xf32>
    %sub3A_690 = arith.subf %get3A_676, %sub3A_689 : vector<1600x64xf32>
    %integer_pow3A_691 = arith.mulf %sub3A_690, %sub3A_690 : vector<1600x64xf32>
    %reduce_sum3A_692 = arith.constant dense<0.000000e+00> : vector<1600xf32>
    %reduce_sum3A_693 = vector.multi_reduction <add>, %integer_pow3A_691, %reduce_sum3A_692 [1] : vector<1600x64xf32> to vector<1600xf32>
    %broadcast_in_dim3A_694 = vector.shape_cast %reduce_sum3A_693 : vector<1600xf32> to vector<1600x1xf32>
    %div3A_695 = arith.constant 6.400000e+01 : f32
    %div3A_696 = vector.broadcast %div3A_695 : f32 to vector<1600x1xf32>
    %div3A_697 = arith.divf %broadcast_in_dim3A_694, %div3A_696 : vector<1600x1xf32>
    %sub3A_698 = vector.broadcast %div3A_688 : vector<1600x1xf32> to vector<1600x64xf32>
    %sub3A_699 = arith.subf %get3A_676, %sub3A_698 : vector<1600x64xf32>
    %add3A_700 = arith.constant 9.99999974E-6 : f32
    %add3A_701 = vector.broadcast %add3A_700 : f32 to vector<1600x1xf32>
    %add3A_702 = arith.addf %div3A_697, %add3A_701 : vector<1600x1xf32>
    %sqrt3A_703 = math.sqrt %add3A_702 : vector<1600x1xf32>
    %div3A_704 = vector.broadcast %sqrt3A_703 : vector<1600x1xf32> to vector<1600x64xf32>
    %div3A_705 = arith.divf %sub3A_699, %div3A_704 : vector<1600x64xf32>
    %mul3A_706 = vector.broadcast %get3A_679 : vector<1x64xf32> to vector<1600x64xf32>
    %mul3A_707 = arith.mulf %div3A_705, %mul3A_706 : vector<1600x64xf32>
    %add3A_708 = vector.broadcast %get3A_682 : vector<1x64xf32> to vector<1600x64xf32>
    %add3A_709 = arith.addf %mul3A_707, %add3A_708 : vector<1600x64xf32>
    %get3A_710 = arith.constant 0 : index
    %get3A_711 = arith.constant 0 : index
    %get3A_712 = vector.load %arg24[%get3A_710, %get3A_711] : memref<64x128xf32, #tpu.memory_space<vmem>>, vector<64x128xf32>
    %dot_general3A_713 = arith.constant dense<0.000000e+00> : vector<1600x128xf32>
    %dot_general3A_714 = tpu.matmul %add3A_709, %get3A_712, %dot_general3A_713 {dimension_numbers = #tpu.dot_dimension_numbers<[1], [0], [0], [1], [0, 0, 1, 1], [], []>, transpose_lhs_hint = false} : vector<1600x64xf32>, vector<64x128xf32>, vector<1600x128xf32> -> vector<1600x128xf32>
    %get3A_715 = arith.constant 0 : index
    %get3A_716 = arith.constant 0 : index
    %get3A_717 = vector.load %arg25[%get3A_715, %get3A_716] : memref<1x128xf32, #tpu.memory_space<vmem>>, vector<1x128xf32>
    %add3A_718 = vector.broadcast %get3A_717 : vector<1x128xf32> to vector<1600x128xf32>
    %add3A_719 = arith.addf %dot_general3A_714, %add3A_718 : vector<1600x128xf32>
    %get3A_720 = arith.constant 0 : index
    %get3A_721 = arith.constant 0 : index
    %get3A_722 = vector.load %arg26[%get3A_720, %get3A_721] : memref<1x128xf32, #tpu.memory_space<vmem>>, vector<1x128xf32>
    %get3A_723 = arith.constant 0 : index
    %get3A_724 = arith.constant 0 : index
    %get3A_725 = vector.load %arg27[%get3A_723, %get3A_724] : memref<1x128xf32, #tpu.memory_space<vmem>>, vector<1x128xf32>
    %reduce_sum3A_726 = arith.constant dense<0.000000e+00> : vector<1600xf32>
    %reduce_sum3A_727 = vector.multi_reduction <add>, %add3A_719, %reduce_sum3A_726 [1] : vector<1600x128xf32> to vector<1600xf32>
    %broadcast_in_dim3A_728 = vector.shape_cast %reduce_sum3A_727 : vector<1600xf32> to vector<1600x1xf32>
    %div3A_729 = arith.constant 1.280000e+02 : f32
    %div3A_730 = vector.broadcast %div3A_729 : f32 to vector<1600x1xf32>
    %div3A_731 = arith.divf %broadcast_in_dim3A_728, %div3A_730 : vector<1600x1xf32>
    %sub3A_732 = vector.broadcast %div3A_731 : vector<1600x1xf32> to vector<1600x128xf32>
    %sub3A_733 = arith.subf %add3A_719, %sub3A_732 : vector<1600x128xf32>
    %integer_pow3A_734 = arith.mulf %sub3A_733, %sub3A_733 : vector<1600x128xf32>
    %reduce_sum3A_735 = arith.constant dense<0.000000e+00> : vector<1600xf32>
    %reduce_sum3A_736 = vector.multi_reduction <add>, %integer_pow3A_734, %reduce_sum3A_735 [1] : vector<1600x128xf32> to vector<1600xf32>
    %broadcast_in_dim3A_737 = vector.shape_cast %reduce_sum3A_736 : vector<1600xf32> to vector<1600x1xf32>
    %div3A_738 = arith.constant 1.280000e+02 : f32
    %div3A_739 = vector.broadcast %div3A_738 : f32 to vector<1600x1xf32>
    %div3A_740 = arith.divf %broadcast_in_dim3A_737, %div3A_739 : vector<1600x1xf32>
    %sub3A_741 = vector.broadcast %div3A_731 : vector<1600x1xf32> to vector<1600x128xf32>
    %sub3A_742 = arith.subf %add3A_719, %sub3A_741 : vector<1600x128xf32>
    %add3A_743 = arith.constant 9.99999974E-6 : f32
    %add3A_744 = vector.broadcast %add3A_743 : f32 to vector<1600x1xf32>
    %add3A_745 = arith.addf %div3A_740, %add3A_744 : vector<1600x1xf32>
    %sqrt3A_746 = math.sqrt %add3A_745 : vector<1600x1xf32>
    %div3A_747 = vector.broadcast %sqrt3A_746 : vector<1600x1xf32> to vector<1600x128xf32>
    %div3A_748 = arith.divf %sub3A_742, %div3A_747 : vector<1600x128xf32>
    %mul3A_749 = vector.broadcast %get3A_722 : vector<1x128xf32> to vector<1600x128xf32>
    %mul3A_750 = arith.mulf %div3A_748, %mul3A_749 : vector<1600x128xf32>
    %add3A_751 = vector.broadcast %get3A_725 : vector<1x128xf32> to vector<1600x128xf32>
    %add3A_752 = arith.addf %mul3A_750, %add3A_751 : vector<1600x128xf32>
    %max3A_753 = arith.constant 0.000000e+00 : f32
    %max3A_754 = vector.broadcast %max3A_753 : f32 to vector<1600x128xf32>
    %max3A_755 = arith.maximumf %add3A_752, %max3A_754 : vector<1600x128xf32>
    %get3A_756 = arith.constant 0 : index
    %get3A_757 = arith.constant 0 : index
    %get3A_758 = vector.load %arg7[%get3A_756, %get3A_757] : memref<1600x64xf32, #tpu.memory_space<vmem>>, vector<1600x64xf32>
    %get3A_759 = arith.constant 0 : index
    %get3A_760 = arith.constant 0 : index
    %get3A_761 = vector.load %arg22[%get3A_759, %get3A_760] : memref<1x64xf32, #tpu.memory_space<vmem>>, vector<1x64xf32>
    %get3A_762 = arith.constant 0 : index
    %get3A_763 = arith.constant 0 : index
    %get3A_764 = vector.load %arg23[%get3A_762, %get3A_763] : memref<1x64xf32, #tpu.memory_space<vmem>>, vector<1x64xf32>
    %reduce_sum3A_765 = arith.constant dense<0.000000e+00> : vector<1600xf32>
    %reduce_sum3A_766 = vector.multi_reduction <add>, %get3A_758, %reduce_sum3A_765 [1] : vector<1600x64xf32> to vector<1600xf32>
    %broadcast_in_dim3A_767 = vector.shape_cast %reduce_sum3A_766 : vector<1600xf32> to vector<1600x1xf32>
    %div3A_768 = arith.constant 6.400000e+01 : f32
    %div3A_769 = vector.broadcast %div3A_768 : f32 to vector<1600x1xf32>
    %div3A_770 = arith.divf %broadcast_in_dim3A_767, %div3A_769 : vector<1600x1xf32>
    %sub3A_771 = vector.broadcast %div3A_770 : vector<1600x1xf32> to vector<1600x64xf32>
    %sub3A_772 = arith.subf %get3A_758, %sub3A_771 : vector<1600x64xf32>
    %integer_pow3A_773 = arith.mulf %sub3A_772, %sub3A_772 : vector<1600x64xf32>
    %reduce_sum3A_774 = arith.constant dense<0.000000e+00> : vector<1600xf32>
    %reduce_sum3A_775 = vector.multi_reduction <add>, %integer_pow3A_773, %reduce_sum3A_774 [1] : vector<1600x64xf32> to vector<1600xf32>
    %broadcast_in_dim3A_776 = vector.shape_cast %reduce_sum3A_775 : vector<1600xf32> to vector<1600x1xf32>
    %div3A_777 = arith.constant 6.400000e+01 : f32
    %div3A_778 = vector.broadcast %div3A_777 : f32 to vector<1600x1xf32>
    %div3A_779 = arith.divf %broadcast_in_dim3A_776, %div3A_778 : vector<1600x1xf32>
    %sub3A_780 = vector.broadcast %div3A_770 : vector<1600x1xf32> to vector<1600x64xf32>
    %sub3A_781 = arith.subf %get3A_758, %sub3A_780 : vector<1600x64xf32>
    %add3A_782 = arith.constant 9.99999974E-6 : f32
    %add3A_783 = vector.broadcast %add3A_782 : f32 to vector<1600x1xf32>
    %add3A_784 = arith.addf %div3A_779, %add3A_783 : vector<1600x1xf32>
    %sqrt3A_785 = math.sqrt %add3A_784 : vector<1600x1xf32>
    %div3A_786 = vector.broadcast %sqrt3A_785 : vector<1600x1xf32> to vector<1600x64xf32>
    %div3A_787 = arith.divf %sub3A_781, %div3A_786 : vector<1600x64xf32>
    %mul3A_788 = vector.broadcast %get3A_761 : vector<1x64xf32> to vector<1600x64xf32>
    %mul3A_789 = arith.mulf %div3A_787, %mul3A_788 : vector<1600x64xf32>
    %add3A_790 = vector.broadcast %get3A_764 : vector<1x64xf32> to vector<1600x64xf32>
    %add3A_791 = arith.addf %mul3A_789, %add3A_790 : vector<1600x64xf32>
    %get3A_792 = arith.constant 0 : index
    %get3A_793 = arith.constant 0 : index
    %get3A_794 = vector.load %arg28[%get3A_792, %get3A_793] : memref<64x128xf32, #tpu.memory_space<vmem>>, vector<64x128xf32>
    %dot_general3A_795 = arith.constant dense<0.000000e+00> : vector<1600x128xf32>
    %dot_general3A_796 = tpu.matmul %add3A_791, %get3A_794, %dot_general3A_795 {dimension_numbers = #tpu.dot_dimension_numbers<[1], [0], [0], [1], [0, 0, 1, 1], [], []>, transpose_lhs_hint = false} : vector<1600x64xf32>, vector<64x128xf32>, vector<1600x128xf32> -> vector<1600x128xf32>
    %get3A_797 = arith.constant 0 : index
    %get3A_798 = arith.constant 0 : index
    %get3A_799 = vector.load %arg29[%get3A_797, %get3A_798] : memref<1x128xf32, #tpu.memory_space<vmem>>, vector<1x128xf32>
    %add3A_800 = vector.broadcast %get3A_799 : vector<1x128xf32> to vector<1600x128xf32>
    %add3A_801 = arith.addf %dot_general3A_796, %add3A_800 : vector<1600x128xf32>
    %get3A_802 = arith.constant 0 : index
    %get3A_803 = arith.constant 0 : index
    %get3A_804 = vector.load %arg30[%get3A_802, %get3A_803] : memref<1x128xf32, #tpu.memory_space<vmem>>, vector<1x128xf32>
    %get3A_805 = arith.constant 0 : index
    %get3A_806 = arith.constant 0 : index
    %get3A_807 = vector.load %arg31[%get3A_805, %get3A_806] : memref<1x128xf32, #tpu.memory_space<vmem>>, vector<1x128xf32>
    %reduce_sum3A_808 = arith.constant dense<0.000000e+00> : vector<1600xf32>
    %reduce_sum3A_809 = vector.multi_reduction <add>, %add3A_801, %reduce_sum3A_808 [1] : vector<1600x128xf32> to vector<1600xf32>
    %broadcast_in_dim3A_810 = vector.shape_cast %reduce_sum3A_809 : vector<1600xf32> to vector<1600x1xf32>
    %div3A_811 = arith.constant 1.280000e+02 : f32
    %div3A_812 = vector.broadcast %div3A_811 : f32 to vector<1600x1xf32>
    %div3A_813 = arith.divf %broadcast_in_dim3A_810, %div3A_812 : vector<1600x1xf32>
    %sub3A_814 = vector.broadcast %div3A_813 : vector<1600x1xf32> to vector<1600x128xf32>
    %sub3A_815 = arith.subf %add3A_801, %sub3A_814 : vector<1600x128xf32>
    %integer_pow3A_816 = arith.mulf %sub3A_815, %sub3A_815 : vector<1600x128xf32>
    %reduce_sum3A_817 = arith.constant dense<0.000000e+00> : vector<1600xf32>
    %reduce_sum3A_818 = vector.multi_reduction <add>, %integer_pow3A_816, %reduce_sum3A_817 [1] : vector<1600x128xf32> to vector<1600xf32>
    %broadcast_in_dim3A_819 = vector.shape_cast %reduce_sum3A_818 : vector<1600xf32> to vector<1600x1xf32>
    %div3A_820 = arith.constant 1.280000e+02 : f32
    %div3A_821 = vector.broadcast %div3A_820 : f32 to vector<1600x1xf32>
    %div3A_822 = arith.divf %broadcast_in_dim3A_819, %div3A_821 : vector<1600x1xf32>
    %sub3A_823 = vector.broadcast %div3A_813 : vector<1600x1xf32> to vector<1600x128xf32>
    %sub3A_824 = arith.subf %add3A_801, %sub3A_823 : vector<1600x128xf32>
    %add3A_825 = arith.constant 9.99999974E-6 : f32
    %add3A_826 = vector.broadcast %add3A_825 : f32 to vector<1600x1xf32>
    %add3A_827 = arith.addf %div3A_822, %add3A_826 : vector<1600x1xf32>
    %sqrt3A_828 = math.sqrt %add3A_827 : vector<1600x1xf32>
    %div3A_829 = vector.broadcast %sqrt3A_828 : vector<1600x1xf32> to vector<1600x128xf32>
    %div3A_830 = arith.divf %sub3A_824, %div3A_829 : vector<1600x128xf32>
    %mul3A_831 = vector.broadcast %get3A_804 : vector<1x128xf32> to vector<1600x128xf32>
    %mul3A_832 = arith.mulf %div3A_830, %mul3A_831 : vector<1600x128xf32>
    %add3A_833 = vector.broadcast %get3A_807 : vector<1x128xf32> to vector<1600x128xf32>
    %add3A_834 = arith.addf %mul3A_832, %add3A_833 : vector<1600x128xf32>
    %max3A_835 = arith.constant 0.000000e+00 : f32
    %max3A_836 = vector.broadcast %max3A_835 : f32 to vector<1600x128xf32>
    %max3A_837 = arith.maximumf %add3A_834, %max3A_836 : vector<1600x128xf32>
    %broadcast_in_dim3A_838 = arith.constant 1.000000e+00 : f32
    %broadcast_in_dim3A_839 = vector.broadcast %broadcast_in_dim3A_838 : f32 to vector<128x128xf32>
    %concatenate3A = tpu.concatenate %add3A_35, %add3A_81, %add3A_127, %add3A_420, %add3A_673, %max3A_755, %max3A_837 in 0 : vector<1600x128xf32>, vector<1600x128xf32>, vector<1600x128xf32>, vector<1600x128xf32>, vector<1600x128xf32>, vector<1600x128xf32>, vector<1600x128xf32> -> vector<11200x128xf32>
    %mul3A_840 = arith.mulf %concatenate3A, %concatenate3A : vector<11200x128xf32>
    %dot_general3A_841 = arith.constant dense<0.000000e+00> : vector<11200x128xf32>
    %dot_general3A_842 = tpu.matmul %mul3A_840, %broadcast_in_dim3A_839, %dot_general3A_841 {dimension_numbers = #tpu.dot_dimension_numbers<[1], [0], [0], [1], [0, 0, 1, 1], [], []>, transpose_lhs_hint = false} : vector<11200x128xf32>, vector<128x128xf32>, vector<11200x128xf32> -> vector<11200x128xf32>
    %max3A_843 = arith.constant 1.000000e-24 : f32
    %max3A_844 = vector.broadcast %max3A_843 : f32 to vector<11200x128xf32>
    %max3A_845 = arith.maximumf %dot_general3A_842, %max3A_844 : vector<11200x128xf32>
    %rsqrt3A = math.rsqrt %max3A_845 : vector<11200x128xf32>
    %mul3A_846 = arith.mulf %concatenate3A, %rsqrt3A : vector<11200x128xf32>
    %get3A_847 = arith.constant 0 : index
    %get3A_848 = arith.constant 0 : index
    %get3A_849 = vector.load %arg36[%get3A_847, %get3A_848] : memref<128x64xf32, #tpu.memory_space<vmem>>, vector<128x64xf32>
    %dot_general3A_850 = arith.constant dense<0.000000e+00> : vector<11200x64xf32>
    %dot_general3A_851 = tpu.matmul %mul3A_846, %get3A_849, %dot_general3A_850 {dimension_numbers = #tpu.dot_dimension_numbers<[1], [0], [0], [1], [0, 0, 1, 1], [], []>, transpose_lhs_hint = false} : vector<11200x128xf32>, vector<128x64xf32>, vector<11200x64xf32> -> vector<11200x64xf32>
    %get3A_852 = arith.constant 0 : index
    %get3A_853 = arith.constant 0 : index
    %get3A_854 = vector.load %arg37[%get3A_852, %get3A_853] : memref<1x64xf32, #tpu.memory_space<vmem>>, vector<1x64xf32>
    %add3A_855 = vector.broadcast %get3A_854 : vector<1x64xf32> to vector<11200x64xf32>
    %add3A_856 = arith.addf %dot_general3A_851, %add3A_855 : vector<11200x64xf32>
    %get3A_857 = arith.constant 0 : index
    %get3A_858 = arith.constant 0 : index
    %get3A_859 = vector.load %arg38[%get3A_857, %get3A_858] : memref<1x64xf32, #tpu.memory_space<vmem>>, vector<1x64xf32>
    %get3A_860 = arith.constant 0 : index
    %get3A_861 = arith.constant 0 : index
    %get3A_862 = vector.load %arg39[%get3A_860, %get3A_861] : memref<1x64xf32, #tpu.memory_space<vmem>>, vector<1x64xf32>
    %reduce_sum3A_863 = arith.constant dense<0.000000e+00> : vector<11200xf32>
    %reduce_sum3A_864 = vector.multi_reduction <add>, %add3A_856, %reduce_sum3A_863 [1] : vector<11200x64xf32> to vector<11200xf32>
    %broadcast_in_dim3A_865 = vector.shape_cast %reduce_sum3A_864 : vector<11200xf32> to vector<11200x1xf32>
    %div3A_866 = arith.constant 6.400000e+01 : f32
    %div3A_867 = vector.broadcast %div3A_866 : f32 to vector<11200x1xf32>
    %div3A_868 = arith.divf %broadcast_in_dim3A_865, %div3A_867 : vector<11200x1xf32>
    %sub3A_869 = vector.broadcast %div3A_868 : vector<11200x1xf32> to vector<11200x64xf32>
    %sub3A_870 = arith.subf %add3A_856, %sub3A_869 : vector<11200x64xf32>
    %integer_pow3A_871 = arith.mulf %sub3A_870, %sub3A_870 : vector<11200x64xf32>
    %reduce_sum3A_872 = arith.constant dense<0.000000e+00> : vector<11200xf32>
    %reduce_sum3A_873 = vector.multi_reduction <add>, %integer_pow3A_871, %reduce_sum3A_872 [1] : vector<11200x64xf32> to vector<11200xf32>
    %broadcast_in_dim3A_874 = vector.shape_cast %reduce_sum3A_873 : vector<11200xf32> to vector<11200x1xf32>
    %div3A_875 = arith.constant 6.400000e+01 : f32
    %div3A_876 = vector.broadcast %div3A_875 : f32 to vector<11200x1xf32>
    %div3A_877 = arith.divf %broadcast_in_dim3A_874, %div3A_876 : vector<11200x1xf32>
    %sub3A_878 = vector.broadcast %div3A_868 : vector<11200x1xf32> to vector<11200x64xf32>
    %sub3A_879 = arith.subf %add3A_856, %sub3A_878 : vector<11200x64xf32>
    %add3A_880 = arith.constant 9.99999974E-6 : f32
    %add3A_881 = vector.broadcast %add3A_880 : f32 to vector<11200x1xf32>
    %add3A_882 = arith.addf %div3A_877, %add3A_881 : vector<11200x1xf32>
    %sqrt3A_883 = math.sqrt %add3A_882 : vector<11200x1xf32>
    %div3A_884 = vector.broadcast %sqrt3A_883 : vector<11200x1xf32> to vector<11200x64xf32>
    %div3A_885 = arith.divf %sub3A_879, %div3A_884 : vector<11200x64xf32>
    %mul3A_886 = vector.broadcast %get3A_859 : vector<1x64xf32> to vector<11200x64xf32>
    %mul3A_887 = arith.mulf %div3A_885, %mul3A_886 : vector<11200x64xf32>
    %add3A_888 = vector.broadcast %get3A_862 : vector<1x64xf32> to vector<11200x64xf32>
    %add3A_889 = arith.addf %mul3A_887, %add3A_888 : vector<11200x64xf32>
    %max3A_890 = arith.constant 0.000000e+00 : f32
    %max3A_891 = vector.broadcast %max3A_890 : f32 to vector<11200x64xf32>
    %max3A_892 = arith.maximumf %add3A_889, %max3A_891 : vector<11200x64xf32>
    %get3A_893 = arith.constant 0 : index
    %get3A_894 = arith.constant 0 : index
    %get3A_895 = vector.load %arg40[%get3A_893, %get3A_894] : memref<64x1xf32, #tpu.memory_space<vmem>>, vector<64x1xf32>
    %dot_general3A_896 = arith.constant dense<0.000000e+00> : vector<11200x1xf32>
    %dot_general3A_897 = tpu.matmul %max3A_892, %get3A_895, %dot_general3A_896 {dimension_numbers = #tpu.dot_dimension_numbers<[1], [0], [0], [1], [0, 0, 1, 1], [], []>, transpose_lhs_hint = false} : vector<11200x64xf32>, vector<64x1xf32>, vector<11200x1xf32> -> vector<11200x1xf32>
    %get3A_898 = arith.constant 0 : index
    %get3A_899 = arith.constant 0 : index
    %get3A_900 = vector.load %arg41[%get3A_898, %get3A_899] : memref<1x1xf32, #tpu.memory_space<vmem>>, vector<1x1xf32>
    %add3A_901 = vector.broadcast %get3A_900 : vector<1x1xf32> to vector<11200x1xf32>
    %add3A_902 = arith.addf %dot_general3A_897, %add3A_901 : vector<11200x1xf32>
    %logistic3A = arith.negf %add3A_902 : vector<11200x1xf32>
    %logistic3A_903 = math.exp %logistic3A : vector<11200x1xf32>
    %logistic3A_904 = arith.constant 1.000000e+00 : f32
    %logistic3A_905 = vector.broadcast %logistic3A_904 : f32 to vector<11200x1xf32>
    %logistic3A_906 = arith.addf %logistic3A_905, %logistic3A_903 : vector<11200x1xf32>
    %logistic3A_907 = arith.divf %logistic3A_905, %logistic3A_906 : vector<11200x1xf32>
    %slice3A_908 = vector.extract_strided_slice %logistic3A_907 {offsets = [0, 0], sizes = [1600, 1], strides = [1, 1]} : vector<11200x1xf32> to vector<1600x1xf32>
    %slice3A_909 = vector.extract_strided_slice %logistic3A_907 {offsets = [1600, 0], sizes = [1600, 1], strides = [1, 1]} : vector<11200x1xf32> to vector<1600x1xf32>
    %slice3A_910 = vector.extract_strided_slice %logistic3A_907 {offsets = [3200, 0], sizes = [1600, 1], strides = [1, 1]} : vector<11200x1xf32> to vector<1600x1xf32>
    %slice3A_911 = vector.extract_strided_slice %logistic3A_907 {offsets = [4800, 0], sizes = [1600, 1], strides = [1, 1]} : vector<11200x1xf32> to vector<1600x1xf32>
    %slice3A_912 = vector.extract_strided_slice %logistic3A_907 {offsets = [6400, 0], sizes = [1600, 1], strides = [1, 1]} : vector<11200x1xf32> to vector<1600x1xf32>
    %slice3A_913 = vector.extract_strided_slice %logistic3A_907 {offsets = [8000, 0], sizes = [1600, 1], strides = [1, 1]} : vector<11200x1xf32> to vector<1600x1xf32>
    %slice3A_914 = vector.extract_strided_slice %logistic3A_907 {offsets = [9600, 0], sizes = [1600, 1], strides = [1, 1]} : vector<11200x1xf32> to vector<1600x1xf32>
    %max3A_915 = arith.maximumf %slice3A_908, %slice3A_909 : vector<1600x1xf32>
    %max3A_916 = arith.maximumf %max3A_915, %slice3A_910 : vector<1600x1xf32>
    %max3A_917 = arith.maximumf %max3A_916, %slice3A_911 : vector<1600x1xf32>
    %max3A_918 = arith.maximumf %max3A_917, %slice3A_912 : vector<1600x1xf32>
    %max3A_919 = arith.maximumf %max3A_918, %slice3A_913 : vector<1600x1xf32>
    %max3A_920 = arith.maximumf %max3A_919, %slice3A_914 : vector<1600x1xf32>
    %sub3A_921 = arith.subf %slice3A_908, %max3A_920 : vector<1600x1xf32>
    %exp3A = math.exp %sub3A_921 : vector<1600x1xf32>
    %sub3A_922 = arith.subf %slice3A_909, %max3A_920 : vector<1600x1xf32>
    %exp3A_923 = math.exp %sub3A_922 : vector<1600x1xf32>
    %sub3A_924 = arith.subf %slice3A_910, %max3A_920 : vector<1600x1xf32>
    %exp3A_925 = math.exp %sub3A_924 : vector<1600x1xf32>
    %sub3A_926 = arith.subf %slice3A_911, %max3A_920 : vector<1600x1xf32>
    %exp3A_927 = math.exp %sub3A_926 : vector<1600x1xf32>
    %sub3A_928 = arith.subf %slice3A_912, %max3A_920 : vector<1600x1xf32>
    %exp3A_929 = math.exp %sub3A_928 : vector<1600x1xf32>
    %sub3A_930 = arith.subf %slice3A_913, %max3A_920 : vector<1600x1xf32>
    %exp3A_931 = math.exp %sub3A_930 : vector<1600x1xf32>
    %sub3A_932 = arith.subf %slice3A_914, %max3A_920 : vector<1600x1xf32>
    %exp3A_933 = math.exp %sub3A_932 : vector<1600x1xf32>
    %add3A_934 = arith.addf %exp3A, %exp3A_923 : vector<1600x1xf32>
    %add3A_935 = arith.addf %add3A_934, %exp3A_925 : vector<1600x1xf32>
    %add3A_936 = arith.addf %add3A_935, %exp3A_927 : vector<1600x1xf32>
    %add3A_937 = arith.addf %add3A_936, %exp3A_929 : vector<1600x1xf32>
    %add3A_938 = arith.addf %add3A_937, %exp3A_931 : vector<1600x1xf32>
    %add3A_939 = arith.addf %add3A_938, %exp3A_933 : vector<1600x1xf32>
    %div3A_940 = arith.divf %exp3A, %add3A_939 : vector<1600x1xf32>
    %div3A_941 = arith.divf %exp3A_923, %add3A_939 : vector<1600x1xf32>
    %div3A_942 = arith.divf %exp3A_925, %add3A_939 : vector<1600x1xf32>
    %div3A_943 = arith.divf %exp3A_927, %add3A_939 : vector<1600x1xf32>
    %div3A_944 = arith.divf %exp3A_929, %add3A_939 : vector<1600x1xf32>
    %div3A_945 = arith.divf %exp3A_931, %add3A_939 : vector<1600x1xf32>
    %div3A_946 = arith.divf %exp3A_933, %add3A_939 : vector<1600x1xf32>
    %mul3A_947 = vector.broadcast %div3A_940 : vector<1600x1xf32> to vector<1600x128xf32>
    %mul3A_948 = arith.mulf %add3A_35, %mul3A_947 : vector<1600x128xf32>
    %mul3A_949 = vector.broadcast %div3A_941 : vector<1600x1xf32> to vector<1600x128xf32>
    %mul3A_950 = arith.mulf %add3A_81, %mul3A_949 : vector<1600x128xf32>
    %mul3A_951 = vector.broadcast %div3A_942 : vector<1600x1xf32> to vector<1600x128xf32>
    %mul3A_952 = arith.mulf %add3A_127, %mul3A_951 : vector<1600x128xf32>
    %mul3A_953 = vector.broadcast %div3A_943 : vector<1600x1xf32> to vector<1600x128xf32>
    %mul3A_954 = arith.mulf %add3A_420, %mul3A_953 : vector<1600x128xf32>
    %mul3A_955 = vector.broadcast %div3A_944 : vector<1600x1xf32> to vector<1600x128xf32>
    %mul3A_956 = arith.mulf %add3A_673, %mul3A_955 : vector<1600x128xf32>
    %mul3A_957 = vector.broadcast %div3A_945 : vector<1600x1xf32> to vector<1600x128xf32>
    %mul3A_958 = arith.mulf %max3A_755, %mul3A_957 : vector<1600x128xf32>
    %mul3A_959 = vector.broadcast %div3A_946 : vector<1600x1xf32> to vector<1600x128xf32>
    %mul3A_960 = arith.mulf %max3A_837, %mul3A_959 : vector<1600x128xf32>
    %concatenate3A_961 = tpu.concatenate %mul3A_948, %mul3A_950, %mul3A_952, %mul3A_954, %mul3A_956, %mul3A_958, %mul3A_960 in 1 : vector<1600x128xf32>, vector<1600x128xf32>, vector<1600x128xf32>, vector<1600x128xf32>, vector<1600x128xf32>, vector<1600x128xf32>, vector<1600x128xf32> -> vector<1600x896xf32>
    %get3A_962 = arith.constant 0 : index
    %get3A_963 = arith.constant 0 : index
    %get3A_964 = vector.load %arg42[%get3A_962, %get3A_963] : memref<896x256xf32, #tpu.memory_space<vmem>>, vector<896x256xf32>
    %dot_general3A_965 = arith.constant dense<0.000000e+00> : vector<1600x256xf32>
    %dot_general3A_966 = tpu.matmul %concatenate3A_961, %get3A_964, %dot_general3A_965 {dimension_numbers = #tpu.dot_dimension_numbers<[1], [0], [0], [1], [0, 0, 1, 1], [], []>, transpose_lhs_hint = false} : vector<1600x896xf32>, vector<896x256xf32>, vector<1600x256xf32> -> vector<1600x256xf32>
    %get3A_967 = arith.constant 0 : index
    %get3A_968 = arith.constant 0 : index
    %get3A_969 = vector.load %arg43[%get3A_967, %get3A_968] : memref<1x256xf32, #tpu.memory_space<vmem>>, vector<1x256xf32>
    %add3A_970 = vector.broadcast %get3A_969 : vector<1x256xf32> to vector<1600x256xf32>
    %add3A_971 = arith.addf %dot_general3A_966, %add3A_970 : vector<1600x256xf32>
    %get3A_972 = arith.constant 0 : index
    %get3A_973 = arith.constant 0 : index
    %get3A_974 = vector.load %arg44[%get3A_972, %get3A_973] : memref<1x256xf32, #tpu.memory_space<vmem>>, vector<1x256xf32>
    %get3A_975 = arith.constant 0 : index
    %get3A_976 = arith.constant 0 : index
    %get3A_977 = vector.load %arg45[%get3A_975, %get3A_976] : memref<1x256xf32, #tpu.memory_space<vmem>>, vector<1x256xf32>
    %reduce_sum3A_978 = arith.constant dense<0.000000e+00> : vector<1600xf32>
    %reduce_sum3A_979 = vector.multi_reduction <add>, %add3A_971, %reduce_sum3A_978 [1] : vector<1600x256xf32> to vector<1600xf32>
    %broadcast_in_dim3A_980 = vector.shape_cast %reduce_sum3A_979 : vector<1600xf32> to vector<1600x1xf32>
    %div3A_981 = arith.constant 2.560000e+02 : f32
    %div3A_982 = vector.broadcast %div3A_981 : f32 to vector<1600x1xf32>
    %div3A_983 = arith.divf %broadcast_in_dim3A_980, %div3A_982 : vector<1600x1xf32>
    %sub3A_984 = vector.broadcast %div3A_983 : vector<1600x1xf32> to vector<1600x256xf32>
    %sub3A_985 = arith.subf %add3A_971, %sub3A_984 : vector<1600x256xf32>
    %integer_pow3A_986 = arith.mulf %sub3A_985, %sub3A_985 : vector<1600x256xf32>
    %reduce_sum3A_987 = arith.constant dense<0.000000e+00> : vector<1600xf32>
    %reduce_sum3A_988 = vector.multi_reduction <add>, %integer_pow3A_986, %reduce_sum3A_987 [1] : vector<1600x256xf32> to vector<1600xf32>
    %broadcast_in_dim3A_989 = vector.shape_cast %reduce_sum3A_988 : vector<1600xf32> to vector<1600x1xf32>
    %div3A_990 = arith.constant 2.560000e+02 : f32
    %div3A_991 = vector.broadcast %div3A_990 : f32 to vector<1600x1xf32>
    %div3A_992 = arith.divf %broadcast_in_dim3A_989, %div3A_991 : vector<1600x1xf32>
    %sub3A_993 = vector.broadcast %div3A_983 : vector<1600x1xf32> to vector<1600x256xf32>
    %sub3A_994 = arith.subf %add3A_971, %sub3A_993 : vector<1600x256xf32>
    %add3A_995 = arith.constant 9.99999974E-6 : f32
    %add3A_996 = vector.broadcast %add3A_995 : f32 to vector<1600x1xf32>
    %add3A_997 = arith.addf %div3A_992, %add3A_996 : vector<1600x1xf32>
    %sqrt3A_998 = math.sqrt %add3A_997 : vector<1600x1xf32>
    %div3A_999 = vector.broadcast %sqrt3A_998 : vector<1600x1xf32> to vector<1600x256xf32>
    %div3A_1000 = arith.divf %sub3A_994, %div3A_999 : vector<1600x256xf32>
    %mul3A_1001 = vector.broadcast %get3A_974 : vector<1x256xf32> to vector<1600x256xf32>
    %mul3A_1002 = arith.mulf %div3A_1000, %mul3A_1001 : vector<1600x256xf32>
    %add3A_1003 = vector.broadcast %get3A_977 : vector<1x256xf32> to vector<1600x256xf32>
    %add3A_1004 = arith.addf %mul3A_1002, %add3A_1003 : vector<1600x256xf32>
    %max3A_1005 = arith.constant 0.000000e+00 : f32
    %max3A_1006 = vector.broadcast %max3A_1005 : f32 to vector<1600x256xf32>
    %max3A_1007 = arith.maximumf %add3A_1004, %max3A_1006 : vector<1600x256xf32>
    %get3A_1008 = arith.constant 0 : index
    %get3A_1009 = arith.constant 0 : index
    %get3A_1010 = vector.load %arg46[%get3A_1008, %get3A_1009] : memref<256x128xf32, #tpu.memory_space<vmem>>, vector<256x128xf32>
    %dot_general3A_1011 = arith.constant dense<0.000000e+00> : vector<1600x128xf32>
    %dot_general3A_1012 = tpu.matmul %max3A_1007, %get3A_1010, %dot_general3A_1011 {dimension_numbers = #tpu.dot_dimension_numbers<[1], [0], [0], [1], [0, 0, 1, 1], [], []>, transpose_lhs_hint = false} : vector<1600x256xf32>, vector<256x128xf32>, vector<1600x128xf32> -> vector<1600x128xf32>
    %get3A_1013 = arith.constant 0 : index
    %get3A_1014 = arith.constant 0 : index
    %get3A_1015 = vector.load %arg47[%get3A_1013, %get3A_1014] : memref<1x128xf32, #tpu.memory_space<vmem>>, vector<1x128xf32>
    %add3A_1016 = vector.broadcast %get3A_1015 : vector<1x128xf32> to vector<1600x128xf32>
    %add3A_1017 = arith.addf %dot_general3A_1012, %add3A_1016 : vector<1600x128xf32>
    %get3A_1018 = arith.constant 0 : index
    %get3A_1019 = arith.constant 0 : index
    %get3A_1020 = vector.load %arg48[%get3A_1018, %get3A_1019] : memref<1x128xf32, #tpu.memory_space<vmem>>, vector<1x128xf32>
    %get3A_1021 = arith.constant 0 : index
    %get3A_1022 = arith.constant 0 : index
    %get3A_1023 = vector.load %arg49[%get3A_1021, %get3A_1022] : memref<1x128xf32, #tpu.memory_space<vmem>>, vector<1x128xf32>
    %reduce_sum3A_1024 = arith.constant dense<0.000000e+00> : vector<1600xf32>
    %reduce_sum3A_1025 = vector.multi_reduction <add>, %add3A_1017, %reduce_sum3A_1024 [1] : vector<1600x128xf32> to vector<1600xf32>
    %broadcast_in_dim3A_1026 = vector.shape_cast %reduce_sum3A_1025 : vector<1600xf32> to vector<1600x1xf32>
    %div3A_1027 = arith.constant 1.280000e+02 : f32
    %div3A_1028 = vector.broadcast %div3A_1027 : f32 to vector<1600x1xf32>
    %div3A_1029 = arith.divf %broadcast_in_dim3A_1026, %div3A_1028 : vector<1600x1xf32>
    %sub3A_1030 = vector.broadcast %div3A_1029 : vector<1600x1xf32> to vector<1600x128xf32>
    %sub3A_1031 = arith.subf %add3A_1017, %sub3A_1030 : vector<1600x128xf32>
    %integer_pow3A_1032 = arith.mulf %sub3A_1031, %sub3A_1031 : vector<1600x128xf32>
    %reduce_sum3A_1033 = arith.constant dense<0.000000e+00> : vector<1600xf32>
    %reduce_sum3A_1034 = vector.multi_reduction <add>, %integer_pow3A_1032, %reduce_sum3A_1033 [1] : vector<1600x128xf32> to vector<1600xf32>
    %broadcast_in_dim3A_1035 = vector.shape_cast %reduce_sum3A_1034 : vector<1600xf32> to vector<1600x1xf32>
    %div3A_1036 = arith.constant 1.280000e+02 : f32
    %div3A_1037 = vector.broadcast %div3A_1036 : f32 to vector<1600x1xf32>
    %div3A_1038 = arith.divf %broadcast_in_dim3A_1035, %div3A_1037 : vector<1600x1xf32>
    %sub3A_1039 = vector.broadcast %div3A_1029 : vector<1600x1xf32> to vector<1600x128xf32>
    %sub3A_1040 = arith.subf %add3A_1017, %sub3A_1039 : vector<1600x128xf32>
    %add3A_1041 = arith.constant 9.99999974E-6 : f32
    %add3A_1042 = vector.broadcast %add3A_1041 : f32 to vector<1600x1xf32>
    %add3A_1043 = arith.addf %div3A_1038, %add3A_1042 : vector<1600x1xf32>
    %sqrt3A_1044 = math.sqrt %add3A_1043 : vector<1600x1xf32>
    %div3A_1045 = vector.broadcast %sqrt3A_1044 : vector<1600x1xf32> to vector<1600x128xf32>
    %div3A_1046 = arith.divf %sub3A_1040, %div3A_1045 : vector<1600x128xf32>
    %mul3A_1047 = vector.broadcast %get3A_1020 : vector<1x128xf32> to vector<1600x128xf32>
    %mul3A_1048 = arith.mulf %div3A_1046, %mul3A_1047 : vector<1600x128xf32>
    %add3A_1049 = vector.broadcast %get3A_1023 : vector<1x128xf32> to vector<1600x128xf32>
    %add3A_1050 = arith.addf %mul3A_1048, %add3A_1049 : vector<1600x128xf32>
    %tanh3A = math.tanh %add3A_1050 : vector<1600x128xf32>
    %ne3A = arith.cmpf one, %tanh3A, %tanh3A : vector<1600x128xf32>
    %broadcast_in_dim3A_1051 = arith.constant 0.000000e+00 : f32
    %broadcast_in_dim3A_1052 = vector.broadcast %broadcast_in_dim3A_1051 : f32 to vector<1600x128xf32>
    %select_n3A_1053 = arith.select %ne3A, %broadcast_in_dim3A_1052, %tanh3A : vector<1600x128xi1>, vector<1600x128xf32>
    %jit3A_1054 = arith.constant -5.000000e+00 : f32
    %jit3A_1055 = arith.constant 5.000000e+00 : f32
    %max3A_1056 = vector.broadcast %jit3A_1054 : f32 to vector<1600x128xf32>
    %max3A_1057 = arith.maximumf %max3A_1056, %select_n3A_1053 : vector<1600x128xf32>
    %min3A = vector.broadcast %jit3A_1055 : f32 to vector<1600x128xf32>
    %min3A_1058 = arith.minimumf %min3A, %max3A_1057 : vector<1600x128xf32>
    %reshape3A_1059 = vector.shape_cast %min3A_1058 : vector<1600x128xf32> to vector<32x50x128xf32>
    %swap3A = arith.constant 0 : index
    %swap3A_1060 = arith.constant 0 : index
    %swap3A_1061 = arith.constant 0 : index
    %swap3A_1062 = vector.load %arg50[%swap3A, %swap3A_1060, %swap3A_1061] : memref<32x50x128xf32, #tpu.memory_space<vmem>>, vector<32x50x128xf32>
    tpu.vector_store %arg50[%swap3A, %swap3A_1060, %swap3A_1061], %reshape3A_1059 {strides = array<i32>} : memref<32x50x128xf32, #tpu.memory_space<vmem>>, vector<32x50x128xf32>,
    return
  }
  func.func @transform_0(%arg0: i32) -> (i32, i32) {
    %c0_i32 = arith.constant 0 : i32
    %c0_i32_0 = arith.constant 0 : i32
    return %arg0, %c0_i32 : i32, i32
  }
  func.func @transform_1(%arg0: i32) -> (i32, i32) {
    %c0_i32 = arith.constant 0 : i32
    %c0_i32_0 = arith.constant 0 : i32
    return %arg0, %c0_i32 : i32, i32
  }
  func.func @transform_2(%arg0: i32) -> (i32, i32) {
    %c0_i32 = arith.constant 0 : i32
    %c0_i32_0 = arith.constant 0 : i32
    return %arg0, %c0_i32 : i32, i32
  }
  func.func @transform_3(%arg0: i32) -> (i32, i32, i32) {
    %c0_i32 = arith.constant 0 : i32
    %c0_i32_0 = arith.constant 0 : i32
    %c0_i32_1 = arith.constant 0 : i32
    return %arg0, %c0_i32, %c0_i32_0 : i32, i32, i32
  }
  func.func @transform_4(%arg0: i32) -> (i32, i32, i32) {
    %c0_i32 = arith.constant 0 : i32
    %c0_i32_0 = arith.constant 0 : i32
    %c0_i32_1 = arith.constant 0 : i32
    return %arg0, %c0_i32, %c0_i32_0 : i32, i32, i32
  }
  func.func @transform_5(%arg0: i32) -> (i32, i32) {
    %c0_i32 = arith.constant 0 : i32
    %c0_i32_0 = arith.constant 0 : i32
    return %arg0, %c0_i32 : i32, i32
  }
  func.func @transform_6(%arg0: i32) -> (i32, i32) {
    %c0_i32 = arith.constant 0 : i32
    %c0_i32_0 = arith.constant 0 : i32
    return %arg0, %c0_i32 : i32, i32
  }
  func.func @transform_7(%arg0: i32) -> (i32, i32) {
    %c0_i32 = arith.constant 0 : i32
    %c0_i32_0 = arith.constant 0 : i32
    %c0_i32_1 = arith.constant 0 : i32
    return %c0_i32, %c0_i32_0 : i32, i32
  }
  func.func @transform_8(%arg0: i32) -> (i32, i32) {
    %c0_i32 = arith.constant 0 : i32
    %c0_i32_0 = arith.constant 0 : i32
    %c0_i32_1 = arith.constant 0 : i32
    return %c0_i32, %c0_i32_0 : i32, i32
  }
  func.func @transform_9(%arg0: i32) -> (i32, i32) {
    %c0_i32 = arith.constant 0 : i32
    %c0_i32_0 = arith.constant 0 : i32
    %c0_i32_1 = arith.constant 0 : i32
    return %c0_i32, %c0_i32_0 : i32, i32
  }
  func.func @transform_10(%arg0: i32) -> (i32, i32) {
    %c0_i32 = arith.constant 0 : i32
    %c0_i32_0 = arith.constant 0 : i32
    %c0_i32_1 = arith.constant 0 : i32
    return %c0_i32, %c0_i32_0 : i32, i32
  }
  func.func @transform_11(%arg0: i32) -> (i32, i32) {
    %c0_i32 = arith.constant 0 : i32
    %c0_i32_0 = arith.constant 0 : i32
    %c0_i32_1 = arith.constant 0 : i32
    return %c0_i32, %c0_i32_0 : i32, i32
  }
  func.func @transform_12(%arg0: i32) -> (i32, i32) {
    %c0_i32 = arith.constant 0 : i32
    %c0_i32_0 = arith.constant 0 : i32
    %c0_i32_1 = arith.constant 0 : i32
    return %c0_i32, %c0_i32_0 : i32, i32
  }
  func.func @transform_13(%arg0: i32) -> (i32, i32) {
    %c0_i32 = arith.constant 0 : i32
    %c0_i32_0 = arith.constant 0 : i32
    %c0_i32_1 = arith.constant 0 : i32
    return %c0_i32, %c0_i32_0 : i32, i32
  }
  func.func @transform_14(%arg0: i32) -> (i32, i32) {
    %c0_i32 = arith.constant 0 : i32
    %c0_i32_0 = arith.constant 0 : i32
    %c0_i32_1 = arith.constant 0 : i32
    return %c0_i32, %c0_i32_0 : i32, i32
  }
  func.func @transform_15(%arg0: i32) -> (i32, i32) {
    %c0_i32 = arith.constant 0 : i32
    %c0_i32_0 = arith.constant 0 : i32
    %c0_i32_1 = arith.constant 0 : i32
    return %c0_i32, %c0_i32_0 : i32, i32
  }
  func.func @transform_16(%arg0: i32) -> (i32, i32) {
    %c0_i32 = arith.constant 0 : i32
    %c0_i32_0 = arith.constant 0 : i32
    %c0_i32_1 = arith.constant 0 : i32
    return %c0_i32, %c0_i32_0 : i32, i32
  }
  func.func @transform_17(%arg0: i32) -> (i32, i32) {
    %c0_i32 = arith.constant 0 : i32
    %c0_i32_0 = arith.constant 0 : i32
    %c0_i32_1 = arith.constant 0 : i32
    return %c0_i32, %c0_i32_0 : i32, i32
  }
  func.func @transform_18(%arg0: i32) -> (i32, i32) {
    %c0_i32 = arith.constant 0 : i32
    %c0_i32_0 = arith.constant 0 : i32
    %c0_i32_1 = arith.constant 0 : i32
    return %c0_i32, %c0_i32_0 : i32, i32
  }
  func.func @transform_19(%arg0: i32) -> (i32, i32) {
    %c0_i32 = arith.constant 0 : i32
    %c0_i32_0 = arith.constant 0 : i32
    %c0_i32_1 = arith.constant 0 : i32
    return %c0_i32, %c0_i32_0 : i32, i32
  }
  func.func @transform_20(%arg0: i32) -> (i32, i32) {
    %c0_i32 = arith.constant 0 : i32
    %c0_i32_0 = arith.constant 0 : i32
    %c0_i32_1 = arith.constant 0 : i32
    return %c0_i32, %c0_i32_0 : i32, i32
  }
  func.func @transform_21(%arg0: i32) -> (i32, i32) {
    %c0_i32 = arith.constant 0 : i32
    %c0_i32_0 = arith.constant 0 : i32
    %c0_i32_1 = arith.constant 0 : i32
    return %c0_i32, %c0_i32_0 : i32, i32
  }
  func.func @transform_22(%arg0: i32) -> (i32, i32) {
    %c0_i32 = arith.constant 0 : i32
    %c0_i32_0 = arith.constant 0 : i32
    %c0_i32_1 = arith.constant 0 : i32
    return %c0_i32, %c0_i32_0 : i32, i32
  }
  func.func @transform_23(%arg0: i32) -> (i32, i32) {
    %c0_i32 = arith.constant 0 : i32
    %c0_i32_0 = arith.constant 0 : i32
    %c0_i32_1 = arith.constant 0 : i32
    return %c0_i32, %c0_i32_0 : i32, i32
  }
  func.func @transform_24(%arg0: i32) -> (i32, i32) {
    %c0_i32 = arith.constant 0 : i32
    %c0_i32_0 = arith.constant 0 : i32
    %c0_i32_1 = arith.constant 0 : i32
    return %c0_i32, %c0_i32_0 : i32, i32
  }
  func.func @transform_25(%arg0: i32) -> (i32, i32) {
    %c0_i32 = arith.constant 0 : i32
    %c0_i32_0 = arith.constant 0 : i32
    %c0_i32_1 = arith.constant 0 : i32
    return %c0_i32, %c0_i32_0 : i32, i32
  }
  func.func @transform_26(%arg0: i32) -> (i32, i32) {
    %c0_i32 = arith.constant 0 : i32
    %c0_i32_0 = arith.constant 0 : i32
    %c0_i32_1 = arith.constant 0 : i32
    return %c0_i32, %c0_i32_0 : i32, i32
  }
  func.func @transform_27(%arg0: i32) -> (i32, i32) {
    %c0_i32 = arith.constant 0 : i32
    %c0_i32_0 = arith.constant 0 : i32
    %c0_i32_1 = arith.constant 0 : i32
    return %c0_i32, %c0_i32_0 : i32, i32
  }
  func.func @transform_28(%arg0: i32) -> (i32, i32) {
    %c0_i32 = arith.constant 0 : i32
    %c0_i32_0 = arith.constant 0 : i32
    %c0_i32_1 = arith.constant 0 : i32
    return %c0_i32, %c0_i32_0 : i32, i32
  }
  func.func @transform_29(%arg0: i32) -> (i32, i32) {
    %c0_i32 = arith.constant 0 : i32
    %c0_i32_0 = arith.constant 0 : i32
    %c0_i32_1 = arith.constant 0 : i32
    return %c0_i32, %c0_i32_0 : i32, i32
  }
  func.func @transform_30(%arg0: i32) -> (i32, i32) {
    %c0_i32 = arith.constant 0 : i32
    %c0_i32_0 = arith.constant 0 : i32
    %c0_i32_1 = arith.constant 0 : i32
    return %c0_i32, %c0_i32_0 : i32, i32
  }
  func.func @transform_31(%arg0: i32) -> (i32, i32) {
    %c0_i32 = arith.constant 0 : i32
    %c0_i32_0 = arith.constant 0 : i32
    %c0_i32_1 = arith.constant 0 : i32
    return %c0_i32, %c0_i32_0 : i32, i32
  }
  func.func @transform_32(%arg0: i32) -> (i32, i32) {
    %c0_i32 = arith.constant 0 : i32
    %c0_i32_0 = arith.constant 0 : i32
    %c0_i32_1 = arith.constant 0 : i32
    return %c0_i32, %c0_i32_0 : i32, i32
  }
  func.func @transform_33(%arg0: i32) -> (i32, i32) {
    %c0_i32 = arith.constant 0 : i32
    %c0_i32_0 = arith.constant 0 : i32
    %c0_i32_1 = arith.constant 0 : i32
    return %c0_i32, %c0_i32_0 : i32, i32
  }
  func.func @transform_34(%arg0: i32) -> (i32, i32) {
    %c0_i32 = arith.constant 0 : i32
    %c0_i32_0 = arith.constant 0 : i32
    %c0_i32_1 = arith.constant 0 : i32
    return %c0_i32, %c0_i32_0 : i32, i32
  }
  func.func @transform_35(%arg0: i32) -> (i32, i32) {
    %c0_i32 = arith.constant 0 : i32
    %c0_i32_0 = arith.constant 0 : i32
    %c0_i32_1 = arith.constant 0 : i32
    return %c0_i32, %c0_i32_0 : i32, i32
  }
  func.func @transform_36(%arg0: i32) -> (i32, i32) {
    %c0_i32 = arith.constant 0 : i32
    %c0_i32_0 = arith.constant 0 : i32
    %c0_i32_1 = arith.constant 0 : i32
    return %c0_i32, %c0_i32_0 : i32, i32
  }
  func.func @transform_37(%arg0: i32) -> (i32, i32) {
    %c0_i32 = arith.constant 0 : i32
    %c0_i32_0 = arith.constant 0 : i32
    %c0_i32_1 = arith.constant 0 : i32
    return %c0_i32, %c0_i32_0 : i32, i32
  }
  func.func @transform_38(%arg0: i32) -> (i32, i32) {
    %c0_i32 = arith.constant 0 : i32
    %c0_i32_0 = arith.constant 0 : i32
    %c0_i32_1 = arith.constant 0 : i32
    return %c0_i32, %c0_i32_0 : i32, i32
  }
  func.func @transform_39(%arg0: i32) -> (i32, i32) {
    %c0_i32 = arith.constant 0 : i32
    %c0_i32_0 = arith.constant 0 : i32
    %c0_i32_1 = arith.constant 0 : i32
    return %c0_i32, %c0_i32_0 : i32, i32
  }
  func.func @transform_40(%arg0: i32) -> (i32, i32) {
    %c0_i32 = arith.constant 0 : i32
    %c0_i32_0 = arith.constant 0 : i32
    %c0_i32_1 = arith.constant 0 : i32
    return %c0_i32, %c0_i32_0 : i32, i32
  }
  func.func @transform_41(%arg0: i32) -> (i32, i32) {
    %c0_i32 = arith.constant 0 : i32
    %c0_i32_0 = arith.constant 0 : i32
    %c0_i32_1 = arith.constant 0 : i32
    return %c0_i32, %c0_i32_0 : i32, i32
  }
  func.func @transform_42(%arg0: i32) -> (i32, i32) {
    %c0_i32 = arith.constant 0 : i32
    %c0_i32_0 = arith.constant 0 : i32
    %c0_i32_1 = arith.constant 0 : i32
    return %c0_i32, %c0_i32_0 : i32, i32
  }
  func.func @transform_43(%arg0: i32) -> (i32, i32) {
    %c0_i32 = arith.constant 0 : i32
    %c0_i32_0 = arith.constant 0 : i32
    %c0_i32_1 = arith.constant 0 : i32
    return %c0_i32, %c0_i32_0 : i32, i32
  }
  func.func @transform_44(%arg0: i32) -> (i32, i32) {
    %c0_i32 = arith.constant 0 : i32
    %c0_i32_0 = arith.constant 0 : i32
    %c0_i32_1 = arith.constant 0 : i32
    return %c0_i32, %c0_i32_0 : i32, i32
  }
  func.func @transform_45(%arg0: i32) -> (i32, i32) {
    %c0_i32 = arith.constant 0 : i32
    %c0_i32_0 = arith.constant 0 : i32
    %c0_i32_1 = arith.constant 0 : i32
    return %c0_i32, %c0_i32_0 : i32, i32
  }
  func.func @transform_46(%arg0: i32) -> (i32, i32) {
    %c0_i32 = arith.constant 0 : i32
    %c0_i32_0 = arith.constant 0 : i32
    %c0_i32_1 = arith.constant 0 : i32
    return %c0_i32, %c0_i32_0 : i32, i32
  }
  func.func @transform_47(%arg0: i32) -> (i32, i32) {
    %c0_i32 = arith.constant 0 : i32
    %c0_i32_0 = arith.constant 0 : i32
    %c0_i32_1 = arith.constant 0 : i32
    return %c0_i32, %c0_i32_0 : i32, i32
  }
  func.func @transform_48(%arg0: i32) -> (i32, i32) {
    %c0_i32 = arith.constant 0 : i32
    %c0_i32_0 = arith.constant 0 : i32
    %c0_i32_1 = arith.constant 0 : i32
    return %c0_i32, %c0_i32_0 : i32, i32
  }
  func.func @transform_49(%arg0: i32) -> (i32, i32, i32) {
    %c0_i32 = arith.constant 0 : i32
    %c0_i32_0 = arith.constant 0 : i32
    %c0_i32_1 = arith.constant 0 : i32
    return %arg0, %c0_i32, %c0_i32_0 : i32, i32, i32
  }
}

</mosaic_0001>

<sc_bundles>
// kernel: kernel.4.cloned.1.call-start
scs
__scs_entry_jumppad:
0x0: {  	(pc) =	sbr.rel $0x88, $3  }
0x1: {  	(tag) =	ssettag $0x0;
	lr =	simm.s32 $0x1  }
0x2: {  	[smem:$0x3F6E] =	sst lr;
	_ =	strace $0xD0000000  }
0x3: {  	_ = 	snop  }
0x4: {  	_ = 	snop  }
0x5: {  	_ = 	snop  }
0x6: {  	_ = 	snop  }
0x7: {  	_ = 	snop  }
__scs_overlays_trampoline_lowered:
0x8: {  	[smem:$0x3F7D] =	sst s0  }
0x9: {  	[smem:$0x3F7E] =	sst s1  }
0xa: {  	[smem:$0x3F7F] =	sst s2  }
0xb: {  	[smem:$0x3F80] =	sst s3  }
0xc: {  	[smem:$0x3F81] =	sst s4  }
0xd: {  	[smem:$0x3F82] =	sst s5  }
0xe: {  	[smem:$0x3F83] =	sst s6  }
0xf: {  	[smem:$0x3F84] =	sst s7  }
0x10: {  	[smem:$0x3F85] =	sst s8  }
0x11: {  	[smem:$0x3F86] =	sst s9;
	s0 =	simm.s32 @!p0 $0x0  }
0x12: {  	s1 =	sld [smem:$0x3F6C];
	s0 =	simm.s32 @p0 $0x1  }
0x13: {  	[smem:$0x3F87] =	sst s0;
	s0 =	simm.s32 @!p1 $0x0  }
0x14: {  	s2 =	sld [smem:$0x3F6B];
	s0 =	simm.s32 @p1 $0x1  }
0x15: {  	[smem:$0x3F88] =	sst s0;
	s0 =	simm.s32 @!p2 $0x0  }
0x16: {  	s3 =	sld [smem:$0x3FDB];
	s0 =	simm.s32 @p2 $0x1  }
0x17: {  	s4 =	simm.s32 $0x1BF5;
	[smem:$0x3F8A] =	sst s0  }
0x18: {  	s0 =	sld [smem:$0x3F6D];
	_ =	swait.ge [sflag:s4], $0x0  }
0x19: {  	s7 =	sld [smem:$0x3F6E]  }
0x1a: {  	s8 =	sadd.s32 $0xFFFFE003, lr  }
0x1b: {  	s9 =	sadd.s32 $0xFFFFFEF7, lr;
	s5 =	simm.s32 $0xFFFFFFFF;
	p2 =	slt.u32 s8, $0xFFFFF086  }
0x1c: {  	p1 =	slt.u32 s9, $0xF7A;
	s5 =	simm.s32 @!p2 $0x0  }
0x1d: {  	s5 =	simm.s32 @p1 $0x1;
	p0 =	seq.s32 s7, s2  }
0x1e: {  	s7 =	smul.u32 @!p0 $0xF7A, s2;
	p2 =	seq.s32 @!p0 s5, $0x0  }
0x1f: {  	s9 =	smul.u32 $0xF7A, s1;
	s8 =	simm.s32 @!p0 $0x1BF5;
	p2 =	por !p2, p0  }
0x20: {  	[sflag:s8] =	ssyncset.s32 @!p0 $0xFFFFF086;
	s6 =	sadd.s32 @!p0 s3, s7;
	s7 =	simm.s32 @!p0 $0x108  }
0x21: {  	s3 =	sadd.s32 s3, s9;
	s6 =	sadd.s32 @!p0 $0x88, s6;
	s7 =	simm.s32 @p2 $0x1082  }
0x22: {  	[simem:s7], [sflag:s8] =	dma.local @!p0 [hbm:s6], $0xF7A  }
0x23: {  	s9 =	sor.u32 $0xD0000000, s2;
	s6 =	simm.s32 $0x108;
	_ =	swait.ge @!p0 [sflag:s8], $0x0  }
0x24: {  	s3 =	sadd.s32 $0x88, s3;
	s6 =	simm.s32 @!p1 $0x1082;
	[sflag:s4] =	ssyncset.s32 $0xFFFFF086  }
0x25: {  	[simem:s6], [sflag:s4] =	dma.local [hbm:s3], $0xF7A  }
0x26: {  	[smem:$0x3F6E] =	sst s1;
	(tag) =	ssettag s2;
	_ =	strace s9  }
0x27: {  	s1 =	sld [smem:$0x3F7E]  }
0x28: {  	s2 =	sld [smem:$0x3F7F]  }
0x29: {  	s4 =	sld [smem:$0x3F81]  }
0x2a: {  	p0 =	seq.s32 s5, $0x0;
	s5 =	sld [smem:$0x3F82]  }
0x2b: {  	s6 =	sld [smem:$0x3F83]  }
0x2c: {  	s7 =	sld [smem:$0x3F84]  }
0x2d: {  	s3 =	simm.s32 $0x108;
	s8 =	sld [smem:$0x3F85]  }
0x2e: {  	s3 =	simm.s32 @!p0 $0x1082;
	s9 =	sld [smem:$0x3F86]  }
0x2f: {  	lr =	sadd.s32 s0, s3;
	s0 =	sld [smem:$0x3F7D]  }
0x30: {  	s3 =	sld [smem:$0x3F80]  }
0x31: {  	[smem:$0x3F89] =	sst s10  }
0x32: {  	s10 =	sld [smem:$0x3F87];
	_ =	sdelay $0x3  }
0x33: {  	p0 =	seq.s32 s10, $0x1;
	s10 =	sld [smem:$0x3F89];
	_ =	sdelay $0x3  }
0x34: {  	[smem:$0x3F89] =	sst s10  }
0x35: {  	s10 =	sld [smem:$0x3F88];
	_ =	sdelay $0x3  }
0x36: {  	p1 =	seq.s32 s10, $0x1;
	s10 =	sld [smem:$0x3F89];
	_ =	sdelay $0x3  }
0x37: {  	[smem:$0x3F89] =	sst s10  }
0x38: {  	s10 =	sld [smem:$0x3F8A]  }
0x39: {  	_ = 	snop;
	(pc) =	sbr.ind lr, $3  }
0x3a: {  	_ = 	snop  }
0x3b: {  	_ = 	snop  }
0x3c: {  	p2 =	seq.s32 s10, $0x1;
	s10 =	sld [smem:$0x3F89]  }
0x3d: {  	_ =	shalt  }
0x3e: {  	_ =	shalt  }
0x3f: {  	_ =	shalt  }
0x40: {  	_ =	shalt  }
0x41: {  	_ =	shalt  }
0x42: {  	_ =	shalt  }
0x43: {  	_ =	shalt  }
0x44: {  	_ =	shalt  }
0x45: {  	_ =	shalt  }
0x46: {  	_ =	shalt  }
0x47: {  	_ =	shalt  }
0x48: {  	_ =	shalt  }
0x49: {  	_ =	shalt  }
0x4a: {  	_ =	shalt  }
0x4b: {  	_ =	shalt  }
0x4c: {  	_ =	shalt  }
0x4d: {  	_ =	shalt  }
0x4e: {  	_ =	shalt  }
0x4f: {  	_ =	shalt  }
0x50: {  	_ =	shalt  }
0x51: {  	_ =	shalt  }
0x52: {  	_ =	shalt  }
0x53: {  	_ =	shalt  }
0x54: {  	_ =	shalt  }
0x55: {  	_ =	shalt  }
0x56: {  	_ =	shalt  }
0x57: {  	_ =	shalt  }
0x58: {  	_ =	shalt  }
0x59: {  	_ =	shalt  }
0x5a: {  	_ =	shalt  }
0x5b: {  	_ =	shalt  }
0x5c: {  	_ =	shalt  }
0x5d: {  	_ =	shalt  }
0x5e: {  	_ =	shalt  }
0x5f: {  	_ =	shalt  }
0x60: {  	_ =	shalt  }
0x61: {  	_ =	shalt  }
0x62: {  	_ =	shalt  }
0x63: {  	_ =	shalt  }
0x64: {  	_ =	shalt  }
0x65: {  	_ =	shalt  }
0x66: {  	_ =	shalt  }
0x67: {  	_ =	shalt  }
0x68: {  	_ =	shalt  }
0x69: {  	_ =	shalt  }
0x6a: {  	_ =	shalt  }
0x6b: {  	_ =	shalt  }
0x6c: {  	_ =	shalt  }
0x6d: {  	_ =	shalt  }
0x6e: {  	_ =	shalt  }
0x6f: {  	_ =	shalt  }
0x70: {  	_ =	shalt  }
0x71: {  	_ =	shalt  }
0x72: {  	_ =	shalt  }
0x73: {  	_ =	shalt  }
0x74: {  	_ =	shalt  }
0x75: {  	_ =	shalt  }
0x76: {  	_ =	shalt  }
0x77: {  	_ =	shalt  }
0x78: {  	_ =	shalt  }
0x79: {  	_ =	shalt  }
0x7a: {  	_ =	shalt  }
0x7b: {  	_ =	shalt  }
0x7c: {  	_ =	shalt  }
0x7d: {  	_ =	shalt  }
0x7e: {  	_ =	shalt  }
0x7f: {  	_ =	shalt  }
0x80: {  	_ =	shalt  }
0x81: {  	_ =	shalt  }
0x82: {  	_ =	shalt  }
0x83: {  	_ =	shalt  }
0x84: {  	_ =	shalt  }
0x85: {  	_ =	shalt  }
0x86: {  	_ =	shalt  }
0x87: {  	_ =	shalt  }
.Lfunc_end0:
.L_simem_size_0:
called_computation.1_lowered:
.L_overlay_start_0:
0x88: {  	s2 =	sld [smem:$0x3FD9]  }
0x89: {  	s3 =	sld [smem:$0x3FFE];
	_ =	sdelay $0x1  }
0x8a: {  	s1 =	srdreg.scid  }
0x8b: {  	s0 =	sand.u32 $0x1, s1  }
0x8c: {  	s16 =	sshll.u32 s0, $0xA;
	s2 =	sadd.s32 s3, s2  }
0x8d: {  	s2 =	sadd.s32 s2, s16  }
0x8e: {  	[smem:$0x3F95] =	sst s2  }
0x8f: {  	_ = 	snop  }
0x90: {  	(tm) =	ssettm $0x1  }
0x91: {  	s17 =	sld [smem:$0x3FFB];
	_ =	sdelay $0x3  }
0x92: {  	_ =	strace s17  }
0x93: {  	s2 =	sld [smem:$0x3FFC];
	_ =	sdelay $0x3  }
0x94: {  	_ =	strace s2  }
0x95: {  	s2 =	sld [smem:$0x3FFD];
	_ =	sdelay $0x3  }
0x96: {  	_ =	strace s2  }
0x97: {  	_ =	strace $0x8FFFFFFF  }
0x98: {  	s18 =	sld [smem:$0x3FDB];
	_ =	sdelay $0x1  }
0x99: {  	s19 =	simm.s32 $_scs_section_size  }
0x9a: {  	s4 =	simm.s32 $_size__tile_overlayer_lowered;
	s5 =	simm.s32 $_tile_overlayer_lowered  }
0x9b: {  	s22 =	simm.s32 $0x1BFF;
	s21 =	sshll.u32 s5, $0x1;
	s2 =	sadd.s32 s19, s18  }
0x9c: {  	s6 =	simm.s32 $0x0;
	s20 =	sshll.u32 s4, $0x1;
	s4 =	sadd.s32 s21, s2  }
0x9d: {  	[timem:s6], [sflag:s22] =	dma.local [hbm:s4], s20  }
0x9e: {  	_ =	swait.ge [sflag:s22], s20  }
0x9f: {  	s3 =	ssub.s32 $0x0, s20;
	[sflag:s22] =	ssyncset.done $0x0  }
0xa0: {  	[sflag:s22] =	ssyncadd.s32 s3;
	_ =	sdelay $0x1  }
0xa1: {  	s23 =	simm.s32 $0x1B8B  }
0xa2: {  	_ =	swait.ge [sflag:s23], $0x1  }
0xa3: {  	[sflag:s23] =	ssyncset.done $0x0  }
0xa4: {  	s25 =	simm.s32 $0x1B8E;
	s24 =	sld [smem:$0x3FFE];
	[sflag:s23] =	ssyncadd.s32 $0xFFFFFFFF  }
0xa5: {  	s26 =	simm.s32 $execute0_lowered;
	[smem:$0x3FD2] =	sst s25  }
0xa6: {  	s4 =	sshll.u32 s26, $0x1;
	_ =	strace $0x80000049;
	[dreg:$0x1] =	wrdreg $0xFFFFFFFF  }
0xa7: {  	s28 =	simm.s32 $_size_execute0_lowered;
	s2 =	sadd.s32 s2, s4;
	[dreg:$0x0] =	wrdreg $0x0  }
0xa8: {  	s4 =	sshll.u32 s28, $0x1;
	[dreg:$0x2] =	wrdreg s2  }
0xa9: {  	[dreg:$0x3] =	wrdreg s4  }
0xaa: {  	[dreg:$0x4] =	wrdreg $0xC0  }
0xab: {  	_ =	task [dreg:s6], $0x5FFFF  }
0xac: {  	[dreg:$0x1] =	wrdreg $0xFFFFFFFF  }
0xad: {  	[dreg:$0x0] =	wrdreg $0x60  }
0xae: {  	[dreg:$0x2] =	wrdreg s24  }
0xaf: {  	[dreg:$0x3] =	wrdreg $0x9  }
0xb0: {  	_ =	task.clear_ibuf [dreg:s6], $0x4FFFF;
	_ =	strace $0x90000049  }
0xb1: {  	s29 =	simm.s32 $0x9;
	_ =	strace $0x8000004B  }
0xb2: {  	_ =	swait.ge [sflag:s29], $0x1  }
0xb3: {  	[sflag:s29] =	ssyncadd.s32 $0xFFFFFFFF  }
0xb4: {  	_ =	strace $0x9000004B  }
0xb5: {  	_ =	sfence  }
0xb6: {  	s30 =	sld [smem:$0x0];
	_ =	sdelay $0x2  }
0xb7: {  	s31 =	sshll.u32 s1, $0xD;
	s1 =	sshrl.u32 s1, $0x2  }
0xb8: {  	s3 =	sand.u32 $0x4000, s31;
	s1 =	sadd.s32 s1, s30  }
0xb9: {  	s0 =	sor.u32 s3, s0;
	s1 =	sshll.u32 s1, $0x11  }
0xba: {  	s0 =	sor.u32 s1, s0  }
0xbb: {  	s0 =	sadd.s32 $0x8F2B, s0  }
0xbc: {  	[sflag:s0] =	ssyncadd.remote.s32 $0x1  }
0xbd: {  	_ =	sfence.sel $0xFFFF  }
0xbe: {  	[dreg:$0x0] =	wrdreg $0xFFFFFFFF;
	(pc) =	sbr.abs _section_cstart, $3  }
0xbf: {  	[dreg:$0x1] =	wrdreg $0xFFFFFFFF  }
0xc0: {  	_ =	task.clear_ibuf [dreg:s6], $0x2FFFF;
	_ =	strace $0x9FFFFFFF  }
0xc1: {  	(tm) =	ssettm $0x7FFFFFFF  }
tec
execute0_lowered:
.L_overlay_start_1:
0x0: {  	(tag) =	ssettag $0x1  }
0x1: {  	s0 =	srdreg.scid  }
0x2: {  	s1 =	stileid.u32;
	s3 =	rddreg [dreg:$0x0]  }
0x3: {  	s2 =	simm.s32 $0x0;
	s0 =	sand.u32 $0x1, s0;
	s1 =	sshll.u32 s1, $0x1  }
0x4: {  	s14 =	simm.s32 $0x2;
	s1 =	sor.u32 s0, s1;
	s0 =	ssub.s32 $0x2, s0  }
0x5: {  	s7 =	simm.s32 $0x32;
	s4 =	smul.u32 $0xE0, s1;
	s5 =	sshrl.u32 s0, $0x1  }
0x6: {  	[smem:$0x7FF] =	sst s2;
	s1 =	smul.u32 $0x3200, s1;
	s0 =	ssub.s32 s0, s5  }
0x7: {  	_ =	strace $0x8000004A;
	s4 =	sadd.s32 s4, s3;
	s5 =	smax.u32 s0, $0x1  }
0x8: {  	s1 =	sadd.s32 s1, s3;
	s29 =	sadd.s32 $0xF4B000, s4;
	p1 =	sne.s32 s5, $0x1  }
.Ltmp0:
0x9: {  	s30 =	sadd.s32 $0xFB0C00, s1;
	[dreg:$0x2] =	wrdreg s29;
	(pc) =	sbr.rel @!p1 .LBB2_4-.Ltmp0, $4  }
0xa: {  	p0 =	por $0x0, $0x0;
	s31 =	sadd.s32 $0xF49400, s4;
	[dreg:$0x3] =	wrdreg s30  }
0xb: {  	s20 =	sadd.s32 $0x1193400, s3;
	s1 =	sadd.s32 $0xF4CC00, s1;
	[dreg:$0x4] =	wrdreg s31  }
0xc: {  	s6 =	sadd.s32 $0x10CFE00, s3;
	s4 =	simm.s32 $0x700;
	[dreg:$0x5] =	wrdreg s1  }
0xd: {  	s0 =	sadd.s32 $0xFFFFFFFF, s5;
	s5 =	simm.s32 $0x1;
	s22 =	rddreg [dreg:$0x2]  }
0xe: {  	[tilespmem:s2], [sflag:$0x2] =	stream.linear.gather [hbm4b:s22+s2], $0x700, $0x38;
	[tilespmem:$0x19700] =	vst v63  }
0xf: {  	_ =	swait.ge [sflag:s14], $0x700  }
0x10: {  	[sflag:s14] =	ssyncset.done $0x0  }
0x11: {  	[sflag:s14] =	ssyncadd.s32 $0xFFFFF900  }
0x12: {  	[tilespmem:s4], [sflag:$0x1] =	stream.indirect.gather [hbm4b:s20+s7], $0x40, s2, s7, $0xb8;
	[tilespmem:$0x19700] =	vst v63  }
0x13: {  	s1 =	simm.s32 $0x38;
	s12 =	simm.s32 $0x1380  }
0x14: {  	[tilespmem:s12], [sflag:$0x1] =	stream.indirect.gather [hbm4b:s20+s7], $0x40, s1, s7, $0xb8;
	[tilespmem:$0x19700] =	vst v63  }
0x15: {  	s13 =	simm.s32 $0x70;
	s15 =	simm.s32 $0x2000  }
0x16: {  	[tilespmem:s15], [sflag:$0x1] =	stream.indirect.gather [hbm4b:s20+s7], $0x40, s13, s7, $0xb8;
	[tilespmem:$0x19700] =	vst v63  }
0x17: {  	s16 =	simm.s32 $0xA8;
	s17 =	simm.s32 $0x2C80  }
0x18: {  	[tilespmem:s17], [sflag:$0x1] =	stream.indirect.gather [hbm4b:s20+s7], $0x40, s16, s7, $0xb8;
	[tilespmem:$0x19700] =	vst v63  }
0x19: {  	s18 =	simm.s32 $0xE0;
	s19 =	simm.s32 $0x3900  }
0x1a: {  	[tilespmem:s19], [sflag:$0x1] =	stream.indirect.gather [hbm4b:s20+s7], $0x40, s18, s7, $0xb8;
	[tilespmem:$0x19700] =	vst v63  }
0x1b: {  	s21 =	simm.s32 $0x118;
	s22 =	simm.s32 $0x4580  }
0x1c: {  	[tilespmem:s22], [sflag:$0x1] =	stream.indirect.gather [hbm4b:s20+s7], $0x40, s21, s7, $0xb8;
	[tilespmem:$0x19700] =	vst v63  }
0x1d: {  	s23 =	simm.s32 $0x150;
	s31 =	simm.s32 $0x5200  }
0x1e: {  	[tilespmem:s31], [sflag:$0x1] =	stream.indirect.gather [hbm4b:s20+s7], $0x40, s23, s7, $0xb8;
	[tilespmem:$0x19700] =	vst v63  }
0x1f: {  	s24 =	simm.s32 $0x188;
	s26 =	simm.s32 $0x5E80  }
0x20: {  	[tilespmem:s26], [sflag:$0x1] =	stream.indirect.gather [hbm4b:s20+s7], $0x40, s24, s7, $0xb8;
	[tilespmem:$0x19700] =	vst v63  }
0x21: {  	s25 =	simm.s32 $0x1C0;
	s19 =	simm.s32 $0x6B00  }
0x22: {  	[tilespmem:s19], [sflag:$0x1] =	stream.indirect.gather [hbm4b:s20+s7], $0x40, s25, s7, $0xb8;
	[tilespmem:$0x19700] =	vst v63  }
0x23: {  	s29 =	simm.s32 $0x1F8;
	s18 =	simm.s32 $0x7780  }
0x24: {  	[tilespmem:s18], [sflag:$0x1] =	stream.indirect.gather [hbm4b:s20+s7], $0x40, s29, s7, $0xb8;
	[tilespmem:$0x19700] =	vst v63  }
0x25: {  	s13 =	simm.s32 $0x8400;
	s24 =	simm.s32 $0x230  }
0x26: {  	[tilespmem:s13], [sflag:$0x1] =	stream.indirect.gather [hbm4b:s20+s7], $0x40, s24, s7, $0xb8;
	[tilespmem:$0x19700] =	vst v63  }
0x27: {  	s12 =	simm.s32 $0x268;
	s15 =	simm.s32 $0x9080  }
0x28: {  	[tilespmem:s15], [sflag:$0x1] =	stream.indirect.gather [hbm4b:s20+s7], $0x40, s12, s7, $0xb8;
	[tilespmem:$0x19700] =	vst v63  }
0x29: {  	s3 =	simm.s32 $0x9D00;
	s4 =	simm.s32 $0x2A0  }
0x2a: {  	[tilespmem:s3], [sflag:$0x1] =	stream.indirect.gather [hbm4b:s20+s7], $0x40, s4, s7, $0xb8;
	[tilespmem:$0x19700] =	vst v63  }
0x2b: {  	s8 =	simm.s32 $0x2D8;
	s10 =	simm.s32 $0xA980  }
0x2c: {  	[tilespmem:s10], [sflag:$0x1] =	stream.indirect.gather [hbm4b:s20+s7], $0x40, s8, s7, $0xb8;
	[tilespmem:$0x19700] =	vst v63  }
0x2d: {  	s9 =	simm.s32 $0x310;
	s17 =	simm.s32 $0xB600  }
0x2e: {  	[tilespmem:s17], [sflag:$0x1] =	stream.indirect.gather [hbm4b:s20+s7], $0x40, s9, s7, $0xb8;
	[tilespmem:$0x19700] =	vst v63  }
0x2f: {  	s11 =	simm.s32 $0x348;
	s25 =	simm.s32 $0xC280  }
0x30: {  	[tilespmem:s25], [sflag:$0x1] =	stream.indirect.gather [hbm4b:s20+s7], $0x40, s11, s7, $0xb8;
	[tilespmem:$0x19700] =	vst v63  }
0x31: {  	s30 =	simm.s32 $0xCF00;
	s16 =	simm.s32 $0x380  }
0x32: {  	[tilespmem:s30], [sflag:$0x1] =	stream.indirect.gather [hbm4b:s20+s7], $0x40, s16, s7, $0xb8;
	[tilespmem:$0x19700] =	vst v63  }
0x33: {  	s28 =	simm.s32 $0xDB80;
	s23 =	simm.s32 $0x3B8  }
0x34: {  	[tilespmem:s28], [sflag:$0x1] =	stream.indirect.gather [hbm4b:s20+s7], $0x40, s23, s7, $0xb8;
	[tilespmem:$0x19700] =	vst v63  }
0x35: {  	s22 =	simm.s32 $0xE800;
	s28 =	simm.s32 $0x3F0  }
0x36: {  	[tilespmem:s22], [sflag:$0x1] =	stream.indirect.gather [hbm4b:s20+s7], $0x40, s28, s7, $0xb8;
	[tilespmem:$0x19700] =	vst v63  }
0x37: {  	s1 =	smov.u32 s0;
	s0 =	simm.s32 $0xF480;
	s22 =	simm.s32 $0x428  }
0x38: {  	[tilespmem:s0], [sflag:$0x1] =	stream.indirect.gather [hbm4b:s20+s7], $0x40, s22, s7, $0xb8;
	[tilespmem:$0x19700] =	vst v63  }
0x39: {  	s22 =	simm.s32 $0x460;
	s0 =	simm.s32 $0x10100  }
0x3a: {  	[tilespmem:s0], [sflag:$0x1] =	stream.indirect.gather [hbm4b:s20+s7], $0x40, s22, s7, $0xb8;
	[tilespmem:$0x19700] =	vst v63  }
0x3b: {  	s22 =	simm.s32 $0x498;
	s0 =	simm.s32 $0x10D80  }
0x3c: {  	[tilespmem:s0], [sflag:$0x1] =	stream.indirect.gather [hbm4b:s20+s7], $0x40, s22, s7, $0xb8;
	[tilespmem:$0x19700] =	vst v63  }
0x3d: {  	s22 =	simm.s32 $0x4D0;
	s0 =	simm.s32 $0x11A00  }
0x3e: {  	[tilespmem:s0], [sflag:$0x1] =	stream.indirect.gather [hbm4b:s20+s7], $0x40, s22, s7, $0xb8;
	[tilespmem:$0x19700] =	vst v63  }
0x3f: {  	s22 =	simm.s32 $0x508;
	s0 =	simm.s32 $0x12680  }
0x40: {  	[tilespmem:s0], [sflag:$0x1] =	stream.indirect.gather [hbm4b:s20+s7], $0x40, s22, s7, $0xb8;
	[tilespmem:$0x19700] =	vst v63  }
0x41: {  	s22 =	simm.s32 $0x540;
	s0 =	simm.s32 $0x13300  }
0x42: {  	[tilespmem:s0], [sflag:$0x1] =	stream.indirect.gather [hbm4b:s20+s7], $0x40, s22, s7, $0xb8;
	[tilespmem:$0x19700] =	vst v63  }
0x43: {  	s22 =	simm.s32 $0x578;
	s0 =	simm.s32 $0x13F80  }
0x44: {  	[tilespmem:s0], [sflag:$0x1] =	stream.indirect.gather [hbm4b:s20+s7], $0x40, s22, s7, $0xb8;
	[tilespmem:$0x19700] =	vst v63  }
0x45: {  	s22 =	simm.s32 $0x5B0;
	s0 =	simm.s32 $0x14C00  }
0x46: {  	[tilespmem:s0], [sflag:$0x1] =	stream.indirect.gather [hbm4b:s20+s7], $0x40, s22, s7, $0xb8;
	[tilespmem:$0x19700] =	vst v63  }
0x47: {  	s22 =	simm.s32 $0x5E8;
	s0 =	simm.s32 $0x15880  }
0x48: {  	[tilespmem:s0], [sflag:$0x1] =	stream.indirect.gather [hbm4b:s20+s7], $0x40, s22, s7, $0xb8;
	[tilespmem:$0x19700] =	vst v63  }
0x49: {  	s22 =	simm.s32 $0x620;
	s0 =	simm.s32 $0x16500  }
0x4a: {  	[tilespmem:s0], [sflag:$0x1] =	stream.indirect.gather [hbm4b:s20+s7], $0x40, s22, s7, $0xb8;
	[tilespmem:$0x19700] =	vst v63  }
0x4b: {  	s0 =	simm.s32 $0x658;
	s22 =	simm.s32 $0x17180  }
0x4c: {  	[tilespmem:s22], [sflag:$0x1] =	stream.indirect.gather [hbm4b:s20+s7], $0x40, s0, s7, $0xb8;
	[tilespmem:$0x19700] =	vst v63  }
0x4d: {  	s0 =	simm.s32 $0x690;
	s22 =	simm.s32 $0x17E00  }
0x4e: {  	[tilespmem:s22], [sflag:$0x1] =	stream.indirect.gather [hbm4b:s20+s7], $0x40, s0, s7, $0xb8;
	[tilespmem:$0x19700] =	vst v63  }
0x4f: {  	s0 =	simm.s32 $0x6C8;
	s22 =	simm.s32 $0x18A80  }
0x50: {  	[tilespmem:s22], [sflag:$0x1] =	stream.indirect.gather [hbm4b:s20+s7], $0x40, s0, s7, $0xb8;
	[tilespmem:$0x19700] =	vst v63  }
0x51: {  	_ =	swait.ge [sflag:s5], $0xC80  }
0x52: {  	[sflag:s5] =	ssyncset.done $0x0  }
0x53: {  	[sflag:s5] =	ssyncadd.s32 $0xFFFFF380  }
0x54: {  	_ =	swait.ge [sflag:s5], $0xC80  }
0x55: {  	[sflag:s5] =	ssyncset.done $0x0  }
0x56: {  	[sflag:s5] =	ssyncadd.s32 $0xFFFFF380  }
0x57: {  	_ =	swait.ge [sflag:s5], $0xC80  }
0x58: {  	[sflag:s5] =	ssyncset.done $0x0  }
0x59: {  	[sflag:s5] =	ssyncadd.s32 $0xFFFFF380  }
0x5a: {  	_ =	swait.ge [sflag:s5], $0xC80  }
0x5b: {  	[sflag:s5] =	ssyncset.done $0x0  }
0x5c: {  	[sflag:s5] =	ssyncadd.s32 $0xFFFFF380  }
0x5d: {  	_ =	swait.ge [sflag:s5], $0xC80  }
0x5e: {  	[sflag:s5] =	ssyncset.done $0x0  }
0x5f: {  	[sflag:s5] =	ssyncadd.s32 $0xFFFFF380  }
0x60: {  	_ =	swait.ge [sflag:s5], $0xC80  }
0x61: {  	[sflag:s5] =	ssyncset.done $0x0  }
0x62: {  	[sflag:s5] =	ssyncadd.s32 $0xFFFFF380  }
0x63: {  	_ =	swait.ge [sflag:s5], $0xC80  }
0x64: {  	[sflag:s5] =	ssyncset.done $0x0  }
0x65: {  	[sflag:s5] =	ssyncadd.s32 $0xFFFFF380  }
0x66: {  	_ =	swait.ge [sflag:s5], $0xC80  }
0x67: {  	[sflag:s5] =	ssyncset.done $0x0  }
0x68: {  	[sflag:s5] =	ssyncadd.s32 $0xFFFFF380  }
0x69: {  	_ =	swait.ge [sflag:s5], $0xC80  }
0x6a: {  	[sflag:s5] =	ssyncset.done $0x0  }
0x6b: {  	[sflag:s5] =	ssyncadd.s32 $0xFFFFF380  }
0x6c: {  	_ =	swait.ge [sflag:s5], $0xC80  }
0x6d: {  	[sflag:s5] =	ssyncset.done $0x0  }
0x6e: {  	[sflag:s5] =	ssyncadd.s32 $0xFFFFF380  }
0x6f: {  	_ =	swait.ge [sflag:s5], $0xC80  }
0x70: {  	[sflag:s5] =	ssyncset.done $0x0  }
0x71: {  	[sflag:s5] =	ssyncadd.s32 $0xFFFFF380  }
0x72: {  	_ =	swait.ge [sflag:s5], $0xC80  }
0x73: {  	[sflag:s5] =	ssyncset.done $0x0  }
0x74: {  	[sflag:s5] =	ssyncadd.s32 $0xFFFFF380  }
0x75: {  	_ =	swait.ge [sflag:s5], $0xC80  }
0x76: {  	[sflag:s5] =	ssyncset.done $0x0  }
0x77: {  	[sflag:s5] =	ssyncadd.s32 $0xFFFFF380  }
0x78: {  	_ =	swait.ge [sflag:s5], $0xC80  }
0x79: {  	[sflag:s5] =	ssyncset.done $0x0  }
0x7a: {  	[sflag:s5] =	ssyncadd.s32 $0xFFFFF380  }
0x7b: {  	_ =	swait.ge [sflag:s5], $0xC80  }
0x7c: {  	[sflag:s5] =	ssyncset.done $0x0  }
0x7d: {  	[sflag:s5] =	ssyncadd.s32 $0xFFFFF380  }
0x7e: {  	_ =	swait.ge [sflag:s5], $0xC80  }
0x7f: {  	[sflag:s5] =	ssyncset.done $0x0  }
0x80: {  	[sflag:s5] =	ssyncadd.s32 $0xFFFFF380  }
0x81: {  	_ =	swait.ge [sflag:s5], $0xC80  }
0x82: {  	[sflag:s5] =	ssyncset.done $0x0  }
0x83: {  	[sflag:s5] =	ssyncadd.s32 $0xFFFFF380  }
0x84: {  	_ =	swait.ge [sflag:s5], $0xC80  }
0x85: {  	[sflag:s5] =	ssyncset.done $0x0  }
0x86: {  	[sflag:s5] =	ssyncadd.s32 $0xFFFFF380  }
0x87: {  	_ =	swait.ge [sflag:s5], $0xC80  }
0x88: {  	[sflag:s5] =	ssyncset.done $0x0  }
0x89: {  	[sflag:s5] =	ssyncadd.s32 $0xFFFFF380  }
0x8a: {  	_ =	swait.ge [sflag:s5], $0xC80  }
0x8b: {  	[sflag:s5] =	ssyncset.done $0x0  }
0x8c: {  	[sflag:s5] =	ssyncadd.s32 $0xFFFFF380  }
0x8d: {  	_ =	swait.ge [sflag:s5], $0xC80  }
0x8e: {  	[sflag:s5] =	ssyncset.done $0x0  }
0x8f: {  	[sflag:s5] =	ssyncadd.s32 $0xFFFFF380  }
0x90: {  	_ =	swait.ge [sflag:s5], $0xC80  }
0x91: {  	[sflag:s5] =	ssyncset.done $0x0  }
0x92: {  	[sflag:s5] =	ssyncadd.s32 $0xFFFFF380  }
0x93: {  	_ =	swait.ge [sflag:s5], $0xC80  }
0x94: {  	[sflag:s5] =	ssyncset.done $0x0  }
0x95: {  	[sflag:s5] =	ssyncadd.s32 $0xFFFFF380  }
0x96: {  	_ =	swait.ge [sflag:s5], $0xC80  }
0x97: {  	[sflag:s5] =	ssyncset.done $0x0  }
0x98: {  	[sflag:s5] =	ssyncadd.s32 $0xFFFFF380  }
0x99: {  	_ =	swait.ge [sflag:s5], $0xC80  }
0x9a: {  	[sflag:s5] =	ssyncset.done $0x0  }
0x9b: {  	[sflag:s5] =	ssyncadd.s32 $0xFFFFF380  }
0x9c: {  	_ =	swait.ge [sflag:s5], $0xC80  }
0x9d: {  	[sflag:s5] =	ssyncset.done $0x0  }
0x9e: {  	[sflag:s5] =	ssyncadd.s32 $0xFFFFF380  }
0x9f: {  	_ =	swait.ge [sflag:s5], $0xC80  }
0xa0: {  	[sflag:s5] =	ssyncset.done $0x0  }
0xa1: {  	[sflag:s5] =	ssyncadd.s32 $0xFFFFF380  }
0xa2: {  	_ =	swait.ge [sflag:s5], $0xC80  }
0xa3: {  	[sflag:s5] =	ssyncset.done $0x0  }
0xa4: {  	[sflag:s5] =	ssyncadd.s32 $0xFFFFF380  }
0xa5: {  	_ =	swait.ge [sflag:s5], $0xC80  }
0xa6: {  	[sflag:s5] =	ssyncset.done $0x0  }
0xa7: {  	[sflag:s5] =	ssyncadd.s32 $0xFFFFF380  }
0xa8: {  	_ =	swait.ge [sflag:s5], $0xC80  }
0xa9: {  	[sflag:s5] =	ssyncset.done $0x0  }
0xaa: {  	[sflag:s5] =	ssyncadd.s32 $0xFFFFF380  }
0xab: {  	_ =	swait.ge [sflag:s5], $0xC80  }
0xac: {  	[sflag:s5] =	ssyncset.done $0x0  }
0xad: {  	[sflag:s5] =	ssyncadd.s32 $0xFFFFF380  }
0xae: {  	_ =	swait.ge [sflag:s5], $0xC80  }
0xaf: {  	s2 =	simm.s32 $0x700;
	[sflag:s5] =	ssyncset.done $0x0  }
0xb0: {  	s21 =	simm.s32 $0x0;
	s0 =	rddreg [dreg:$0x3];
	[sflag:s5] =	ssyncadd.s32 $0xFFFFF380  }
0xb1: {  	[hbm4b:s0+s21] =	stream.linear.scatter [tilespmem:s2], [sflag:$0x2], $0x19000, $0x38;
	[tilespmem:$0x19700] =	vst v63  }
0xb2: {  	_ =	swait.ge [sflag:s14], $0x19000  }
0xb3: {  	[sflag:s14] =	ssyncset.done $0x0  }
0xb4: {  	s0 =	rddreg [dreg:$0x4];
	[sflag:s14] =	ssyncadd.s32 $0xFFFE7000  }
0xb5: {  	[tilespmem:s21], [sflag:$0x2] =	stream.linear.gather [hbm4b:s0+s21], $0x700, $0x38;
	[tilespmem:$0x19700] =	vst v63  }
0xb6: {  	_ =	swait.ge [sflag:s14], $0x700  }
0xb7: {  	[sflag:s14] =	ssyncset.done $0x0  }
0xb8: {  	[sflag:s14] =	ssyncadd.s32 $0xFFFFF900  }
0xb9: {  	[tilespmem:s2], [sflag:$0x1] =	stream.indirect.gather [hbm4b:s6+s7], $0x40, s21, s7, $0xb8;
	[tilespmem:$0x19700] =	vst v63  }
0xba: {  	s22 =	simm.s32 $0x38;
	s21 =	simm.s32 $0x1380  }
0xbb: {  	[tilespmem:s21], [sflag:$0x1] =	stream.indirect.gather [hbm4b:s6+s7], $0x40, s22, s7, $0xb8;
	[tilespmem:$0x19700] =	vst v63  }
0xbc: {  	s21 =	simm.s32 $0x2000;
	s22 =	simm.s32 $0x70  }
0xbd: {  	[tilespmem:s21], [sflag:$0x1] =	stream.indirect.gather [hbm4b:s6+s7], $0x40, s22, s7, $0xb8;
	[tilespmem:$0x19700] =	vst v63  }
0xbe: {  	s21 =	simm.s32 $0x2C80;
	s22 =	simm.s32 $0xA8  }
0xbf: {  	[tilespmem:s21], [sflag:$0x1] =	stream.indirect.gather [hbm4b:s6+s7], $0x40, s22, s7, $0xb8;
	[tilespmem:$0x19700] =	vst v63  }
0xc0: {  	s21 =	simm.s32 $0xE0;
	s22 =	simm.s32 $0x3900  }
0xc1: {  	[tilespmem:s22], [sflag:$0x1] =	stream.indirect.gather [hbm4b:s6+s7], $0x40, s21, s7, $0xb8;
	[tilespmem:$0x19700] =	vst v63  }
0xc2: {  	s21 =	simm.s32 $0x118;
	s22 =	simm.s32 $0x4580  }
0xc3: {  	[tilespmem:s22], [sflag:$0x1] =	stream.indirect.gather [hbm4b:s6+s7], $0x40, s21, s7, $0xb8;
	[tilespmem:$0x19700] =	vst v63  }
0xc4: {  	s22 =	simm.s32 $0x150  }
0xc5: {  	[tilespmem:s31], [sflag:$0x1] =	stream.indirect.gather [hbm4b:s6+s7], $0x40, s22, s7, $0xb8;
	[tilespmem:$0x19700] =	vst v63  }
0xc6: {  	s31 =	simm.s32 $0x188  }
0xc7: {  	[tilespmem:s26], [sflag:$0x1] =	stream.indirect.gather [hbm4b:s6+s7], $0x40, s31, s7, $0xb8;
	[tilespmem:$0x19700] =	vst v63  }
0xc8: {  	s21 =	simm.s32 $0x1C0  }
0xc9: {  	[tilespmem:s19], [sflag:$0x1] =	stream.indirect.gather [hbm4b:s6+s7], $0x40, s21, s7, $0xb8;
	[tilespmem:$0x19700] =	vst v63  }
0xca: {  	_ = 	snop  }
0xcb: {  	[tilespmem:s18], [sflag:$0x1] =	stream.indirect.gather [hbm4b:s6+s7], $0x40, s29, s7, $0xb8;
	[tilespmem:$0x19700] =	vst v63  }
0xcc: {  	_ = 	snop  }
0xcd: {  	[tilespmem:s13], [sflag:$0x1] =	stream.indirect.gather [hbm4b:s6+s7], $0x40, s24, s7, $0xb8;
	[tilespmem:$0x19700] =	vst v63  }
0xce: {  	_ = 	snop  }
0xcf: {  	[tilespmem:s15], [sflag:$0x1] =	stream.indirect.gather [hbm4b:s6+s7], $0x40, s12, s7, $0xb8;
	[tilespmem:$0x19700] =	vst v63  }
0xd0: {  	_ = 	snop  }
0xd1: {  	[tilespmem:s3], [sflag:$0x1] =	stream.indirect.gather [hbm4b:s6+s7], $0x40, s4, s7, $0xb8;
	[tilespmem:$0x19700] =	vst v63  }
0xd2: {  	_ = 	snop  }
0xd3: {  	[tilespmem:s10], [sflag:$0x1] =	stream.indirect.gather [hbm4b:s6+s7], $0x40, s8, s7, $0xb8;
	[tilespmem:$0x19700] =	vst v63  }
0xd4: {  	_ = 	snop  }
0xd5: {  	[tilespmem:s17], [sflag:$0x1] =	stream.indirect.gather [hbm4b:s6+s7], $0x40, s9, s7, $0xb8;
	[tilespmem:$0x19700] =	vst v63  }
0xd6: {  	_ = 	snop  }
0xd7: {  	[tilespmem:s25], [sflag:$0x1] =	stream.indirect.gather [hbm4b:s6+s7], $0x40, s11, s7, $0xb8;
	[tilespmem:$0x19700] =	vst v63  }
0xd8: {  	_ = 	snop  }
0xd9: {  	[tilespmem:s30], [sflag:$0x1] =	stream.indirect.gather [hbm4b:s6+s7], $0x40, s16, s7, $0xb8;
	[tilespmem:$0x19700] =	vst v63  }
0xda: {  	s22 =	simm.s32 $0xDB80  }
0xdb: {  	[tilespmem:s22], [sflag:$0x1] =	stream.indirect.gather [hbm4b:s6+s7], $0x40, s23, s7, $0xb8;
	[tilespmem:$0x19700] =	vst v63  }
0xdc: {  	s24 =	simm.s32 $0xE800  }
0xdd: {  	[tilespmem:s24], [sflag:$0x1] =	stream.indirect.gather [hbm4b:s6+s7], $0x40, s28, s7, $0xb8;
	[tilespmem:$0x19700] =	vst v63  }
0xde: {  	s26 =	simm.s32 $0x428;
	s25 =	simm.s32 $0xF480  }
0xdf: {  	[tilespmem:s25], [sflag:$0x1] =	stream.indirect.gather [hbm4b:s6+s7], $0x40, s26, s7, $0xb8;
	[tilespmem:$0x19700] =	vst v63  }
0xe0: {  	s29 =	simm.s32 $0x10100;
	s28 =	simm.s32 $0x460  }
0xe1: {  	[tilespmem:s29], [sflag:$0x1] =	stream.indirect.gather [hbm4b:s6+s7], $0x40, s28, s7, $0xb8;
	[tilespmem:$0x19700] =	vst v63  }
0xe2: {  	s31 =	simm.s32 $0x10D80;
	s30 =	simm.s32 $0x498  }
0xe3: {  	[tilespmem:s31], [sflag:$0x1] =	stream.indirect.gather [hbm4b:s6+s7], $0x40, s30, s7, $0xb8;
	[tilespmem:$0x19700] =	vst v63  }
0xe4: {  	s8 =	simm.s32 $0x4D0;
	s9 =	simm.s32 $0x11A00  }
0xe5: {  	[tilespmem:s9], [sflag:$0x1] =	stream.indirect.gather [hbm4b:s6+s7], $0x40, s8, s7, $0xb8;
	[tilespmem:$0x19700] =	vst v63  }
0xe6: {  	s10 =	simm.s32 $0x508;
	s11 =	simm.s32 $0x12680  }
0xe7: {  	[tilespmem:s11], [sflag:$0x1] =	stream.indirect.gather [hbm4b:s6+s7], $0x40, s10, s7, $0xb8;
	[tilespmem:$0x19700] =	vst v63  }
0xe8: {  	s13 =	simm.s32 $0x540;
	s12 =	simm.s32 $0x13300  }
0xe9: {  	[tilespmem:s12], [sflag:$0x1] =	stream.indirect.gather [hbm4b:s6+s7], $0x40, s13, s7, $0xb8;
	[tilespmem:$0x19700] =	vst v63  }
0xea: {  	s15 =	simm.s32 $0x13F80;
	s16 =	simm.s32 $0x578  }
0xeb: {  	[tilespmem:s15], [sflag:$0x1] =	stream.indirect.gather [hbm4b:s6+s7], $0x40, s16, s7, $0xb8;
	[tilespmem:$0x19700] =	vst v63  }
0xec: {  	s18 =	simm.s32 $0x5B0;
	s17 =	simm.s32 $0x14C00  }
0xed: {  	[tilespmem:s17], [sflag:$0x1] =	stream.indirect.gather [hbm4b:s6+s7], $0x40, s18, s7, $0xb8;
	[tilespmem:$0x19700] =	vst v63  }
0xee: {  	s19 =	simm.s32 $0x15880;
	s21 =	simm.s32 $0x5E8  }
0xef: {  	[tilespmem:s19], [sflag:$0x1] =	stream.indirect.gather [hbm4b:s6+s7], $0x40, s21, s7, $0xb8;
	[tilespmem:$0x19700] =	vst v63  }
0xf0: {  	s22 =	simm.s32 $0x16500;
	s23 =	simm.s32 $0x620  }
0xf1: {  	[tilespmem:s22], [sflag:$0x1] =	stream.indirect.gather [hbm4b:s6+s7], $0x40, s23, s7, $0xb8;
	[tilespmem:$0x19700] =	vst v63  }
0xf2: {  	s24 =	simm.s32 $0x17180;
	s25 =	simm.s32 $0x658  }
0xf3: {  	[tilespmem:s24], [sflag:$0x1] =	stream.indirect.gather [hbm4b:s6+s7], $0x40, s25, s7, $0xb8;
	[tilespmem:$0x19700] =	vst v63  }
0xf4: {  	s26 =	simm.s32 $0x17E00;
	s28 =	simm.s32 $0x690  }
0xf5: {  	[tilespmem:s26], [sflag:$0x1] =	stream.indirect.gather [hbm4b:s6+s7], $0x40, s28, s7, $0xb8;
	[tilespmem:$0x19700] =	vst v63  }
0xf6: {  	s29 =	simm.s32 $0x18A80;
	s30 =	simm.s32 $0x6C8  }
0xf7: {  	[tilespmem:s29], [sflag:$0x1] =	stream.indirect.gather [hbm4b:s6+s7], $0x40, s30, s7, $0xb8;
	[tilespmem:$0x19700] =	vst v63  }
0xf8: {  	_ =	swait.ge [sflag:s5], $0xC80  }
0xf9: {  	[sflag:s5] =	ssyncset.done $0x0  }
0xfa: {  	[sflag:s5] =	ssyncadd.s32 $0xFFFFF380  }
0xfb: {  	_ =	swait.ge [sflag:s5], $0xC80  }
0xfc: {  	[sflag:s5] =	ssyncset.done $0x0  }
0xfd: {  	[sflag:s5] =	ssyncadd.s32 $0xFFFFF380  }
0xfe: {  	_ =	swait.ge [sflag:s5], $0xC80  }
0xff: {  	[sflag:s5] =	ssyncset.done $0x0  }
0x100: {  	[sflag:s5] =	ssyncadd.s32 $0xFFFFF380  }
0x101: {  	_ =	swait.ge [sflag:s5], $0xC80  }
0x102: {  	[sflag:s5] =	ssyncset.done $0x0  }
0x103: {  	[sflag:s5] =	ssyncadd.s32 $0xFFFFF380  }
0x104: {  	_ =	swait.ge [sflag:s5], $0xC80  }
0x105: {  	[sflag:s5] =	ssyncset.done $0x0  }
0x106: {  	[sflag:s5] =	ssyncadd.s32 $0xFFFFF380  }
0x107: {  	_ =	swait.ge [sflag:s5], $0xC80  }
0x108: {  	[sflag:s5] =	ssyncset.done $0x0  }
0x109: {  	[sflag:s5] =	ssyncadd.s32 $0xFFFFF380  }
0x10a: {  	_ =	swait.ge [sflag:s5], $0xC80  }
0x10b: {  	[sflag:s5] =	ssyncset.done $0x0  }
0x10c: {  	[sflag:s5] =	ssyncadd.s32 $0xFFFFF380  }
0x10d: {  	_ =	swait.ge [sflag:s5], $0xC80  }
0x10e: {  	[sflag:s5] =	ssyncset.done $0x0  }
0x10f: {  	[sflag:s5] =	ssyncadd.s32 $0xFFFFF380  }
0x110: {  	_ =	swait.ge [sflag:s5], $0xC80  }
0x111: {  	[sflag:s5] =	ssyncset.done $0x0  }
0x112: {  	[sflag:s5] =	ssyncadd.s32 $0xFFFFF380  }
0x113: {  	_ =	swait.ge [sflag:s5], $0xC80  }
0x114: {  	[sflag:s5] =	ssyncset.done $0x0  }
0x115: {  	[sflag:s5] =	ssyncadd.s32 $0xFFFFF380  }
0x116: {  	_ =	swait.ge [sflag:s5], $0xC80  }
0x117: {  	[sflag:s5] =	ssyncset.done $0x0  }
0x118: {  	[sflag:s5] =	ssyncadd.s32 $0xFFFFF380  }
0x119: {  	_ =	swait.ge [sflag:s5], $0xC80  }
0x11a: {  	[sflag:s5] =	ssyncset.done $0x0  }
0x11b: {  	[sflag:s5] =	ssyncadd.s32 $0xFFFFF380  }
0x11c: {  	_ =	swait.ge [sflag:s5], $0xC80  }
0x11d: {  	[sflag:s5] =	ssyncset.done $0x0  }
0x11e: {  	[sflag:s5] =	ssyncadd.s32 $0xFFFFF380  }
0x11f: {  	_ =	swait.ge [sflag:s5], $0xC80  }
0x120: {  	[sflag:s5] =	ssyncset.done $0x0  }
0x121: {  	[sflag:s5] =	ssyncadd.s32 $0xFFFFF380  }
0x122: {  	_ =	swait.ge [sflag:s5], $0xC80  }
0x123: {  	[sflag:s5] =	ssyncset.done $0x0  }
0x124: {  	[sflag:s5] =	ssyncadd.s32 $0xFFFFF380  }
0x125: {  	_ =	swait.ge [sflag:s5], $0xC80  }
0x126: {  	[sflag:s5] =	ssyncset.done $0x0  }
0x127: {  	[sflag:s5] =	ssyncadd.s32 $0xFFFFF380  }
0x128: {  	_ =	swait.ge [sflag:s5], $0xC80  }
0x129: {  	[sflag:s5] =	ssyncset.done $0x0  }
0x12a: {  	[sflag:s5] =	ssyncadd.s32 $0xFFFFF380  }
0x12b: {  	_ =	swait.ge [sflag:s5], $0xC80  }
0x12c: {  	[sflag:s5] =	ssyncset.done $0x0  }
0x12d: {  	[sflag:s5] =	ssyncadd.s32 $0xFFFFF380  }
0x12e: {  	_ =	swait.ge [sflag:s5], $0xC80  }
0x12f: {  	[sflag:s5] =	ssyncset.done $0x0  }
0x130: {  	[sflag:s5] =	ssyncadd.s32 $0xFFFFF380  }
0x131: {  	_ =	swait.ge [sflag:s5], $0xC80  }
0x132: {  	[sflag:s5] =	ssyncset.done $0x0  }
0x133: {  	[sflag:s5] =	ssyncadd.s32 $0xFFFFF380  }
0x134: {  	_ =	swait.ge [sflag:s5], $0xC80  }
0x135: {  	[sflag:s5] =	ssyncset.done $0x0  }
0x136: {  	[sflag:s5] =	ssyncadd.s32 $0xFFFFF380  }
0x137: {  	_ =	swait.ge [sflag:s5], $0xC80  }
0x138: {  	[sflag:s5] =	ssyncset.done $0x0  }
0x139: {  	[sflag:s5] =	ssyncadd.s32 $0xFFFFF380  }
0x13a: {  	_ =	swait.ge [sflag:s5], $0xC80  }
0x13b: {  	[sflag:s5] =	ssyncset.done $0x0  }
0x13c: {  	[sflag:s5] =	ssyncadd.s32 $0xFFFFF380  }
0x13d: {  	_ =	swait.ge [sflag:s5], $0xC80  }
0x13e: {  	[sflag:s5] =	ssyncset.done $0x0  }
0x13f: {  	[sflag:s5] =	ssyncadd.s32 $0xFFFFF380  }
0x140: {  	_ =	swait.ge [sflag:s5], $0xC80  }
0x141: {  	[sflag:s5] =	ssyncset.done $0x0  }
0x142: {  	[sflag:s5] =	ssyncadd.s32 $0xFFFFF380  }
0x143: {  	_ =	swait.ge [sflag:s5], $0xC80  }
0x144: {  	[sflag:s5] =	ssyncset.done $0x0  }
0x145: {  	[sflag:s5] =	ssyncadd.s32 $0xFFFFF380  }
0x146: {  	_ =	swait.ge [sflag:s5], $0xC80  }
0x147: {  	[sflag:s5] =	ssyncset.done $0x0  }
0x148: {  	[sflag:s5] =	ssyncadd.s32 $0xFFFFF380  }
0x149: {  	_ =	swait.ge [sflag:s5], $0xC80  }
0x14a: {  	[sflag:s5] =	ssyncset.done $0x0  }
0x14b: {  	[sflag:s5] =	ssyncadd.s32 $0xFFFFF380  }
0x14c: {  	_ =	swait.ge [sflag:s5], $0xC80  }
0x14d: {  	[sflag:s5] =	ssyncset.done $0x0  }
0x14e: {  	[sflag:s5] =	ssyncadd.s32 $0xFFFFF380  }
0x14f: {  	_ =	swait.ge [sflag:s5], $0xC80  }
0x150: {  	[sflag:s5] =	ssyncset.done $0x0  }
0x151: {  	[sflag:s5] =	ssyncadd.s32 $0xFFFFF380  }
0x152: {  	_ =	swait.ge [sflag:s5], $0xC80  }
0x153: {  	[sflag:s5] =	ssyncset.done $0x0  }
0x154: {  	[sflag:s5] =	ssyncadd.s32 $0xFFFFF380  }
0x155: {  	p1 =	sne.s32 s1, $0x1;
	_ =	swait.ge [sflag:s5], $0xC80  }
.Ltmp1:
0x156: {  	s2 =	simm.s32 $0x0;
	[sflag:s5] =	ssyncset.done $0x0;
	(pc) =	sbr.rel @!p1 .LBB2_4-.Ltmp1, $4  }
0x157: {  	s4 =	simm.s32 $0x700;
	s31 =	rddreg [dreg:$0x5];
	[sflag:s5] =	ssyncadd.s32 $0xFFFFF380  }
0x158: {  	[hbm4b:s31+s2] =	stream.linear.scatter [tilespmem:s4], [sflag:$0x2], $0x19000, $0x38;
	[tilespmem:$0x19700] =	vst v63  }
0x159: {  	p0 =	por $0x1, $0x1;
	_ =	swait.ge [sflag:s14], $0x19000  }
0x15a: {  	s21 =	sadd.s32 $0xFFFFFFFF, s1;
	s22 =	rddreg [dreg:$0x2];
	[sflag:s14] =	ssyncset.done $0x0  }
0x15b: {  	s16 =	simm.s32 $0x38;
	s17 =	simm.s32 $0x1380  }
0x15c: {  	s18 =	simm.s32 $0x70;
	s19 =	simm.s32 $0x2000;
	s23 =	simm.s32 $0xA8  }
0x15d: {  	s24 =	simm.s32 $0x2C80;
	s25 =	simm.s32 $0xE0;
	s26 =	simm.s32 $0x3900  }
0x15e: {  	s28 =	simm.s32 $0x118;
	s29 =	simm.s32 $0x4580;
	s30 =	simm.s32 $0x150  }
0x15f: {  	s31 =	simm.s32 $0x188;
	s8 =	simm.s32 $0x1C0;
	s9 =	simm.s32 $0x6B00  }
0x160: {  	s10 =	simm.s32 $0x1F8;
	s11 =	simm.s32 $0x7780;
	s12 =	simm.s32 $0x230  }
0x161: {  	s13 =	simm.s32 $0x8400;
	s15 =	simm.s32 $0x9080;
	s3 =	simm.s32 $0x0  }
.LBB2_3:
0x162: {  	[sflag:s14] =	ssyncadd.s32 $0xFFFE7000  }
0x163: {  	[tilespmem:s2], [sflag:$0x2] =	stream.linear.gather [hbm4b:s22+s2], $0x700, $0x38;
	[tilespmem:$0x19700] =	vst v63  }
0x164: {  	_ =	swait.ge [sflag:s14], $0x700  }
0x165: {  	[sflag:s14] =	ssyncset.done $0x0  }
0x166: {  	[sflag:s14] =	ssyncadd.s32 $0xFFFFF900  }
0x167: {  	[tilespmem:s4], [sflag:$0x1] =	stream.indirect.gather [hbm4b:s20+s7], $0x40, s2, s7, $0xb8;
	[tilespmem:$0x19700] =	vst v63  }
0x168: {  	_ = 	snop  }
0x169: {  	[tilespmem:s17], [sflag:$0x1] =	stream.indirect.gather [hbm4b:s20+s7], $0x40, s16, s7, $0xb8;
	[tilespmem:$0x19700] =	vst v63  }
0x16a: {  	_ = 	snop  }
0x16b: {  	[tilespmem:s19], [sflag:$0x1] =	stream.indirect.gather [hbm4b:s20+s7], $0x40, s18, s7, $0xb8;
	[tilespmem:$0x19700] =	vst v63  }
0x16c: {  	_ = 	snop  }
0x16d: {  	[tilespmem:s24], [sflag:$0x1] =	stream.indirect.gather [hbm4b:s20+s7], $0x40, s23, s7, $0xb8;
	[tilespmem:$0x19700] =	vst v63  }
0x16e: {  	_ = 	snop  }
0x16f: {  	[tilespmem:s26], [sflag:$0x1] =	stream.indirect.gather [hbm4b:s20+s7], $0x40, s25, s7, $0xb8;
	[tilespmem:$0x19700] =	vst v63  }
0x170: {  	_ = 	snop  }
0x171: {  	[tilespmem:s29], [sflag:$0x1] =	stream.indirect.gather [hbm4b:s20+s7], $0x40, s28, s7, $0xb8;
	[tilespmem:$0x19700] =	vst v63  }
0x172: {  	s0 =	simm.s32 $0x5200  }
0x173: {  	[tilespmem:s0], [sflag:$0x1] =	stream.indirect.gather [hbm4b:s20+s7], $0x40, s30, s7, $0xb8;
	[tilespmem:$0x19700] =	vst v63  }
0x174: {  	s1 =	simm.s32 $0x5E80  }
0x175: {  	[tilespmem:s1], [sflag:$0x1] =	stream.indirect.gather [hbm4b:s20+s7], $0x40, s31, s7, $0xb8;
	[tilespmem:$0x19700] =	vst v63  }
0x176: {  	_ = 	snop  }
0x177: {  	[tilespmem:s9], [sflag:$0x1] =	stream.indirect.gather [hbm4b:s20+s7], $0x40, s8, s7, $0xb8;
	[tilespmem:$0x19700] =	vst v63  }
0x178: {  	_ = 	snop  }
0x179: {  	[tilespmem:s11], [sflag:$0x1] =	stream.indirect.gather [hbm4b:s20+s7], $0x40, s10, s7, $0xb8;
	[tilespmem:$0x19700] =	vst v63  }
0x17a: {  	_ = 	snop  }
0x17b: {  	[tilespmem:s13], [sflag:$0x1] =	stream.indirect.gather [hbm4b:s20+s7], $0x40, s12, s7, $0xb8;
	[tilespmem:$0x19700] =	vst v63  }
0x17c: {  	s22 =	simm.s32 $0x268  }
0x17d: {  	[tilespmem:s15], [sflag:$0x1] =	stream.indirect.gather [hbm4b:s20+s7], $0x40, s22, s7, $0xb8;
	[tilespmem:$0x19700] =	vst v63  }
0x17e: {  	s4 =	simm.s32 $0x2A0;
	s22 =	simm.s32 $0x9D00  }
0x17f: {  	[tilespmem:s22], [sflag:$0x1] =	stream.indirect.gather [hbm4b:s20+s7], $0x40, s4, s7, $0xb8;
	[tilespmem:$0x19700] =	vst v63  }
0x180: {  	s4 =	simm.s32 $0x2D8;
	s22 =	simm.s32 $0xA980  }
0x181: {  	[tilespmem:s22], [sflag:$0x1] =	stream.indirect.gather [hbm4b:s20+s7], $0x40, s4, s7, $0xb8;
	[tilespmem:$0x19700] =	vst v63  }
0x182: {  	s4 =	simm.s32 $0x310;
	s22 =	simm.s32 $0xB600  }
0x183: {  	[tilespmem:s22], [sflag:$0x1] =	stream.indirect.gather [hbm4b:s20+s7], $0x40, s4, s7, $0xb8;
	[tilespmem:$0x19700] =	vst v63  }
0x184: {  	s4 =	simm.s32 $0x348;
	s22 =	simm.s32 $0xC280  }
0x185: {  	[tilespmem:s22], [sflag:$0x1] =	stream.indirect.gather [hbm4b:s20+s7], $0x40, s4, s7, $0xb8;
	[tilespmem:$0x19700] =	vst v63  }
0x186: {  	s4 =	simm.s32 $0x380;
	s22 =	simm.s32 $0xCF00  }
0x187: {  	[tilespmem:s22], [sflag:$0x1] =	stream.indirect.gather [hbm4b:s20+s7], $0x40, s4, s7, $0xb8;
	[tilespmem:$0x19700] =	vst v63  }
0x188: {  	s4 =	simm.s32 $0x3B8;
	s22 =	simm.s32 $0xDB80  }
0x189: {  	[tilespmem:s22], [sflag:$0x1] =	stream.indirect.gather [hbm4b:s20+s7], $0x40, s4, s7, $0xb8;
	[tilespmem:$0x19700] =	vst v63  }
0x18a: {  	s4 =	simm.s32 $0x3F0;
	s22 =	simm.s32 $0xE800  }
0x18b: {  	[tilespmem:s22], [sflag:$0x1] =	stream.indirect.gather [hbm4b:s20+s7], $0x40, s4, s7, $0xb8;
	[tilespmem:$0x19700] =	vst v63  }
0x18c: {  	s4 =	simm.s32 $0x428;
	s22 =	simm.s32 $0xF480  }
0x18d: {  	[tilespmem:s22], [sflag:$0x1] =	stream.indirect.gather [hbm4b:s20+s7], $0x40, s4, s7, $0xb8;
	[tilespmem:$0x19700] =	vst v63  }
0x18e: {  	s4 =	simm.s32 $0x460;
	s22 =	simm.s32 $0x10100  }
0x18f: {  	[tilespmem:s22], [sflag:$0x1] =	stream.indirect.gather [hbm4b:s20+s7], $0x40, s4, s7, $0xb8;
	[tilespmem:$0x19700] =	vst v63  }
0x190: {  	s4 =	simm.s32 $0x498;
	s22 =	simm.s32 $0x10D80  }
0x191: {  	[tilespmem:s22], [sflag:$0x1] =	stream.indirect.gather [hbm4b:s20+s7], $0x40, s4, s7, $0xb8;
	[tilespmem:$0x19700] =	vst v63  }
0x192: {  	s4 =	simm.s32 $0x4D0;
	s22 =	simm.s32 $0x11A00  }
0x193: {  	[tilespmem:s22], [sflag:$0x1] =	stream.indirect.gather [hbm4b:s20+s7], $0x40, s4, s7, $0xb8;
	[tilespmem:$0x19700] =	vst v63  }
0x194: {  	s4 =	simm.s32 $0x508;
	s22 =	simm.s32 $0x12680  }
0x195: {  	[tilespmem:s22], [sflag:$0x1] =	stream.indirect.gather [hbm4b:s20+s7], $0x40, s4, s7, $0xb8;
	[tilespmem:$0x19700] =	vst v63  }
0x196: {  	s4 =	simm.s32 $0x540;
	s22 =	simm.s32 $0x13300  }
0x197: {  	[tilespmem:s22], [sflag:$0x1] =	stream.indirect.gather [hbm4b:s20+s7], $0x40, s4, s7, $0xb8;
	[tilespmem:$0x19700] =	vst v63  }
0x198: {  	s4 =	simm.s32 $0x578;
	s22 =	simm.s32 $0x13F80  }
0x199: {  	[tilespmem:s22], [sflag:$0x1] =	stream.indirect.gather [hbm4b:s20+s7], $0x40, s4, s7, $0xb8;
	[tilespmem:$0x19700] =	vst v63  }
0x19a: {  	s4 =	simm.s32 $0x5B0;
	s22 =	simm.s32 $0x14C00  }
0x19b: {  	[tilespmem:s22], [sflag:$0x1] =	stream.indirect.gather [hbm4b:s20+s7], $0x40, s4, s7, $0xb8;
	[tilespmem:$0x19700] =	vst v63  }
0x19c: {  	s4 =	simm.s32 $0x5E8;
	s22 =	simm.s32 $0x15880  }
0x19d: {  	[tilespmem:s22], [sflag:$0x1] =	stream.indirect.gather [hbm4b:s20+s7], $0x40, s4, s7, $0xb8;
	[tilespmem:$0x19700] =	vst v63  }
0x19e: {  	s4 =	simm.s32 $0x620;
	s22 =	simm.s32 $0x16500  }
0x19f: {  	[tilespmem:s22], [sflag:$0x1] =	stream.indirect.gather [hbm4b:s20+s7], $0x40, s4, s7, $0xb8;
	[tilespmem:$0x19700] =	vst v63  }
0x1a0: {  	s22 =	simm.s32 $0x658;
	s4 =	simm.s32 $0x17180  }
0x1a1: {  	[tilespmem:s4], [sflag:$0x1] =	stream.indirect.gather [hbm4b:s20+s7], $0x40, s22, s7, $0xb8;
	[tilespmem:$0x19700] =	vst v63  }
0x1a2: {  	s22 =	simm.s32 $0x690;
	s4 =	simm.s32 $0x17E00  }
0x1a3: {  	[tilespmem:s4], [sflag:$0x1] =	stream.indirect.gather [hbm4b:s20+s7], $0x40, s22, s7, $0xb8;
	[tilespmem:$0x19700] =	vst v63  }
0x1a4: {  	s22 =	simm.s32 $0x6C8;
	s4 =	simm.s32 $0x18A80  }
0x1a5: {  	[tilespmem:s4], [sflag:$0x1] =	stream.indirect.gather [hbm4b:s20+s7], $0x40, s22, s7, $0xb8;
	[tilespmem:$0x19700] =	vst v63  }
0x1a6: {  	_ =	swait.ge [sflag:s5], $0xC80  }
0x1a7: {  	[sflag:s5] =	ssyncset.done $0x0  }
0x1a8: {  	[sflag:s5] =	ssyncadd.s32 $0xFFFFF380  }
0x1a9: {  	_ =	swait.ge [sflag:s5], $0xC80  }
0x1aa: {  	[sflag:s5] =	ssyncset.done $0x0  }
0x1ab: {  	[sflag:s5] =	ssyncadd.s32 $0xFFFFF380  }
0x1ac: {  	_ =	swait.ge [sflag:s5], $0xC80  }
0x1ad: {  	[sflag:s5] =	ssyncset.done $0x0  }
0x1ae: {  	[sflag:s5] =	ssyncadd.s32 $0xFFFFF380  }
0x1af: {  	_ =	swait.ge [sflag:s5], $0xC80  }
0x1b0: {  	[sflag:s5] =	ssyncset.done $0x0  }
0x1b1: {  	[sflag:s5] =	ssyncadd.s32 $0xFFFFF380  }
0x1b2: {  	_ =	swait.ge [sflag:s5], $0xC80  }
0x1b3: {  	[sflag:s5] =	ssyncset.done $0x0  }
0x1b4: {  	[sflag:s5] =	ssyncadd.s32 $0xFFFFF380  }
0x1b5: {  	_ =	swait.ge [sflag:s5], $0xC80  }
0x1b6: {  	[sflag:s5] =	ssyncset.done $0x0  }
0x1b7: {  	[sflag:s5] =	ssyncadd.s32 $0xFFFFF380  }
0x1b8: {  	_ =	swait.ge [sflag:s5], $0xC80  }
0x1b9: {  	[sflag:s5] =	ssyncset.done $0x0  }
0x1ba: {  	[sflag:s5] =	ssyncadd.s32 $0xFFFFF380  }
0x1bb: {  	_ =	swait.ge [sflag:s5], $0xC80  }
0x1bc: {  	[sflag:s5] =	ssyncset.done $0x0  }
0x1bd: {  	[sflag:s5] =	ssyncadd.s32 $0xFFFFF380  }
0x1be: {  	_ =	swait.ge [sflag:s5], $0xC80  }
0x1bf: {  	[sflag:s5] =	ssyncset.done $0x0  }
0x1c0: {  	[sflag:s5] =	ssyncadd.s32 $0xFFFFF380  }
0x1c1: {  	_ =	swait.ge [sflag:s5], $0xC80  }
0x1c2: {  	[sflag:s5] =	ssyncset.done $0x0  }
0x1c3: {  	[sflag:s5] =	ssyncadd.s32 $0xFFFFF380  }
0x1c4: {  	_ =	swait.ge [sflag:s5], $0xC80  }
0x1c5: {  	[sflag:s5] =	ssyncset.done $0x0  }
0x1c6: {  	[sflag:s5] =	ssyncadd.s32 $0xFFFFF380  }
0x1c7: {  	_ =	swait.ge [sflag:s5], $0xC80  }
0x1c8: {  	[sflag:s5] =	ssyncset.done $0x0  }
0x1c9: {  	[sflag:s5] =	ssyncadd.s32 $0xFFFFF380  }
0x1ca: {  	_ =	swait.ge [sflag:s5], $0xC80  }
0x1cb: {  	[sflag:s5] =	ssyncset.done $0x0  }
0x1cc: {  	[sflag:s5] =	ssyncadd.s32 $0xFFFFF380  }
0x1cd: {  	_ =	swait.ge [sflag:s5], $0xC80  }
0x1ce: {  	[sflag:s5] =	ssyncset.done $0x0  }
0x1cf: {  	[sflag:s5] =	ssyncadd.s32 $0xFFFFF380  }
0x1d0: {  	_ =	swait.ge [sflag:s5], $0xC80  }
0x1d1: {  	[sflag:s5] =	ssyncset.done $0x0  }
0x1d2: {  	[sflag:s5] =	ssyncadd.s32 $0xFFFFF380  }
0x1d3: {  	_ =	swait.ge [sflag:s5], $0xC80  }
0x1d4: {  	[sflag:s5] =	ssyncset.done $0x0  }
0x1d5: {  	[sflag:s5] =	ssyncadd.s32 $0xFFFFF380  }
0x1d6: {  	_ =	swait.ge [sflag:s5], $0xC80  }
0x1d7: {  	[sflag:s5] =	ssyncset.done $0x0  }
0x1d8: {  	[sflag:s5] =	ssyncadd.s32 $0xFFFFF380  }
0x1d9: {  	_ =	swait.ge [sflag:s5], $0xC80  }
0x1da: {  	[sflag:s5] =	ssyncset.done $0x0  }
0x1db: {  	[sflag:s5] =	ssyncadd.s32 $0xFFFFF380  }
0x1dc: {  	_ =	swait.ge [sflag:s5], $0xC80  }
0x1dd: {  	[sflag:s5] =	ssyncset.done $0x0  }
0x1de: {  	[sflag:s5] =	ssyncadd.s32 $0xFFFFF380  }
0x1df: {  	_ =	swait.ge [sflag:s5], $0xC80  }
0x1e0: {  	[sflag:s5] =	ssyncset.done $0x0  }
0x1e1: {  	[sflag:s5] =	ssyncadd.s32 $0xFFFFF380  }
0x1e2: {  	_ =	swait.ge [sflag:s5], $0xC80  }
0x1e3: {  	[sflag:s5] =	ssyncset.done $0x0  }
0x1e4: {  	[sflag:s5] =	ssyncadd.s32 $0xFFFFF380  }
0x1e5: {  	_ =	swait.ge [sflag:s5], $0xC80  }
0x1e6: {  	[sflag:s5] =	ssyncset.done $0x0  }
0x1e7: {  	[sflag:s5] =	ssyncadd.s32 $0xFFFFF380  }
0x1e8: {  	_ =	swait.ge [sflag:s5], $0xC80  }
0x1e9: {  	[sflag:s5] =	ssyncset.done $0x0  }
0x1ea: {  	[sflag:s5] =	ssyncadd.s32 $0xFFFFF380  }
0x1eb: {  	_ =	swait.ge [sflag:s5], $0xC80  }
0x1ec: {  	[sflag:s5] =	ssyncset.done $0x0  }
0x1ed: {  	[sflag:s5] =	ssyncadd.s32 $0xFFFFF380  }
0x1ee: {  	_ =	swait.ge [sflag:s5], $0xC80  }
0x1ef: {  	[sflag:s5] =	ssyncset.done $0x0  }
0x1f0: {  	[sflag:s5] =	ssyncadd.s32 $0xFFFFF380  }
0x1f1: {  	_ =	swait.ge [sflag:s5], $0xC80  }
0x1f2: {  	[sflag:s5] =	ssyncset.done $0x0  }
0x1f3: {  	[sflag:s5] =	ssyncadd.s32 $0xFFFFF380  }
0x1f4: {  	_ =	swait.ge [sflag:s5], $0xC80  }
0x1f5: {  	[sflag:s5] =	ssyncset.done $0x0  }
0x1f6: {  	[sflag:s5] =	ssyncadd.s32 $0xFFFFF380  }
0x1f7: {  	_ =	swait.ge [sflag:s5], $0xC80  }
0x1f8: {  	[sflag:s5] =	ssyncset.done $0x0  }
0x1f9: {  	[sflag:s5] =	ssyncadd.s32 $0xFFFFF380  }
0x1fa: {  	_ =	swait.ge [sflag:s5], $0xC80  }
0x1fb: {  	[sflag:s5] =	ssyncset.done $0x0  }
0x1fc: {  	[sflag:s5] =	ssyncadd.s32 $0xFFFFF380  }
0x1fd: {  	_ =	swait.ge [sflag:s5], $0xC80  }
0x1fe: {  	[sflag:s5] =	ssyncset.done $0x0  }
0x1ff: {  	[sflag:s5] =	ssyncadd.s32 $0xFFFFF380  }
0x200: {  	_ =	swait.ge [sflag:s5], $0xC80  }
0x201: {  	[sflag:s5] =	ssyncset.done $0x0  }
0x202: {  	[sflag:s5] =	ssyncadd.s32 $0xFFFFF380  }
0x203: {  	_ =	swait.ge [sflag:s5], $0xC80  }
0x204: {  	[sflag:s5] =	ssyncset.done $0x0  }
0x205: {  	s2 =	simm.s32 $0x700;
	s4 =	rddreg [dreg:$0x3];
	[sflag:s5] =	ssyncadd.s32 $0xFFFFF380  }
0x206: {  	[hbm4b:s4+s3] =	stream.linear.scatter [tilespmem:s2], [sflag:$0x2], $0x19000, $0x38;
	[tilespmem:$0x19700] =	vst v63  }
0x207: {  	_ =	swait.ge [sflag:s14], $0x19000  }
0x208: {  	[sflag:s14] =	ssyncset.done $0x0  }
0x209: {  	s4 =	rddreg [dreg:$0x4];
	[sflag:s14] =	ssyncadd.s32 $0xFFFE7000  }
0x20a: {  	[tilespmem:s3], [sflag:$0x2] =	stream.linear.gather [hbm4b:s4+s3], $0x700, $0x38;
	[tilespmem:$0x19700] =	vst v63  }
0x20b: {  	_ =	swait.ge [sflag:s14], $0x700  }
0x20c: {  	[sflag:s14] =	ssyncset.done $0x0  }
0x20d: {  	[sflag:s14] =	ssyncadd.s32 $0xFFFFF900  }
0x20e: {  	[tilespmem:s2], [sflag:$0x1] =	stream.indirect.gather [hbm4b:s6+s7], $0x40, s3, s7, $0xb8;
	[tilespmem:$0x19700] =	vst v63  }
0x20f: {  	_ = 	snop  }
0x210: {  	[tilespmem:s17], [sflag:$0x1] =	stream.indirect.gather [hbm4b:s6+s7], $0x40, s16, s7, $0xb8;
	[tilespmem:$0x19700] =	vst v63  }
0x211: {  	_ = 	snop  }
0x212: {  	[tilespmem:s19], [sflag:$0x1] =	stream.indirect.gather [hbm4b:s6+s7], $0x40, s18, s7, $0xb8;
	[tilespmem:$0x19700] =	vst v63  }
0x213: {  	_ = 	snop  }
0x214: {  	[tilespmem:s24], [sflag:$0x1] =	stream.indirect.gather [hbm4b:s6+s7], $0x40, s23, s7, $0xb8;
	[tilespmem:$0x19700] =	vst v63  }
0x215: {  	_ = 	snop  }
0x216: {  	[tilespmem:s26], [sflag:$0x1] =	stream.indirect.gather [hbm4b:s6+s7], $0x40, s25, s7, $0xb8;
	[tilespmem:$0x19700] =	vst v63  }
0x217: {  	_ = 	snop  }
0x218: {  	[tilespmem:s29], [sflag:$0x1] =	stream.indirect.gather [hbm4b:s6+s7], $0x40, s28, s7, $0xb8;
	[tilespmem:$0x19700] =	vst v63  }
0x219: {  	_ = 	snop  }
0x21a: {  	[tilespmem:s0], [sflag:$0x1] =	stream.indirect.gather [hbm4b:s6+s7], $0x40, s30, s7, $0xb8;
	[tilespmem:$0x19700] =	vst v63  }
0x21b: {  	_ = 	snop  }
0x21c: {  	[tilespmem:s1], [sflag:$0x1] =	stream.indirect.gather [hbm4b:s6+s7], $0x40, s31, s7, $0xb8;
	[tilespmem:$0x19700] =	vst v63  }
0x21d: {  	_ = 	snop  }
0x21e: {  	[tilespmem:s9], [sflag:$0x1] =	stream.indirect.gather [hbm4b:s6+s7], $0x40, s8, s7, $0xb8;
	[tilespmem:$0x19700] =	vst v63  }
0x21f: {  	_ = 	snop  }
0x220: {  	[tilespmem:s11], [sflag:$0x1] =	stream.indirect.gather [hbm4b:s6+s7], $0x40, s10, s7, $0xb8;
	[tilespmem:$0x19700] =	vst v63  }
0x221: {  	_ = 	snop  }
0x222: {  	[tilespmem:s13], [sflag:$0x1] =	stream.indirect.gather [hbm4b:s6+s7], $0x40, s12, s7, $0xb8;
	[tilespmem:$0x19700] =	vst v63  }
0x223: {  	s1 =	simm.s32 $0x268  }
0x224: {  	[tilespmem:s15], [sflag:$0x1] =	stream.indirect.gather [hbm4b:s6+s7], $0x40, s1, s7, $0xb8;
	[tilespmem:$0x19700] =	vst v63  }
0x225: {  	s22 =	simm.s32 $0x9D00;
	s4 =	simm.s32 $0x2A0  }
0x226: {  	[tilespmem:s22], [sflag:$0x1] =	stream.indirect.gather [hbm4b:s6+s7], $0x40, s4, s7, $0xb8;
	[tilespmem:$0x19700] =	vst v63  }
0x227: {  	s1 =	simm.s32 $0x2D8;
	s22 =	simm.s32 $0xA980  }
0x228: {  	[tilespmem:s22], [sflag:$0x1] =	stream.indirect.gather [hbm4b:s6+s7], $0x40, s1, s7, $0xb8;
	[tilespmem:$0x19700] =	vst v63  }
0x229: {  	s1 =	simm.s32 $0x310;
	s22 =	simm.s32 $0xB600  }
0x22a: {  	[tilespmem:s22], [sflag:$0x1] =	stream.indirect.gather [hbm4b:s6+s7], $0x40, s1, s7, $0xb8;
	[tilespmem:$0x19700] =	vst v63  }
0x22b: {  	s1 =	simm.s32 $0x348;
	s22 =	simm.s32 $0xC280  }
0x22c: {  	[tilespmem:s22], [sflag:$0x1] =	stream.indirect.gather [hbm4b:s6+s7], $0x40, s1, s7, $0xb8;
	[tilespmem:$0x19700] =	vst v63  }
0x22d: {  	s1 =	simm.s32 $0x380;
	s22 =	simm.s32 $0xCF00  }
0x22e: {  	[tilespmem:s22], [sflag:$0x1] =	stream.indirect.gather [hbm4b:s6+s7], $0x40, s1, s7, $0xb8;
	[tilespmem:$0x19700] =	vst v63  }
0x22f: {  	s1 =	simm.s32 $0x3B8;
	s22 =	simm.s32 $0xDB80  }
0x230: {  	[tilespmem:s22], [sflag:$0x1] =	stream.indirect.gather [hbm4b:s6+s7], $0x40, s1, s7, $0xb8;
	[tilespmem:$0x19700] =	vst v63  }
0x231: {  	s1 =	simm.s32 $0x3F0;
	s22 =	simm.s32 $0xE800  }
0x232: {  	[tilespmem:s22], [sflag:$0x1] =	stream.indirect.gather [hbm4b:s6+s7], $0x40, s1, s7, $0xb8;
	[tilespmem:$0x19700] =	vst v63  }
0x233: {  	s1 =	simm.s32 $0x428;
	s22 =	simm.s32 $0xF480  }
0x234: {  	[tilespmem:s22], [sflag:$0x1] =	stream.indirect.gather [hbm4b:s6+s7], $0x40, s1, s7, $0xb8;
	[tilespmem:$0x19700] =	vst v63  }
0x235: {  	s1 =	simm.s32 $0x460;
	s22 =	simm.s32 $0x10100  }
0x236: {  	[tilespmem:s22], [sflag:$0x1] =	stream.indirect.gather [hbm4b:s6+s7], $0x40, s1, s7, $0xb8;
	[tilespmem:$0x19700] =	vst v63  }
0x237: {  	s1 =	simm.s32 $0x498;
	s22 =	simm.s32 $0x10D80  }
0x238: {  	[tilespmem:s22], [sflag:$0x1] =	stream.indirect.gather [hbm4b:s6+s7], $0x40, s1, s7, $0xb8;
	[tilespmem:$0x19700] =	vst v63  }
0x239: {  	s1 =	simm.s32 $0x4D0;
	s22 =	simm.s32 $0x11A00  }
0x23a: {  	[tilespmem:s22], [sflag:$0x1] =	stream.indirect.gather [hbm4b:s6+s7], $0x40, s1, s7, $0xb8;
	[tilespmem:$0x19700] =	vst v63  }
0x23b: {  	s1 =	simm.s32 $0x508;
	s22 =	simm.s32 $0x12680  }
0x23c: {  	[tilespmem:s22], [sflag:$0x1] =	stream.indirect.gather [hbm4b:s6+s7], $0x40, s1, s7, $0xb8;
	[tilespmem:$0x19700] =	vst v63  }
0x23d: {  	s1 =	simm.s32 $0x540;
	s22 =	simm.s32 $0x13300  }
0x23e: {  	[tilespmem:s22], [sflag:$0x1] =	stream.indirect.gather [hbm4b:s6+s7], $0x40, s1, s7, $0xb8;
	[tilespmem:$0x19700] =	vst v63  }
0x23f: {  	s1 =	simm.s32 $0x578;
	s22 =	simm.s32 $0x13F80  }
0x240: {  	[tilespmem:s22], [sflag:$0x1] =	stream.indirect.gather [hbm4b:s6+s7], $0x40, s1, s7, $0xb8;
	[tilespmem:$0x19700] =	vst v63  }
0x241: {  	s1 =	simm.s32 $0x5B0;
	s22 =	simm.s32 $0x14C00  }
0x242: {  	[tilespmem:s22], [sflag:$0x1] =	stream.indirect.gather [hbm4b:s6+s7], $0x40, s1, s7, $0xb8;
	[tilespmem:$0x19700] =	vst v63  }
0x243: {  	s1 =	simm.s32 $0x5E8;
	s22 =	simm.s32 $0x15880  }
0x244: {  	[tilespmem:s22], [sflag:$0x1] =	stream.indirect.gather [hbm4b:s6+s7], $0x40, s1, s7, $0xb8;
	[tilespmem:$0x19700] =	vst v63  }
0x245: {  	s1 =	simm.s32 $0x620;
	s22 =	simm.s32 $0x16500  }
0x246: {  	[tilespmem:s22], [sflag:$0x1] =	stream.indirect.gather [hbm4b:s6+s7], $0x40, s1, s7, $0xb8;
	[tilespmem:$0x19700] =	vst v63  }
0x247: {  	s1 =	simm.s32 $0x17180;
	s22 =	simm.s32 $0x658  }
0x248: {  	[tilespmem:s1], [sflag:$0x1] =	stream.indirect.gather [hbm4b:s6+s7], $0x40, s22, s7, $0xb8;
	[tilespmem:$0x19700] =	vst v63  }
0x249: {  	s1 =	simm.s32 $0x17E00;
	s22 =	simm.s32 $0x690  }
0x24a: {  	[tilespmem:s1], [sflag:$0x1] =	stream.indirect.gather [hbm4b:s6+s7], $0x40, s22, s7, $0xb8;
	[tilespmem:$0x19700] =	vst v63  }
0x24b: {  	s1 =	simm.s32 $0x18A80;
	s22 =	simm.s32 $0x6C8  }
0x24c: {  	[tilespmem:s1], [sflag:$0x1] =	stream.indirect.gather [hbm4b:s6+s7], $0x40, s22, s7, $0xb8;
	[tilespmem:$0x19700] =	vst v63  }
0x24d: {  	_ =	swait.ge [sflag:s5], $0xC80  }
0x24e: {  	[sflag:s5] =	ssyncset.done $0x0  }
0x24f: {  	[sflag:s5] =	ssyncadd.s32 $0xFFFFF380  }
0x250: {  	_ =	swait.ge [sflag:s5], $0xC80  }
0x251: {  	[sflag:s5] =	ssyncset.done $0x0  }
0x252: {  	[sflag:s5] =	ssyncadd.s32 $0xFFFFF380  }
0x253: {  	_ =	swait.ge [sflag:s5], $0xC80  }
0x254: {  	[sflag:s5] =	ssyncset.done $0x0  }
0x255: {  	[sflag:s5] =	ssyncadd.s32 $0xFFFFF380  }
0x256: {  	_ =	swait.ge [sflag:s5], $0xC80  }
0x257: {  	[sflag:s5] =	ssyncset.done $0x0  }
0x258: {  	[sflag:s5] =	ssyncadd.s32 $0xFFFFF380  }
0x259: {  	_ =	swait.ge [sflag:s5], $0xC80  }
0x25a: {  	[sflag:s5] =	ssyncset.done $0x0  }
0x25b: {  	[sflag:s5] =	ssyncadd.s32 $0xFFFFF380  }
0x25c: {  	_ =	swait.ge [sflag:s5], $0xC80  }
0x25d: {  	[sflag:s5] =	ssyncset.done $0x0  }
0x25e: {  	[sflag:s5] =	ssyncadd.s32 $0xFFFFF380  }
0x25f: {  	_ =	swait.ge [sflag:s5], $0xC80  }
0x260: {  	[sflag:s5] =	ssyncset.done $0x0  }
0x261: {  	[sflag:s5] =	ssyncadd.s32 $0xFFFFF380  }
0x262: {  	_ =	swait.ge [sflag:s5], $0xC80  }
0x263: {  	[sflag:s5] =	ssyncset.done $0x0  }
0x264: {  	[sflag:s5] =	ssyncadd.s32 $0xFFFFF380  }
0x265: {  	_ =	swait.ge [sflag:s5], $0xC80  }
0x266: {  	[sflag:s5] =	ssyncset.done $0x0  }
0x267: {  	[sflag:s5] =	ssyncadd.s32 $0xFFFFF380  }
0x268: {  	_ =	swait.ge [sflag:s5], $0xC80  }
0x269: {  	[sflag:s5] =	ssyncset.done $0x0  }
0x26a: {  	[sflag:s5] =	ssyncadd.s32 $0xFFFFF380  }
0x26b: {  	_ =	swait.ge [sflag:s5], $0xC80  }
0x26c: {  	[sflag:s5] =	ssyncset.done $0x0  }
0x26d: {  	[sflag:s5] =	ssyncadd.s32 $0xFFFFF380  }
0x26e: {  	_ =	swait.ge [sflag:s5], $0xC80  }
0x26f: {  	[sflag:s5] =	ssyncset.done $0x0  }
0x270: {  	[sflag:s5] =	ssyncadd.s32 $0xFFFFF380  }
0x271: {  	_ =	swait.ge [sflag:s5], $0xC80  }
0x272: {  	[sflag:s5] =	ssyncset.done $0x0  }
0x273: {  	[sflag:s5] =	ssyncadd.s32 $0xFFFFF380  }
0x274: {  	_ =	swait.ge [sflag:s5], $0xC80  }
0x275: {  	[sflag:s5] =	ssyncset.done $0x0  }
0x276: {  	[sflag:s5] =	ssyncadd.s32 $0xFFFFF380  }
0x277: {  	_ =	swait.ge [sflag:s5], $0xC80  }
0x278: {  	[sflag:s5] =	ssyncset.done $0x0  }
0x279: {  	[sflag:s5] =	ssyncadd.s32 $0xFFFFF380  }
0x27a: {  	_ =	swait.ge [sflag:s5], $0xC80  }
0x27b: {  	[sflag:s5] =	ssyncset.done $0x0  }
0x27c: {  	[sflag:s5] =	ssyncadd.s32 $0xFFFFF380  }
0x27d: {  	_ =	swait.ge [sflag:s5], $0xC80  }
0x27e: {  	[sflag:s5] =	ssyncset.done $0x0  }
0x27f: {  	[sflag:s5] =	ssyncadd.s32 $0xFFFFF380  }
0x280: {  	_ =	swait.ge [sflag:s5], $0xC80  }
0x281: {  	[sflag:s5] =	ssyncset.done $0x0  }
0x282: {  	[sflag:s5] =	ssyncadd.s32 $0xFFFFF380  }
0x283: {  	_ =	swait.ge [sflag:s5], $0xC80  }
0x284: {  	[sflag:s5] =	ssyncset.done $0x0  }
0x285: {  	[sflag:s5] =	ssyncadd.s32 $0xFFFFF380  }
0x286: {  	_ =	swait.ge [sflag:s5], $0xC80  }
0x287: {  	[sflag:s5] =	ssyncset.done $0x0  }
0x288: {  	[sflag:s5] =	ssyncadd.s32 $0xFFFFF380  }
0x289: {  	_ =	swait.ge [sflag:s5], $0xC80  }
0x28a: {  	[sflag:s5] =	ssyncset.done $0x0  }
0x28b: {  	[sflag:s5] =	ssyncadd.s32 $0xFFFFF380  }
0x28c: {  	_ =	swait.ge [sflag:s5], $0xC80  }
0x28d: {  	[sflag:s5] =	ssyncset.done $0x0  }
0x28e: {  	[sflag:s5] =	ssyncadd.s32 $0xFFFFF380  }
0x28f: {  	_ =	swait.ge [sflag:s5], $0xC80  }
0x290: {  	[sflag:s5] =	ssyncset.done $0x0  }
0x291: {  	[sflag:s5] =	ssyncadd.s32 $0xFFFFF380  }
0x292: {  	_ =	swait.ge [sflag:s5], $0xC80  }
0x293: {  	[sflag:s5] =	ssyncset.done $0x0  }
0x294: {  	[sflag:s5] =	ssyncadd.s32 $0xFFFFF380  }
0x295: {  	_ =	swait.ge [sflag:s5], $0xC80  }
0x296: {  	[sflag:s5] =	ssyncset.done $0x0  }
0x297: {  	[sflag:s5] =	ssyncadd.s32 $0xFFFFF380  }
0x298: {  	_ =	swait.ge [sflag:s5], $0xC80  }
0x299: {  	[sflag:s5] =	ssyncset.done $0x0  }
0x29a: {  	[sflag:s5] =	ssyncadd.s32 $0xFFFFF380  }
0x29b: {  	_ =	swait.ge [sflag:s5], $0xC80  }
0x29c: {  	[sflag:s5] =	ssyncset.done $0x0  }
0x29d: {  	[sflag:s5] =	ssyncadd.s32 $0xFFFFF380  }
0x29e: {  	_ =	swait.ge [sflag:s5], $0xC80  }
0x29f: {  	[sflag:s5] =	ssyncset.done $0x0  }
0x2a0: {  	[sflag:s5] =	ssyncadd.s32 $0xFFFFF380  }
0x2a1: {  	_ =	swait.ge [sflag:s5], $0xC80  }
0x2a2: {  	[sflag:s5] =	ssyncset.done $0x0  }
0x2a3: {  	[sflag:s5] =	ssyncadd.s32 $0xFFFFF380  }
0x2a4: {  	_ =	swait.ge [sflag:s5], $0xC80  }
0x2a5: {  	[sflag:s5] =	ssyncset.done $0x0  }
0x2a6: {  	[sflag:s5] =	ssyncadd.s32 $0xFFFFF380  }
0x2a7: {  	_ =	swait.ge [sflag:s5], $0xC80  }
0x2a8: {  	[sflag:s5] =	ssyncset.done $0x0  }
0x2a9: {  	[sflag:s5] =	ssyncadd.s32 $0xFFFFF380  }
0x2aa: {  	p1 =	sne.s32 s21, $0x1;
	_ =	swait.ge [sflag:s5], $0xC80  }
.Ltmp2:
0x2ab: {  	s2 =	simm.s32 $0x0;
	[sflag:s5] =	ssyncset.done $0x0;
	(pc) =	sbr.rel @p1 .LBB2_3-.Ltmp2, $4  }
0x2ac: {  	s4 =	simm.s32 $0x700;
	s1 =	rddreg [dreg:$0x5];
	[sflag:s5] =	ssyncadd.s32 $0xFFFFF380  }
0x2ad: {  	[hbm4b:s1+s2] =	stream.linear.scatter [tilespmem:s4], [sflag:$0x2], $0x19000, $0x38;
	[tilespmem:$0x19700] =	vst v63  }
0x2ae: {  	_ =	swait.ge [sflag:s14], $0x19000  }
0x2af: {  	s21 =	sadd.s32 $0xFFFFFFFF, s21;
	s22 =	rddreg [dreg:$0x2];
	[sflag:s14] =	ssyncset.done $0x0  }
.LBB2_4:
0x2b0: {  	[sflag:s14] =	ssyncadd.s32 @p0 $0xFFFE7000  }
0x2b1: {  	[tilespmem:s2], [sflag:$0x2] =	stream.linear.gather [hbm4b:s22+s2], $0x700, $0x38;
	[tilespmem:$0x19700] =	vst v63  }
0x2b2: {  	_ =	swait.ge [sflag:s14], $0x700  }
0x2b3: {  	[sflag:s14] =	ssyncset.done $0x0  }
0x2b4: {  	[sflag:s14] =	ssyncadd.s32 $0xFFFFF900  }
0x2b5: {  	[tilespmem:s4], [sflag:$0x1] =	stream.indirect.gather [hbm4b:s20+s7], $0x40, s2, s7, $0xb8;
	[tilespmem:$0x19700] =	vst v63  }
0x2b6: {  	s0 =	simm.s32 $0x38;
	s1 =	simm.s32 $0x1380  }
0x2b7: {  	[tilespmem:s1], [sflag:$0x1] =	stream.indirect.gather [hbm4b:s20+s7], $0x40, s0, s7, $0xb8;
	[tilespmem:$0x19700] =	vst v63  }
0x2b8: {  	s13 =	simm.s32 $0x70;
	s15 =	simm.s32 $0x2000  }
0x2b9: {  	[tilespmem:s15], [sflag:$0x1] =	stream.indirect.gather [hbm4b:s20+s7], $0x40, s13, s7, $0xb8;
	[tilespmem:$0x19700] =	vst v63  }
0x2ba: {  	s16 =	simm.s32 $0xA8;
	s17 =	simm.s32 $0x2C80  }
0x2bb: {  	[tilespmem:s17], [sflag:$0x1] =	stream.indirect.gather [hbm4b:s20+s7], $0x40, s16, s7, $0xb8;
	[tilespmem:$0x19700] =	vst v63  }
0x2bc: {  	s18 =	simm.s32 $0xE0;
	s19 =	simm.s32 $0x3900  }
0x2bd: {  	[tilespmem:s19], [sflag:$0x1] =	stream.indirect.gather [hbm4b:s20+s7], $0x40, s18, s7, $0xb8;
	[tilespmem:$0x19700] =	vst v63  }
0x2be: {  	s21 =	simm.s32 $0x118;
	s22 =	simm.s32 $0x4580  }
0x2bf: {  	[tilespmem:s22], [sflag:$0x1] =	stream.indirect.gather [hbm4b:s20+s7], $0x40, s21, s7, $0xb8;
	[tilespmem:$0x19700] =	vst v63  }
0x2c0: {  	s23 =	simm.s32 $0x150;
	s24 =	simm.s32 $0x5200  }
0x2c1: {  	[tilespmem:s24], [sflag:$0x1] =	stream.indirect.gather [hbm4b:s20+s7], $0x40, s23, s7, $0xb8;
	[tilespmem:$0x19700] =	vst v63  }
0x2c2: {  	s25 =	simm.s32 $0x188;
	s26 =	simm.s32 $0x5E80  }
0x2c3: {  	[tilespmem:s26], [sflag:$0x1] =	stream.indirect.gather [hbm4b:s20+s7], $0x40, s25, s7, $0xb8;
	[tilespmem:$0x19700] =	vst v63  }
0x2c4: {  	s28 =	simm.s32 $0x1C0;
	s29 =	simm.s32 $0x6B00  }
0x2c5: {  	[tilespmem:s29], [sflag:$0x1] =	stream.indirect.gather [hbm4b:s20+s7], $0x40, s28, s7, $0xb8;
	[tilespmem:$0x19700] =	vst v63  }
0x2c6: {  	s30 =	simm.s32 $0x1F8;
	s31 =	simm.s32 $0x7780  }
0x2c7: {  	[tilespmem:s31], [sflag:$0x1] =	stream.indirect.gather [hbm4b:s20+s7], $0x40, s30, s7, $0xb8;
	[tilespmem:$0x19700] =	vst v63  }
0x2c8: {  	s3 =	simm.s32 $0x8400;
	s1 =	simm.s32 $0x230  }
0x2c9: {  	[tilespmem:s3], [sflag:$0x1] =	stream.indirect.gather [hbm4b:s20+s7], $0x40, s1, s7, $0xb8;
	[tilespmem:$0x19700] =	vst v63  }
0x2ca: {  	s8 =	simm.s32 $0x268;
	s9 =	simm.s32 $0x9080  }
0x2cb: {  	[tilespmem:s9], [sflag:$0x1] =	stream.indirect.gather [hbm4b:s20+s7], $0x40, s8, s7, $0xb8;
	[tilespmem:$0x19700] =	vst v63  }
0x2cc: {  	s10 =	simm.s32 $0x2A0;
	s11 =	simm.s32 $0x9D00  }
0x2cd: {  	[tilespmem:s11], [sflag:$0x1] =	stream.indirect.gather [hbm4b:s20+s7], $0x40, s10, s7, $0xb8;
	[tilespmem:$0x19700] =	vst v63  }
0x2ce: {  	s12 =	simm.s32 $0x2D8;
	s13 =	simm.s32 $0xA980  }
0x2cf: {  	[tilespmem:s13], [sflag:$0x1] =	stream.indirect.gather [hbm4b:s20+s7], $0x40, s12, s7, $0xb8;
	[tilespmem:$0x19700] =	vst v63  }
0x2d0: {  	s15 =	simm.s32 $0x310;
	s16 =	simm.s32 $0xB600  }
0x2d1: {  	[tilespmem:s16], [sflag:$0x1] =	stream.indirect.gather [hbm4b:s20+s7], $0x40, s15, s7, $0xb8;
	[tilespmem:$0x19700] =	vst v63  }
0x2d2: {  	s17 =	simm.s32 $0x348;
	s18 =	simm.s32 $0xC280  }
0x2d3: {  	[tilespmem:s18], [sflag:$0x1] =	stream.indirect.gather [hbm4b:s20+s7], $0x40, s17, s7, $0xb8;
	[tilespmem:$0x19700] =	vst v63  }
0x2d4: {  	s19 =	simm.s32 $0x380;
	s21 =	simm.s32 $0xCF00  }
0x2d5: {  	[tilespmem:s21], [sflag:$0x1] =	stream.indirect.gather [hbm4b:s20+s7], $0x40, s19, s7, $0xb8;
	[tilespmem:$0x19700] =	vst v63  }
0x2d6: {  	s22 =	simm.s32 $0x3B8;
	s23 =	simm.s32 $0xDB80  }
0x2d7: {  	[tilespmem:s23], [sflag:$0x1] =	stream.indirect.gather [hbm4b:s20+s7], $0x40, s22, s7, $0xb8;
	[tilespmem:$0x19700] =	vst v63  }
0x2d8: {  	s24 =	simm.s32 $0x3F0;
	s25 =	simm.s32 $0xE800  }
0x2d9: {  	[tilespmem:s25], [sflag:$0x1] =	stream.indirect.gather [hbm4b:s20+s7], $0x40, s24, s7, $0xb8;
	[tilespmem:$0x19700] =	vst v63  }
0x2da: {  	s26 =	simm.s32 $0x428;
	s28 =	simm.s32 $0xF480  }
0x2db: {  	[tilespmem:s28], [sflag:$0x1] =	stream.indirect.gather [hbm4b:s20+s7], $0x40, s26, s7, $0xb8;
	[tilespmem:$0x19700] =	vst v63  }
0x2dc: {  	s29 =	simm.s32 $0x460;
	s30 =	simm.s32 $0x10100  }
0x2dd: {  	[tilespmem:s30], [sflag:$0x1] =	stream.indirect.gather [hbm4b:s20+s7], $0x40, s29, s7, $0xb8;
	[tilespmem:$0x19700] =	vst v63  }
0x2de: {  	s28 =	simm.s32 $0x10D80;
	s29 =	simm.s32 $0x498  }
0x2df: {  	[tilespmem:s28], [sflag:$0x1] =	stream.indirect.gather [hbm4b:s20+s7], $0x40, s29, s7, $0xb8;
	[tilespmem:$0x19700] =	vst v63  }
0x2e0: {  	s25 =	simm.s32 $0x11A00;
	s26 =	simm.s32 $0x4D0  }
0x2e1: {  	[tilespmem:s25], [sflag:$0x1] =	stream.indirect.gather [hbm4b:s20+s7], $0x40, s26, s7, $0xb8;
	[tilespmem:$0x19700] =	vst v63  }
0x2e2: {  	s23 =	simm.s32 $0x12680;
	s24 =	simm.s32 $0x508  }
0x2e3: {  	[tilespmem:s23], [sflag:$0x1] =	stream.indirect.gather [hbm4b:s20+s7], $0x40, s24, s7, $0xb8;
	[tilespmem:$0x19700] =	vst v63  }
0x2e4: {  	s21 =	simm.s32 $0x13300;
	s22 =	simm.s32 $0x540  }
0x2e5: {  	[tilespmem:s21], [sflag:$0x1] =	stream.indirect.gather [hbm4b:s20+s7], $0x40, s22, s7, $0xb8;
	[tilespmem:$0x19700] =	vst v63  }
0x2e6: {  	s18 =	simm.s32 $0x13F80;
	s19 =	simm.s32 $0x578  }
0x2e7: {  	[tilespmem:s18], [sflag:$0x1] =	stream.indirect.gather [hbm4b:s20+s7], $0x40, s19, s7, $0xb8;
	[tilespmem:$0x19700] =	vst v63  }
0x2e8: {  	s16 =	simm.s32 $0x14C00;
	s17 =	simm.s32 $0x5B0  }
0x2e9: {  	[tilespmem:s16], [sflag:$0x1] =	stream.indirect.gather [hbm4b:s20+s7], $0x40, s17, s7, $0xb8;
	[tilespmem:$0x19700] =	vst v63  }
0x2ea: {  	s3 =	simm.s32 $0x15880;
	s15 =	simm.s32 $0x5E8  }
0x2eb: {  	[tilespmem:s3], [sflag:$0x1] =	stream.indirect.gather [hbm4b:s20+s7], $0x40, s15, s7, $0xb8;
	[tilespmem:$0x19700] =	vst v63  }
0x2ec: {  	s13 =	simm.s32 $0x620;
	s12 =	simm.s32 $0x16500  }
0x2ed: {  	[tilespmem:s12], [sflag:$0x1] =	stream.indirect.gather [hbm4b:s20+s7], $0x40, s13, s7, $0xb8;
	[tilespmem:$0x19700] =	vst v63  }
0x2ee: {  	s11 =	simm.s32 $0x658;
	s10 =	simm.s32 $0x17180  }
0x2ef: {  	[tilespmem:s10], [sflag:$0x1] =	stream.indirect.gather [hbm4b:s20+s7], $0x40, s11, s7, $0xb8;
	[tilespmem:$0x19700] =	vst v63  }
0x2f0: {  	s9 =	simm.s32 $0x690;
	s8 =	simm.s32 $0x17E00  }
0x2f1: {  	[tilespmem:s8], [sflag:$0x1] =	stream.indirect.gather [hbm4b:s20+s7], $0x40, s9, s7, $0xb8;
	[tilespmem:$0x19700] =	vst v63  }
0x2f2: {  	s0 =	simm.s32 $0x18A80;
	s1 =	simm.s32 $0x6C8  }
0x2f3: {  	[tilespmem:s0], [sflag:$0x1] =	stream.indirect.gather [hbm4b:s20+s7], $0x40, s1, s7, $0xb8;
	[tilespmem:$0x19700] =	vst v63  }
0x2f4: {  	_ =	swait.ge [sflag:s5], $0xC80  }
0x2f5: {  	[sflag:s5] =	ssyncset.done $0x0  }
0x2f6: {  	[sflag:s5] =	ssyncadd.s32 $0xFFFFF380  }
0x2f7: {  	_ =	swait.ge [sflag:s5], $0xC80  }
0x2f8: {  	[sflag:s5] =	ssyncset.done $0x0  }
0x2f9: {  	[sflag:s5] =	ssyncadd.s32 $0xFFFFF380  }
0x2fa: {  	_ =	swait.ge [sflag:s5], $0xC80  }
0x2fb: {  	[sflag:s5] =	ssyncset.done $0x0  }
0x2fc: {  	[sflag:s5] =	ssyncadd.s32 $0xFFFFF380  }
0x2fd: {  	_ =	swait.ge [sflag:s5], $0xC80  }
0x2fe: {  	[sflag:s5] =	ssyncset.done $0x0  }
0x2ff: {  	[sflag:s5] =	ssyncadd.s32 $0xFFFFF380  }
0x300: {  	_ =	swait.ge [sflag:s5], $0xC80  }
0x301: {  	[sflag:s5] =	ssyncset.done $0x0  }
0x302: {  	[sflag:s5] =	ssyncadd.s32 $0xFFFFF380  }
0x303: {  	_ =	swait.ge [sflag:s5], $0xC80  }
0x304: {  	[sflag:s5] =	ssyncset.done $0x0  }
0x305: {  	[sflag:s5] =	ssyncadd.s32 $0xFFFFF380  }
0x306: {  	_ =	swait.ge [sflag:s5], $0xC80  }
0x307: {  	[sflag:s5] =	ssyncset.done $0x0  }
0x308: {  	[sflag:s5] =	ssyncadd.s32 $0xFFFFF380  }
0x309: {  	_ =	swait.ge [sflag:s5], $0xC80  }
0x30a: {  	[sflag:s5] =	ssyncset.done $0x0  }
0x30b: {  	[sflag:s5] =	ssyncadd.s32 $0xFFFFF380  }
0x30c: {  	_ =	swait.ge [sflag:s5], $0xC80  }
0x30d: {  	[sflag:s5] =	ssyncset.done $0x0  }
0x30e: {  	[sflag:s5] =	ssyncadd.s32 $0xFFFFF380  }
0x30f: {  	_ =	swait.ge [sflag:s5], $0xC80  }
0x310: {  	[sflag:s5] =	ssyncset.done $0x0  }
0x311: {  	[sflag:s5] =	ssyncadd.s32 $0xFFFFF380  }
0x312: {  	_ =	swait.ge [sflag:s5], $0xC80  }
0x313: {  	[sflag:s5] =	ssyncset.done $0x0  }
0x314: {  	[sflag:s5] =	ssyncadd.s32 $0xFFFFF380  }
0x315: {  	_ =	swait.ge [sflag:s5], $0xC80  }
0x316: {  	[sflag:s5] =	ssyncset.done $0x0  }
0x317: {  	[sflag:s5] =	ssyncadd.s32 $0xFFFFF380  }
0x318: {  	_ =	swait.ge [sflag:s5], $0xC80  }
0x319: {  	[sflag:s5] =	ssyncset.done $0x0  }
0x31a: {  	[sflag:s5] =	ssyncadd.s32 $0xFFFFF380  }
0x31b: {  	_ =	swait.ge [sflag:s5], $0xC80  }
0x31c: {  	[sflag:s5] =	ssyncset.done $0x0  }
0x31d: {  	[sflag:s5] =	ssyncadd.s32 $0xFFFFF380  }
0x31e: {  	_ =	swait.ge [sflag:s5], $0xC80  }
0x31f: {  	[sflag:s5] =	ssyncset.done $0x0  }
0x320: {  	[sflag:s5] =	ssyncadd.s32 $0xFFFFF380  }
0x321: {  	_ =	swait.ge [sflag:s5], $0xC80  }
0x322: {  	[sflag:s5] =	ssyncset.done $0x0  }
0x323: {  	[sflag:s5] =	ssyncadd.s32 $0xFFFFF380  }
0x324: {  	_ =	swait.ge [sflag:s5], $0xC80  }
0x325: {  	[sflag:s5] =	ssyncset.done $0x0  }
0x326: {  	[sflag:s5] =	ssyncadd.s32 $0xFFFFF380  }
0x327: {  	_ =	swait.ge [sflag:s5], $0xC80  }
0x328: {  	[sflag:s5] =	ssyncset.done $0x0  }
0x329: {  	[sflag:s5] =	ssyncadd.s32 $0xFFFFF380  }
0x32a: {  	_ =	swait.ge [sflag:s5], $0xC80  }
0x32b: {  	[sflag:s5] =	ssyncset.done $0x0  }
0x32c: {  	[sflag:s5] =	ssyncadd.s32 $0xFFFFF380  }
0x32d: {  	_ =	swait.ge [sflag:s5], $0xC80  }
0x32e: {  	[sflag:s5] =	ssyncset.done $0x0  }
0x32f: {  	[sflag:s5] =	ssyncadd.s32 $0xFFFFF380  }
0x330: {  	_ =	swait.ge [sflag:s5], $0xC80  }
0x331: {  	[sflag:s5] =	ssyncset.done $0x0  }
0x332: {  	[sflag:s5] =	ssyncadd.s32 $0xFFFFF380  }
0x333: {  	_ =	swait.ge [sflag:s5], $0xC80  }
0x334: {  	[sflag:s5] =	ssyncset.done $0x0  }
0x335: {  	[sflag:s5] =	ssyncadd.s32 $0xFFFFF380  }
0x336: {  	_ =	swait.ge [sflag:s5], $0xC80  }
0x337: {  	[sflag:s5] =	ssyncset.done $0x0  }
0x338: {  	[sflag:s5] =	ssyncadd.s32 $0xFFFFF380  }
0x339: {  	_ =	swait.ge [sflag:s5], $0xC80  }
0x33a: {  	[sflag:s5] =	ssyncset.done $0x0  }
0x33b: {  	[sflag:s5] =	ssyncadd.s32 $0xFFFFF380  }
0x33c: {  	_ =	swait.ge [sflag:s5], $0xC80  }
0x33d: {  	[sflag:s5] =	ssyncset.done $0x0  }
0x33e: {  	[sflag:s5] =	ssyncadd.s32 $0xFFFFF380  }
0x33f: {  	_ =	swait.ge [sflag:s5], $0xC80  }
0x340: {  	[sflag:s5] =	ssyncset.done $0x0  }
0x341: {  	[sflag:s5] =	ssyncadd.s32 $0xFFFFF380  }
0x342: {  	_ =	swait.ge [sflag:s5], $0xC80  }
0x343: {  	[sflag:s5] =	ssyncset.done $0x0  }
0x344: {  	[sflag:s5] =	ssyncadd.s32 $0xFFFFF380  }
0x345: {  	_ =	swait.ge [sflag:s5], $0xC80  }
0x346: {  	[sflag:s5] =	ssyncset.done $0x0  }
0x347: {  	[sflag:s5] =	ssyncadd.s32 $0xFFFFF380  }
0x348: {  	_ =	swait.ge [sflag:s5], $0xC80  }
0x349: {  	[sflag:s5] =	ssyncset.done $0x0  }
0x34a: {  	[sflag:s5] =	ssyncadd.s32 $0xFFFFF380  }
0x34b: {  	_ =	swait.ge [sflag:s5], $0xC80  }
0x34c: {  	[sflag:s5] =	ssyncset.done $0x0  }
0x34d: {  	[sflag:s5] =	ssyncadd.s32 $0xFFFFF380  }
0x34e: {  	_ =	swait.ge [sflag:s5], $0xC80  }
0x34f: {  	[sflag:s5] =	ssyncset.done $0x0  }
0x350: {  	[sflag:s5] =	ssyncadd.s32 $0xFFFFF380  }
0x351: {  	_ =	swait.ge [sflag:s5], $0xC80  }
0x352: {  	[sflag:s5] =	ssyncset.done $0x0  }
0x353: {  	s31 =	rddreg [dreg:$0x3];
	[sflag:s5] =	ssyncadd.s32 $0xFFFFF380  }
0x354: {  	[hbm4b:s31+s2] =	stream.linear.scatter [tilespmem:s4], [sflag:$0x2], $0x19000, $0x38;
	[tilespmem:$0x19700] =	vst v63  }
0x355: {  	_ =	swait.ge [sflag:s14], $0x19000  }
0x356: {  	[sflag:s14] =	ssyncset.done $0x0  }
0x357: {  	s31 =	rddreg [dreg:$0x4];
	[sflag:s14] =	ssyncadd.s32 $0xFFFE7000  }
0x358: {  	[tilespmem:s2], [sflag:$0x2] =	stream.linear.gather [hbm4b:s31+s2], $0x700, $0x38;
	[tilespmem:$0x19700] =	vst v63  }
0x359: {  	_ =	swait.ge [sflag:s14], $0x700  }
0x35a: {  	[sflag:s14] =	ssyncset.done $0x0  }
0x35b: {  	[sflag:s14] =	ssyncadd.s32 $0xFFFFF900  }
0x35c: {  	[tilespmem:s4], [sflag:$0x1] =	stream.indirect.gather [hbm4b:s6+s7], $0x40, s2, s7, $0xb8;
	[tilespmem:$0x19700] =	vst v63  }
0x35d: {  	s20 =	simm.s32 $0x38;
	s31 =	simm.s32 $0x1380  }
0x35e: {  	[tilespmem:s31], [sflag:$0x1] =	stream.indirect.gather [hbm4b:s6+s7], $0x40, s20, s7, $0xb8;
	[tilespmem:$0x19700] =	vst v63  }
0x35f: {  	s20 =	simm.s32 $0x70;
	s31 =	simm.s32 $0x2000  }
0x360: {  	[tilespmem:s31], [sflag:$0x1] =	stream.indirect.gather [hbm4b:s6+s7], $0x40, s20, s7, $0xb8;
	[tilespmem:$0x19700] =	vst v63  }
0x361: {  	s20 =	simm.s32 $0xA8;
	s31 =	simm.s32 $0x2C80  }
0x362: {  	[tilespmem:s31], [sflag:$0x1] =	stream.indirect.gather [hbm4b:s6+s7], $0x40, s20, s7, $0xb8;
	[tilespmem:$0x19700] =	vst v63  }
0x363: {  	s20 =	simm.s32 $0xE0;
	s31 =	simm.s32 $0x3900  }
0x364: {  	[tilespmem:s31], [sflag:$0x1] =	stream.indirect.gather [hbm4b:s6+s7], $0x40, s20, s7, $0xb8;
	[tilespmem:$0x19700] =	vst v63  }
0x365: {  	s20 =	simm.s32 $0x118;
	s31 =	simm.s32 $0x4580  }
0x366: {  	[tilespmem:s31], [sflag:$0x1] =	stream.indirect.gather [hbm4b:s6+s7], $0x40, s20, s7, $0xb8;
	[tilespmem:$0x19700] =	vst v63  }
0x367: {  	s20 =	simm.s32 $0x150;
	s31 =	simm.s32 $0x5200  }
0x368: {  	[tilespmem:s31], [sflag:$0x1] =	stream.indirect.gather [hbm4b:s6+s7], $0x40, s20, s7, $0xb8;
	[tilespmem:$0x19700] =	vst v63  }
0x369: {  	s20 =	simm.s32 $0x188;
	s31 =	simm.s32 $0x5E80  }
0x36a: {  	[tilespmem:s31], [sflag:$0x1] =	stream.indirect.gather [hbm4b:s6+s7], $0x40, s20, s7, $0xb8;
	[tilespmem:$0x19700] =	vst v63  }
0x36b: {  	s20 =	simm.s32 $0x1C0;
	s31 =	simm.s32 $0x6B00  }
0x36c: {  	[tilespmem:s31], [sflag:$0x1] =	stream.indirect.gather [hbm4b:s6+s7], $0x40, s20, s7, $0xb8;
	[tilespmem:$0x19700] =	vst v63  }
0x36d: {  	s20 =	simm.s32 $0x1F8;
	s31 =	simm.s32 $0x7780  }
0x36e: {  	[tilespmem:s31], [sflag:$0x1] =	stream.indirect.gather [hbm4b:s6+s7], $0x40, s20, s7, $0xb8;
	[tilespmem:$0x19700] =	vst v63  }
0x36f: {  	s20 =	simm.s32 $0x230;
	s31 =	simm.s32 $0x8400  }
0x370: {  	[tilespmem:s31], [sflag:$0x1] =	stream.indirect.gather [hbm4b:s6+s7], $0x40, s20, s7, $0xb8;
	[tilespmem:$0x19700] =	vst v63  }
0x371: {  	s20 =	simm.s32 $0x268;
	s31 =	simm.s32 $0x9080  }
0x372: {  	[tilespmem:s31], [sflag:$0x1] =	stream.indirect.gather [hbm4b:s6+s7], $0x40, s20, s7, $0xb8;
	[tilespmem:$0x19700] =	vst v63  }
0x373: {  	s20 =	simm.s32 $0x2A0;
	s31 =	simm.s32 $0x9D00  }
0x374: {  	[tilespmem:s31], [sflag:$0x1] =	stream.indirect.gather [hbm4b:s6+s7], $0x40, s20, s7, $0xb8;
	[tilespmem:$0x19700] =	vst v63  }
0x375: {  	s20 =	simm.s32 $0x2D8;
	s31 =	simm.s32 $0xA980  }
0x376: {  	[tilespmem:s31], [sflag:$0x1] =	stream.indirect.gather [hbm4b:s6+s7], $0x40, s20, s7, $0xb8;
	[tilespmem:$0x19700] =	vst v63  }
0x377: {  	s20 =	simm.s32 $0x310;
	s31 =	simm.s32 $0xB600  }
0x378: {  	[tilespmem:s31], [sflag:$0x1] =	stream.indirect.gather [hbm4b:s6+s7], $0x40, s20, s7, $0xb8;
	[tilespmem:$0x19700] =	vst v63  }
0x379: {  	s20 =	simm.s32 $0x348;
	s31 =	simm.s32 $0xC280  }
0x37a: {  	[tilespmem:s31], [sflag:$0x1] =	stream.indirect.gather [hbm4b:s6+s7], $0x40, s20, s7, $0xb8;
	[tilespmem:$0x19700] =	vst v63  }
0x37b: {  	s20 =	simm.s32 $0x380;
	s31 =	simm.s32 $0xCF00  }
0x37c: {  	[tilespmem:s31], [sflag:$0x1] =	stream.indirect.gather [hbm4b:s6+s7], $0x40, s20, s7, $0xb8;
	[tilespmem:$0x19700] =	vst v63  }
0x37d: {  	s20 =	simm.s32 $0xDB80;
	s31 =	simm.s32 $0x3B8  }
0x37e: {  	[tilespmem:s20], [sflag:$0x1] =	stream.indirect.gather [hbm4b:s6+s7], $0x40, s31, s7, $0xb8;
	[tilespmem:$0x19700] =	vst v63  }
0x37f: {  	s20 =	simm.s32 $0xE800;
	s31 =	simm.s32 $0x3F0  }
0x380: {  	[tilespmem:s20], [sflag:$0x1] =	stream.indirect.gather [hbm4b:s6+s7], $0x40, s31, s7, $0xb8;
	[tilespmem:$0x19700] =	vst v63  }
0x381: {  	s20 =	simm.s32 $0xF480;
	s31 =	simm.s32 $0x428  }
0x382: {  	[tilespmem:s20], [sflag:$0x1] =	stream.indirect.gather [hbm4b:s6+s7], $0x40, s31, s7, $0xb8;
	[tilespmem:$0x19700] =	vst v63  }
0x383: {  	s31 =	simm.s32 $0x460  }
0x384: {  	[tilespmem:s30], [sflag:$0x1] =	stream.indirect.gather [hbm4b:s6+s7], $0x40, s31, s7, $0xb8;
	[tilespmem:$0x19700] =	vst v63  }
0x385: {  	_ = 	snop  }
0x386: {  	[tilespmem:s28], [sflag:$0x1] =	stream.indirect.gather [hbm4b:s6+s7], $0x40, s29, s7, $0xb8;
	[tilespmem:$0x19700] =	vst v63  }
0x387: {  	_ = 	snop  }
0x388: {  	[tilespmem:s25], [sflag:$0x1] =	stream.indirect.gather [hbm4b:s6+s7], $0x40, s26, s7, $0xb8;
	[tilespmem:$0x19700] =	vst v63  }
0x389: {  	_ = 	snop  }
0x38a: {  	[tilespmem:s23], [sflag:$0x1] =	stream.indirect.gather [hbm4b:s6+s7], $0x40, s24, s7, $0xb8;
	[tilespmem:$0x19700] =	vst v63  }
0x38b: {  	_ = 	snop  }
0x38c: {  	[tilespmem:s21], [sflag:$0x1] =	stream.indirect.gather [hbm4b:s6+s7], $0x40, s22, s7, $0xb8;
	[tilespmem:$0x19700] =	vst v63  }
0x38d: {  	_ = 	snop  }
0x38e: {  	[tilespmem:s18], [sflag:$0x1] =	stream.indirect.gather [hbm4b:s6+s7], $0x40, s19, s7, $0xb8;
	[tilespmem:$0x19700] =	vst v63  }
0x38f: {  	_ = 	snop  }
0x390: {  	[tilespmem:s16], [sflag:$0x1] =	stream.indirect.gather [hbm4b:s6+s7], $0x40, s17, s7, $0xb8;
	[tilespmem:$0x19700] =	vst v63  }
0x391: {  	_ = 	snop  }
0x392: {  	[tilespmem:s3], [sflag:$0x1] =	stream.indirect.gather [hbm4b:s6+s7], $0x40, s15, s7, $0xb8;
	[tilespmem:$0x19700] =	vst v63  }
0x393: {  	_ = 	snop  }
0x394: {  	[tilespmem:s12], [sflag:$0x1] =	stream.indirect.gather [hbm4b:s6+s7], $0x40, s13, s7, $0xb8;
	[tilespmem:$0x19700] =	vst v63  }
0x395: {  	_ = 	snop  }
0x396: {  	[tilespmem:s10], [sflag:$0x1] =	stream.indirect.gather [hbm4b:s6+s7], $0x40, s11, s7, $0xb8;
	[tilespmem:$0x19700] =	vst v63  }
0x397: {  	_ = 	snop  }
0x398: {  	[tilespmem:s8], [sflag:$0x1] =	stream.indirect.gather [hbm4b:s6+s7], $0x40, s9, s7, $0xb8;
	[tilespmem:$0x19700] =	vst v63  }
0x399: {  	_ = 	snop  }
0x39a: {  	[tilespmem:s0], [sflag:$0x1] =	stream.indirect.gather [hbm4b:s6+s7], $0x40, s1, s7, $0xb8;
	[tilespmem:$0x19700] =	vst v63  }
0x39b: {  	_ =	swait.ge [sflag:s5], $0xC80  }
0x39c: {  	[sflag:s5] =	ssyncset.done $0x0  }
0x39d: {  	[sflag:s5] =	ssyncadd.s32 $0xFFFFF380  }
0x39e: {  	_ =	swait.ge [sflag:s5], $0xC80  }
0x39f: {  	[sflag:s5] =	ssyncset.done $0x0  }
0x3a0: {  	[sflag:s5] =	ssyncadd.s32 $0xFFFFF380  }
0x3a1: {  	_ =	swait.ge [sflag:s5], $0xC80  }
0x3a2: {  	[sflag:s5] =	ssyncset.done $0x0  }
0x3a3: {  	[sflag:s5] =	ssyncadd.s32 $0xFFFFF380  }
0x3a4: {  	_ =	swait.ge [sflag:s5], $0xC80  }
0x3a5: {  	[sflag:s5] =	ssyncset.done $0x0  }
0x3a6: {  	[sflag:s5] =	ssyncadd.s32 $0xFFFFF380  }
0x3a7: {  	_ =	swait.ge [sflag:s5], $0xC80  }
0x3a8: {  	[sflag:s5] =	ssyncset.done $0x0  }
0x3a9: {  	[sflag:s5] =	ssyncadd.s32 $0xFFFFF380  }
0x3aa: {  	_ =	swait.ge [sflag:s5], $0xC80  }
0x3ab: {  	[sflag:s5] =	ssyncset.done $0x0  }
0x3ac: {  	[sflag:s5] =	ssyncadd.s32 $0xFFFFF380  }
0x3ad: {  	_ =	swait.ge [sflag:s5], $0xC80  }
0x3ae: {  	[sflag:s5] =	ssyncset.done $0x0  }
0x3af: {  	[sflag:s5] =	ssyncadd.s32 $0xFFFFF380  }
0x3b0: {  	_ =	swait.ge [sflag:s5], $0xC80  }
0x3b1: {  	[sflag:s5] =	ssyncset.done $0x0  }
0x3b2: {  	[sflag:s5] =	ssyncadd.s32 $0xFFFFF380  }
0x3b3: {  	_ =	swait.ge [sflag:s5], $0xC80  }
0x3b4: {  	[sflag:s5] =	ssyncset.done $0x0  }
0x3b5: {  	[sflag:s5] =	ssyncadd.s32 $0xFFFFF380  }
0x3b6: {  	_ =	swait.ge [sflag:s5], $0xC80  }
0x3b7: {  	[sflag:s5] =	ssyncset.done $0x0  }
0x3b8: {  	[sflag:s5] =	ssyncadd.s32 $0xFFFFF380  }
0x3b9: {  	_ =	swait.ge [sflag:s5], $0xC80  }
0x3ba: {  	[sflag:s5] =	ssyncset.done $0x0  }
0x3bb: {  	[sflag:s5] =	ssyncadd.s32 $0xFFFFF380  }
0x3bc: {  	_ =	swait.ge [sflag:s5], $0xC80  }
0x3bd: {  	[sflag:s5] =	ssyncset.done $0x0  }
0x3be: {  	[sflag:s5] =	ssyncadd.s32 $0xFFFFF380  }
0x3bf: {  	_ =	swait.ge [sflag:s5], $0xC80  }
0x3c0: {  	[sflag:s5] =	ssyncset.done $0x0  }
0x3c1: {  	[sflag:s5] =	ssyncadd.s32 $0xFFFFF380  }
0x3c2: {  	_ =	swait.ge [sflag:s5], $0xC80  }
0x3c3: {  	[sflag:s5] =	ssyncset.done $0x0  }
0x3c4: {  	[sflag:s5] =	ssyncadd.s32 $0xFFFFF380  }
0x3c5: {  	_ =	swait.ge [sflag:s5], $0xC80  }
0x3c6: {  	[sflag:s5] =	ssyncset.done $0x0  }
0x3c7: {  	[sflag:s5] =	ssyncadd.s32 $0xFFFFF380  }
0x3c8: {  	_ =	swait.ge [sflag:s5], $0xC80  }
0x3c9: {  	[sflag:s5] =	ssyncset.done $0x0  }
0x3ca: {  	[sflag:s5] =	ssyncadd.s32 $0xFFFFF380  }
0x3cb: {  	_ =	swait.ge [sflag:s5], $0xC80  }
0x3cc: {  	[sflag:s5] =	ssyncset.done $0x0  }
0x3cd: {  	[sflag:s5] =	ssyncadd.s32 $0xFFFFF380  }
0x3ce: {  	_ =	swait.ge [sflag:s5], $0xC80  }
0x3cf: {  	[sflag:s5] =	ssyncset.done $0x0  }
0x3d0: {  	[sflag:s5] =	ssyncadd.s32 $0xFFFFF380  }
0x3d1: {  	_ =	swait.ge [sflag:s5], $0xC80  }
0x3d2: {  	[sflag:s5] =	ssyncset.done $0x0  }
0x3d3: {  	[sflag:s5] =	ssyncadd.s32 $0xFFFFF380  }
0x3d4: {  	_ =	swait.ge [sflag:s5], $0xC80  }
0x3d5: {  	[sflag:s5] =	ssyncset.done $0x0  }
0x3d6: {  	[sflag:s5] =	ssyncadd.s32 $0xFFFFF380  }
0x3d7: {  	_ =	swait.ge [sflag:s5], $0xC80  }
0x3d8: {  	[sflag:s5] =	ssyncset.done $0x0  }
0x3d9: {  	[sflag:s5] =	ssyncadd.s32 $0xFFFFF380  }
0x3da: {  	_ =	swait.ge [sflag:s5], $0xC80  }
0x3db: {  	[sflag:s5] =	ssyncset.done $0x0  }
0x3dc: {  	[sflag:s5] =	ssyncadd.s32 $0xFFFFF380  }
0x3dd: {  	_ =	swait.ge [sflag:s5], $0xC80  }
0x3de: {  	[sflag:s5] =	ssyncset.done $0x0  }
0x3df: {  	[sflag:s5] =	ssyncadd.s32 $0xFFFFF380  }
0x3e0: {  	_ =	swait.ge [sflag:s5], $0xC80  }
0x3e1: {  	[sflag:s5] =	ssyncset.done $0x0  }
0x3e2: {  	[sflag:s5] =	ssyncadd.s32 $0xFFFFF380  }
0x3e3: {  	_ =	swait.ge [sflag:s5], $0xC80  }
0x3e4: {  	[sflag:s5] =	ssyncset.done $0x0  }
0x3e5: {  	[sflag:s5] =	ssyncadd.s32 $0xFFFFF380  }
0x3e6: {  	_ =	swait.ge [sflag:s5], $0xC80  }
0x3e7: {  	[sflag:s5] =	ssyncset.done $0x0  }
0x3e8: {  	[sflag:s5] =	ssyncadd.s32 $0xFFFFF380  }
0x3e9: {  	_ =	swait.ge [sflag:s5], $0xC80  }
0x3ea: {  	[sflag:s5] =	ssyncset.done $0x0  }
0x3eb: {  	[sflag:s5] =	ssyncadd.s32 $0xFFFFF380  }
0x3ec: {  	_ =	swait.ge [sflag:s5], $0xC80  }
0x3ed: {  	[sflag:s5] =	ssyncset.done $0x0  }
0x3ee: {  	[sflag:s5] =	ssyncadd.s32 $0xFFFFF380  }
0x3ef: {  	_ =	swait.ge [sflag:s5], $0xC80  }
0x3f0: {  	[sflag:s5] =	ssyncset.done $0x0  }
0x3f1: {  	[sflag:s5] =	ssyncadd.s32 $0xFFFFF380  }
0x3f2: {  	_ =	swait.ge [sflag:s5], $0xC80  }
0x3f3: {  	[sflag:s5] =	ssyncset.done $0x0  }
0x3f4: {  	[sflag:s5] =	ssyncadd.s32 $0xFFFFF380  }
0x3f5: {  	_ =	swait.ge [sflag:s5], $0xC80  }
0x3f6: {  	[sflag:s5] =	ssyncset.done $0x0  }
0x3f7: {  	[sflag:s5] =	ssyncadd.s32 $0xFFFFF380  }
0x3f8: {  	_ =	swait.ge [sflag:s5], $0xC80  }
0x3f9: {  	[sflag:s5] =	ssyncset.done $0x0  }
0x3fa: {  	s30 =	rddreg [dreg:$0x5];
	[sflag:s5] =	ssyncadd.s32 $0xFFFFF380  }
0x3fb: {  	[hbm4b:s30+s2] =	stream.linear.scatter [tilespmem:s4], [sflag:$0x2], $0x19000, $0x38;
	[tilespmem:$0x19700] =	vst v63  }
0x3fc: {  	_ =	swait.ge [sflag:s14], $0x19000  }
0x3fd: {  	[sflag:s14] =	ssyncset.done $0x0  }
0x3fe: {  	[sflag:s14] =	ssyncadd.s32 $0xFFFE7000  }
0x3ff: {  	_ =	sfence.sel $0x180000  }
0x400: {  	[bflag:$0x0] =	sbarrier.arrive $0xFFFF  }
0x401: {  	_ =	strace $0x9000004A  }
0x402: {  	s31 =	stileid.u32;
	[bflag:$0x2] =	sbarrier.arrive $0xFFFF  }
0x403: {  	p0 =	sne.s32 s31, $0x0;
	s0 =	rddreg [dreg:$0x1]  }
0x404: {  	s0 =	sadd.s32 @!p0 $0x100000, s0  }
0x405: {  	[sflag:s0] =	ssyncadd.tile.s32 @!p0 $0x1;
	_ =	shalt  }
.Lfunc_end2:
_tile_overlayer_lowered:
.L_overlay_start_2:
0x406: {  	(tag) =	ssettag $0x2  }
0x407: {  	s0 =	rddreg [dreg:$0x0];
	s2 =	stileid.u32  }
0x408: {  	s1 =	rddreg [dreg:$0x1];
	p0 =	sne.s32 s2, $0x0  }
0x409: {  	s3 =	rddreg [dreg:$0x2];
	[bflag:$0x3] =	sbarrier.arrive $0xFFFF;
	s2 =	simm.s32 @!p0 $0x1C02  }
0x40a: {  	[timem:s3], [sflag:s2] =	dma.local @!p0 [hbm:s0], s1  }
0x40b: {  	s0 =	simm.s32 @!p0 $0x2  }
0x40c: {  	_ =	swait.ge @!p0 [sflag:s0], s1  }
0x40d: {  	s1 =	ssub.s32 @!p0 $0x0, s1;
	[sflag:s0] =	ssyncset.done @!p0 $0x0  }
0x40e: {  	[sflag:s0] =	ssyncadd.s32 @!p0 s1  }
0x40f: {  	[bflag:$0x3] =	sbarrier.arrive $0xFFFF  }
0x410: {  	_ =	shalt  }

// kernel: sparse-core-data-format-call.cloned.1.call-start
scs
called_computation_lowered:
.L_overlay_start_0:
0x0: {  	s2 =	sld [smem:$0x3FD9]  }
0x1: {  	s3 =	sld [smem:$0x3FFE];
	_ =	sdelay $0x1  }
0x2: {  	s1 =	srdreg.scid  }
0x3: {  	s0 =	sand.u32 $0x1, s1  }
0x4: {  	s18 =	sshll.u32 s0, $0xA;
	s2 =	sadd.s32 s3, s2  }
0x5: {  	s2 =	sadd.s32 s2, s18  }
0x6: {  	[smem:$0x3F95] =	sst s2  }
0x7: {  	_ = 	snop  }
0x8: {  	s2 =	sld [smem:$0x3FA8];
	(tm) =	ssettm $0x1  }
0x9: {  	s19 =	sld [smem:$0x3FFB];
	_ =	sdelay $0x3  }
0xa: {  	_ =	strace s19  }
0xb: {  	s3 =	sld [smem:$0x3FFC];
	_ =	sdelay $0x3  }
0xc: {  	_ =	strace s3  }
0xd: {  	s3 =	sld [smem:$0x3FFD];
	_ =	sdelay $0x3  }
0xe: {  	_ =	strace s3  }
0xf: {  	_ =	strace $0x8FFFFFFF  }
0x10: {  	s20 =	sld [smem:$0x3FDB];
	_ =	sdelay $0x1  }
0x11: {  	s4 =	simm.s32 $_scs_section_size  }
0x12: {  	s5 =	simm.s32 $_size__tile_overlayer_lowered;
	s6 =	simm.s32 $_tile_overlayer_lowered  }
0x13: {  	s23 =	simm.s32 $0x1BFF;
	s22 =	sshll.u32 s6, $0x1;
	s3 =	sadd.s32 s4, s20  }
0x14: {  	s7 =	simm.s32 $0x0;
	s21 =	sshll.u32 s5, $0x1;
	s5 =	sadd.s32 s22, s3  }
0x15: {  	[timem:s7], [sflag:s23] =	dma.local [hbm:s5], s21  }
0x16: {  	_ =	swait.ge [sflag:s23], s21  }
0x17: {  	s4 =	ssub.s32 $0x0, s21;
	[sflag:s23] =	ssyncset.done $0x0  }
0x18: {  	[sflag:s23] =	ssyncadd.s32 s4;
	_ =	sdelay $0x1  }
0x19: {  	s24 =	simm.s32 $0x1B8B  }
0x1a: {  	_ =	swait.ge [sflag:s24], $0x1  }
0x1b: {  	[sflag:s24] =	ssyncset.done $0x0  }
0x1c: {  	s26 =	simm.s32 $0x1B8E;
	s25 =	sld [smem:$0x3FFE];
	[sflag:s24] =	ssyncadd.s32 $0xFFFFFFFF  }
0x1d: {  	s27 =	simm.s32 $execute0_lowered;
	[smem:$0x3FD2] =	sst s26  }
0x1e: {  	s5 =	sshll.u32 s27, $0x1;
	_ =	strace $0x80000046;
	[dreg:$0x1] =	wrdreg $0xFFFFFFFF  }
0x1f: {  	s28 =	simm.s32 $_size_execute0_lowered;
	s3 =	sadd.s32 s3, s5;
	[dreg:$0x0] =	wrdreg $0x0  }
0x20: {  	s5 =	sshll.u32 s28, $0x1;
	[dreg:$0x2] =	wrdreg s3  }
0x21: {  	[dreg:$0x3] =	wrdreg s5  }
0x22: {  	[dreg:$0x4] =	wrdreg $0xC0  }
0x23: {  	_ =	task [dreg:s7], $0x5FFFF  }
0x24: {  	[dreg:$0x1] =	wrdreg $0xFFFFFFFF  }
0x25: {  	[dreg:$0x0] =	wrdreg $0x60  }
0x26: {  	[dreg:$0x2] =	wrdreg s2  }
0x27: {  	[dreg:$0x3] =	wrdreg s25  }
0x28: {  	[dreg:$0x4] =	wrdreg $0x9  }
0x29: {  	_ =	task.clear_ibuf [dreg:s7], $0x5FFFF;
	_ =	strace $0x90000046  }
0x2a: {  	s29 =	simm.s32 $0x9;
	_ =	strace $0x80000048  }
0x2b: {  	_ =	swait.ge [sflag:s29], $0x1  }
0x2c: {  	[sflag:s29] =	ssyncadd.s32 $0xFFFFFFFF  }
0x2d: {  	_ =	strace $0x90000048  }
0x2e: {  	_ =	sfence  }
0x2f: {  	s30 =	sld [smem:$0x0];
	_ =	sdelay $0x2  }
0x30: {  	s31 =	sshll.u32 s1, $0xD;
	s1 =	sshrl.u32 s1, $0x2  }
0x31: {  	s3 =	sand.u32 $0x4000, s31;
	s1 =	sadd.s32 s1, s30  }
0x32: {  	s0 =	sor.u32 s3, s0;
	s1 =	sshll.u32 s1, $0x11  }
0x33: {  	s0 =	sor.u32 s1, s0  }
0x34: {  	s0 =	sadd.s32 $0x8F2B, s0  }
0x35: {  	[sflag:s0] =	ssyncadd.remote.s32 $0x1  }
0x36: {  	_ =	sfence.sel $0xFFFF  }
0x37: {  	[dreg:$0x0] =	wrdreg $0xFFFFFFFF;
	(pc) =	sbr.abs _section_cstart, $3  }
0x38: {  	[dreg:$0x1] =	wrdreg $0xFFFFFFFF  }
0x39: {  	_ =	task.clear_ibuf [dreg:s7], $0x2FFFF;
	_ =	strace $0x9FFFFFFF  }
0x3a: {  	(tm) =	ssettm $0x7FFFFFFF  }
0x3b: {  	_ =	shalt  }
tec
execute0_lowered:
.L_overlay_start_1:
0x0: {  	(tag) =	ssettag $0x1  }
0x1: {  	s0 =	srdreg.scid;
	s2 =	rddreg [dreg:$0x0]  }
0x2: {  	s5 =	rddreg [dreg:$0x1];
	s1 =	stileid.u32  }
0x3: {  	s4 =	simm.s32 $0x1;
	s6 =	simm.s32 $0x2;
	s15 =	simm.s32 $0x0  }
0x4: {  	p0 =	por $0x0, $0x0;
	s8 =	simm.s32 $0x80;
	s0 =	sshll.u32 s0, $0x4  }
0x5: {  	s14 =	simm.s32 $0x0;
	s9 =	simm.s32 $0x0;
	s3 =	sand.u32 $0x10, s0  }
.Ltmp0:
0x6: {  	s10 =	simm.s32 $0x0;
	s3 =	sor.u32 s1, s3;
	(pc) =	sbr.rel .LBB1_1-.Ltmp0, $4  }
0x7: {  	s0 =	rddreg [dreg:$0x2];
	_ =	strace $0x80000047;
	s3 =	sshll.u32 s3, $0x7  }
0x8: {  	s12 =	simm.s32 $0x0;
	[sflag:s4] =	ssyncpa.u1 $0x0;
	s7 =	ssub.s32 $0xF4200, s3  }
0x9: {  	s13 =	simm.s32 $0x0;
	[sflag:s6] =	ssyncpa.u1 $0x0;
	s6 =	sshrl.u32 s7, $0xC  }
0xa: {  	s5 =	sadd.s32 $0x7000, s5;
	s11 =	smov.u32 s3;
	s7 =	sadd.s32 $0x2, s6  }
.LBB1_5:
0xb: {  	p1 =	slt.u32 s13, $0x2  }
0xc: {  	s17 =	smov.u32 s15;
	p2 =	sgt.s32 @!p1 s15, $0xF41C0;
	s16 =	sshra.s32 @!p1 s15, $0x1F  }
0xd: {  	p3 =	sgt.s32 @!p1 s14, $0x40;
	s18 =	sshra.s32 @!p1 s14, $0x1F;
	p2 =	por !p2, p1  }
0xe: {  	s15 =	sand.u32 @!p1 s16, s15;
	p3 =	por !p3, p1;
	s16 =	smov.u32 s14  }
0xf: {  	s14 =	sand.u32 @!p1 s18, s14;
	s17 =	simm.s32 @p2 $0xF41C0;
	s16 =	simm.s32 @p3 $0x40  }
0x10: {  	s15 =	ssub.s32 @!p1 s17, s15;
	s14 =	ssub.s32 @!p1 s16, s14  }
0x11: {  	s18 =	smov.u32 s12;
	s16 =	sadd.s32 @!p1 $0xFFF0BE40, s15;
	s17 =	sadd.s32 @!p1 $0xFFFFFFC0, s14  }
0x12: {  	s15 =	ssub.s32 @!p1 $0xF4240, s15;
	p2 =	sgt.s32 @!p1 s16, $0x7F;
	p3 =	sgt.s32 @!p1 s17, $0x3F  }
0x13: {  	s14 =	ssub.s32 @!p1 $0x80, s14;
	p2 =	por !p2, p1;
	p3 =	por !p3, p1  }
0x14: {  	s16 =	sadd.s32 $0x1000, s11;
	s15 =	simm.s32 @!p2 $0x0;
	s14 =	simm.s32 @!p3 $0x0  }
0x15: {  	p2 =	sgt.s32 s16, $0xF423F;
	s14 =	smul.u32 @!p1 s14, s15;
	s15 =	sadd.s32 $0x40, s12  }
0x16: {  	s18 =	smov.u32 @p2 s15  }
0x17: {  	s16 =	smov.u32 @p2 s3;
	p2 =	sgt.s32 s18, $0x3F  }
0x18: {  	s18 =	simm.s32 @p2 $0x0;
	p2 =	sne.s32 s13, s7  }
.Ltmp1:
0x19: {  	p0 =	por !p0, !p0;
	s17 =	simm.s32 @!p1 $0x2;
	(pc) =	sbr.rel @!p2 .LBB1_6-.Ltmp1, $4  }
0x1a: {  	s15 =	smov.u32 s9;
	s9 =	smov.u32 s11;
	s14 =	sand.u32 @!p1 $0x3FFFFFFF, s14  }
0x1b: {  	s11 =	smov.u32 s16;
	_ =	swait.ge @!p1 [sflag:s17], s14;
	s19 =	ssub.s32 @!p1 $0x0, s14  }
0x1c: {  	s14 =	smov.u32 s10;
	s13 =	sadd.s32 $0x1, s13;
	[sflag:s17] =	ssyncset.done @!p1 $0x0  }
0x1d: {  	s10 =	smov.u32 s12;
	s12 =	smov.u32 s18;
	[sflag:s17] =	ssyncadd.s32 @!p1 s19  }
.LBB1_1:
0x1e: {  	p1 =	sgt.u32 s13, s6  }
0x1f: {  	s16 =	sshrl.u32 @!p1 s12, $0x3  }
0x20: {  	s17 =	sshll.u32 @!p1 s11, $0x3;
	s16 =	smul.u32 @!p1 $0x7A1400, s16  }
0x21: {  	s18 =	sshll.u32 @!p1 s12, $0x7;
	s17 =	sand.u32 @!p1 $0xFFFFFC00, s17  }
0x22: {  	s16 =	sadd.s32 @!p1 s16, s17;
	s17 =	sand.u32 @!p1 $0x380, s18  }
0x23: {  	s18 =	sand.u32 @!p1 $0x7F, s11;
	s16 =	sor.u32 @!p1 s17, s16  }
0x24: {  	s17 =	sor.u32 @!p1 s18, s16  }
0x25: {  	s18 =	smulhi.u32 @!p1 $0x218D6287, s17;
	_ =	sdelay $0x1  }
0x26: {  	s16 =	smulhi.u32 @!p1 $0x218D6287, s16;
	s18 =	sshrl.u32 @!p1 s18, $0x11  }
0x27: {  	s18 =	smul.u32 @!p1 $0xF4280, s18  }
0x28: {  	s19 =	sxor.u32 @!p1 $0xFFFFFFFF, s13;
	s16 =	sshrl.u32 @!p1 s16, $0x11  }
0x29: {  	s19 =	sshll.u32 @!p1 s19, $0xD;
	s16 =	sand.u32 @!p1 $0x3F, s16;
	s17 =	ssub.s32 @!p1 s17, s18  }
0x2a: {  	s16 =	smul.u32 @!p1 $0x1E850, s16;
	s18 =	sshrl.u32 @!p1 s17, $0x3;
	s17 =	sand.u32 @!p1 $0x7, s17  }
0x2b: {  	s19 =	sand.u32 @!p1 $0x2000, s19;
	s18 =	sadd.s32 @!p1 s2, s18;
	s17 =	sshll.u32 @!p1 s17, $0x12  }
0x2c: {  	s16 =	sadd.s32 @!p1 s16, s18;
	s17 =	sor.u32 @!p1 $0x400, s17;
	s18 =	simm.s32 @!p1 $0x7A1400  }
0x2d: {  	[tilespmem:s19], [sflag:$0x1] =	stream.strided.gather @!p1 [hbm4b:s16+s17], $0x2000, s18, s17, $0x38;
	[tilespmem:$0x8100] =	vst v63  }
0x2e: {  	p1 =	seq.s32 s13, $0x0  }
0x2f: {  	p2 =	sge.u32 @!p1 s13, s7  }
0x30: {  	p1 =	por p1, p2  }
.Ltmp2:
0x31: {  	_ = 	snop;
	(pc) =	sbr.rel @p1 .LBB1_5-.Ltmp2, $1  }
0x32: {  	_ =	sdelay $0x3  }
0x33: {  	s16 =	simm.s32 $0x1  }
0x34: {  	_ =	swait.ge [sflag:s4], $0x2000;
	s16 =	simm.s32 @!p0 $0x0  }
0x35: {  	[sflag:s4] =	ssyncset.done $0x0;
	s17 =	sshll.u32 s16, $0xD  }
0x36: {  	[sflag:s4] =	ssyncadd.s32 $0xFFFFE000;
	s17 =	sor.u32 $0x40, s17  }
0x37: {  	s16 =	smul.u32 $0x8200, s16;
	v0 =	vld [tilespmem:s17+$0x30]  }
0x38: {  	v1 =	vld [tilespmem:s17+$0xFFFFFFD0]  }
0x39: {  	s16 =	sshrl.u32 s16, $0x2;
	v5 =	vld [tilespmem:s17+$0xFFFFFFE0]  }
0x3a: {  	v6 =	vld [tilespmem:s17+$0xFFFFFFF0];
	s19 =	sor.u32 $0x4000, s16  }
0x3b: {  	s31 =	sand.u32 $0x1, s13;
	v4 =	vld [tilespmem:s17+$0x0];
	s18 =	sadd.s32 $0x0, s19  }
0x3c: {  	v3 =	vld [tilespmem:s17+$0x10];
	s16 =	smul.u32 $0x8200, s31;
	[tilespmem:s18+$0x1C70 ss:$0x41] =	vst.msk $0xffff, v0  }
0x3d: {  	v2 =	vld [tilespmem:s17+$0x20];
	[tilespmem:s18+$0x410 ss:$0x41] =	vst.msk $0xffff, v1  }
0x3e: {  	s16 =	sshrl.u32 s16, $0x2;
	v1 =	vld [tilespmem:s17+$0xFFFFFFC0];
	[tilespmem:s18+$0x820 ss:$0x41] =	vst.msk $0xffff, v5;
	s17 =	sadd.s32 $0x80, s17  }
0x3f: {  	s20 =	simm.s32 $0x4;
	s21 =	simm.s32 $0x8;
	s16 =	sor.u32 $0x4000, s16;
	[tilespmem:s18+$0xC30 ss:$0x41] =	vst.msk $0xffff, v6;
	v0 =	vld [tilespmem:s17+$0x30]  }
.LBB1_3:
0x40: {  	p1 =	sne.s32 s21, $0xFC;
	v5 =	vld [tilespmem:s17+$0xFFFFFFD0];
	[tilespmem:s18+$0x1040 ss:$0x41] =	vst.msk $0xffff, v4  }
0x41: {  	v6 =	vld [tilespmem:s17+$0xFFFFFFE0];
	[tilespmem:s18+$0x1450 ss:$0x41] =	vst.msk $0xffff, v3  }
0x42: {  	s22 =	sshra.s32 s20, $0x2;
	s20 =	smov.u32 s21;
	v7 =	vld [tilespmem:s17+$0xFFFFFFF0];
	[tilespmem:s18+$0x1860 ss:$0x41] =	vst.msk $0xffff, v2  }
.Ltmp3:
0x43: {  	v4 =	vld [tilespmem:s17+$0x0];
	[tilespmem:s18+$0x0 ss:$0x41] =	vst.msk $0xffff, v1;
	s18 =	sadd.s32 s22, s19;
	(pc) =	sbr.rel @p1 .LBB1_3-.Ltmp3, $4  }
0x44: {  	v3 =	vld [tilespmem:s17+$0x10];
	[tilespmem:s18+$0x1C70 ss:$0x41] =	vst.msk $0xffff, v0  }
0x45: {  	[tilespmem:s18+$0x410 ss:$0x41] =	vst.msk $0xffff, v5;
	v2 =	vld [tilespmem:s17+$0x20]  }
0x46: {  	v1 =	vld [tilespmem:s17+$0xFFFFFFC0];
	[tilespmem:s18+$0x820 ss:$0x41] =	vst.msk $0xffff, v6;
	s17 =	sadd.s32 $0x80, s17  }
0x47: {  	s21 =	sadd.s32 $0x4, s21;
	v0 =	vld [tilespmem:s17+$0x30];
	[tilespmem:s18+$0xC30 ss:$0x41] =	vst.msk $0xffff, v7  }
0x48: {  	s21 =	sshll.u32 s9, $0x7;
	s22 =	sshll.u32 s10, $0x3;
	s20 =	sshra.s32 s20, $0x2  }
0x49: {  	p1 =	sgt.s32 s9, $0xF41C0;
	s30 =	sshra.s32 s9, $0x1F;
	s25 =	sshra.s32 s10, $0x1F  }
0x4a: {  	v5 =	vld [tilespmem:s17+$0xFFFFFFD0];
	s28 =	sshrl.u32 s10, $0x3;
	s23 =	sand.u32 $0xFFFFFC00, s21;
	s22 =	sand.u32 $0xFFFFFC00, s22  }
0x4b: {  	[tilespmem:s18+$0x1040 ss:$0x41] =	vst.msk $0xffff, v4;
	v58 =	vld [tilespmem:s17+$0xFFFFFFE0];
	s21 =	sand.u32 $0x380, s21;
	s19 =	sadd.s32 s20, s19;
	s22 =	sadd.s32 s22, s23  }
0x4c: {  	v59 =	vld [tilespmem:s17+$0xFFFFFFF0];
	[tilespmem:s18+$0x1450 ss:$0x41] =	vst.msk $0xffff, v3;
	s29 =	sor.u32 s21, s22;
	s21 =	smov.u32 s9;
	s22 =	sand.u32 s30, s9  }
0x4d: {  	v60 =	vld [tilespmem:s17+$0x0];
	[tilespmem:s18+$0x1860 ss:$0x41] =	vst.msk $0xffff, v2;
	s30 =	sand.u32 $0x7, s10;
	s20 =	sshrl.u32 s29, $0x7;
	s21 =	simm.s32 @!p1 $0xF41C0  }
0x4e: {  	v61 =	vld [tilespmem:s17+$0x10];
	[tilespmem:s18+$0x0 ss:$0x41] =	vst.msk $0xffff, v1;
	p1 =	sgt.s32 s10, $0x40;
	s24 =	ssub.s32 s21, s22;
	s21 =	smov.u32 s10  }
0x4f: {  	v62 =	vld [tilespmem:s17+$0x20];
	[tilespmem:s19+$0x1C70 ss:$0x41] =	vst.msk $0xffff, v0;
	s31 =	smulhi.u32 $0x218DEF5, s20;
	s22 =	sand.u32 s25, s10;
	s21 =	simm.s32 @!p1 $0x40  }
0x50: {  	v63 =	vld [tilespmem:s17+$0xFFFFFFC0];
	[tilespmem:s19+$0x410 ss:$0x41] =	vst.msk $0xffff, v5;
	s26 =	sadd.s32 $0xFFF0BE40, s24;
	s17 =	ssub.s32 $0xF4240, s24;
	s21 =	ssub.s32 s21, s22  }
0x51: {  	[tilespmem:s19+$0x820 ss:$0x41] =	vst.msk $0xffff, v58;
	s23 =	sshrl.u32 s31, $0xD;
	p1 =	sgt.s32 s26, $0x7F;
	s27 =	sadd.s32 $0xFFFFFFC0, s21  }
0x52: {  	[tilespmem:s19+$0xC30 ss:$0x41] =	vst.msk $0xffff, v59;
	s23 =	smul.u32 $0xF4240, s23;
	s18 =	ssub.s32 $0x80, s21;
	p2 =	sgt.s32 s27, $0x3F  }
.Ltmp4:
0x53: {  	[tilespmem:s19+$0x1040 ss:$0x41] =	vst.msk $0xffff, v60;
	s17 =	simm.s32 @p1 $0x0;
	s18 =	simm.s32 @p2 $0x0;
	(pc) =	sbr.rel .LBB1_5-.Ltmp4, $4  }
0x54: {  	s29 =	sand.u32 $0xF, s28;
	[tilespmem:s19+$0x1450 ss:$0x41] =	vst.msk $0xffff, v61;
	s20 =	ssub.s32 s20, s23;
	s17 =	smul.u32 s18, s17  }
0x55: {  	[tilespmem:s19+$0x1860 ss:$0x41] =	vst.msk $0xffff, v62;
	s21 =	sshll.u32 s30, $0x12;
	s20 =	sshll.u32 s20, $0x4;
	s18 =	sadd.s32 s5, s29  }
0x56: {  	[tilespmem:s19+$0x0 ss:$0x41] =	vst.msk $0xffff, v63;
	s31 =	sor.u32 $0x40, s21;
	s18 =	sadd.s32 s20, s18;
	s17 =	sand.u32 $0x3FFFFFFF, s17  }
0x57: {  	[hbm4b:s18+s31] =	stream.strided.scatter [tilespmem:s16], [sflag:$0x2], s17, s8, s31, $0x18;
	[tilespmem:$0x8100] =	vst v63  }
.LBB1_6:
0x58: {  	_ =	sfence.sel $0x180000  }
0x59: {  	s2 =	simm.s32 $0x1;
	[bflag:$0x0] =	sbarrier.arrive $0xFFFF  }
0x5a: {  	s31 =	simm.s32 $0x2;
	[sflag:s2] =	ssyncpa.u1 $0x1  }
0x5b: {  	[sflag:s31] =	ssyncpa.u1 $0x1  }
0x5c: {  	p0 =	sne.s32 s1, $0x0;
	_ =	strace $0x90000047  }
0x5d: {  	s0 =	sadd.s32 @!p0 $0x100000, s0;
	[bflag:$0x2] =	sbarrier.arrive $0xFFFF  }
0x5e: {  	[sflag:s0] =	ssyncadd.tile.s32 @!p0 $0x1;
	_ =	shalt  }
.Lfunc_end1:
_tile_overlayer_lowered:
.L_overlay_start_2:
0x5f: {  	(tag) =	ssettag $0x2  }
0x60: {  	s0 =	rddreg [dreg:$0x0];
	s2 =	stileid.u32  }
0x61: {  	s1 =	rddreg [dreg:$0x1];
	p0 =	sne.s32 s2, $0x0  }
0x62: {  	s3 =	rddreg [dreg:$0x2];
	[bflag:$0x3] =	sbarrier.arrive $0xFFFF;
	s2 =	simm.s32 @!p0 $0x1C01  }
0x63: {  	[timem:s3], [sflag:s2] =	dma.local @!p0 [hbm:s0], s1  }
0x64: {  	s0 =	simm.s32 @!p0 $0x1  }
0x65: {  	_ =	swait.ge @!p0 [sflag:s0], s1  }
0x66: {  	s1 =	ssub.s32 @!p0 $0x0, s1;
	[sflag:s0] =	ssyncset.done @!p0 $0x0  }
0x67: {  	[sflag:s0] =	ssyncadd.s32 @!p0 s1  }
0x68: {  	[bflag:$0x3] =	sbarrier.arrive $0xFFFF  }
0x69: {  	_ =	shalt  }

</sc_bundles>
